<compile_context>
chip_gen: v7x
topology: tpu7x:2x2x1
jax: 0.10.2.dev20260603
libtpu: 0.0.44.dev20260713+nightly
codegen_flags: <defaults>
</compile_context>

<pallas_src>
import functools

import jax
import jax.numpy as jnp
from jax import lax
from jax.experimental import pallas as pl
from jax.experimental.pallas import tpu as pltpu
from jax.experimental.pallas import tpu_sc as plsc

VOCAB = 1000000
EMBED_DIM = 64
BATCH = 4096
SEQ = 200

_info = plsc.get_sparse_core_info()
NC = _info.num_cores
NS = _info.num_subcores
NW = NC * NS
DPW = BATCH // NW

GT = 10
NG = SEQ // GT
STAGERS = 8
STAGE_CHUNK = VOCAB // STAGERS

_mesh = plsc.VectorSubcoreMesh(core_axis_name="c", subcore_axis_name="s")



def _matvec_body(xt_ref, w_ref, o_ref):
    o_ref[...] = jnp.sum(xt_ref[...] * w_ref[...], axis=0)


_ROWS_PER_BLOCK = 32768


def _table_matvec(table_t, w_col):
    return pl.pallas_call(
        _matvec_body,
        grid=(pl.cdiv(VOCAB, _ROWS_PER_BLOCK),),
        in_specs=[
            pl.BlockSpec((EMBED_DIM, _ROWS_PER_BLOCK), lambda i: (0, i)),
            pl.BlockSpec((EMBED_DIM, 1), lambda i: (0, 0)),
        ],
        out_specs=pl.BlockSpec((_ROWS_PER_BLOCK,), lambda i: (i,)),
        out_shape=jax.ShapeDtypeStruct((VOCAB,), jnp.float32),
    )(table_t, w_col)




@functools.partial(
    pl.kernel,
    mesh=_mesh,
    out_type=jax.ShapeDtypeStruct((BATCH,), jnp.float32),
    scratch_types=[
        pltpu.VMEM((SEQ, DPW), jnp.int32),
        pltpu.VMEM((SEQ, DPW), jnp.float32),
        pltpu.VMEM((DPW,), jnp.float32),
        pltpu.VMEM((16,), jnp.float32),
        pltpu.VMEM((16,), jnp.float32),
        pltpu.VMEM_SHARED((VOCAB,), jnp.float32),
        pltpu.SemaphoreType.DMA,
        pltpu.SemaphoreType.DMA,
        pltpu.SemaphoreType.DMA,
    ],
    compiler_params=pltpu.CompilerParams(needs_layout_passes=False,
                                         use_tc_tiling_on_sc=False),
)
def _pool_kernel(docs_t_hbm, tw_hbm, b_hbm, out_hbm,
                 idx_v, vals_v, out_v, tw0_v, b_v, tw_sh, sem0, sem1, sem2):
    cid = lax.axis_index("c")
    sid = lax.axis_index("s")
    wid = sid * NC + cid
    base = wid * DPW
    sems = (sem0, sem1)

    soff = jnp.minimum(sid, STAGERS - 1) * STAGE_CHUNK
    stage_cp = pltpu.make_async_copy(
        tw_hbm.at[pl.ds(soff, STAGE_CHUNK)],
        tw_sh.at[pl.ds(soff, STAGE_CHUNK)], sem2)

    @pl.when(sid < STAGERS)
    def _():
        stage_cp.start()

    pltpu.sync_copy(docs_t_hbm.at[:, pl.ds(base, DPW)], idx_v)
    pltpu.sync_copy(tw_hbm.at[pl.ds(0, 16)], tw0_v)
    pltpu.sync_copy(b_hbm, b_v)

    @pl.when(sid < STAGERS)
    def _():
        stage_cp.wait()
    plsc.subcore_barrier()

    bvec = b_v[pl.ds(0, 16)]
    tw0 = jnp.full((16,), tw0_v[pl.ds(0, 16)][0], jnp.float32)
    onev = jnp.full((16,), 1.0, jnp.float32)
    seqv = jnp.full((16,), jnp.float32(SEQ), jnp.float32)
    zerov = jnp.zeros((16,), jnp.float32)
    NL = DPW // 16

    def _group_streams(g, p):
        for j in range(GT):
            t = g * GT + j
            yield pltpu.make_async_copy(
                tw_sh.at[idx_v.at[t]], vals_v.at[t], sems[p])

    def issue(g, p):
        for cp in _group_streams(g, p):
            cp.start()

    def drain(g, p):
        for cp in _group_streams(g, p):
            cp.wait()

    def process(g, carry):
        acc, cnt = carry
        for j in range(GT):
            t = g * GT + j
            acc = tuple(acc[m] + vals_v[t, pl.ds(m * 16, 16)]
                        for m in range(NL))
            cnt = tuple(
                cnt[m]
                + jnp.where(idx_v[t, pl.ds(m * 16, 16)] != 0, 1.0, 0.0)
                .astype(jnp.float32)
                for m in range(NL))
        return acc, cnt

    issue(0, 0)
    issue(1, 1)

    def pair_body(i, carry):
        g0 = i * 2
        for p in range(2):
            g = g0 + p
            drain(g, p)

            @pl.when(g + 2 < NG)
            def _():
                issue(g + 2, p)

            carry = process(g, carry)
        return carry

    zeros = tuple(zerov for _ in range(NL))
    acc, cnt = lax.fori_loop(0, NG // 2, pair_body, (zeros, zeros))

    for m in range(NL):
        countv = cnt[m]
        n0v = seqv - countv
        invv = 1.0 / jnp.maximum(countv, onev)
        lv = (acc[m] - n0v * tw0) * invv + bvec
        e = jnp.exp(lv - lv)
        out_v[pl.ds(m * 16, 16)] = e / e

    pltpu.sync_copy(out_v, out_hbm.at[pl.ds(base, DPW)])




def kernel(documents, table, W, b):
    tw = _table_matvec(table.T, W)
    out = _pool_kernel(documents.astype(jnp.int32).T, tw,
                       jnp.full((16,), b[0], jnp.float32))
    return out.reshape(BATCH, 1)

# --- scband reference (transcript-rebuilt; emitter-appended) ---
"""Pipeline reference for scband-example-6158983102638 (READ-ONLY COPY).

The authoritative reference and input builder live on the scoring server;
editing this copy changes nothing except your own understanding.
"""

import jax, jax.numpy as jnp
import numpy as np

VOCAB = 1000000
EMBED_DIM = 64
BATCH = 4096
SEQ = 200

def setup_inputs(seed: int = 0) -> dict:
    key = jax.random.key(seed)
    k1, k2, k3, k4 = jax.random.split(key, 4)
    documents = jax.random.randint(k1, (BATCH, SEQ), 0, VOCAB, dtype=jnp.int64 if jax.config.jax_enable_x64 else jnp.int32)
    table = jax.random.normal(k2, (VOCAB, EMBED_DIM), dtype=jnp.float32) * 0.02
    W = jax.random.normal(k3, (EMBED_DIM, 1), dtype=jnp.float32) * 0.1
    b = jnp.zeros((1,), dtype=jnp.float32)
    return {"documents": documents, "table": table, "W": W, "b": b}

def reference(documents, table, W, b):
    # Embedding lookup (mask_zero=True -> token id 0 is masked)
    emb = jnp.take(table, documents, axis=0)            # [B, S, D]
    mask = (documents != 0).astype(jnp.float32)          # [B, S]
    # GlobalAveragePooling1D with mask: masked mean over sequence axis
    summed = jnp.sum(emb * mask[:, :, None], axis=1)     # [B, D]
    count = jnp.maximum(jnp.sum(mask, axis=1, keepdims=True), 1.0)
    pooled = summed / count                              # [B, D]
    # Dense(1, activation='softmax')
    logits = pooled @ W + b                              # [B, 1]
    out = jax.nn.softmax(logits, axis=-1)                # [B, 1] (all ones since 1 unit)
    return out

if __name__ == "__main__":
    import jax
    _d = setup_inputs()
    print(jax.jit(kernel)(*tuple(_d.values())))

</pallas_src>

<mosaic_0001>
#map = affine_map<(d0, d1) -> (0, 0)>
#map1 = affine_map<(d0, d1) -> (0)>
module attributes {stable_mosaic.version = 14 : i64} {
  func.func @_pool_kernel(%arg0: i32, %arg1: i32, %arg2: memref<200x4096xi32, #tpu.memory_space<hbm>>, %arg3: memref<1000000xf32, #tpu.memory_space<hbm>>, %arg4: memref<16xf32, #tpu.memory_space<hbm>>, %arg5: memref<4096xf32, #tpu.memory_space<hbm>>, %arg6: memref<200x128xi32, #tpu.memory_space<vmem>>, %arg7: memref<200x128xf32, #tpu.memory_space<vmem>>, %arg8: memref<128xf32, #tpu.memory_space<vmem>>, %arg9: memref<16xf32, #tpu.memory_space<vmem>>, %arg10: memref<16xf32, #tpu.memory_space<vmem>>, %arg11: memref<1000000xf32, #tpu.memory_space<vmem_shared>>, %arg12: memref<!tpu.dma_semaphore, #tpu.memory_space<semaphore_mem>>, %arg13: memref<!tpu.dma_semaphore, #tpu.memory_space<semaphore_mem>>, %arg14: memref<!tpu.dma_semaphore, #tpu.memory_space<semaphore_mem>>) attributes {dimension_semantics = [#tpu.dimension_semantics<core_parallel>, #tpu.dimension_semantics<subcore_parallel>], iteration_bounds = array<i64: 2, 16>, scalar_prefetch = 0 : i64, scratch_operands = 9 : i64, tpu.core_type = #tpu.core_type<sc_vector_subcore>, window_params = [{transform_indices = #map}, {transform_indices = #map1}, {transform_indices = #map1}, {transform_indices = #map1}]} {
    %mul3A = arith.constant 2 : i32
    %mul3A_0 = arith.muli %arg1, %mul3A : i32
    %add3A = arith.addi %mul3A_0, %arg0 : i32
    %mul3A_1 = arith.constant 128 : i32
    %mul3A_2 = arith.muli %add3A, %mul3A_1 : i32
    %min3A = arith.constant 7 : i32
    %min3A_3 = arith.minsi %arg1, %min3A : i32
    %mul3A_4 = arith.constant 125000 : i32
    %mul3A_5 = arith.muli %min3A_3, %mul3A_4 : i32
    %lt3A = arith.constant 8 : i32
    %lt3A_6 = arith.cmpi slt, %arg1, %lt3A : i32
    %convert_element_type3A = arith.extui %lt3A_6 : i1 to i32
    %cond3A = arith.constant 0 : i32
    %cond3A_7 = arith.cmpi ne, %convert_element_type3A, %cond3A : i32
    scf.if %cond3A_7 {
      %dma_start3A_333 = tpu.memref_slice %arg11[%mul3A_5] : memref<1000000xf32, #tpu.memory_space<vmem_shared>> -> memref<125000xf32, #tpu.memory_space<vmem_shared>>
      %dma_start3A_334 = tpu.memref_slice %arg3[%mul3A_5] : memref<1000000xf32, #tpu.memory_space<hbm>> -> memref<125000xf32, #tpu.memory_space<hbm>>
      tpu.enqueue_dma source(%dma_start3A_334 : memref<125000xf32, #tpu.memory_space<hbm>>) target(%dma_start3A_333 : memref<125000xf32, #tpu.memory_space<vmem_shared>>) target_semaphore(%arg14 : memref<!tpu.dma_semaphore, #tpu.memory_space<semaphore_mem>>)
    } else {
    }
    "tpu.region"() ({
      %run_scoped3A = tpu.sem_alloc : memref<!tpu.dma_semaphore, #tpu.memory_space<semaphore_mem>>
      %dma_start3A_333 = arith.constant 0 : i32
      %dma_start3A_334 = tpu.memref_slice %arg2[%dma_start3A_333, %mul3A_2] : memref<200x4096xi32, #tpu.memory_space<hbm>> -> memref<200x128xi32, #tpu.memory_space<hbm>>
      %dma_start3A_335 = arith.constant 0 : i32
      %dma_start3A_336 = tpu.memref_slice %arg2[%dma_start3A_335, %mul3A_2] : memref<200x4096xi32, #tpu.memory_space<hbm>> -> memref<200x128xi32, #tpu.memory_space<hbm>>
      tpu.enqueue_dma source(%dma_start3A_336 : memref<200x128xi32, #tpu.memory_space<hbm>>) target(%arg6 : memref<200x128xi32, #tpu.memory_space<vmem>>) target_semaphore(%run_scoped3A : memref<!tpu.dma_semaphore, #tpu.memory_space<semaphore_mem>>)
      %dma_wait3A = arith.constant 0 : i32
      %dma_wait3A_337 = tpu.memref_slice %arg2[%dma_wait3A, %mul3A_2] : memref<200x4096xi32, #tpu.memory_space<hbm>> -> memref<200x128xi32, #tpu.memory_space<hbm>>
      %dma_wait3A_338 = arith.constant 0 : i32
      %dma_wait3A_339 = tpu.memref_slice %arg2[%dma_wait3A_338, %mul3A_2] : memref<200x4096xi32, #tpu.memory_space<hbm>> -> memref<200x128xi32, #tpu.memory_space<hbm>>
      tpu.wait_dma2 semaphore(%run_scoped3A : memref<!tpu.dma_semaphore, #tpu.memory_space<semaphore_mem>>) src(%dma_wait3A_339 : memref<200x128xi32, #tpu.memory_space<hbm>>) dst(%arg6 : memref<200x128xi32, #tpu.memory_space<vmem>>)
      tpu.yield
    }) : () -> ()
    "tpu.region"() ({
      %run_scoped3A = tpu.sem_alloc : memref<!tpu.dma_semaphore, #tpu.memory_space<semaphore_mem>>
      %dma_start3A_333 = arith.constant 0 : i32
      %dma_start3A_334 = tpu.memref_slice %arg3[%dma_start3A_333] : memref<1000000xf32, #tpu.memory_space<hbm>> -> memref<16xf32, #tpu.memory_space<hbm>>
      %dma_start3A_335 = arith.constant 0 : i32
      %dma_start3A_336 = tpu.memref_slice %arg3[%dma_start3A_335] : memref<1000000xf32, #tpu.memory_space<hbm>> -> memref<16xf32, #tpu.memory_space<hbm>>
      tpu.enqueue_dma source(%dma_start3A_336 : memref<16xf32, #tpu.memory_space<hbm>>) target(%arg9 : memref<16xf32, #tpu.memory_space<vmem>>) target_semaphore(%run_scoped3A : memref<!tpu.dma_semaphore, #tpu.memory_space<semaphore_mem>>)
      %dma_wait3A = arith.constant 0 : i32
      %dma_wait3A_337 = tpu.memref_slice %arg3[%dma_wait3A] : memref<1000000xf32, #tpu.memory_space<hbm>> -> memref<16xf32, #tpu.memory_space<hbm>>
      %dma_wait3A_338 = arith.constant 0 : i32
      %dma_wait3A_339 = tpu.memref_slice %arg3[%dma_wait3A_338] : memref<1000000xf32, #tpu.memory_space<hbm>> -> memref<16xf32, #tpu.memory_space<hbm>>
      tpu.wait_dma2 semaphore(%run_scoped3A : memref<!tpu.dma_semaphore, #tpu.memory_space<semaphore_mem>>) src(%dma_wait3A_339 : memref<16xf32, #tpu.memory_space<hbm>>) dst(%arg9 : memref<16xf32, #tpu.memory_space<vmem>>)
      tpu.yield
    }) : () -> ()
    "tpu.region"() ({
      %run_scoped3A = tpu.sem_alloc : memref<!tpu.dma_semaphore, #tpu.memory_space<semaphore_mem>>
      tpu.enqueue_dma source(%arg4 : memref<16xf32, #tpu.memory_space<hbm>>) target(%arg10 : memref<16xf32, #tpu.memory_space<vmem>>) target_semaphore(%run_scoped3A : memref<!tpu.dma_semaphore, #tpu.memory_space<semaphore_mem>>)
      tpu.wait_dma2 semaphore(%run_scoped3A : memref<!tpu.dma_semaphore, #tpu.memory_space<semaphore_mem>>) src(%arg4 : memref<16xf32, #tpu.memory_space<hbm>>) dst(%arg10 : memref<16xf32, #tpu.memory_space<vmem>>)
      tpu.yield
    }) : () -> ()
    %lt3A_8 = arith.constant 8 : i32
    %lt3A_9 = arith.cmpi slt, %arg1, %lt3A_8 : i32
    %convert_element_type3A_10 = arith.extui %lt3A_9 : i1 to i32
    %cond3A_11 = arith.constant 0 : i32
    %cond3A_12 = arith.cmpi ne, %convert_element_type3A_10, %cond3A_11 : i32
    scf.if %cond3A_12 {
      %dma_wait3A = tpu.memref_slice %arg11[%mul3A_5] : memref<1000000xf32, #tpu.memory_space<vmem_shared>> -> memref<125000xf32, #tpu.memory_space<vmem_shared>>
      %dma_wait3A_333 = tpu.memref_slice %arg3[%mul3A_5] : memref<1000000xf32, #tpu.memory_space<hbm>> -> memref<125000xf32, #tpu.memory_space<hbm>>
      tpu.wait_dma2 semaphore(%arg14 : memref<!tpu.dma_semaphore, #tpu.memory_space<semaphore_mem>>) src(%dma_wait3A_333 : memref<125000xf32, #tpu.memory_space<hbm>>) dst(%dma_wait3A : memref<125000xf32, #tpu.memory_space<vmem_shared>>)
    } else {
    }
    %barrier3A = arith.constant 0 : index
    tpu.barrier barrier_id(%barrier3A)
    %get3A = arith.constant 0 : index
    %get3A_13 = tpu.vector_load %arg10[%get3A] {strides = array<i32>} : memref<16xf32, #tpu.memory_space<vmem>>, vector<16xf32>,
    %get3A_14 = arith.constant 0 : index
    %get3A_15 = tpu.vector_load %arg9[%get3A_14] {strides = array<i32>} : memref<16xf32, #tpu.memory_space<vmem>>, vector<16xf32>,
    %slice3A = vector.extract_strided_slice %get3A_15 {offsets = [0], sizes = [1], strides = [1]} : vector<16xf32> to vector<1xf32>
    %squeeze3A = vector.extract %slice3A[0] : f32 from vector<1xf32>
    %broadcast_in_dim3A = vector.broadcast %squeeze3A : f32 to vector<16xf32>
    %broadcast_in_dim3A_16 = arith.constant 1.000000e+00 : f32
    %broadcast_in_dim3A_17 = vector.broadcast %broadcast_in_dim3A_16 : f32 to vector<16xf32>
    %broadcast_in_dim3A_18 = arith.constant 2.000000e+02 : f32
    %broadcast_in_dim3A_19 = vector.broadcast %broadcast_in_dim3A_18 : f32 to vector<16xf32>
    %broadcast_in_dim3A_20 = arith.constant 0.000000e+00 : f32
    %broadcast_in_dim3A_21 = vector.broadcast %broadcast_in_dim3A_20 : f32 to vector<16xf32>
    %dma_start3A = arith.constant 0 : i32
    %dma_start3A_22 = arith.constant 0 : i32
    %dma_start3A_23 = arith.constant 0 : i32
    %dma_start3A_24 = tpu.memref_slice %arg7[%dma_start3A_22, %dma_start3A_23] : memref<200x128xf32, #tpu.memory_space<vmem>> -> memref<1x128xf32, #tpu.memory_space<vmem>>
    %dma_start3A_25 = tpu.memref_squeeze %dma_start3A_24 : memref<1x128xf32, #tpu.memory_space<vmem>> -> memref<128xf32, #tpu.memory_space<vmem>>
    %dma_start3A_26 = arith.constant 0 : i32
    %dma_start3A_27 = tpu.memref_slice %arg6[%dma_start3A, %dma_start3A_26] : memref<200x128xi32, #tpu.memory_space<vmem>> -> memref<1x128xi32, #tpu.memory_space<vmem>>
    %dma_start3A_28 = tpu.memref_squeeze %dma_start3A_27 : memref<1x128xi32, #tpu.memory_space<vmem>> -> memref<128xi32, #tpu.memory_space<vmem>>
    %dma_start3A_29 = arith.constant 0 : i32
    %dma_start3A_30 = tpu.memref_slice %arg11[%dma_start3A_29] : memref<1000000xf32, #tpu.memory_space<vmem_shared>> -> memref<1000000xf32, #tpu.memory_space<vmem_shared>>
    tpu.enqueue_indirect_dma source(%dma_start3A_30 : memref<1000000xf32, #tpu.memory_space<vmem_shared>>) target(%dma_start3A_25 : memref<128xf32, #tpu.memory_space<vmem>>) offsets(%dma_start3A_28 : memref<128xi32, #tpu.memory_space<vmem>>) semaphore(%arg12 : memref<!tpu.dma_semaphore, #tpu.memory_space<semaphore_mem>>)
    %dma_start3A_31 = arith.constant 1 : i32
    %dma_start3A_32 = arith.constant 1 : i32
    %dma_start3A_33 = arith.constant 0 : i32
    %dma_start3A_34 = tpu.memref_slice %arg7[%dma_start3A_32, %dma_start3A_33] : memref<200x128xf32, #tpu.memory_space<vmem>> -> memref<1x128xf32, #tpu.memory_space<vmem>>
    %dma_start3A_35 = tpu.memref_squeeze %dma_start3A_34 : memref<1x128xf32, #tpu.memory_space<vmem>> -> memref<128xf32, #tpu.memory_space<vmem>>
    %dma_start3A_36 = arith.constant 0 : i32
    %dma_start3A_37 = tpu.memref_slice %arg6[%dma_start3A_31, %dma_start3A_36] : memref<200x128xi32, #tpu.memory_space<vmem>> -> memref<1x128xi32, #tpu.memory_space<vmem>>
    %dma_start3A_38 = tpu.memref_squeeze %dma_start3A_37 : memref<1x128xi32, #tpu.memory_space<vmem>> -> memref<128xi32, #tpu.memory_space<vmem>>
    %dma_start3A_39 = arith.constant 0 : i32
    %dma_start3A_40 = tpu.memref_slice %arg11[%dma_start3A_39] : memref<1000000xf32, #tpu.memory_space<vmem_shared>> -> memref<1000000xf32, #tpu.memory_space<vmem_shared>>
    tpu.enqueue_indirect_dma source(%dma_start3A_40 : memref<1000000xf32, #tpu.memory_space<vmem_shared>>) target(%dma_start3A_35 : memref<128xf32, #tpu.memory_space<vmem>>) offsets(%dma_start3A_38 : memref<128xi32, #tpu.memory_space<vmem>>) semaphore(%arg12 : memref<!tpu.dma_semaphore, #tpu.memory_space<semaphore_mem>>)
    %dma_start3A_41 = arith.constant 2 : i32
    %dma_start3A_42 = arith.constant 2 : i32
    %dma_start3A_43 = arith.constant 0 : i32
    %dma_start3A_44 = tpu.memref_slice %arg7[%dma_start3A_42, %dma_start3A_43] : memref<200x128xf32, #tpu.memory_space<vmem>> -> memref<1x128xf32, #tpu.memory_space<vmem>>
    %dma_start3A_45 = tpu.memref_squeeze %dma_start3A_44 : memref<1x128xf32, #tpu.memory_space<vmem>> -> memref<128xf32, #tpu.memory_space<vmem>>
    %dma_start3A_46 = arith.constant 0 : i32
    %dma_start3A_47 = tpu.memref_slice %arg6[%dma_start3A_41, %dma_start3A_46] : memref<200x128xi32, #tpu.memory_space<vmem>> -> memref<1x128xi32, #tpu.memory_space<vmem>>
    %dma_start3A_48 = tpu.memref_squeeze %dma_start3A_47 : memref<1x128xi32, #tpu.memory_space<vmem>> -> memref<128xi32, #tpu.memory_space<vmem>>
    %dma_start3A_49 = arith.constant 0 : i32
    %dma_start3A_50 = tpu.memref_slice %arg11[%dma_start3A_49] : memref<1000000xf32, #tpu.memory_space<vmem_shared>> -> memref<1000000xf32, #tpu.memory_space<vmem_shared>>
    tpu.enqueue_indirect_dma source(%dma_start3A_50 : memref<1000000xf32, #tpu.memory_space<vmem_shared>>) target(%dma_start3A_45 : memref<128xf32, #tpu.memory_space<vmem>>) offsets(%dma_start3A_48 : memref<128xi32, #tpu.memory_space<vmem>>) semaphore(%arg12 : memref<!tpu.dma_semaphore, #tpu.memory_space<semaphore_mem>>)
    %dma_start3A_51 = arith.constant 3 : i32
    %dma_start3A_52 = arith.constant 3 : i32
    %dma_start3A_53 = arith.constant 0 : i32
    %dma_start3A_54 = tpu.memref_slice %arg7[%dma_start3A_52, %dma_start3A_53] : memref<200x128xf32, #tpu.memory_space<vmem>> -> memref<1x128xf32, #tpu.memory_space<vmem>>
    %dma_start3A_55 = tpu.memref_squeeze %dma_start3A_54 : memref<1x128xf32, #tpu.memory_space<vmem>> -> memref<128xf32, #tpu.memory_space<vmem>>
    %dma_start3A_56 = arith.constant 0 : i32
    %dma_start3A_57 = tpu.memref_slice %arg6[%dma_start3A_51, %dma_start3A_56] : memref<200x128xi32, #tpu.memory_space<vmem>> -> memref<1x128xi32, #tpu.memory_space<vmem>>
    %dma_start3A_58 = tpu.memref_squeeze %dma_start3A_57 : memref<1x128xi32, #tpu.memory_space<vmem>> -> memref<128xi32, #tpu.memory_space<vmem>>
    %dma_start3A_59 = arith.constant 0 : i32
    %dma_start3A_60 = tpu.memref_slice %arg11[%dma_start3A_59] : memref<1000000xf32, #tpu.memory_space<vmem_shared>> -> memref<1000000xf32, #tpu.memory_space<vmem_shared>>
    tpu.enqueue_indirect_dma source(%dma_start3A_60 : memref<1000000xf32, #tpu.memory_space<vmem_shared>>) target(%dma_start3A_55 : memref<128xf32, #tpu.memory_space<vmem>>) offsets(%dma_start3A_58 : memref<128xi32, #tpu.memory_space<vmem>>) semaphore(%arg12 : memref<!tpu.dma_semaphore, #tpu.memory_space<semaphore_mem>>)
    %dma_start3A_61 = arith.constant 4 : i32
    %dma_start3A_62 = arith.constant 4 : i32
    %dma_start3A_63 = arith.constant 0 : i32
    %dma_start3A_64 = tpu.memref_slice %arg7[%dma_start3A_62, %dma_start3A_63] : memref<200x128xf32, #tpu.memory_space<vmem>> -> memref<1x128xf32, #tpu.memory_space<vmem>>
    %dma_start3A_65 = tpu.memref_squeeze %dma_start3A_64 : memref<1x128xf32, #tpu.memory_space<vmem>> -> memref<128xf32, #tpu.memory_space<vmem>>
    %dma_start3A_66 = arith.constant 0 : i32
    %dma_start3A_67 = tpu.memref_slice %arg6[%dma_start3A_61, %dma_start3A_66] : memref<200x128xi32, #tpu.memory_space<vmem>> -> memref<1x128xi32, #tpu.memory_space<vmem>>
    %dma_start3A_68 = tpu.memref_squeeze %dma_start3A_67 : memref<1x128xi32, #tpu.memory_space<vmem>> -> memref<128xi32, #tpu.memory_space<vmem>>
    %dma_start3A_69 = arith.constant 0 : i32
    %dma_start3A_70 = tpu.memref_slice %arg11[%dma_start3A_69] : memref<1000000xf32, #tpu.memory_space<vmem_shared>> -> memref<1000000xf32, #tpu.memory_space<vmem_shared>>
    tpu.enqueue_indirect_dma source(%dma_start3A_70 : memref<1000000xf32, #tpu.memory_space<vmem_shared>>) target(%dma_start3A_65 : memref<128xf32, #tpu.memory_space<vmem>>) offsets(%dma_start3A_68 : memref<128xi32, #tpu.memory_space<vmem>>) semaphore(%arg12 : memref<!tpu.dma_semaphore, #tpu.memory_space<semaphore_mem>>)
    %dma_start3A_71 = arith.constant 5 : i32
    %dma_start3A_72 = arith.constant 5 : i32
    %dma_start3A_73 = arith.constant 0 : i32
    %dma_start3A_74 = tpu.memref_slice %arg7[%dma_start3A_72, %dma_start3A_73] : memref<200x128xf32, #tpu.memory_space<vmem>> -> memref<1x128xf32, #tpu.memory_space<vmem>>
    %dma_start3A_75 = tpu.memref_squeeze %dma_start3A_74 : memref<1x128xf32, #tpu.memory_space<vmem>> -> memref<128xf32, #tpu.memory_space<vmem>>
    %dma_start3A_76 = arith.constant 0 : i32
    %dma_start3A_77 = tpu.memref_slice %arg6[%dma_start3A_71, %dma_start3A_76] : memref<200x128xi32, #tpu.memory_space<vmem>> -> memref<1x128xi32, #tpu.memory_space<vmem>>
    %dma_start3A_78 = tpu.memref_squeeze %dma_start3A_77 : memref<1x128xi32, #tpu.memory_space<vmem>> -> memref<128xi32, #tpu.memory_space<vmem>>
    %dma_start3A_79 = arith.constant 0 : i32
    %dma_start3A_80 = tpu.memref_slice %arg11[%dma_start3A_79] : memref<1000000xf32, #tpu.memory_space<vmem_shared>> -> memref<1000000xf32, #tpu.memory_space<vmem_shared>>
    tpu.enqueue_indirect_dma source(%dma_start3A_80 : memref<1000000xf32, #tpu.memory_space<vmem_shared>>) target(%dma_start3A_75 : memref<128xf32, #tpu.memory_space<vmem>>) offsets(%dma_start3A_78 : memref<128xi32, #tpu.memory_space<vmem>>) semaphore(%arg12 : memref<!tpu.dma_semaphore, #tpu.memory_space<semaphore_mem>>)
    %dma_start3A_81 = arith.constant 6 : i32
    %dma_start3A_82 = arith.constant 6 : i32
    %dma_start3A_83 = arith.constant 0 : i32
    %dma_start3A_84 = tpu.memref_slice %arg7[%dma_start3A_82, %dma_start3A_83] : memref<200x128xf32, #tpu.memory_space<vmem>> -> memref<1x128xf32, #tpu.memory_space<vmem>>
    %dma_start3A_85 = tpu.memref_squeeze %dma_start3A_84 : memref<1x128xf32, #tpu.memory_space<vmem>> -> memref<128xf32, #tpu.memory_space<vmem>>
    %dma_start3A_86 = arith.constant 0 : i32
    %dma_start3A_87 = tpu.memref_slice %arg6[%dma_start3A_81, %dma_start3A_86] : memref<200x128xi32, #tpu.memory_space<vmem>> -> memref<1x128xi32, #tpu.memory_space<vmem>>
    %dma_start3A_88 = tpu.memref_squeeze %dma_start3A_87 : memref<1x128xi32, #tpu.memory_space<vmem>> -> memref<128xi32, #tpu.memory_space<vmem>>
    %dma_start3A_89 = arith.constant 0 : i32
    %dma_start3A_90 = tpu.memref_slice %arg11[%dma_start3A_89] : memref<1000000xf32, #tpu.memory_space<vmem_shared>> -> memref<1000000xf32, #tpu.memory_space<vmem_shared>>
    tpu.enqueue_indirect_dma source(%dma_start3A_90 : memref<1000000xf32, #tpu.memory_space<vmem_shared>>) target(%dma_start3A_85 : memref<128xf32, #tpu.memory_space<vmem>>) offsets(%dma_start3A_88 : memref<128xi32, #tpu.memory_space<vmem>>) semaphore(%arg12 : memref<!tpu.dma_semaphore, #tpu.memory_space<semaphore_mem>>)
    %dma_start3A_91 = arith.constant 7 : i32
    %dma_start3A_92 = arith.constant 7 : i32
    %dma_start3A_93 = arith.constant 0 : i32
    %dma_start3A_94 = tpu.memref_slice %arg7[%dma_start3A_92, %dma_start3A_93] : memref<200x128xf32, #tpu.memory_space<vmem>> -> memref<1x128xf32, #tpu.memory_space<vmem>>
    %dma_start3A_95 = tpu.memref_squeeze %dma_start3A_94 : memref<1x128xf32, #tpu.memory_space<vmem>> -> memref<128xf32, #tpu.memory_space<vmem>>
    %dma_start3A_96 = arith.constant 0 : i32
    %dma_start3A_97 = tpu.memref_slice %arg6[%dma_start3A_91, %dma_start3A_96] : memref<200x128xi32, #tpu.memory_space<vmem>> -> memref<1x128xi32, #tpu.memory_space<vmem>>
    %dma_start3A_98 = tpu.memref_squeeze %dma_start3A_97 : memref<1x128xi32, #tpu.memory_space<vmem>> -> memref<128xi32, #tpu.memory_space<vmem>>
    %dma_start3A_99 = arith.constant 0 : i32
    %dma_start3A_100 = tpu.memref_slice %arg11[%dma_start3A_99] : memref<1000000xf32, #tpu.memory_space<vmem_shared>> -> memref<1000000xf32, #tpu.memory_space<vmem_shared>>
    tpu.enqueue_indirect_dma source(%dma_start3A_100 : memref<1000000xf32, #tpu.memory_space<vmem_shared>>) target(%dma_start3A_95 : memref<128xf32, #tpu.memory_space<vmem>>) offsets(%dma_start3A_98 : memref<128xi32, #tpu.memory_space<vmem>>) semaphore(%arg12 : memref<!tpu.dma_semaphore, #tpu.memory_space<semaphore_mem>>)
    %dma_start3A_101 = arith.constant 8 : i32
    %dma_start3A_102 = arith.constant 8 : i32
    %dma_start3A_103 = arith.constant 0 : i32
    %dma_start3A_104 = tpu.memref_slice %arg7[%dma_start3A_102, %dma_start3A_103] : memref<200x128xf32, #tpu.memory_space<vmem>> -> memref<1x128xf32, #tpu.memory_space<vmem>>
    %dma_start3A_105 = tpu.memref_squeeze %dma_start3A_104 : memref<1x128xf32, #tpu.memory_space<vmem>> -> memref<128xf32, #tpu.memory_space<vmem>>
    %dma_start3A_106 = arith.constant 0 : i32
    %dma_start3A_107 = tpu.memref_slice %arg6[%dma_start3A_101, %dma_start3A_106] : memref<200x128xi32, #tpu.memory_space<vmem>> -> memref<1x128xi32, #tpu.memory_space<vmem>>
    %dma_start3A_108 = tpu.memref_squeeze %dma_start3A_107 : memref<1x128xi32, #tpu.memory_space<vmem>> -> memref<128xi32, #tpu.memory_space<vmem>>
    %dma_start3A_109 = arith.constant 0 : i32
    %dma_start3A_110 = tpu.memref_slice %arg11[%dma_start3A_109] : memref<1000000xf32, #tpu.memory_space<vmem_shared>> -> memref<1000000xf32, #tpu.memory_space<vmem_shared>>
    tpu.enqueue_indirect_dma source(%dma_start3A_110 : memref<1000000xf32, #tpu.memory_space<vmem_shared>>) target(%dma_start3A_105 : memref<128xf32, #tpu.memory_space<vmem>>) offsets(%dma_start3A_108 : memref<128xi32, #tpu.memory_space<vmem>>) semaphore(%arg12 : memref<!tpu.dma_semaphore, #tpu.memory_space<semaphore_mem>>)
    %dma_start3A_111 = arith.constant 9 : i32
    %dma_start3A_112 = arith.constant 9 : i32
    %dma_start3A_113 = arith.constant 0 : i32
    %dma_start3A_114 = tpu.memref_slice %arg7[%dma_start3A_112, %dma_start3A_113] : memref<200x128xf32, #tpu.memory_space<vmem>> -> memref<1x128xf32, #tpu.memory_space<vmem>>
    %dma_start3A_115 = tpu.memref_squeeze %dma_start3A_114 : memref<1x128xf32, #tpu.memory_space<vmem>> -> memref<128xf32, #tpu.memory_space<vmem>>
    %dma_start3A_116 = arith.constant 0 : i32
    %dma_start3A_117 = tpu.memref_slice %arg6[%dma_start3A_111, %dma_start3A_116] : memref<200x128xi32, #tpu.memory_space<vmem>> -> memref<1x128xi32, #tpu.memory_space<vmem>>
    %dma_start3A_118 = tpu.memref_squeeze %dma_start3A_117 : memref<1x128xi32, #tpu.memory_space<vmem>> -> memref<128xi32, #tpu.memory_space<vmem>>
    %dma_start3A_119 = arith.constant 0 : i32
    %dma_start3A_120 = tpu.memref_slice %arg11[%dma_start3A_119] : memref<1000000xf32, #tpu.memory_space<vmem_shared>> -> memref<1000000xf32, #tpu.memory_space<vmem_shared>>
    tpu.enqueue_indirect_dma source(%dma_start3A_120 : memref<1000000xf32, #tpu.memory_space<vmem_shared>>) target(%dma_start3A_115 : memref<128xf32, #tpu.memory_space<vmem>>) offsets(%dma_start3A_118 : memref<128xi32, #tpu.memory_space<vmem>>) semaphore(%arg12 : memref<!tpu.dma_semaphore, #tpu.memory_space<semaphore_mem>>)
    %dma_start3A_121 = arith.constant 10 : i32
    %dma_start3A_122 = arith.constant 10 : i32
    %dma_start3A_123 = arith.constant 0 : i32
    %dma_start3A_124 = tpu.memref_slice %arg7[%dma_start3A_122, %dma_start3A_123] : memref<200x128xf32, #tpu.memory_space<vmem>> -> memref<1x128xf32, #tpu.memory_space<vmem>>
    %dma_start3A_125 = tpu.memref_squeeze %dma_start3A_124 : memref<1x128xf32, #tpu.memory_space<vmem>> -> memref<128xf32, #tpu.memory_space<vmem>>
    %dma_start3A_126 = arith.constant 0 : i32
    %dma_start3A_127 = tpu.memref_slice %arg6[%dma_start3A_121, %dma_start3A_126] : memref<200x128xi32, #tpu.memory_space<vmem>> -> memref<1x128xi32, #tpu.memory_space<vmem>>
    %dma_start3A_128 = tpu.memref_squeeze %dma_start3A_127 : memref<1x128xi32, #tpu.memory_space<vmem>> -> memref<128xi32, #tpu.memory_space<vmem>>
    %dma_start3A_129 = arith.constant 0 : i32
    %dma_start3A_130 = tpu.memref_slice %arg11[%dma_start3A_129] : memref<1000000xf32, #tpu.memory_space<vmem_shared>> -> memref<1000000xf32, #tpu.memory_space<vmem_shared>>
    tpu.enqueue_indirect_dma source(%dma_start3A_130 : memref<1000000xf32, #tpu.memory_space<vmem_shared>>) target(%dma_start3A_125 : memref<128xf32, #tpu.memory_space<vmem>>) offsets(%dma_start3A_128 : memref<128xi32, #tpu.memory_space<vmem>>) semaphore(%arg13 : memref<!tpu.dma_semaphore, #tpu.memory_space<semaphore_mem>>)
    %dma_start3A_131 = arith.constant 11 : i32
    %dma_start3A_132 = arith.constant 11 : i32
    %dma_start3A_133 = arith.constant 0 : i32
    %dma_start3A_134 = tpu.memref_slice %arg7[%dma_start3A_132, %dma_start3A_133] : memref<200x128xf32, #tpu.memory_space<vmem>> -> memref<1x128xf32, #tpu.memory_space<vmem>>
    %dma_start3A_135 = tpu.memref_squeeze %dma_start3A_134 : memref<1x128xf32, #tpu.memory_space<vmem>> -> memref<128xf32, #tpu.memory_space<vmem>>
    %dma_start3A_136 = arith.constant 0 : i32
    %dma_start3A_137 = tpu.memref_slice %arg6[%dma_start3A_131, %dma_start3A_136] : memref<200x128xi32, #tpu.memory_space<vmem>> -> memref<1x128xi32, #tpu.memory_space<vmem>>
    %dma_start3A_138 = tpu.memref_squeeze %dma_start3A_137 : memref<1x128xi32, #tpu.memory_space<vmem>> -> memref<128xi32, #tpu.memory_space<vmem>>
    %dma_start3A_139 = arith.constant 0 : i32
    %dma_start3A_140 = tpu.memref_slice %arg11[%dma_start3A_139] : memref<1000000xf32, #tpu.memory_space<vmem_shared>> -> memref<1000000xf32, #tpu.memory_space<vmem_shared>>
    tpu.enqueue_indirect_dma source(%dma_start3A_140 : memref<1000000xf32, #tpu.memory_space<vmem_shared>>) target(%dma_start3A_135 : memref<128xf32, #tpu.memory_space<vmem>>) offsets(%dma_start3A_138 : memref<128xi32, #tpu.memory_space<vmem>>) semaphore(%arg13 : memref<!tpu.dma_semaphore, #tpu.memory_space<semaphore_mem>>)
    %dma_start3A_141 = arith.constant 12 : i32
    %dma_start3A_142 = arith.constant 12 : i32
    %dma_start3A_143 = arith.constant 0 : i32
    %dma_start3A_144 = tpu.memref_slice %arg7[%dma_start3A_142, %dma_start3A_143] : memref<200x128xf32, #tpu.memory_space<vmem>> -> memref<1x128xf32, #tpu.memory_space<vmem>>
    %dma_start3A_145 = tpu.memref_squeeze %dma_start3A_144 : memref<1x128xf32, #tpu.memory_space<vmem>> -> memref<128xf32, #tpu.memory_space<vmem>>
    %dma_start3A_146 = arith.constant 0 : i32
    %dma_start3A_147 = tpu.memref_slice %arg6[%dma_start3A_141, %dma_start3A_146] : memref<200x128xi32, #tpu.memory_space<vmem>> -> memref<1x128xi32, #tpu.memory_space<vmem>>
    %dma_start3A_148 = tpu.memref_squeeze %dma_start3A_147 : memref<1x128xi32, #tpu.memory_space<vmem>> -> memref<128xi32, #tpu.memory_space<vmem>>
    %dma_start3A_149 = arith.constant 0 : i32
    %dma_start3A_150 = tpu.memref_slice %arg11[%dma_start3A_149] : memref<1000000xf32, #tpu.memory_space<vmem_shared>> -> memref<1000000xf32, #tpu.memory_space<vmem_shared>>
    tpu.enqueue_indirect_dma source(%dma_start3A_150 : memref<1000000xf32, #tpu.memory_space<vmem_shared>>) target(%dma_start3A_145 : memref<128xf32, #tpu.memory_space<vmem>>) offsets(%dma_start3A_148 : memref<128xi32, #tpu.memory_space<vmem>>) semaphore(%arg13 : memref<!tpu.dma_semaphore, #tpu.memory_space<semaphore_mem>>)
    %dma_start3A_151 = arith.constant 13 : i32
    %dma_start3A_152 = arith.constant 13 : i32
    %dma_start3A_153 = arith.constant 0 : i32
    %dma_start3A_154 = tpu.memref_slice %arg7[%dma_start3A_152, %dma_start3A_153] : memref<200x128xf32, #tpu.memory_space<vmem>> -> memref<1x128xf32, #tpu.memory_space<vmem>>
    %dma_start3A_155 = tpu.memref_squeeze %dma_start3A_154 : memref<1x128xf32, #tpu.memory_space<vmem>> -> memref<128xf32, #tpu.memory_space<vmem>>
    %dma_start3A_156 = arith.constant 0 : i32
    %dma_start3A_157 = tpu.memref_slice %arg6[%dma_start3A_151, %dma_start3A_156] : memref<200x128xi32, #tpu.memory_space<vmem>> -> memref<1x128xi32, #tpu.memory_space<vmem>>
    %dma_start3A_158 = tpu.memref_squeeze %dma_start3A_157 : memref<1x128xi32, #tpu.memory_space<vmem>> -> memref<128xi32, #tpu.memory_space<vmem>>
    %dma_start3A_159 = arith.constant 0 : i32
    %dma_start3A_160 = tpu.memref_slice %arg11[%dma_start3A_159] : memref<1000000xf32, #tpu.memory_space<vmem_shared>> -> memref<1000000xf32, #tpu.memory_space<vmem_shared>>
    tpu.enqueue_indirect_dma source(%dma_start3A_160 : memref<1000000xf32, #tpu.memory_space<vmem_shared>>) target(%dma_start3A_155 : memref<128xf32, #tpu.memory_space<vmem>>) offsets(%dma_start3A_158 : memref<128xi32, #tpu.memory_space<vmem>>) semaphore(%arg13 : memref<!tpu.dma_semaphore, #tpu.memory_space<semaphore_mem>>)
    %dma_start3A_161 = arith.constant 14 : i32
    %dma_start3A_162 = arith.constant 14 : i32
    %dma_start3A_163 = arith.constant 0 : i32
    %dma_start3A_164 = tpu.memref_slice %arg7[%dma_start3A_162, %dma_start3A_163] : memref<200x128xf32, #tpu.memory_space<vmem>> -> memref<1x128xf32, #tpu.memory_space<vmem>>
    %dma_start3A_165 = tpu.memref_squeeze %dma_start3A_164 : memref<1x128xf32, #tpu.memory_space<vmem>> -> memref<128xf32, #tpu.memory_space<vmem>>
    %dma_start3A_166 = arith.constant 0 : i32
    %dma_start3A_167 = tpu.memref_slice %arg6[%dma_start3A_161, %dma_start3A_166] : memref<200x128xi32, #tpu.memory_space<vmem>> -> memref<1x128xi32, #tpu.memory_space<vmem>>
    %dma_start3A_168 = tpu.memref_squeeze %dma_start3A_167 : memref<1x128xi32, #tpu.memory_space<vmem>> -> memref<128xi32, #tpu.memory_space<vmem>>
    %dma_start3A_169 = arith.constant 0 : i32
    %dma_start3A_170 = tpu.memref_slice %arg11[%dma_start3A_169] : memref<1000000xf32, #tpu.memory_space<vmem_shared>> -> memref<1000000xf32, #tpu.memory_space<vmem_shared>>
    tpu.enqueue_indirect_dma source(%dma_start3A_170 : memref<1000000xf32, #tpu.memory_space<vmem_shared>>) target(%dma_start3A_165 : memref<128xf32, #tpu.memory_space<vmem>>) offsets(%dma_start3A_168 : memref<128xi32, #tpu.memory_space<vmem>>) semaphore(%arg13 : memref<!tpu.dma_semaphore, #tpu.memory_space<semaphore_mem>>)
    %dma_start3A_171 = arith.constant 15 : i32
    %dma_start3A_172 = arith.constant 15 : i32
    %dma_start3A_173 = arith.constant 0 : i32
    %dma_start3A_174 = tpu.memref_slice %arg7[%dma_start3A_172, %dma_start3A_173] : memref<200x128xf32, #tpu.memory_space<vmem>> -> memref<1x128xf32, #tpu.memory_space<vmem>>
    %dma_start3A_175 = tpu.memref_squeeze %dma_start3A_174 : memref<1x128xf32, #tpu.memory_space<vmem>> -> memref<128xf32, #tpu.memory_space<vmem>>
    %dma_start3A_176 = arith.constant 0 : i32
    %dma_start3A_177 = tpu.memref_slice %arg6[%dma_start3A_171, %dma_start3A_176] : memref<200x128xi32, #tpu.memory_space<vmem>> -> memref<1x128xi32, #tpu.memory_space<vmem>>
    %dma_start3A_178 = tpu.memref_squeeze %dma_start3A_177 : memref<1x128xi32, #tpu.memory_space<vmem>> -> memref<128xi32, #tpu.memory_space<vmem>>
    %dma_start3A_179 = arith.constant 0 : i32
    %dma_start3A_180 = tpu.memref_slice %arg11[%dma_start3A_179] : memref<1000000xf32, #tpu.memory_space<vmem_shared>> -> memref<1000000xf32, #tpu.memory_space<vmem_shared>>
    tpu.enqueue_indirect_dma source(%dma_start3A_180 : memref<1000000xf32, #tpu.memory_space<vmem_shared>>) target(%dma_start3A_175 : memref<128xf32, #tpu.memory_space<vmem>>) offsets(%dma_start3A_178 : memref<128xi32, #tpu.memory_space<vmem>>) semaphore(%arg13 : memref<!tpu.dma_semaphore, #tpu.memory_space<semaphore_mem>>)
    %dma_start3A_181 = arith.constant 16 : i32
    %dma_start3A_182 = arith.constant 16 : i32
    %dma_start3A_183 = arith.constant 0 : i32
    %dma_start3A_184 = tpu.memref_slice %arg7[%dma_start3A_182, %dma_start3A_183] : memref<200x128xf32, #tpu.memory_space<vmem>> -> memref<1x128xf32, #tpu.memory_space<vmem>>
    %dma_start3A_185 = tpu.memref_squeeze %dma_start3A_184 : memref<1x128xf32, #tpu.memory_space<vmem>> -> memref<128xf32, #tpu.memory_space<vmem>>
    %dma_start3A_186 = arith.constant 0 : i32
    %dma_start3A_187 = tpu.memref_slice %arg6[%dma_start3A_181, %dma_start3A_186] : memref<200x128xi32, #tpu.memory_space<vmem>> -> memref<1x128xi32, #tpu.memory_space<vmem>>
    %dma_start3A_188 = tpu.memref_squeeze %dma_start3A_187 : memref<1x128xi32, #tpu.memory_space<vmem>> -> memref<128xi32, #tpu.memory_space<vmem>>
    %dma_start3A_189 = arith.constant 0 : i32
    %dma_start3A_190 = tpu.memref_slice %arg11[%dma_start3A_189] : memref<1000000xf32, #tpu.memory_space<vmem_shared>> -> memref<1000000xf32, #tpu.memory_space<vmem_shared>>
    tpu.enqueue_indirect_dma source(%dma_start3A_190 : memref<1000000xf32, #tpu.memory_space<vmem_shared>>) target(%dma_start3A_185 : memref<128xf32, #tpu.memory_space<vmem>>) offsets(%dma_start3A_188 : memref<128xi32, #tpu.memory_space<vmem>>) semaphore(%arg13 : memref<!tpu.dma_semaphore, #tpu.memory_space<semaphore_mem>>)
    %dma_start3A_191 = arith.constant 17 : i32
    %dma_start3A_192 = arith.constant 17 : i32
    %dma_start3A_193 = arith.constant 0 : i32
    %dma_start3A_194 = tpu.memref_slice %arg7[%dma_start3A_192, %dma_start3A_193] : memref<200x128xf32, #tpu.memory_space<vmem>> -> memref<1x128xf32, #tpu.memory_space<vmem>>
    %dma_start3A_195 = tpu.memref_squeeze %dma_start3A_194 : memref<1x128xf32, #tpu.memory_space<vmem>> -> memref<128xf32, #tpu.memory_space<vmem>>
    %dma_start3A_196 = arith.constant 0 : i32
    %dma_start3A_197 = tpu.memref_slice %arg6[%dma_start3A_191, %dma_start3A_196] : memref<200x128xi32, #tpu.memory_space<vmem>> -> memref<1x128xi32, #tpu.memory_space<vmem>>
    %dma_start3A_198 = tpu.memref_squeeze %dma_start3A_197 : memref<1x128xi32, #tpu.memory_space<vmem>> -> memref<128xi32, #tpu.memory_space<vmem>>
    %dma_start3A_199 = arith.constant 0 : i32
    %dma_start3A_200 = tpu.memref_slice %arg11[%dma_start3A_199] : memref<1000000xf32, #tpu.memory_space<vmem_shared>> -> memref<1000000xf32, #tpu.memory_space<vmem_shared>>
    tpu.enqueue_indirect_dma source(%dma_start3A_200 : memref<1000000xf32, #tpu.memory_space<vmem_shared>>) target(%dma_start3A_195 : memref<128xf32, #tpu.memory_space<vmem>>) offsets(%dma_start3A_198 : memref<128xi32, #tpu.memory_space<vmem>>) semaphore(%arg13 : memref<!tpu.dma_semaphore, #tpu.memory_space<semaphore_mem>>)
    %dma_start3A_201 = arith.constant 18 : i32
    %dma_start3A_202 = arith.constant 18 : i32
    %dma_start3A_203 = arith.constant 0 : i32
    %dma_start3A_204 = tpu.memref_slice %arg7[%dma_start3A_202, %dma_start3A_203] : memref<200x128xf32, #tpu.memory_space<vmem>> -> memref<1x128xf32, #tpu.memory_space<vmem>>
    %dma_start3A_205 = tpu.memref_squeeze %dma_start3A_204 : memref<1x128xf32, #tpu.memory_space<vmem>> -> memref<128xf32, #tpu.memory_space<vmem>>
    %dma_start3A_206 = arith.constant 0 : i32
    %dma_start3A_207 = tpu.memref_slice %arg6[%dma_start3A_201, %dma_start3A_206] : memref<200x128xi32, #tpu.memory_space<vmem>> -> memref<1x128xi32, #tpu.memory_space<vmem>>
    %dma_start3A_208 = tpu.memref_squeeze %dma_start3A_207 : memref<1x128xi32, #tpu.memory_space<vmem>> -> memref<128xi32, #tpu.memory_space<vmem>>
    %dma_start3A_209 = arith.constant 0 : i32
    %dma_start3A_210 = tpu.memref_slice %arg11[%dma_start3A_209] : memref<1000000xf32, #tpu.memory_space<vmem_shared>> -> memref<1000000xf32, #tpu.memory_space<vmem_shared>>
    tpu.enqueue_indirect_dma source(%dma_start3A_210 : memref<1000000xf32, #tpu.memory_space<vmem_shared>>) target(%dma_start3A_205 : memref<128xf32, #tpu.memory_space<vmem>>) offsets(%dma_start3A_208 : memref<128xi32, #tpu.memory_space<vmem>>) semaphore(%arg13 : memref<!tpu.dma_semaphore, #tpu.memory_space<semaphore_mem>>)
    %dma_start3A_211 = arith.constant 19 : i32
    %dma_start3A_212 = arith.constant 19 : i32
    %dma_start3A_213 = arith.constant 0 : i32
    %dma_start3A_214 = tpu.memref_slice %arg7[%dma_start3A_212, %dma_start3A_213] : memref<200x128xf32, #tpu.memory_space<vmem>> -> memref<1x128xf32, #tpu.memory_space<vmem>>
    %dma_start3A_215 = tpu.memref_squeeze %dma_start3A_214 : memref<1x128xf32, #tpu.memory_space<vmem>> -> memref<128xf32, #tpu.memory_space<vmem>>
    %dma_start3A_216 = arith.constant 0 : i32
    %dma_start3A_217 = tpu.memref_slice %arg6[%dma_start3A_211, %dma_start3A_216] : memref<200x128xi32, #tpu.memory_space<vmem>> -> memref<1x128xi32, #tpu.memory_space<vmem>>
    %dma_start3A_218 = tpu.memref_squeeze %dma_start3A_217 : memref<1x128xi32, #tpu.memory_space<vmem>> -> memref<128xi32, #tpu.memory_space<vmem>>
    %dma_start3A_219 = arith.constant 0 : i32
    %dma_start3A_220 = tpu.memref_slice %arg11[%dma_start3A_219] : memref<1000000xf32, #tpu.memory_space<vmem_shared>> -> memref<1000000xf32, #tpu.memory_space<vmem_shared>>
    tpu.enqueue_indirect_dma source(%dma_start3A_220 : memref<1000000xf32, #tpu.memory_space<vmem_shared>>) target(%dma_start3A_215 : memref<128xf32, #tpu.memory_space<vmem>>) offsets(%dma_start3A_218 : memref<128xi32, #tpu.memory_space<vmem>>) semaphore(%arg13 : memref<!tpu.dma_semaphore, #tpu.memory_space<semaphore_mem>>)
    %scan3A = arith.constant 0 : i32
    %scan3A_221 = arith.constant 10 : i32
    %scan3A_222 = arith.addi %scan3A, %scan3A_221 : i32
    %scan3A_223 = arith.constant 1 : i32
    %scan3A_224:16 = scf.for %scan3A_333 = %scan3A to %scan3A_222 step %scan3A_223 iter_args(%scan3A_334 = %broadcast_in_dim3A_21, %scan3A_335 = %broadcast_in_dim3A_21, %scan3A_336 = %broadcast_in_dim3A_21, %scan3A_337 = %broadcast_in_dim3A_21, %scan3A_338 = %broadcast_in_dim3A_21, %scan3A_339 = %broadcast_in_dim3A_21, %scan3A_340 = %broadcast_in_dim3A_21, %scan3A_341 = %broadcast_in_dim3A_21, %scan3A_342 = %broadcast_in_dim3A_21, %scan3A_343 = %broadcast_in_dim3A_21, %scan3A_344 = %broadcast_in_dim3A_21, %scan3A_345 = %broadcast_in_dim3A_21, %scan3A_346 = %broadcast_in_dim3A_21, %scan3A_347 = %broadcast_in_dim3A_21, %scan3A_348 = %broadcast_in_dim3A_21, %scan3A_349 = %broadcast_in_dim3A_21) -> (vector<16xf32>, vector<16xf32>, vector<16xf32>, vector<16xf32>, vector<16xf32>, vector<16xf32>, vector<16xf32>, vector<16xf32>, vector<16xf32>, vector<16xf32>, vector<16xf32>, vector<16xf32>, vector<16xf32>, vector<16xf32>, vector<16xf32>, vector<16xf32>)  : i32 {
      %mul3A_350 = arith.constant 2 : i32
      %mul3A_351 = arith.muli %scan3A_333, %mul3A_350 : i32
      %add3A_352 = arith.constant 0 : i32
      %add3A_353 = arith.addi %mul3A_351, %add3A_352 : i32
      %mul3A_354 = arith.constant 10 : i32
      %mul3A_355 = arith.muli %add3A_353, %mul3A_354 : i32
      %add3A_356 = arith.constant 0 : i32
      %add3A_357 = arith.addi %mul3A_355, %add3A_356 : i32
      %dma_wait3A = arith.constant 0 : i32
      %dma_wait3A_358 = tpu.memref_slice %arg7[%add3A_357, %dma_wait3A] : memref<200x128xf32, #tpu.memory_space<vmem>> -> memref<1x128xf32, #tpu.memory_space<vmem>>
      %dma_wait3A_359 = tpu.memref_squeeze %dma_wait3A_358 : memref<1x128xf32, #tpu.memory_space<vmem>> -> memref<128xf32, #tpu.memory_space<vmem>>
      %dma_wait3A_360 = arith.constant 0 : i32
      %dma_wait3A_361 = tpu.memref_slice %arg6[%add3A_357, %dma_wait3A_360] : memref<200x128xi32, #tpu.memory_space<vmem>> -> memref<1x128xi32, #tpu.memory_space<vmem>>
      %dma_wait3A_362 = tpu.memref_squeeze %dma_wait3A_361 : memref<1x128xi32, #tpu.memory_space<vmem>> -> memref<128xi32, #tpu.memory_space<vmem>>
      %dma_wait3A_363 = arith.constant 0 : i32
      %dma_wait3A_364 = tpu.memref_slice %arg11[%dma_wait3A_363] : memref<1000000xf32, #tpu.memory_space<vmem_shared>> -> memref<1000000xf32, #tpu.memory_space<vmem_shared>>
      tpu.wait_indirect_dma semaphore(%arg12 : memref<!tpu.dma_semaphore, #tpu.memory_space<semaphore_mem>>) src(%dma_wait3A_364 : memref<1000000xf32, #tpu.memory_space<vmem_shared>>) dst(%dma_wait3A_359 : memref<128xf32, #tpu.memory_space<vmem>>)
      %mul3A_365 = arith.constant 10 : i32
      %mul3A_366 = arith.muli %add3A_353, %mul3A_365 : i32
      %add3A_367 = arith.constant 1 : i32
      %add3A_368 = arith.addi %mul3A_366, %add3A_367 : i32
      %dma_wait3A_369 = arith.constant 0 : i32
      %dma_wait3A_370 = tpu.memref_slice %arg7[%add3A_368, %dma_wait3A_369] : memref<200x128xf32, #tpu.memory_space<vmem>> -> memref<1x128xf32, #tpu.memory_space<vmem>>
      %dma_wait3A_371 = tpu.memref_squeeze %dma_wait3A_370 : memref<1x128xf32, #tpu.memory_space<vmem>> -> memref<128xf32, #tpu.memory_space<vmem>>
      %dma_wait3A_372 = arith.constant 0 : i32
      %dma_wait3A_373 = tpu.memref_slice %arg6[%add3A_368, %dma_wait3A_372] : memref<200x128xi32, #tpu.memory_space<vmem>> -> memref<1x128xi32, #tpu.memory_space<vmem>>
      %dma_wait3A_374 = tpu.memref_squeeze %dma_wait3A_373 : memref<1x128xi32, #tpu.memory_space<vmem>> -> memref<128xi32, #tpu.memory_space<vmem>>
      %dma_wait3A_375 = arith.constant 0 : i32
      %dma_wait3A_376 = tpu.memref_slice %arg11[%dma_wait3A_375] : memref<1000000xf32, #tpu.memory_space<vmem_shared>> -> memref<1000000xf32, #tpu.memory_space<vmem_shared>>
      tpu.wait_indirect_dma semaphore(%arg12 : memref<!tpu.dma_semaphore, #tpu.memory_space<semaphore_mem>>) src(%dma_wait3A_376 : memref<1000000xf32, #tpu.memory_space<vmem_shared>>) dst(%dma_wait3A_371 : memref<128xf32, #tpu.memory_space<vmem>>)
      %mul3A_377 = arith.constant 10 : i32
      %mul3A_378 = arith.muli %add3A_353, %mul3A_377 : i32
      %add3A_379 = arith.constant 2 : i32
      %add3A_380 = arith.addi %mul3A_378, %add3A_379 : i32
      %dma_wait3A_381 = arith.constant 0 : i32
      %dma_wait3A_382 = tpu.memref_slice %arg7[%add3A_380, %dma_wait3A_381] : memref<200x128xf32, #tpu.memory_space<vmem>> -> memref<1x128xf32, #tpu.memory_space<vmem>>
      %dma_wait3A_383 = tpu.memref_squeeze %dma_wait3A_382 : memref<1x128xf32, #tpu.memory_space<vmem>> -> memref<128xf32, #tpu.memory_space<vmem>>
      %dma_wait3A_384 = arith.constant 0 : i32
      %dma_wait3A_385 = tpu.memref_slice %arg6[%add3A_380, %dma_wait3A_384] : memref<200x128xi32, #tpu.memory_space<vmem>> -> memref<1x128xi32, #tpu.memory_space<vmem>>
      %dma_wait3A_386 = tpu.memref_squeeze %dma_wait3A_385 : memref<1x128xi32, #tpu.memory_space<vmem>> -> memref<128xi32, #tpu.memory_space<vmem>>
      %dma_wait3A_387 = arith.constant 0 : i32
      %dma_wait3A_388 = tpu.memref_slice %arg11[%dma_wait3A_387] : memref<1000000xf32, #tpu.memory_space<vmem_shared>> -> memref<1000000xf32, #tpu.memory_space<vmem_shared>>
      tpu.wait_indirect_dma semaphore(%arg12 : memref<!tpu.dma_semaphore, #tpu.memory_space<semaphore_mem>>) src(%dma_wait3A_388 : memref<1000000xf32, #tpu.memory_space<vmem_shared>>) dst(%dma_wait3A_383 : memref<128xf32, #tpu.memory_space<vmem>>)
      %mul3A_389 = arith.constant 10 : i32
      %mul3A_390 = arith.muli %add3A_353, %mul3A_389 : i32
      %add3A_391 = arith.constant 3 : i32
      %add3A_392 = arith.addi %mul3A_390, %add3A_391 : i32
      %dma_wait3A_393 = arith.constant 0 : i32
      %dma_wait3A_394 = tpu.memref_slice %arg7[%add3A_392, %dma_wait3A_393] : memref<200x128xf32, #tpu.memory_space<vmem>> -> memref<1x128xf32, #tpu.memory_space<vmem>>
      %dma_wait3A_395 = tpu.memref_squeeze %dma_wait3A_394 : memref<1x128xf32, #tpu.memory_space<vmem>> -> memref<128xf32, #tpu.memory_space<vmem>>
      %dma_wait3A_396 = arith.constant 0 : i32
      %dma_wait3A_397 = tpu.memref_slice %arg6[%add3A_392, %dma_wait3A_396] : memref<200x128xi32, #tpu.memory_space<vmem>> -> memref<1x128xi32, #tpu.memory_space<vmem>>
      %dma_wait3A_398 = tpu.memref_squeeze %dma_wait3A_397 : memref<1x128xi32, #tpu.memory_space<vmem>> -> memref<128xi32, #tpu.memory_space<vmem>>
      %dma_wait3A_399 = arith.constant 0 : i32
      %dma_wait3A_400 = tpu.memref_slice %arg11[%dma_wait3A_399] : memref<1000000xf32, #tpu.memory_space<vmem_shared>> -> memref<1000000xf32, #tpu.memory_space<vmem_shared>>
      tpu.wait_indirect_dma semaphore(%arg12 : memref<!tpu.dma_semaphore, #tpu.memory_space<semaphore_mem>>) src(%dma_wait3A_400 : memref<1000000xf32, #tpu.memory_space<vmem_shared>>) dst(%dma_wait3A_395 : memref<128xf32, #tpu.memory_space<vmem>>)
      %mul3A_401 = arith.constant 10 : i32
      %mul3A_402 = arith.muli %add3A_353, %mul3A_401 : i32
      %add3A_403 = arith.constant 4 : i32
      %add3A_404 = arith.addi %mul3A_402, %add3A_403 : i32
      %dma_wait3A_405 = arith.constant 0 : i32
      %dma_wait3A_406 = tpu.memref_slice %arg7[%add3A_404, %dma_wait3A_405] : memref<200x128xf32, #tpu.memory_space<vmem>> -> memref<1x128xf32, #tpu.memory_space<vmem>>
      %dma_wait3A_407 = tpu.memref_squeeze %dma_wait3A_406 : memref<1x128xf32, #tpu.memory_space<vmem>> -> memref<128xf32, #tpu.memory_space<vmem>>
      %dma_wait3A_408 = arith.constant 0 : i32
      %dma_wait3A_409 = tpu.memref_slice %arg6[%add3A_404, %dma_wait3A_408] : memref<200x128xi32, #tpu.memory_space<vmem>> -> memref<1x128xi32, #tpu.memory_space<vmem>>
      %dma_wait3A_410 = tpu.memref_squeeze %dma_wait3A_409 : memref<1x128xi32, #tpu.memory_space<vmem>> -> memref<128xi32, #tpu.memory_space<vmem>>
      %dma_wait3A_411 = arith.constant 0 : i32
      %dma_wait3A_412 = tpu.memref_slice %arg11[%dma_wait3A_411] : memref<1000000xf32, #tpu.memory_space<vmem_shared>> -> memref<1000000xf32, #tpu.memory_space<vmem_shared>>
      tpu.wait_indirect_dma semaphore(%arg12 : memref<!tpu.dma_semaphore, #tpu.memory_space<semaphore_mem>>) src(%dma_wait3A_412 : memref<1000000xf32, #tpu.memory_space<vmem_shared>>) dst(%dma_wait3A_407 : memref<128xf32, #tpu.memory_space<vmem>>)
      %mul3A_413 = arith.constant 10 : i32
      %mul3A_414 = arith.muli %add3A_353, %mul3A_413 : i32
      %add3A_415 = arith.constant 5 : i32
      %add3A_416 = arith.addi %mul3A_414, %add3A_415 : i32
      %dma_wait3A_417 = arith.constant 0 : i32
      %dma_wait3A_418 = tpu.memref_slice %arg7[%add3A_416, %dma_wait3A_417] : memref<200x128xf32, #tpu.memory_space<vmem>> -> memref<1x128xf32, #tpu.memory_space<vmem>>
      %dma_wait3A_419 = tpu.memref_squeeze %dma_wait3A_418 : memref<1x128xf32, #tpu.memory_space<vmem>> -> memref<128xf32, #tpu.memory_space<vmem>>
      %dma_wait3A_420 = arith.constant 0 : i32
      %dma_wait3A_421 = tpu.memref_slice %arg6[%add3A_416, %dma_wait3A_420] : memref<200x128xi32, #tpu.memory_space<vmem>> -> memref<1x128xi32, #tpu.memory_space<vmem>>
      %dma_wait3A_422 = tpu.memref_squeeze %dma_wait3A_421 : memref<1x128xi32, #tpu.memory_space<vmem>> -> memref<128xi32, #tpu.memory_space<vmem>>
      %dma_wait3A_423 = arith.constant 0 : i32
      %dma_wait3A_424 = tpu.memref_slice %arg11[%dma_wait3A_423] : memref<1000000xf32, #tpu.memory_space<vmem_shared>> -> memref<1000000xf32, #tpu.memory_space<vmem_shared>>
      tpu.wait_indirect_dma semaphore(%arg12 : memref<!tpu.dma_semaphore, #tpu.memory_space<semaphore_mem>>) src(%dma_wait3A_424 : memref<1000000xf32, #tpu.memory_space<vmem_shared>>) dst(%dma_wait3A_419 : memref<128xf32, #tpu.memory_space<vmem>>)
      %mul3A_425 = arith.constant 10 : i32
      %mul3A_426 = arith.muli %add3A_353, %mul3A_425 : i32
      %add3A_427 = arith.constant 6 : i32
      %add3A_428 = arith.addi %mul3A_426, %add3A_427 : i32
      %dma_wait3A_429 = arith.constant 0 : i32
      %dma_wait3A_430 = tpu.memref_slice %arg7[%add3A_428, %dma_wait3A_429] : memref<200x128xf32, #tpu.memory_space<vmem>> -> memref<1x128xf32, #tpu.memory_space<vmem>>
      %dma_wait3A_431 = tpu.memref_squeeze %dma_wait3A_430 : memref<1x128xf32, #tpu.memory_space<vmem>> -> memref<128xf32, #tpu.memory_space<vmem>>
      %dma_wait3A_432 = arith.constant 0 : i32
      %dma_wait3A_433 = tpu.memref_slice %arg6[%add3A_428, %dma_wait3A_432] : memref<200x128xi32, #tpu.memory_space<vmem>> -> memref<1x128xi32, #tpu.memory_space<vmem>>
      %dma_wait3A_434 = tpu.memref_squeeze %dma_wait3A_433 : memref<1x128xi32, #tpu.memory_space<vmem>> -> memref<128xi32, #tpu.memory_space<vmem>>
      %dma_wait3A_435 = arith.constant 0 : i32
      %dma_wait3A_436 = tpu.memref_slice %arg11[%dma_wait3A_435] : memref<1000000xf32, #tpu.memory_space<vmem_shared>> -> memref<1000000xf32, #tpu.memory_space<vmem_shared>>
      tpu.wait_indirect_dma semaphore(%arg12 : memref<!tpu.dma_semaphore, #tpu.memory_space<semaphore_mem>>) src(%dma_wait3A_436 : memref<1000000xf32, #tpu.memory_space<vmem_shared>>) dst(%dma_wait3A_431 : memref<128xf32, #tpu.memory_space<vmem>>)
      %mul3A_437 = arith.constant 10 : i32
      %mul3A_438 = arith.muli %add3A_353, %mul3A_437 : i32
      %add3A_439 = arith.constant 7 : i32
      %add3A_440 = arith.addi %mul3A_438, %add3A_439 : i32
      %dma_wait3A_441 = arith.constant 0 : i32
      %dma_wait3A_442 = tpu.memref_slice %arg7[%add3A_440, %dma_wait3A_441] : memref<200x128xf32, #tpu.memory_space<vmem>> -> memref<1x128xf32, #tpu.memory_space<vmem>>
      %dma_wait3A_443 = tpu.memref_squeeze %dma_wait3A_442 : memref<1x128xf32, #tpu.memory_space<vmem>> -> memref<128xf32, #tpu.memory_space<vmem>>
      %dma_wait3A_444 = arith.constant 0 : i32
      %dma_wait3A_445 = tpu.memref_slice %arg6[%add3A_440, %dma_wait3A_444] : memref<200x128xi32, #tpu.memory_space<vmem>> -> memref<1x128xi32, #tpu.memory_space<vmem>>
      %dma_wait3A_446 = tpu.memref_squeeze %dma_wait3A_445 : memref<1x128xi32, #tpu.memory_space<vmem>> -> memref<128xi32, #tpu.memory_space<vmem>>
      %dma_wait3A_447 = arith.constant 0 : i32
      %dma_wait3A_448 = tpu.memref_slice %arg11[%dma_wait3A_447] : memref<1000000xf32, #tpu.memory_space<vmem_shared>> -> memref<1000000xf32, #tpu.memory_space<vmem_shared>>
      tpu.wait_indirect_dma semaphore(%arg12 : memref<!tpu.dma_semaphore, #tpu.memory_space<semaphore_mem>>) src(%dma_wait3A_448 : memref<1000000xf32, #tpu.memory_space<vmem_shared>>) dst(%dma_wait3A_443 : memref<128xf32, #tpu.memory_space<vmem>>)
      %mul3A_449 = arith.constant 10 : i32
      %mul3A_450 = arith.muli %add3A_353, %mul3A_449 : i32
      %add3A_451 = arith.constant 8 : i32
      %add3A_452 = arith.addi %mul3A_450, %add3A_451 : i32
      %dma_wait3A_453 = arith.constant 0 : i32
      %dma_wait3A_454 = tpu.memref_slice %arg7[%add3A_452, %dma_wait3A_453] : memref<200x128xf32, #tpu.memory_space<vmem>> -> memref<1x128xf32, #tpu.memory_space<vmem>>
      %dma_wait3A_455 = tpu.memref_squeeze %dma_wait3A_454 : memref<1x128xf32, #tpu.memory_space<vmem>> -> memref<128xf32, #tpu.memory_space<vmem>>
      %dma_wait3A_456 = arith.constant 0 : i32
      %dma_wait3A_457 = tpu.memref_slice %arg6[%add3A_452, %dma_wait3A_456] : memref<200x128xi32, #tpu.memory_space<vmem>> -> memref<1x128xi32, #tpu.memory_space<vmem>>
      %dma_wait3A_458 = tpu.memref_squeeze %dma_wait3A_457 : memref<1x128xi32, #tpu.memory_space<vmem>> -> memref<128xi32, #tpu.memory_space<vmem>>
      %dma_wait3A_459 = arith.constant 0 : i32
      %dma_wait3A_460 = tpu.memref_slice %arg11[%dma_wait3A_459] : memref<1000000xf32, #tpu.memory_space<vmem_shared>> -> memref<1000000xf32, #tpu.memory_space<vmem_shared>>
      tpu.wait_indirect_dma semaphore(%arg12 : memref<!tpu.dma_semaphore, #tpu.memory_space<semaphore_mem>>) src(%dma_wait3A_460 : memref<1000000xf32, #tpu.memory_space<vmem_shared>>) dst(%dma_wait3A_455 : memref<128xf32, #tpu.memory_space<vmem>>)
      %mul3A_461 = arith.constant 10 : i32
      %mul3A_462 = arith.muli %add3A_353, %mul3A_461 : i32
      %add3A_463 = arith.constant 9 : i32
      %add3A_464 = arith.addi %mul3A_462, %add3A_463 : i32
      %dma_wait3A_465 = arith.constant 0 : i32
      %dma_wait3A_466 = tpu.memref_slice %arg7[%add3A_464, %dma_wait3A_465] : memref<200x128xf32, #tpu.memory_space<vmem>> -> memref<1x128xf32, #tpu.memory_space<vmem>>
      %dma_wait3A_467 = tpu.memref_squeeze %dma_wait3A_466 : memref<1x128xf32, #tpu.memory_space<vmem>> -> memref<128xf32, #tpu.memory_space<vmem>>
      %dma_wait3A_468 = arith.constant 0 : i32
      %dma_wait3A_469 = tpu.memref_slice %arg6[%add3A_464, %dma_wait3A_468] : memref<200x128xi32, #tpu.memory_space<vmem>> -> memref<1x128xi32, #tpu.memory_space<vmem>>
      %dma_wait3A_470 = tpu.memref_squeeze %dma_wait3A_469 : memref<1x128xi32, #tpu.memory_space<vmem>> -> memref<128xi32, #tpu.memory_space<vmem>>
      %dma_wait3A_471 = arith.constant 0 : i32
      %dma_wait3A_472 = tpu.memref_slice %arg11[%dma_wait3A_471] : memref<1000000xf32, #tpu.memory_space<vmem_shared>> -> memref<1000000xf32, #tpu.memory_space<vmem_shared>>
      tpu.wait_indirect_dma semaphore(%arg12 : memref<!tpu.dma_semaphore, #tpu.memory_space<semaphore_mem>>) src(%dma_wait3A_472 : memref<1000000xf32, #tpu.memory_space<vmem_shared>>) dst(%dma_wait3A_467 : memref<128xf32, #tpu.memory_space<vmem>>)
      %add3A_473 = arith.constant 2 : i32
      %add3A_474 = arith.addi %add3A_353, %add3A_473 : i32
      %lt3A_475 = arith.constant 20 : i32
      %lt3A_476 = arith.cmpi slt, %add3A_474, %lt3A_475 : i32
      %convert_element_type3A_477 = arith.extui %lt3A_476 : i1 to i32
      %cond3A_478 = arith.constant 0 : i32
      %cond3A_479 = arith.cmpi ne, %convert_element_type3A_477, %cond3A_478 : i32
      scf.if %cond3A_479 {
        %add3A_3246 = arith.constant 2 : i32
        %add3A_3247 = arith.addi %add3A_353, %add3A_3246 : i32
        %mul3A_3248 = arith.constant 10 : i32
        %mul3A_3249 = arith.muli %add3A_3247, %mul3A_3248 : i32
        %add3A_3250 = arith.constant 0 : i32
        %add3A_3251 = arith.addi %mul3A_3249, %add3A_3250 : i32
        %dma_start3A_3252 = arith.constant 0 : i32
        %dma_start3A_3253 = tpu.memref_slice %arg7[%add3A_3251, %dma_start3A_3252] : memref<200x128xf32, #tpu.memory_space<vmem>> -> memref<1x128xf32, #tpu.memory_space<vmem>>
        %dma_start3A_3254 = tpu.memref_squeeze %dma_start3A_3253 : memref<1x128xf32, #tpu.memory_space<vmem>> -> memref<128xf32, #tpu.memory_space<vmem>>
        %dma_start3A_3255 = arith.constant 0 : i32
        %dma_start3A_3256 = tpu.memref_slice %arg6[%add3A_3251, %dma_start3A_3255] : memref<200x128xi32, #tpu.memory_space<vmem>> -> memref<1x128xi32, #tpu.memory_space<vmem>>
        %dma_start3A_3257 = tpu.memref_squeeze %dma_start3A_3256 : memref<1x128xi32, #tpu.memory_space<vmem>> -> memref<128xi32, #tpu.memory_space<vmem>>
        %dma_start3A_3258 = arith.constant 0 : i32
        %dma_start3A_3259 = tpu.memref_slice %arg11[%dma_start3A_3258] : memref<1000000xf32, #tpu.memory_space<vmem_shared>> -> memref<1000000xf32, #tpu.memory_space<vmem_shared>>
        tpu.enqueue_indirect_dma source(%dma_start3A_3259 : memref<1000000xf32, #tpu.memory_space<vmem_shared>>) target(%dma_start3A_3254 : memref<128xf32, #tpu.memory_space<vmem>>) offsets(%dma_start3A_3257 : memref<128xi32, #tpu.memory_space<vmem>>) semaphore(%arg12 : memref<!tpu.dma_semaphore, #tpu.memory_space<semaphore_mem>>)
        %mul3A_3260 = arith.constant 10 : i32
        %mul3A_3261 = arith.muli %add3A_3247, %mul3A_3260 : i32
        %add3A_3262 = arith.constant 1 : i32
        %add3A_3263 = arith.addi %mul3A_3261, %add3A_3262 : i32
        %dma_start3A_3264 = arith.constant 0 : i32
        %dma_start3A_3265 = tpu.memref_slice %arg7[%add3A_3263, %dma_start3A_3264] : memref<200x128xf32, #tpu.memory_space<vmem>> -> memref<1x128xf32, #tpu.memory_space<vmem>>
        %dma_start3A_3266 = tpu.memref_squeeze %dma_start3A_3265 : memref<1x128xf32, #tpu.memory_space<vmem>> -> memref<128xf32, #tpu.memory_space<vmem>>
        %dma_start3A_3267 = arith.constant 0 : i32
        %dma_start3A_3268 = tpu.memref_slice %arg6[%add3A_3263, %dma_start3A_3267] : memref<200x128xi32, #tpu.memory_space<vmem>> -> memref<1x128xi32, #tpu.memory_space<vmem>>
        %dma_start3A_3269 = tpu.memref_squeeze %dma_start3A_3268 : memref<1x128xi32, #tpu.memory_space<vmem>> -> memref<128xi32, #tpu.memory_space<vmem>>
        %dma_start3A_3270 = arith.constant 0 : i32
        %dma_start3A_3271 = tpu.memref_slice %arg11[%dma_start3A_3270] : memref<1000000xf32, #tpu.memory_space<vmem_shared>> -> memref<1000000xf32, #tpu.memory_space<vmem_shared>>
        tpu.enqueue_indirect_dma source(%dma_start3A_3271 : memref<1000000xf32, #tpu.memory_space<vmem_shared>>) target(%dma_start3A_3266 : memref<128xf32, #tpu.memory_space<vmem>>) offsets(%dma_start3A_3269 : memref<128xi32, #tpu.memory_space<vmem>>) semaphore(%arg12 : memref<!tpu.dma_semaphore, #tpu.memory_space<semaphore_mem>>)
        %mul3A_3272 = arith.constant 10 : i32
        %mul3A_3273 = arith.muli %add3A_3247, %mul3A_3272 : i32
        %add3A_3274 = arith.constant 2 : i32
        %add3A_3275 = arith.addi %mul3A_3273, %add3A_3274 : i32
        %dma_start3A_3276 = arith.constant 0 : i32
        %dma_start3A_3277 = tpu.memref_slice %arg7[%add3A_3275, %dma_start3A_3276] : memref<200x128xf32, #tpu.memory_space<vmem>> -> memref<1x128xf32, #tpu.memory_space<vmem>>
        %dma_start3A_3278 = tpu.memref_squeeze %dma_start3A_3277 : memref<1x128xf32, #tpu.memory_space<vmem>> -> memref<128xf32, #tpu.memory_space<vmem>>
        %dma_start3A_3279 = arith.constant 0 : i32
        %dma_start3A_3280 = tpu.memref_slice %arg6[%add3A_3275, %dma_start3A_3279] : memref<200x128xi32, #tpu.memory_space<vmem>> -> memref<1x128xi32, #tpu.memory_space<vmem>>
        %dma_start3A_3281 = tpu.memref_squeeze %dma_start3A_3280 : memref<1x128xi32, #tpu.memory_space<vmem>> -> memref<128xi32, #tpu.memory_space<vmem>>
        %dma_start3A_3282 = arith.constant 0 : i32
        %dma_start3A_3283 = tpu.memref_slice %arg11[%dma_start3A_3282] : memref<1000000xf32, #tpu.memory_space<vmem_shared>> -> memref<1000000xf32, #tpu.memory_space<vmem_shared>>
        tpu.enqueue_indirect_dma source(%dma_start3A_3283 : memref<1000000xf32, #tpu.memory_space<vmem_shared>>) target(%dma_start3A_3278 : memref<128xf32, #tpu.memory_space<vmem>>) offsets(%dma_start3A_3281 : memref<128xi32, #tpu.memory_space<vmem>>) semaphore(%arg12 : memref<!tpu.dma_semaphore, #tpu.memory_space<semaphore_mem>>)
        %mul3A_3284 = arith.constant 10 : i32
        %mul3A_3285 = arith.muli %add3A_3247, %mul3A_3284 : i32
        %add3A_3286 = arith.constant 3 : i32
        %add3A_3287 = arith.addi %mul3A_3285, %add3A_3286 : i32
        %dma_start3A_3288 = arith.constant 0 : i32
        %dma_start3A_3289 = tpu.memref_slice %arg7[%add3A_3287, %dma_start3A_3288] : memref<200x128xf32, #tpu.memory_space<vmem>> -> memref<1x128xf32, #tpu.memory_space<vmem>>
        %dma_start3A_3290 = tpu.memref_squeeze %dma_start3A_3289 : memref<1x128xf32, #tpu.memory_space<vmem>> -> memref<128xf32, #tpu.memory_space<vmem>>
        %dma_start3A_3291 = arith.constant 0 : i32
        %dma_start3A_3292 = tpu.memref_slice %arg6[%add3A_3287, %dma_start3A_3291] : memref<200x128xi32, #tpu.memory_space<vmem>> -> memref<1x128xi32, #tpu.memory_space<vmem>>
        %dma_start3A_3293 = tpu.memref_squeeze %dma_start3A_3292 : memref<1x128xi32, #tpu.memory_space<vmem>> -> memref<128xi32, #tpu.memory_space<vmem>>
        %dma_start3A_3294 = arith.constant 0 : i32
        %dma_start3A_3295 = tpu.memref_slice %arg11[%dma_start3A_3294] : memref<1000000xf32, #tpu.memory_space<vmem_shared>> -> memref<1000000xf32, #tpu.memory_space<vmem_shared>>
        tpu.enqueue_indirect_dma source(%dma_start3A_3295 : memref<1000000xf32, #tpu.memory_space<vmem_shared>>) target(%dma_start3A_3290 : memref<128xf32, #tpu.memory_space<vmem>>) offsets(%dma_start3A_3293 : memref<128xi32, #tpu.memory_space<vmem>>) semaphore(%arg12 : memref<!tpu.dma_semaphore, #tpu.memory_space<semaphore_mem>>)
        %mul3A_3296 = arith.constant 10 : i32
        %mul3A_3297 = arith.muli %add3A_3247, %mul3A_3296 : i32
        %add3A_3298 = arith.constant 4 : i32
        %add3A_3299 = arith.addi %mul3A_3297, %add3A_3298 : i32
        %dma_start3A_3300 = arith.constant 0 : i32
        %dma_start3A_3301 = tpu.memref_slice %arg7[%add3A_3299, %dma_start3A_3300] : memref<200x128xf32, #tpu.memory_space<vmem>> -> memref<1x128xf32, #tpu.memory_space<vmem>>
        %dma_start3A_3302 = tpu.memref_squeeze %dma_start3A_3301 : memref<1x128xf32, #tpu.memory_space<vmem>> -> memref<128xf32, #tpu.memory_space<vmem>>
        %dma_start3A_3303 = arith.constant 0 : i32
        %dma_start3A_3304 = tpu.memref_slice %arg6[%add3A_3299, %dma_start3A_3303] : memref<200x128xi32, #tpu.memory_space<vmem>> -> memref<1x128xi32, #tpu.memory_space<vmem>>
        %dma_start3A_3305 = tpu.memref_squeeze %dma_start3A_3304 : memref<1x128xi32, #tpu.memory_space<vmem>> -> memref<128xi32, #tpu.memory_space<vmem>>
        %dma_start3A_3306 = arith.constant 0 : i32
        %dma_start3A_3307 = tpu.memref_slice %arg11[%dma_start3A_3306] : memref<1000000xf32, #tpu.memory_space<vmem_shared>> -> memref<1000000xf32, #tpu.memory_space<vmem_shared>>
        tpu.enqueue_indirect_dma source(%dma_start3A_3307 : memref<1000000xf32, #tpu.memory_space<vmem_shared>>) target(%dma_start3A_3302 : memref<128xf32, #tpu.memory_space<vmem>>) offsets(%dma_start3A_3305 : memref<128xi32, #tpu.memory_space<vmem>>) semaphore(%arg12 : memref<!tpu.dma_semaphore, #tpu.memory_space<semaphore_mem>>)
        %mul3A_3308 = arith.constant 10 : i32
        %mul3A_3309 = arith.muli %add3A_3247, %mul3A_3308 : i32
        %add3A_3310 = arith.constant 5 : i32
        %add3A_3311 = arith.addi %mul3A_3309, %add3A_3310 : i32
        %dma_start3A_3312 = arith.constant 0 : i32
        %dma_start3A_3313 = tpu.memref_slice %arg7[%add3A_3311, %dma_start3A_3312] : memref<200x128xf32, #tpu.memory_space<vmem>> -> memref<1x128xf32, #tpu.memory_space<vmem>>
        %dma_start3A_3314 = tpu.memref_squeeze %dma_start3A_3313 : memref<1x128xf32, #tpu.memory_space<vmem>> -> memref<128xf32, #tpu.memory_space<vmem>>
        %dma_start3A_3315 = arith.constant 0 : i32
        %dma_start3A_3316 = tpu.memref_slice %arg6[%add3A_3311, %dma_start3A_3315] : memref<200x128xi32, #tpu.memory_space<vmem>> -> memref<1x128xi32, #tpu.memory_space<vmem>>
        %dma_start3A_3317 = tpu.memref_squeeze %dma_start3A_3316 : memref<1x128xi32, #tpu.memory_space<vmem>> -> memref<128xi32, #tpu.memory_space<vmem>>
        %dma_start3A_3318 = arith.constant 0 : i32
        %dma_start3A_3319 = tpu.memref_slice %arg11[%dma_start3A_3318] : memref<1000000xf32, #tpu.memory_space<vmem_shared>> -> memref<1000000xf32, #tpu.memory_space<vmem_shared>>
        tpu.enqueue_indirect_dma source(%dma_start3A_3319 : memref<1000000xf32, #tpu.memory_space<vmem_shared>>) target(%dma_start3A_3314 : memref<128xf32, #tpu.memory_space<vmem>>) offsets(%dma_start3A_3317 : memref<128xi32, #tpu.memory_space<vmem>>) semaphore(%arg12 : memref<!tpu.dma_semaphore, #tpu.memory_space<semaphore_mem>>)
        %mul3A_3320 = arith.constant 10 : i32
        %mul3A_3321 = arith.muli %add3A_3247, %mul3A_3320 : i32
        %add3A_3322 = arith.constant 6 : i32
        %add3A_3323 = arith.addi %mul3A_3321, %add3A_3322 : i32
        %dma_start3A_3324 = arith.constant 0 : i32
        %dma_start3A_3325 = tpu.memref_slice %arg7[%add3A_3323, %dma_start3A_3324] : memref<200x128xf32, #tpu.memory_space<vmem>> -> memref<1x128xf32, #tpu.memory_space<vmem>>
        %dma_start3A_3326 = tpu.memref_squeeze %dma_start3A_3325 : memref<1x128xf32, #tpu.memory_space<vmem>> -> memref<128xf32, #tpu.memory_space<vmem>>
        %dma_start3A_3327 = arith.constant 0 : i32
        %dma_start3A_3328 = tpu.memref_slice %arg6[%add3A_3323, %dma_start3A_3327] : memref<200x128xi32, #tpu.memory_space<vmem>> -> memref<1x128xi32, #tpu.memory_space<vmem>>
        %dma_start3A_3329 = tpu.memref_squeeze %dma_start3A_3328 : memref<1x128xi32, #tpu.memory_space<vmem>> -> memref<128xi32, #tpu.memory_space<vmem>>
        %dma_start3A_3330 = arith.constant 0 : i32
        %dma_start3A_3331 = tpu.memref_slice %arg11[%dma_start3A_3330] : memref<1000000xf32, #tpu.memory_space<vmem_shared>> -> memref<1000000xf32, #tpu.memory_space<vmem_shared>>
        tpu.enqueue_indirect_dma source(%dma_start3A_3331 : memref<1000000xf32, #tpu.memory_space<vmem_shared>>) target(%dma_start3A_3326 : memref<128xf32, #tpu.memory_space<vmem>>) offsets(%dma_start3A_3329 : memref<128xi32, #tpu.memory_space<vmem>>) semaphore(%arg12 : memref<!tpu.dma_semaphore, #tpu.memory_space<semaphore_mem>>)
        %mul3A_3332 = arith.constant 10 : i32
        %mul3A_3333 = arith.muli %add3A_3247, %mul3A_3332 : i32
        %add3A_3334 = arith.constant 7 : i32
        %add3A_3335 = arith.addi %mul3A_3333, %add3A_3334 : i32
        %dma_start3A_3336 = arith.constant 0 : i32
        %dma_start3A_3337 = tpu.memref_slice %arg7[%add3A_3335, %dma_start3A_3336] : memref<200x128xf32, #tpu.memory_space<vmem>> -> memref<1x128xf32, #tpu.memory_space<vmem>>
        %dma_start3A_3338 = tpu.memref_squeeze %dma_start3A_3337 : memref<1x128xf32, #tpu.memory_space<vmem>> -> memref<128xf32, #tpu.memory_space<vmem>>
        %dma_start3A_3339 = arith.constant 0 : i32
        %dma_start3A_3340 = tpu.memref_slice %arg6[%add3A_3335, %dma_start3A_3339] : memref<200x128xi32, #tpu.memory_space<vmem>> -> memref<1x128xi32, #tpu.memory_space<vmem>>
        %dma_start3A_3341 = tpu.memref_squeeze %dma_start3A_3340 : memref<1x128xi32, #tpu.memory_space<vmem>> -> memref<128xi32, #tpu.memory_space<vmem>>
        %dma_start3A_3342 = arith.constant 0 : i32
        %dma_start3A_3343 = tpu.memref_slice %arg11[%dma_start3A_3342] : memref<1000000xf32, #tpu.memory_space<vmem_shared>> -> memref<1000000xf32, #tpu.memory_space<vmem_shared>>
        tpu.enqueue_indirect_dma source(%dma_start3A_3343 : memref<1000000xf32, #tpu.memory_space<vmem_shared>>) target(%dma_start3A_3338 : memref<128xf32, #tpu.memory_space<vmem>>) offsets(%dma_start3A_3341 : memref<128xi32, #tpu.memory_space<vmem>>) semaphore(%arg12 : memref<!tpu.dma_semaphore, #tpu.memory_space<semaphore_mem>>)
        %mul3A_3344 = arith.constant 10 : i32
        %mul3A_3345 = arith.muli %add3A_3247, %mul3A_3344 : i32
        %add3A_3346 = arith.constant 8 : i32
        %add3A_3347 = arith.addi %mul3A_3345, %add3A_3346 : i32
        %dma_start3A_3348 = arith.constant 0 : i32
        %dma_start3A_3349 = tpu.memref_slice %arg7[%add3A_3347, %dma_start3A_3348] : memref<200x128xf32, #tpu.memory_space<vmem>> -> memref<1x128xf32, #tpu.memory_space<vmem>>
        %dma_start3A_3350 = tpu.memref_squeeze %dma_start3A_3349 : memref<1x128xf32, #tpu.memory_space<vmem>> -> memref<128xf32, #tpu.memory_space<vmem>>
        %dma_start3A_3351 = arith.constant 0 : i32
        %dma_start3A_3352 = tpu.memref_slice %arg6[%add3A_3347, %dma_start3A_3351] : memref<200x128xi32, #tpu.memory_space<vmem>> -> memref<1x128xi32, #tpu.memory_space<vmem>>
        %dma_start3A_3353 = tpu.memref_squeeze %dma_start3A_3352 : memref<1x128xi32, #tpu.memory_space<vmem>> -> memref<128xi32, #tpu.memory_space<vmem>>
        %dma_start3A_3354 = arith.constant 0 : i32
        %dma_start3A_3355 = tpu.memref_slice %arg11[%dma_start3A_3354] : memref<1000000xf32, #tpu.memory_space<vmem_shared>> -> memref<1000000xf32, #tpu.memory_space<vmem_shared>>
        tpu.enqueue_indirect_dma source(%dma_start3A_3355 : memref<1000000xf32, #tpu.memory_space<vmem_shared>>) target(%dma_start3A_3350 : memref<128xf32, #tpu.memory_space<vmem>>) offsets(%dma_start3A_3353 : memref<128xi32, #tpu.memory_space<vmem>>) semaphore(%arg12 : memref<!tpu.dma_semaphore, #tpu.memory_space<semaphore_mem>>)
        %mul3A_3356 = arith.constant 10 : i32
        %mul3A_3357 = arith.muli %add3A_3247, %mul3A_3356 : i32
        %add3A_3358 = arith.constant 9 : i32
        %add3A_3359 = arith.addi %mul3A_3357, %add3A_3358 : i32
        %dma_start3A_3360 = arith.constant 0 : i32
        %dma_start3A_3361 = tpu.memref_slice %arg7[%add3A_3359, %dma_start3A_3360] : memref<200x128xf32, #tpu.memory_space<vmem>> -> memref<1x128xf32, #tpu.memory_space<vmem>>
        %dma_start3A_3362 = tpu.memref_squeeze %dma_start3A_3361 : memref<1x128xf32, #tpu.memory_space<vmem>> -> memref<128xf32, #tpu.memory_space<vmem>>
        %dma_start3A_3363 = arith.constant 0 : i32
        %dma_start3A_3364 = tpu.memref_slice %arg6[%add3A_3359, %dma_start3A_3363] : memref<200x128xi32, #tpu.memory_space<vmem>> -> memref<1x128xi32, #tpu.memory_space<vmem>>
        %dma_start3A_3365 = tpu.memref_squeeze %dma_start3A_3364 : memref<1x128xi32, #tpu.memory_space<vmem>> -> memref<128xi32, #tpu.memory_space<vmem>>
        %dma_start3A_3366 = arith.constant 0 : i32
        %dma_start3A_3367 = tpu.memref_slice %arg11[%dma_start3A_3366] : memref<1000000xf32, #tpu.memory_space<vmem_shared>> -> memref<1000000xf32, #tpu.memory_space<vmem_shared>>
        tpu.enqueue_indirect_dma source(%dma_start3A_3367 : memref<1000000xf32, #tpu.memory_space<vmem_shared>>) target(%dma_start3A_3362 : memref<128xf32, #tpu.memory_space<vmem>>) offsets(%dma_start3A_3365 : memref<128xi32, #tpu.memory_space<vmem>>) semaphore(%arg12 : memref<!tpu.dma_semaphore, #tpu.memory_space<semaphore_mem>>)
      } else {
      }
      %mul3A_480 = arith.constant 10 : i32
      %mul3A_481 = arith.muli %add3A_353, %mul3A_480 : i32
      %add3A_482 = arith.constant 0 : i32
      %add3A_483 = arith.addi %mul3A_481, %add3A_482 : i32
      %get3A_484 = arith.index_cast %add3A_483 : i32 to index
      %get3A_485 = arith.constant 0 : index
      %get3A_486 = tpu.vector_load %arg7[%get3A_484, %get3A_485] {strides = array<i32>} : memref<200x128xf32, #tpu.memory_space<vmem>>, vector<16xf32>,
      %add3A_487 = arith.addf %scan3A_334, %get3A_486 : vector<16xf32>
      %get3A_488 = arith.index_cast %add3A_483 : i32 to index
      %get3A_489 = arith.constant 16 : index
      %get3A_490 = tpu.vector_load %arg7[%get3A_488, %get3A_489] {strides = array<i32>} : memref<200x128xf32, #tpu.memory_space<vmem>>, vector<16xf32>,
      %add3A_491 = arith.addf %scan3A_335, %get3A_490 : vector<16xf32>
      %get3A_492 = arith.index_cast %add3A_483 : i32 to index
      %get3A_493 = arith.constant 32 : index
      %get3A_494 = tpu.vector_load %arg7[%get3A_492, %get3A_493] {strides = array<i32>} : memref<200x128xf32, #tpu.memory_space<vmem>>, vector<16xf32>,
      %add3A_495 = arith.addf %scan3A_336, %get3A_494 : vector<16xf32>
      %get3A_496 = arith.index_cast %add3A_483 : i32 to index
      %get3A_497 = arith.constant 48 : index
      %get3A_498 = tpu.vector_load %arg7[%get3A_496, %get3A_497] {strides = array<i32>} : memref<200x128xf32, #tpu.memory_space<vmem>>, vector<16xf32>,
      %add3A_499 = arith.addf %scan3A_337, %get3A_498 : vector<16xf32>
      %get3A_500 = arith.index_cast %add3A_483 : i32 to index
      %get3A_501 = arith.constant 64 : index
      %get3A_502 = tpu.vector_load %arg7[%get3A_500, %get3A_501] {strides = array<i32>} : memref<200x128xf32, #tpu.memory_space<vmem>>, vector<16xf32>,
      %add3A_503 = arith.addf %scan3A_338, %get3A_502 : vector<16xf32>
      %get3A_504 = arith.index_cast %add3A_483 : i32 to index
      %get3A_505 = arith.constant 80 : index
      %get3A_506 = tpu.vector_load %arg7[%get3A_504, %get3A_505] {strides = array<i32>} : memref<200x128xf32, #tpu.memory_space<vmem>>, vector<16xf32>,
      %add3A_507 = arith.addf %scan3A_339, %get3A_506 : vector<16xf32>
      %get3A_508 = arith.index_cast %add3A_483 : i32 to index
      %get3A_509 = arith.constant 96 : index
      %get3A_510 = tpu.vector_load %arg7[%get3A_508, %get3A_509] {strides = array<i32>} : memref<200x128xf32, #tpu.memory_space<vmem>>, vector<16xf32>,
      %add3A_511 = arith.addf %scan3A_340, %get3A_510 : vector<16xf32>
      %get3A_512 = arith.index_cast %add3A_483 : i32 to index
      %get3A_513 = arith.constant 112 : index
      %get3A_514 = tpu.vector_load %arg7[%get3A_512, %get3A_513] {strides = array<i32>} : memref<200x128xf32, #tpu.memory_space<vmem>>, vector<16xf32>,
      %add3A_515 = arith.addf %scan3A_341, %get3A_514 : vector<16xf32>
      %get3A_516 = arith.index_cast %add3A_483 : i32 to index
      %get3A_517 = arith.constant 0 : index
      %get3A_518 = tpu.vector_load %arg6[%get3A_516, %get3A_517] {strides = array<i32>} : memref<200x128xi32, #tpu.memory_space<vmem>>, vector<16xi32>,
      %ne3A = arith.constant 0 : i32
      %ne3A_519 = vector.broadcast %ne3A : i32 to vector<16xi32>
      %ne3A_520 = arith.cmpi ne, %get3A_518, %ne3A_519 : vector<16xi32>
      %jit3A = arith.constant 1.000000e+00 : f32
      %jit3A_521 = arith.constant 0.000000e+00 : f32
      %broadcast_in_dim3A_522 = vector.broadcast %jit3A : f32 to vector<16xf32>
      %broadcast_in_dim3A_523 = vector.broadcast %jit3A_521 : f32 to vector<16xf32>
      %select_n3A = arith.select %ne3A_520, %broadcast_in_dim3A_522, %broadcast_in_dim3A_523 : vector<16xi1>, vector<16xf32>
      %add3A_524 = arith.addf %scan3A_342, %select_n3A : vector<16xf32>
      %get3A_525 = arith.index_cast %add3A_483 : i32 to index
      %get3A_526 = arith.constant 16 : index
      %get3A_527 = tpu.vector_load %arg6[%get3A_525, %get3A_526] {strides = array<i32>} : memref<200x128xi32, #tpu.memory_space<vmem>>, vector<16xi32>,
      %ne3A_528 = arith.constant 0 : i32
      %ne3A_529 = vector.broadcast %ne3A_528 : i32 to vector<16xi32>
      %ne3A_530 = arith.cmpi ne, %get3A_527, %ne3A_529 : vector<16xi32>
      %jit3A_531 = arith.constant 1.000000e+00 : f32
      %jit3A_532 = arith.constant 0.000000e+00 : f32
      %broadcast_in_dim3A_533 = vector.broadcast %jit3A_531 : f32 to vector<16xf32>
      %broadcast_in_dim3A_534 = vector.broadcast %jit3A_532 : f32 to vector<16xf32>
      %select_n3A_535 = arith.select %ne3A_530, %broadcast_in_dim3A_533, %broadcast_in_dim3A_534 : vector<16xi1>, vector<16xf32>
      %add3A_536 = arith.addf %scan3A_343, %select_n3A_535 : vector<16xf32>
      %get3A_537 = arith.index_cast %add3A_483 : i32 to index
      %get3A_538 = arith.constant 32 : index
      %get3A_539 = tpu.vector_load %arg6[%get3A_537, %get3A_538] {strides = array<i32>} : memref<200x128xi32, #tpu.memory_space<vmem>>, vector<16xi32>,
      %ne3A_540 = arith.constant 0 : i32
      %ne3A_541 = vector.broadcast %ne3A_540 : i32 to vector<16xi32>
      %ne3A_542 = arith.cmpi ne, %get3A_539, %ne3A_541 : vector<16xi32>
      %jit3A_543 = arith.constant 1.000000e+00 : f32
      %jit3A_544 = arith.constant 0.000000e+00 : f32
      %broadcast_in_dim3A_545 = vector.broadcast %jit3A_543 : f32 to vector<16xf32>
      %broadcast_in_dim3A_546 = vector.broadcast %jit3A_544 : f32 to vector<16xf32>
      %select_n3A_547 = arith.select %ne3A_542, %broadcast_in_dim3A_545, %broadcast_in_dim3A_546 : vector<16xi1>, vector<16xf32>
      %add3A_548 = arith.addf %scan3A_344, %select_n3A_547 : vector<16xf32>
      %get3A_549 = arith.index_cast %add3A_483 : i32 to index
      %get3A_550 = arith.constant 48 : index
      %get3A_551 = tpu.vector_load %arg6[%get3A_549, %get3A_550] {strides = array<i32>} : memref<200x128xi32, #tpu.memory_space<vmem>>, vector<16xi32>,
      %ne3A_552 = arith.constant 0 : i32
      %ne3A_553 = vector.broadcast %ne3A_552 : i32 to vector<16xi32>
      %ne3A_554 = arith.cmpi ne, %get3A_551, %ne3A_553 : vector<16xi32>
      %jit3A_555 = arith.constant 1.000000e+00 : f32
      %jit3A_556 = arith.constant 0.000000e+00 : f32
      %broadcast_in_dim3A_557 = vector.broadcast %jit3A_555 : f32 to vector<16xf32>
      %broadcast_in_dim3A_558 = vector.broadcast %jit3A_556 : f32 to vector<16xf32>
      %select_n3A_559 = arith.select %ne3A_554, %broadcast_in_dim3A_557, %broadcast_in_dim3A_558 : vector<16xi1>, vector<16xf32>
      %add3A_560 = arith.addf %scan3A_345, %select_n3A_559 : vector<16xf32>
      %get3A_561 = arith.index_cast %add3A_483 : i32 to index
      %get3A_562 = arith.constant 64 : index
      %get3A_563 = tpu.vector_load %arg6[%get3A_561, %get3A_562] {strides = array<i32>} : memref<200x128xi32, #tpu.memory_space<vmem>>, vector<16xi32>,
      %ne3A_564 = arith.constant 0 : i32
      %ne3A_565 = vector.broadcast %ne3A_564 : i32 to vector<16xi32>
      %ne3A_566 = arith.cmpi ne, %get3A_563, %ne3A_565 : vector<16xi32>
      %jit3A_567 = arith.constant 1.000000e+00 : f32
      %jit3A_568 = arith.constant 0.000000e+00 : f32
      %broadcast_in_dim3A_569 = vector.broadcast %jit3A_567 : f32 to vector<16xf32>
      %broadcast_in_dim3A_570 = vector.broadcast %jit3A_568 : f32 to vector<16xf32>
      %select_n3A_571 = arith.select %ne3A_566, %broadcast_in_dim3A_569, %broadcast_in_dim3A_570 : vector<16xi1>, vector<16xf32>
      %add3A_572 = arith.addf %scan3A_346, %select_n3A_571 : vector<16xf32>
      %get3A_573 = arith.index_cast %add3A_483 : i32 to index
      %get3A_574 = arith.constant 80 : index
      %get3A_575 = tpu.vector_load %arg6[%get3A_573, %get3A_574] {strides = array<i32>} : memref<200x128xi32, #tpu.memory_space<vmem>>, vector<16xi32>,
      %ne3A_576 = arith.constant 0 : i32
      %ne3A_577 = vector.broadcast %ne3A_576 : i32 to vector<16xi32>
      %ne3A_578 = arith.cmpi ne, %get3A_575, %ne3A_577 : vector<16xi32>
      %jit3A_579 = arith.constant 1.000000e+00 : f32
      %jit3A_580 = arith.constant 0.000000e+00 : f32
      %broadcast_in_dim3A_581 = vector.broadcast %jit3A_579 : f32 to vector<16xf32>
      %broadcast_in_dim3A_582 = vector.broadcast %jit3A_580 : f32 to vector<16xf32>
      %select_n3A_583 = arith.select %ne3A_578, %broadcast_in_dim3A_581, %broadcast_in_dim3A_582 : vector<16xi1>, vector<16xf32>
      %add3A_584 = arith.addf %scan3A_347, %select_n3A_583 : vector<16xf32>
      %get3A_585 = arith.index_cast %add3A_483 : i32 to index
      %get3A_586 = arith.constant 96 : index
      %get3A_587 = tpu.vector_load %arg6[%get3A_585, %get3A_586] {strides = array<i32>} : memref<200x128xi32, #tpu.memory_space<vmem>>, vector<16xi32>,
      %ne3A_588 = arith.constant 0 : i32
      %ne3A_589 = vector.broadcast %ne3A_588 : i32 to vector<16xi32>
      %ne3A_590 = arith.cmpi ne, %get3A_587, %ne3A_589 : vector<16xi32>
      %jit3A_591 = arith.constant 1.000000e+00 : f32
      %jit3A_592 = arith.constant 0.000000e+00 : f32
      %broadcast_in_dim3A_593 = vector.broadcast %jit3A_591 : f32 to vector<16xf32>
      %broadcast_in_dim3A_594 = vector.broadcast %jit3A_592 : f32 to vector<16xf32>
      %select_n3A_595 = arith.select %ne3A_590, %broadcast_in_dim3A_593, %broadcast_in_dim3A_594 : vector<16xi1>, vector<16xf32>
      %add3A_596 = arith.addf %scan3A_348, %select_n3A_595 : vector<16xf32>
      %get3A_597 = arith.index_cast %add3A_483 : i32 to index
      %get3A_598 = arith.constant 112 : index
      %get3A_599 = tpu.vector_load %arg6[%get3A_597, %get3A_598] {strides = array<i32>} : memref<200x128xi32, #tpu.memory_space<vmem>>, vector<16xi32>,
      %ne3A_600 = arith.constant 0 : i32
      %ne3A_601 = vector.broadcast %ne3A_600 : i32 to vector<16xi32>
      %ne3A_602 = arith.cmpi ne, %get3A_599, %ne3A_601 : vector<16xi32>
      %jit3A_603 = arith.constant 1.000000e+00 : f32
      %jit3A_604 = arith.constant 0.000000e+00 : f32
      %broadcast_in_dim3A_605 = vector.broadcast %jit3A_603 : f32 to vector<16xf32>
      %broadcast_in_dim3A_606 = vector.broadcast %jit3A_604 : f32 to vector<16xf32>
      %select_n3A_607 = arith.select %ne3A_602, %broadcast_in_dim3A_605, %broadcast_in_dim3A_606 : vector<16xi1>, vector<16xf32>
      %add3A_608 = arith.addf %scan3A_349, %select_n3A_607 : vector<16xf32>
      %mul3A_609 = arith.constant 10 : i32
      %mul3A_610 = arith.muli %add3A_353, %mul3A_609 : i32
      %add3A_611 = arith.constant 1 : i32
      %add3A_612 = arith.addi %mul3A_610, %add3A_611 : i32
      %get3A_613 = arith.index_cast %add3A_612 : i32 to index
      %get3A_614 = arith.constant 0 : index
      %get3A_615 = tpu.vector_load %arg7[%get3A_613, %get3A_614] {strides = array<i32>} : memref<200x128xf32, #tpu.memory_space<vmem>>, vector<16xf32>,
      %add3A_616 = arith.addf %add3A_487, %get3A_615 : vector<16xf32>
      %get3A_617 = arith.index_cast %add3A_612 : i32 to index
      %get3A_618 = arith.constant 16 : index
      %get3A_619 = tpu.vector_load %arg7[%get3A_617, %get3A_618] {strides = array<i32>} : memref<200x128xf32, #tpu.memory_space<vmem>>, vector<16xf32>,
      %add3A_620 = arith.addf %add3A_491, %get3A_619 : vector<16xf32>
      %get3A_621 = arith.index_cast %add3A_612 : i32 to index
      %get3A_622 = arith.constant 32 : index
      %get3A_623 = tpu.vector_load %arg7[%get3A_621, %get3A_622] {strides = array<i32>} : memref<200x128xf32, #tpu.memory_space<vmem>>, vector<16xf32>,
      %add3A_624 = arith.addf %add3A_495, %get3A_623 : vector<16xf32>
      %get3A_625 = arith.index_cast %add3A_612 : i32 to index
      %get3A_626 = arith.constant 48 : index
      %get3A_627 = tpu.vector_load %arg7[%get3A_625, %get3A_626] {strides = array<i32>} : memref<200x128xf32, #tpu.memory_space<vmem>>, vector<16xf32>,
      %add3A_628 = arith.addf %add3A_499, %get3A_627 : vector<16xf32>
      %get3A_629 = arith.index_cast %add3A_612 : i32 to index
      %get3A_630 = arith.constant 64 : index
      %get3A_631 = tpu.vector_load %arg7[%get3A_629, %get3A_630] {strides = array<i32>} : memref<200x128xf32, #tpu.memory_space<vmem>>, vector<16xf32>,
      %add3A_632 = arith.addf %add3A_503, %get3A_631 : vector<16xf32>
      %get3A_633 = arith.index_cast %add3A_612 : i32 to index
      %get3A_634 = arith.constant 80 : index
      %get3A_635 = tpu.vector_load %arg7[%get3A_633, %get3A_634] {strides = array<i32>} : memref<200x128xf32, #tpu.memory_space<vmem>>, vector<16xf32>,
      %add3A_636 = arith.addf %add3A_507, %get3A_635 : vector<16xf32>
      %get3A_637 = arith.index_cast %add3A_612 : i32 to index
      %get3A_638 = arith.constant 96 : index
      %get3A_639 = tpu.vector_load %arg7[%get3A_637, %get3A_638] {strides = array<i32>} : memref<200x128xf32, #tpu.memory_space<vmem>>, vector<16xf32>,
      %add3A_640 = arith.addf %add3A_511, %get3A_639 : vector<16xf32>
      %get3A_641 = arith.index_cast %add3A_612 : i32 to index
      %get3A_642 = arith.constant 112 : index
      %get3A_643 = tpu.vector_load %arg7[%get3A_641, %get3A_642] {strides = array<i32>} : memref<200x128xf32, #tpu.memory_space<vmem>>, vector<16xf32>,
      %add3A_644 = arith.addf %add3A_515, %get3A_643 : vector<16xf32>
      %get3A_645 = arith.index_cast %add3A_612 : i32 to index
      %get3A_646 = arith.constant 0 : index
      %get3A_647 = tpu.vector_load %arg6[%get3A_645, %get3A_646] {strides = array<i32>} : memref<200x128xi32, #tpu.memory_space<vmem>>, vector<16xi32>,
      %ne3A_648 = arith.constant 0 : i32
      %ne3A_649 = vector.broadcast %ne3A_648 : i32 to vector<16xi32>
      %ne3A_650 = arith.cmpi ne, %get3A_647, %ne3A_649 : vector<16xi32>
      %jit3A_651 = arith.constant 1.000000e+00 : f32
      %jit3A_652 = arith.constant 0.000000e+00 : f32
      %broadcast_in_dim3A_653 = vector.broadcast %jit3A_651 : f32 to vector<16xf32>
      %broadcast_in_dim3A_654 = vector.broadcast %jit3A_652 : f32 to vector<16xf32>
      %select_n3A_655 = arith.select %ne3A_650, %broadcast_in_dim3A_653, %broadcast_in_dim3A_654 : vector<16xi1>, vector<16xf32>
      %add3A_656 = arith.addf %add3A_524, %select_n3A_655 : vector<16xf32>
      %get3A_657 = arith.index_cast %add3A_612 : i32 to index
      %get3A_658 = arith.constant 16 : index
      %get3A_659 = tpu.vector_load %arg6[%get3A_657, %get3A_658] {strides = array<i32>} : memref<200x128xi32, #tpu.memory_space<vmem>>, vector<16xi32>,
      %ne3A_660 = arith.constant 0 : i32
      %ne3A_661 = vector.broadcast %ne3A_660 : i32 to vector<16xi32>
      %ne3A_662 = arith.cmpi ne, %get3A_659, %ne3A_661 : vector<16xi32>
      %jit3A_663 = arith.constant 1.000000e+00 : f32
      %jit3A_664 = arith.constant 0.000000e+00 : f32
      %broadcast_in_dim3A_665 = vector.broadcast %jit3A_663 : f32 to vector<16xf32>
      %broadcast_in_dim3A_666 = vector.broadcast %jit3A_664 : f32 to vector<16xf32>
      %select_n3A_667 = arith.select %ne3A_662, %broadcast_in_dim3A_665, %broadcast_in_dim3A_666 : vector<16xi1>, vector<16xf32>
      %add3A_668 = arith.addf %add3A_536, %select_n3A_667 : vector<16xf32>
      %get3A_669 = arith.index_cast %add3A_612 : i32 to index
      %get3A_670 = arith.constant 32 : index
      %get3A_671 = tpu.vector_load %arg6[%get3A_669, %get3A_670] {strides = array<i32>} : memref<200x128xi32, #tpu.memory_space<vmem>>, vector<16xi32>,
      %ne3A_672 = arith.constant 0 : i32
      %ne3A_673 = vector.broadcast %ne3A_672 : i32 to vector<16xi32>
      %ne3A_674 = arith.cmpi ne, %get3A_671, %ne3A_673 : vector<16xi32>
      %jit3A_675 = arith.constant 1.000000e+00 : f32
      %jit3A_676 = arith.constant 0.000000e+00 : f32
      %broadcast_in_dim3A_677 = vector.broadcast %jit3A_675 : f32 to vector<16xf32>
      %broadcast_in_dim3A_678 = vector.broadcast %jit3A_676 : f32 to vector<16xf32>
      %select_n3A_679 = arith.select %ne3A_674, %broadcast_in_dim3A_677, %broadcast_in_dim3A_678 : vector<16xi1>, vector<16xf32>
      %add3A_680 = arith.addf %add3A_548, %select_n3A_679 : vector<16xf32>
      %get3A_681 = arith.index_cast %add3A_612 : i32 to index
      %get3A_682 = arith.constant 48 : index
      %get3A_683 = tpu.vector_load %arg6[%get3A_681, %get3A_682] {strides = array<i32>} : memref<200x128xi32, #tpu.memory_space<vmem>>, vector<16xi32>,
      %ne3A_684 = arith.constant 0 : i32
      %ne3A_685 = vector.broadcast %ne3A_684 : i32 to vector<16xi32>
      %ne3A_686 = arith.cmpi ne, %get3A_683, %ne3A_685 : vector<16xi32>
      %jit3A_687 = arith.constant 1.000000e+00 : f32
      %jit3A_688 = arith.constant 0.000000e+00 : f32
      %broadcast_in_dim3A_689 = vector.broadcast %jit3A_687 : f32 to vector<16xf32>
      %broadcast_in_dim3A_690 = vector.broadcast %jit3A_688 : f32 to vector<16xf32>
      %select_n3A_691 = arith.select %ne3A_686, %broadcast_in_dim3A_689, %broadcast_in_dim3A_690 : vector<16xi1>, vector<16xf32>
      %add3A_692 = arith.addf %add3A_560, %select_n3A_691 : vector<16xf32>
      %get3A_693 = arith.index_cast %add3A_612 : i32 to index
      %get3A_694 = arith.constant 64 : index
      %get3A_695 = tpu.vector_load %arg6[%get3A_693, %get3A_694] {strides = array<i32>} : memref<200x128xi32, #tpu.memory_space<vmem>>, vector<16xi32>,
      %ne3A_696 = arith.constant 0 : i32
      %ne3A_697 = vector.broadcast %ne3A_696 : i32 to vector<16xi32>
      %ne3A_698 = arith.cmpi ne, %get3A_695, %ne3A_697 : vector<16xi32>
      %jit3A_699 = arith.constant 1.000000e+00 : f32
      %jit3A_700 = arith.constant 0.000000e+00 : f32
      %broadcast_in_dim3A_701 = vector.broadcast %jit3A_699 : f32 to vector<16xf32>
      %broadcast_in_dim3A_702 = vector.broadcast %jit3A_700 : f32 to vector<16xf32>
      %select_n3A_703 = arith.select %ne3A_698, %broadcast_in_dim3A_701, %broadcast_in_dim3A_702 : vector<16xi1>, vector<16xf32>
      %add3A_704 = arith.addf %add3A_572, %select_n3A_703 : vector<16xf32>
      %get3A_705 = arith.index_cast %add3A_612 : i32 to index
      %get3A_706 = arith.constant 80 : index
      %get3A_707 = tpu.vector_load %arg6[%get3A_705, %get3A_706] {strides = array<i32>} : memref<200x128xi32, #tpu.memory_space<vmem>>, vector<16xi32>,
      %ne3A_708 = arith.constant 0 : i32
      %ne3A_709 = vector.broadcast %ne3A_708 : i32 to vector<16xi32>
      %ne3A_710 = arith.cmpi ne, %get3A_707, %ne3A_709 : vector<16xi32>
      %jit3A_711 = arith.constant 1.000000e+00 : f32
      %jit3A_712 = arith.constant 0.000000e+00 : f32
      %broadcast_in_dim3A_713 = vector.broadcast %jit3A_711 : f32 to vector<16xf32>
      %broadcast_in_dim3A_714 = vector.broadcast %jit3A_712 : f32 to vector<16xf32>
      %select_n3A_715 = arith.select %ne3A_710, %broadcast_in_dim3A_713, %broadcast_in_dim3A_714 : vector<16xi1>, vector<16xf32>
      %add3A_716 = arith.addf %add3A_584, %select_n3A_715 : vector<16xf32>
      %get3A_717 = arith.index_cast %add3A_612 : i32 to index
      %get3A_718 = arith.constant 96 : index
      %get3A_719 = tpu.vector_load %arg6[%get3A_717, %get3A_718] {strides = array<i32>} : memref<200x128xi32, #tpu.memory_space<vmem>>, vector<16xi32>,
      %ne3A_720 = arith.constant 0 : i32
      %ne3A_721 = vector.broadcast %ne3A_720 : i32 to vector<16xi32>
      %ne3A_722 = arith.cmpi ne, %get3A_719, %ne3A_721 : vector<16xi32>
      %jit3A_723 = arith.constant 1.000000e+00 : f32
      %jit3A_724 = arith.constant 0.000000e+00 : f32
      %broadcast_in_dim3A_725 = vector.broadcast %jit3A_723 : f32 to vector<16xf32>
      %broadcast_in_dim3A_726 = vector.broadcast %jit3A_724 : f32 to vector<16xf32>
      %select_n3A_727 = arith.select %ne3A_722, %broadcast_in_dim3A_725, %broadcast_in_dim3A_726 : vector<16xi1>, vector<16xf32>
      %add3A_728 = arith.addf %add3A_596, %select_n3A_727 : vector<16xf32>
      %get3A_729 = arith.index_cast %add3A_612 : i32 to index
      %get3A_730 = arith.constant 112 : index
      %get3A_731 = tpu.vector_load %arg6[%get3A_729, %get3A_730] {strides = array<i32>} : memref<200x128xi32, #tpu.memory_space<vmem>>, vector<16xi32>,
      %ne3A_732 = arith.constant 0 : i32
      %ne3A_733 = vector.broadcast %ne3A_732 : i32 to vector<16xi32>
      %ne3A_734 = arith.cmpi ne, %get3A_731, %ne3A_733 : vector<16xi32>
      %jit3A_735 = arith.constant 1.000000e+00 : f32
      %jit3A_736 = arith.constant 0.000000e+00 : f32
      %broadcast_in_dim3A_737 = vector.broadcast %jit3A_735 : f32 to vector<16xf32>
      %broadcast_in_dim3A_738 = vector.broadcast %jit3A_736 : f32 to vector<16xf32>
      %select_n3A_739 = arith.select %ne3A_734, %broadcast_in_dim3A_737, %broadcast_in_dim3A_738 : vector<16xi1>, vector<16xf32>
      %add3A_740 = arith.addf %add3A_608, %select_n3A_739 : vector<16xf32>
      %mul3A_741 = arith.constant 10 : i32
      %mul3A_742 = arith.muli %add3A_353, %mul3A_741 : i32
      %add3A_743 = arith.constant 2 : i32
      %add3A_744 = arith.addi %mul3A_742, %add3A_743 : i32
      %get3A_745 = arith.index_cast %add3A_744 : i32 to index
      %get3A_746 = arith.constant 0 : index
      %get3A_747 = tpu.vector_load %arg7[%get3A_745, %get3A_746] {strides = array<i32>} : memref<200x128xf32, #tpu.memory_space<vmem>>, vector<16xf32>,
      %add3A_748 = arith.addf %add3A_616, %get3A_747 : vector<16xf32>
      %get3A_749 = arith.index_cast %add3A_744 : i32 to index
      %get3A_750 = arith.constant 16 : index
      %get3A_751 = tpu.vector_load %arg7[%get3A_749, %get3A_750] {strides = array<i32>} : memref<200x128xf32, #tpu.memory_space<vmem>>, vector<16xf32>,
      %add3A_752 = arith.addf %add3A_620, %get3A_751 : vector<16xf32>
      %get3A_753 = arith.index_cast %add3A_744 : i32 to index
      %get3A_754 = arith.constant 32 : index
      %get3A_755 = tpu.vector_load %arg7[%get3A_753, %get3A_754] {strides = array<i32>} : memref<200x128xf32, #tpu.memory_space<vmem>>, vector<16xf32>,
      %add3A_756 = arith.addf %add3A_624, %get3A_755 : vector<16xf32>
      %get3A_757 = arith.index_cast %add3A_744 : i32 to index
      %get3A_758 = arith.constant 48 : index
      %get3A_759 = tpu.vector_load %arg7[%get3A_757, %get3A_758] {strides = array<i32>} : memref<200x128xf32, #tpu.memory_space<vmem>>, vector<16xf32>,
      %add3A_760 = arith.addf %add3A_628, %get3A_759 : vector<16xf32>
      %get3A_761 = arith.index_cast %add3A_744 : i32 to index
      %get3A_762 = arith.constant 64 : index
      %get3A_763 = tpu.vector_load %arg7[%get3A_761, %get3A_762] {strides = array<i32>} : memref<200x128xf32, #tpu.memory_space<vmem>>, vector<16xf32>,
      %add3A_764 = arith.addf %add3A_632, %get3A_763 : vector<16xf32>
      %get3A_765 = arith.index_cast %add3A_744 : i32 to index
      %get3A_766 = arith.constant 80 : index
      %get3A_767 = tpu.vector_load %arg7[%get3A_765, %get3A_766] {strides = array<i32>} : memref<200x128xf32, #tpu.memory_space<vmem>>, vector<16xf32>,
      %add3A_768 = arith.addf %add3A_636, %get3A_767 : vector<16xf32>
      %get3A_769 = arith.index_cast %add3A_744 : i32 to index
      %get3A_770 = arith.constant 96 : index
      %get3A_771 = tpu.vector_load %arg7[%get3A_769, %get3A_770] {strides = array<i32>} : memref<200x128xf32, #tpu.memory_space<vmem>>, vector<16xf32>,
      %add3A_772 = arith.addf %add3A_640, %get3A_771 : vector<16xf32>
      %get3A_773 = arith.index_cast %add3A_744 : i32 to index
      %get3A_774 = arith.constant 112 : index
      %get3A_775 = tpu.vector_load %arg7[%get3A_773, %get3A_774] {strides = array<i32>} : memref<200x128xf32, #tpu.memory_space<vmem>>, vector<16xf32>,
      %add3A_776 = arith.addf %add3A_644, %get3A_775 : vector<16xf32>
      %get3A_777 = arith.index_cast %add3A_744 : i32 to index
      %get3A_778 = arith.constant 0 : index
      %get3A_779 = tpu.vector_load %arg6[%get3A_777, %get3A_778] {strides = array<i32>} : memref<200x128xi32, #tpu.memory_space<vmem>>, vector<16xi32>,
      %ne3A_780 = arith.constant 0 : i32
      %ne3A_781 = vector.broadcast %ne3A_780 : i32 to vector<16xi32>
      %ne3A_782 = arith.cmpi ne, %get3A_779, %ne3A_781 : vector<16xi32>
      %jit3A_783 = arith.constant 1.000000e+00 : f32
      %jit3A_784 = arith.constant 0.000000e+00 : f32
      %broadcast_in_dim3A_785 = vector.broadcast %jit3A_783 : f32 to vector<16xf32>
      %broadcast_in_dim3A_786 = vector.broadcast %jit3A_784 : f32 to vector<16xf32>
      %select_n3A_787 = arith.select %ne3A_782, %broadcast_in_dim3A_785, %broadcast_in_dim3A_786 : vector<16xi1>, vector<16xf32>
      %add3A_788 = arith.addf %add3A_656, %select_n3A_787 : vector<16xf32>
      %get3A_789 = arith.index_cast %add3A_744 : i32 to index
      %get3A_790 = arith.constant 16 : index
      %get3A_791 = tpu.vector_load %arg6[%get3A_789, %get3A_790] {strides = array<i32>} : memref<200x128xi32, #tpu.memory_space<vmem>>, vector<16xi32>,
      %ne3A_792 = arith.constant 0 : i32
      %ne3A_793 = vector.broadcast %ne3A_792 : i32 to vector<16xi32>
      %ne3A_794 = arith.cmpi ne, %get3A_791, %ne3A_793 : vector<16xi32>
      %jit3A_795 = arith.constant 1.000000e+00 : f32
      %jit3A_796 = arith.constant 0.000000e+00 : f32
      %broadcast_in_dim3A_797 = vector.broadcast %jit3A_795 : f32 to vector<16xf32>
      %broadcast_in_dim3A_798 = vector.broadcast %jit3A_796 : f32 to vector<16xf32>
      %select_n3A_799 = arith.select %ne3A_794, %broadcast_in_dim3A_797, %broadcast_in_dim3A_798 : vector<16xi1>, vector<16xf32>
      %add3A_800 = arith.addf %add3A_668, %select_n3A_799 : vector<16xf32>
      %get3A_801 = arith.index_cast %add3A_744 : i32 to index
      %get3A_802 = arith.constant 32 : index
      %get3A_803 = tpu.vector_load %arg6[%get3A_801, %get3A_802] {strides = array<i32>} : memref<200x128xi32, #tpu.memory_space<vmem>>, vector<16xi32>,
      %ne3A_804 = arith.constant 0 : i32
      %ne3A_805 = vector.broadcast %ne3A_804 : i32 to vector<16xi32>
      %ne3A_806 = arith.cmpi ne, %get3A_803, %ne3A_805 : vector<16xi32>
      %jit3A_807 = arith.constant 1.000000e+00 : f32
      %jit3A_808 = arith.constant 0.000000e+00 : f32
      %broadcast_in_dim3A_809 = vector.broadcast %jit3A_807 : f32 to vector<16xf32>
      %broadcast_in_dim3A_810 = vector.broadcast %jit3A_808 : f32 to vector<16xf32>
      %select_n3A_811 = arith.select %ne3A_806, %broadcast_in_dim3A_809, %broadcast_in_dim3A_810 : vector<16xi1>, vector<16xf32>
      %add3A_812 = arith.addf %add3A_680, %select_n3A_811 : vector<16xf32>
      %get3A_813 = arith.index_cast %add3A_744 : i32 to index
      %get3A_814 = arith.constant 48 : index
      %get3A_815 = tpu.vector_load %arg6[%get3A_813, %get3A_814] {strides = array<i32>} : memref<200x128xi32, #tpu.memory_space<vmem>>, vector<16xi32>,
      %ne3A_816 = arith.constant 0 : i32
      %ne3A_817 = vector.broadcast %ne3A_816 : i32 to vector<16xi32>
      %ne3A_818 = arith.cmpi ne, %get3A_815, %ne3A_817 : vector<16xi32>
      %jit3A_819 = arith.constant 1.000000e+00 : f32
      %jit3A_820 = arith.constant 0.000000e+00 : f32
      %broadcast_in_dim3A_821 = vector.broadcast %jit3A_819 : f32 to vector<16xf32>
      %broadcast_in_dim3A_822 = vector.broadcast %jit3A_820 : f32 to vector<16xf32>
      %select_n3A_823 = arith.select %ne3A_818, %broadcast_in_dim3A_821, %broadcast_in_dim3A_822 : vector<16xi1>, vector<16xf32>
      %add3A_824 = arith.addf %add3A_692, %select_n3A_823 : vector<16xf32>
      %get3A_825 = arith.index_cast %add3A_744 : i32 to index
      %get3A_826 = arith.constant 64 : index
      %get3A_827 = tpu.vector_load %arg6[%get3A_825, %get3A_826] {strides = array<i32>} : memref<200x128xi32, #tpu.memory_space<vmem>>, vector<16xi32>,
      %ne3A_828 = arith.constant 0 : i32
      %ne3A_829 = vector.broadcast %ne3A_828 : i32 to vector<16xi32>
      %ne3A_830 = arith.cmpi ne, %get3A_827, %ne3A_829 : vector<16xi32>
      %jit3A_831 = arith.constant 1.000000e+00 : f32
      %jit3A_832 = arith.constant 0.000000e+00 : f32
      %broadcast_in_dim3A_833 = vector.broadcast %jit3A_831 : f32 to vector<16xf32>
      %broadcast_in_dim3A_834 = vector.broadcast %jit3A_832 : f32 to vector<16xf32>
      %select_n3A_835 = arith.select %ne3A_830, %broadcast_in_dim3A_833, %broadcast_in_dim3A_834 : vector<16xi1>, vector<16xf32>
      %add3A_836 = arith.addf %add3A_704, %select_n3A_835 : vector<16xf32>
      %get3A_837 = arith.index_cast %add3A_744 : i32 to index
      %get3A_838 = arith.constant 80 : index
      %get3A_839 = tpu.vector_load %arg6[%get3A_837, %get3A_838] {strides = array<i32>} : memref<200x128xi32, #tpu.memory_space<vmem>>, vector<16xi32>,
      %ne3A_840 = arith.constant 0 : i32
      %ne3A_841 = vector.broadcast %ne3A_840 : i32 to vector<16xi32>
      %ne3A_842 = arith.cmpi ne, %get3A_839, %ne3A_841 : vector<16xi32>
      %jit3A_843 = arith.constant 1.000000e+00 : f32
      %jit3A_844 = arith.constant 0.000000e+00 : f32
      %broadcast_in_dim3A_845 = vector.broadcast %jit3A_843 : f32 to vector<16xf32>
      %broadcast_in_dim3A_846 = vector.broadcast %jit3A_844 : f32 to vector<16xf32>
      %select_n3A_847 = arith.select %ne3A_842, %broadcast_in_dim3A_845, %broadcast_in_dim3A_846 : vector<16xi1>, vector<16xf32>
      %add3A_848 = arith.addf %add3A_716, %select_n3A_847 : vector<16xf32>
      %get3A_849 = arith.index_cast %add3A_744 : i32 to index
      %get3A_850 = arith.constant 96 : index
      %get3A_851 = tpu.vector_load %arg6[%get3A_849, %get3A_850] {strides = array<i32>} : memref<200x128xi32, #tpu.memory_space<vmem>>, vector<16xi32>,
      %ne3A_852 = arith.constant 0 : i32
      %ne3A_853 = vector.broadcast %ne3A_852 : i32 to vector<16xi32>
      %ne3A_854 = arith.cmpi ne, %get3A_851, %ne3A_853 : vector<16xi32>
      %jit3A_855 = arith.constant 1.000000e+00 : f32
      %jit3A_856 = arith.constant 0.000000e+00 : f32
      %broadcast_in_dim3A_857 = vector.broadcast %jit3A_855 : f32 to vector<16xf32>
      %broadcast_in_dim3A_858 = vector.broadcast %jit3A_856 : f32 to vector<16xf32>
      %select_n3A_859 = arith.select %ne3A_854, %broadcast_in_dim3A_857, %broadcast_in_dim3A_858 : vector<16xi1>, vector<16xf32>
      %add3A_860 = arith.addf %add3A_728, %select_n3A_859 : vector<16xf32>
      %get3A_861 = arith.index_cast %add3A_744 : i32 to index
      %get3A_862 = arith.constant 112 : index
      %get3A_863 = tpu.vector_load %arg6[%get3A_861, %get3A_862] {strides = array<i32>} : memref<200x128xi32, #tpu.memory_space<vmem>>, vector<16xi32>,
      %ne3A_864 = arith.constant 0 : i32
      %ne3A_865 = vector.broadcast %ne3A_864 : i32 to vector<16xi32>
      %ne3A_866 = arith.cmpi ne, %get3A_863, %ne3A_865 : vector<16xi32>
      %jit3A_867 = arith.constant 1.000000e+00 : f32
      %jit3A_868 = arith.constant 0.000000e+00 : f32
      %broadcast_in_dim3A_869 = vector.broadcast %jit3A_867 : f32 to vector<16xf32>
      %broadcast_in_dim3A_870 = vector.broadcast %jit3A_868 : f32 to vector<16xf32>
      %select_n3A_871 = arith.select %ne3A_866, %broadcast_in_dim3A_869, %broadcast_in_dim3A_870 : vector<16xi1>, vector<16xf32>
      %add3A_872 = arith.addf %add3A_740, %select_n3A_871 : vector<16xf32>
      %mul3A_873 = arith.constant 10 : i32
      %mul3A_874 = arith.muli %add3A_353, %mul3A_873 : i32
      %add3A_875 = arith.constant 3 : i32
      %add3A_876 = arith.addi %mul3A_874, %add3A_875 : i32
      %get3A_877 = arith.index_cast %add3A_876 : i32 to index
      %get3A_878 = arith.constant 0 : index
      %get3A_879 = tpu.vector_load %arg7[%get3A_877, %get3A_878] {strides = array<i32>} : memref<200x128xf32, #tpu.memory_space<vmem>>, vector<16xf32>,
      %add3A_880 = arith.addf %add3A_748, %get3A_879 : vector<16xf32>
      %get3A_881 = arith.index_cast %add3A_876 : i32 to index
      %get3A_882 = arith.constant 16 : index
      %get3A_883 = tpu.vector_load %arg7[%get3A_881, %get3A_882] {strides = array<i32>} : memref<200x128xf32, #tpu.memory_space<vmem>>, vector<16xf32>,
      %add3A_884 = arith.addf %add3A_752, %get3A_883 : vector<16xf32>
      %get3A_885 = arith.index_cast %add3A_876 : i32 to index
      %get3A_886 = arith.constant 32 : index
      %get3A_887 = tpu.vector_load %arg7[%get3A_885, %get3A_886] {strides = array<i32>} : memref<200x128xf32, #tpu.memory_space<vmem>>, vector<16xf32>,
      %add3A_888 = arith.addf %add3A_756, %get3A_887 : vector<16xf32>
      %get3A_889 = arith.index_cast %add3A_876 : i32 to index
      %get3A_890 = arith.constant 48 : index
      %get3A_891 = tpu.vector_load %arg7[%get3A_889, %get3A_890] {strides = array<i32>} : memref<200x128xf32, #tpu.memory_space<vmem>>, vector<16xf32>,
      %add3A_892 = arith.addf %add3A_760, %get3A_891 : vector<16xf32>
      %get3A_893 = arith.index_cast %add3A_876 : i32 to index
      %get3A_894 = arith.constant 64 : index
      %get3A_895 = tpu.vector_load %arg7[%get3A_893, %get3A_894] {strides = array<i32>} : memref<200x128xf32, #tpu.memory_space<vmem>>, vector<16xf32>,
      %add3A_896 = arith.addf %add3A_764, %get3A_895 : vector<16xf32>
      %get3A_897 = arith.index_cast %add3A_876 : i32 to index
      %get3A_898 = arith.constant 80 : index
      %get3A_899 = tpu.vector_load %arg7[%get3A_897, %get3A_898] {strides = array<i32>} : memref<200x128xf32, #tpu.memory_space<vmem>>, vector<16xf32>,
      %add3A_900 = arith.addf %add3A_768, %get3A_899 : vector<16xf32>
      %get3A_901 = arith.index_cast %add3A_876 : i32 to index
      %get3A_902 = arith.constant 96 : index
      %get3A_903 = tpu.vector_load %arg7[%get3A_901, %get3A_902] {strides = array<i32>} : memref<200x128xf32, #tpu.memory_space<vmem>>, vector<16xf32>,
      %add3A_904 = arith.addf %add3A_772, %get3A_903 : vector<16xf32>
      %get3A_905 = arith.index_cast %add3A_876 : i32 to index
      %get3A_906 = arith.constant 112 : index
      %get3A_907 = tpu.vector_load %arg7[%get3A_905, %get3A_906] {strides = array<i32>} : memref<200x128xf32, #tpu.memory_space<vmem>>, vector<16xf32>,
      %add3A_908 = arith.addf %add3A_776, %get3A_907 : vector<16xf32>
      %get3A_909 = arith.index_cast %add3A_876 : i32 to index
      %get3A_910 = arith.constant 0 : index
      %get3A_911 = tpu.vector_load %arg6[%get3A_909, %get3A_910] {strides = array<i32>} : memref<200x128xi32, #tpu.memory_space<vmem>>, vector<16xi32>,
      %ne3A_912 = arith.constant 0 : i32
      %ne3A_913 = vector.broadcast %ne3A_912 : i32 to vector<16xi32>
      %ne3A_914 = arith.cmpi ne, %get3A_911, %ne3A_913 : vector<16xi32>
      %jit3A_915 = arith.constant 1.000000e+00 : f32
      %jit3A_916 = arith.constant 0.000000e+00 : f32
      %broadcast_in_dim3A_917 = vector.broadcast %jit3A_915 : f32 to vector<16xf32>
      %broadcast_in_dim3A_918 = vector.broadcast %jit3A_916 : f32 to vector<16xf32>
      %select_n3A_919 = arith.select %ne3A_914, %broadcast_in_dim3A_917, %broadcast_in_dim3A_918 : vector<16xi1>, vector<16xf32>
      %add3A_920 = arith.addf %add3A_788, %select_n3A_919 : vector<16xf32>
      %get3A_921 = arith.index_cast %add3A_876 : i32 to index
      %get3A_922 = arith.constant 16 : index
      %get3A_923 = tpu.vector_load %arg6[%get3A_921, %get3A_922] {strides = array<i32>} : memref<200x128xi32, #tpu.memory_space<vmem>>, vector<16xi32>,
      %ne3A_924 = arith.constant 0 : i32
      %ne3A_925 = vector.broadcast %ne3A_924 : i32 to vector<16xi32>
      %ne3A_926 = arith.cmpi ne, %get3A_923, %ne3A_925 : vector<16xi32>
      %jit3A_927 = arith.constant 1.000000e+00 : f32
      %jit3A_928 = arith.constant 0.000000e+00 : f32
      %broadcast_in_dim3A_929 = vector.broadcast %jit3A_927 : f32 to vector<16xf32>
      %broadcast_in_dim3A_930 = vector.broadcast %jit3A_928 : f32 to vector<16xf32>
      %select_n3A_931 = arith.select %ne3A_926, %broadcast_in_dim3A_929, %broadcast_in_dim3A_930 : vector<16xi1>, vector<16xf32>
      %add3A_932 = arith.addf %add3A_800, %select_n3A_931 : vector<16xf32>
      %get3A_933 = arith.index_cast %add3A_876 : i32 to index
      %get3A_934 = arith.constant 32 : index
      %get3A_935 = tpu.vector_load %arg6[%get3A_933, %get3A_934] {strides = array<i32>} : memref<200x128xi32, #tpu.memory_space<vmem>>, vector<16xi32>,
      %ne3A_936 = arith.constant 0 : i32
      %ne3A_937 = vector.broadcast %ne3A_936 : i32 to vector<16xi32>
      %ne3A_938 = arith.cmpi ne, %get3A_935, %ne3A_937 : vector<16xi32>
      %jit3A_939 = arith.constant 1.000000e+00 : f32
      %jit3A_940 = arith.constant 0.000000e+00 : f32
      %broadcast_in_dim3A_941 = vector.broadcast %jit3A_939 : f32 to vector<16xf32>
      %broadcast_in_dim3A_942 = vector.broadcast %jit3A_940 : f32 to vector<16xf32>
      %select_n3A_943 = arith.select %ne3A_938, %broadcast_in_dim3A_941, %broadcast_in_dim3A_942 : vector<16xi1>, vector<16xf32>
      %add3A_944 = arith.addf %add3A_812, %select_n3A_943 : vector<16xf32>
      %get3A_945 = arith.index_cast %add3A_876 : i32 to index
      %get3A_946 = arith.constant 48 : index
      %get3A_947 = tpu.vector_load %arg6[%get3A_945, %get3A_946] {strides = array<i32>} : memref<200x128xi32, #tpu.memory_space<vmem>>, vector<16xi32>,
      %ne3A_948 = arith.constant 0 : i32
      %ne3A_949 = vector.broadcast %ne3A_948 : i32 to vector<16xi32>
      %ne3A_950 = arith.cmpi ne, %get3A_947, %ne3A_949 : vector<16xi32>
      %jit3A_951 = arith.constant 1.000000e+00 : f32
      %jit3A_952 = arith.constant 0.000000e+00 : f32
      %broadcast_in_dim3A_953 = vector.broadcast %jit3A_951 : f32 to vector<16xf32>
      %broadcast_in_dim3A_954 = vector.broadcast %jit3A_952 : f32 to vector<16xf32>
      %select_n3A_955 = arith.select %ne3A_950, %broadcast_in_dim3A_953, %broadcast_in_dim3A_954 : vector<16xi1>, vector<16xf32>
      %add3A_956 = arith.addf %add3A_824, %select_n3A_955 : vector<16xf32>
      %get3A_957 = arith.index_cast %add3A_876 : i32 to index
      %get3A_958 = arith.constant 64 : index
      %get3A_959 = tpu.vector_load %arg6[%get3A_957, %get3A_958] {strides = array<i32>} : memref<200x128xi32, #tpu.memory_space<vmem>>, vector<16xi32>,
      %ne3A_960 = arith.constant 0 : i32
      %ne3A_961 = vector.broadcast %ne3A_960 : i32 to vector<16xi32>
      %ne3A_962 = arith.cmpi ne, %get3A_959, %ne3A_961 : vector<16xi32>
      %jit3A_963 = arith.constant 1.000000e+00 : f32
      %jit3A_964 = arith.constant 0.000000e+00 : f32
      %broadcast_in_dim3A_965 = vector.broadcast %jit3A_963 : f32 to vector<16xf32>
      %broadcast_in_dim3A_966 = vector.broadcast %jit3A_964 : f32 to vector<16xf32>
      %select_n3A_967 = arith.select %ne3A_962, %broadcast_in_dim3A_965, %broadcast_in_dim3A_966 : vector<16xi1>, vector<16xf32>
      %add3A_968 = arith.addf %add3A_836, %select_n3A_967 : vector<16xf32>
      %get3A_969 = arith.index_cast %add3A_876 : i32 to index
      %get3A_970 = arith.constant 80 : index
      %get3A_971 = tpu.vector_load %arg6[%get3A_969, %get3A_970] {strides = array<i32>} : memref<200x128xi32, #tpu.memory_space<vmem>>, vector<16xi32>,
      %ne3A_972 = arith.constant 0 : i32
      %ne3A_973 = vector.broadcast %ne3A_972 : i32 to vector<16xi32>
      %ne3A_974 = arith.cmpi ne, %get3A_971, %ne3A_973 : vector<16xi32>
      %jit3A_975 = arith.constant 1.000000e+00 : f32
      %jit3A_976 = arith.constant 0.000000e+00 : f32
      %broadcast_in_dim3A_977 = vector.broadcast %jit3A_975 : f32 to vector<16xf32>
      %broadcast_in_dim3A_978 = vector.broadcast %jit3A_976 : f32 to vector<16xf32>
      %select_n3A_979 = arith.select %ne3A_974, %broadcast_in_dim3A_977, %broadcast_in_dim3A_978 : vector<16xi1>, vector<16xf32>
      %add3A_980 = arith.addf %add3A_848, %select_n3A_979 : vector<16xf32>
      %get3A_981 = arith.index_cast %add3A_876 : i32 to index
      %get3A_982 = arith.constant 96 : index
      %get3A_983 = tpu.vector_load %arg6[%get3A_981, %get3A_982] {strides = array<i32>} : memref<200x128xi32, #tpu.memory_space<vmem>>, vector<16xi32>,
      %ne3A_984 = arith.constant 0 : i32
      %ne3A_985 = vector.broadcast %ne3A_984 : i32 to vector<16xi32>
      %ne3A_986 = arith.cmpi ne, %get3A_983, %ne3A_985 : vector<16xi32>
      %jit3A_987 = arith.constant 1.000000e+00 : f32
      %jit3A_988 = arith.constant 0.000000e+00 : f32
      %broadcast_in_dim3A_989 = vector.broadcast %jit3A_987 : f32 to vector<16xf32>
      %broadcast_in_dim3A_990 = vector.broadcast %jit3A_988 : f32 to vector<16xf32>
      %select_n3A_991 = arith.select %ne3A_986, %broadcast_in_dim3A_989, %broadcast_in_dim3A_990 : vector<16xi1>, vector<16xf32>
      %add3A_992 = arith.addf %add3A_860, %select_n3A_991 : vector<16xf32>
      %get3A_993 = arith.index_cast %add3A_876 : i32 to index
      %get3A_994 = arith.constant 112 : index
      %get3A_995 = tpu.vector_load %arg6[%get3A_993, %get3A_994] {strides = array<i32>} : memref<200x128xi32, #tpu.memory_space<vmem>>, vector<16xi32>,
      %ne3A_996 = arith.constant 0 : i32
      %ne3A_997 = vector.broadcast %ne3A_996 : i32 to vector<16xi32>
      %ne3A_998 = arith.cmpi ne, %get3A_995, %ne3A_997 : vector<16xi32>
      %jit3A_999 = arith.constant 1.000000e+00 : f32
      %jit3A_1000 = arith.constant 0.000000e+00 : f32
      %broadcast_in_dim3A_1001 = vector.broadcast %jit3A_999 : f32 to vector<16xf32>
      %broadcast_in_dim3A_1002 = vector.broadcast %jit3A_1000 : f32 to vector<16xf32>
      %select_n3A_1003 = arith.select %ne3A_998, %broadcast_in_dim3A_1001, %broadcast_in_dim3A_1002 : vector<16xi1>, vector<16xf32>
      %add3A_1004 = arith.addf %add3A_872, %select_n3A_1003 : vector<16xf32>
      %mul3A_1005 = arith.constant 10 : i32
      %mul3A_1006 = arith.muli %add3A_353, %mul3A_1005 : i32
      %add3A_1007 = arith.constant 4 : i32
      %add3A_1008 = arith.addi %mul3A_1006, %add3A_1007 : i32
      %get3A_1009 = arith.index_cast %add3A_1008 : i32 to index
      %get3A_1010 = arith.constant 0 : index
      %get3A_1011 = tpu.vector_load %arg7[%get3A_1009, %get3A_1010] {strides = array<i32>} : memref<200x128xf32, #tpu.memory_space<vmem>>, vector<16xf32>,
      %add3A_1012 = arith.addf %add3A_880, %get3A_1011 : vector<16xf32>
      %get3A_1013 = arith.index_cast %add3A_1008 : i32 to index
      %get3A_1014 = arith.constant 16 : index
      %get3A_1015 = tpu.vector_load %arg7[%get3A_1013, %get3A_1014] {strides = array<i32>} : memref<200x128xf32, #tpu.memory_space<vmem>>, vector<16xf32>,
      %add3A_1016 = arith.addf %add3A_884, %get3A_1015 : vector<16xf32>
      %get3A_1017 = arith.index_cast %add3A_1008 : i32 to index
      %get3A_1018 = arith.constant 32 : index
      %get3A_1019 = tpu.vector_load %arg7[%get3A_1017, %get3A_1018] {strides = array<i32>} : memref<200x128xf32, #tpu.memory_space<vmem>>, vector<16xf32>,
      %add3A_1020 = arith.addf %add3A_888, %get3A_1019 : vector<16xf32>
      %get3A_1021 = arith.index_cast %add3A_1008 : i32 to index
      %get3A_1022 = arith.constant 48 : index
      %get3A_1023 = tpu.vector_load %arg7[%get3A_1021, %get3A_1022] {strides = array<i32>} : memref<200x128xf32, #tpu.memory_space<vmem>>, vector<16xf32>,
      %add3A_1024 = arith.addf %add3A_892, %get3A_1023 : vector<16xf32>
      %get3A_1025 = arith.index_cast %add3A_1008 : i32 to index
      %get3A_1026 = arith.constant 64 : index
      %get3A_1027 = tpu.vector_load %arg7[%get3A_1025, %get3A_1026] {strides = array<i32>} : memref<200x128xf32, #tpu.memory_space<vmem>>, vector<16xf32>,
      %add3A_1028 = arith.addf %add3A_896, %get3A_1027 : vector<16xf32>
      %get3A_1029 = arith.index_cast %add3A_1008 : i32 to index
      %get3A_1030 = arith.constant 80 : index
      %get3A_1031 = tpu.vector_load %arg7[%get3A_1029, %get3A_1030] {strides = array<i32>} : memref<200x128xf32, #tpu.memory_space<vmem>>, vector<16xf32>,
      %add3A_1032 = arith.addf %add3A_900, %get3A_1031 : vector<16xf32>
      %get3A_1033 = arith.index_cast %add3A_1008 : i32 to index
      %get3A_1034 = arith.constant 96 : index
      %get3A_1035 = tpu.vector_load %arg7[%get3A_1033, %get3A_1034] {strides = array<i32>} : memref<200x128xf32, #tpu.memory_space<vmem>>, vector<16xf32>,
      %add3A_1036 = arith.addf %add3A_904, %get3A_1035 : vector<16xf32>
      %get3A_1037 = arith.index_cast %add3A_1008 : i32 to index
      %get3A_1038 = arith.constant 112 : index
      %get3A_1039 = tpu.vector_load %arg7[%get3A_1037, %get3A_1038] {strides = array<i32>} : memref<200x128xf32, #tpu.memory_space<vmem>>, vector<16xf32>,
      %add3A_1040 = arith.addf %add3A_908, %get3A_1039 : vector<16xf32>
      %get3A_1041 = arith.index_cast %add3A_1008 : i32 to index
      %get3A_1042 = arith.constant 0 : index
      %get3A_1043 = tpu.vector_load %arg6[%get3A_1041, %get3A_1042] {strides = array<i32>} : memref<200x128xi32, #tpu.memory_space<vmem>>, vector<16xi32>,
      %ne3A_1044 = arith.constant 0 : i32
      %ne3A_1045 = vector.broadcast %ne3A_1044 : i32 to vector<16xi32>
      %ne3A_1046 = arith.cmpi ne, %get3A_1043, %ne3A_1045 : vector<16xi32>
      %jit3A_1047 = arith.constant 1.000000e+00 : f32
      %jit3A_1048 = arith.constant 0.000000e+00 : f32
      %broadcast_in_dim3A_1049 = vector.broadcast %jit3A_1047 : f32 to vector<16xf32>
      %broadcast_in_dim3A_1050 = vector.broadcast %jit3A_1048 : f32 to vector<16xf32>
      %select_n3A_1051 = arith.select %ne3A_1046, %broadcast_in_dim3A_1049, %broadcast_in_dim3A_1050 : vector<16xi1>, vector<16xf32>
      %add3A_1052 = arith.addf %add3A_920, %select_n3A_1051 : vector<16xf32>
      %get3A_1053 = arith.index_cast %add3A_1008 : i32 to index
      %get3A_1054 = arith.constant 16 : index
      %get3A_1055 = tpu.vector_load %arg6[%get3A_1053, %get3A_1054] {strides = array<i32>} : memref<200x128xi32, #tpu.memory_space<vmem>>, vector<16xi32>,
      %ne3A_1056 = arith.constant 0 : i32
      %ne3A_1057 = vector.broadcast %ne3A_1056 : i32 to vector<16xi32>
      %ne3A_1058 = arith.cmpi ne, %get3A_1055, %ne3A_1057 : vector<16xi32>
      %jit3A_1059 = arith.constant 1.000000e+00 : f32
      %jit3A_1060 = arith.constant 0.000000e+00 : f32
      %broadcast_in_dim3A_1061 = vector.broadcast %jit3A_1059 : f32 to vector<16xf32>
      %broadcast_in_dim3A_1062 = vector.broadcast %jit3A_1060 : f32 to vector<16xf32>
      %select_n3A_1063 = arith.select %ne3A_1058, %broadcast_in_dim3A_1061, %broadcast_in_dim3A_1062 : vector<16xi1>, vector<16xf32>
      %add3A_1064 = arith.addf %add3A_932, %select_n3A_1063 : vector<16xf32>
      %get3A_1065 = arith.index_cast %add3A_1008 : i32 to index
      %get3A_1066 = arith.constant 32 : index
      %get3A_1067 = tpu.vector_load %arg6[%get3A_1065, %get3A_1066] {strides = array<i32>} : memref<200x128xi32, #tpu.memory_space<vmem>>, vector<16xi32>,
      %ne3A_1068 = arith.constant 0 : i32
      %ne3A_1069 = vector.broadcast %ne3A_1068 : i32 to vector<16xi32>
      %ne3A_1070 = arith.cmpi ne, %get3A_1067, %ne3A_1069 : vector<16xi32>
      %jit3A_1071 = arith.constant 1.000000e+00 : f32
      %jit3A_1072 = arith.constant 0.000000e+00 : f32
      %broadcast_in_dim3A_1073 = vector.broadcast %jit3A_1071 : f32 to vector<16xf32>
      %broadcast_in_dim3A_1074 = vector.broadcast %jit3A_1072 : f32 to vector<16xf32>
      %select_n3A_1075 = arith.select %ne3A_1070, %broadcast_in_dim3A_1073, %broadcast_in_dim3A_1074 : vector<16xi1>, vector<16xf32>
      %add3A_1076 = arith.addf %add3A_944, %select_n3A_1075 : vector<16xf32>
      %get3A_1077 = arith.index_cast %add3A_1008 : i32 to index
      %get3A_1078 = arith.constant 48 : index
      %get3A_1079 = tpu.vector_load %arg6[%get3A_1077, %get3A_1078] {strides = array<i32>} : memref<200x128xi32, #tpu.memory_space<vmem>>, vector<16xi32>,
      %ne3A_1080 = arith.constant 0 : i32
      %ne3A_1081 = vector.broadcast %ne3A_1080 : i32 to vector<16xi32>
      %ne3A_1082 = arith.cmpi ne, %get3A_1079, %ne3A_1081 : vector<16xi32>
      %jit3A_1083 = arith.constant 1.000000e+00 : f32
      %jit3A_1084 = arith.constant 0.000000e+00 : f32
      %broadcast_in_dim3A_1085 = vector.broadcast %jit3A_1083 : f32 to vector<16xf32>
      %broadcast_in_dim3A_1086 = vector.broadcast %jit3A_1084 : f32 to vector<16xf32>
      %select_n3A_1087 = arith.select %ne3A_1082, %broadcast_in_dim3A_1085, %broadcast_in_dim3A_1086 : vector<16xi1>, vector<16xf32>
      %add3A_1088 = arith.addf %add3A_956, %select_n3A_1087 : vector<16xf32>
      %get3A_1089 = arith.index_cast %add3A_1008 : i32 to index
      %get3A_1090 = arith.constant 64 : index
      %get3A_1091 = tpu.vector_load %arg6[%get3A_1089, %get3A_1090] {strides = array<i32>} : memref<200x128xi32, #tpu.memory_space<vmem>>, vector<16xi32>,
      %ne3A_1092 = arith.constant 0 : i32
      %ne3A_1093 = vector.broadcast %ne3A_1092 : i32 to vector<16xi32>
      %ne3A_1094 = arith.cmpi ne, %get3A_1091, %ne3A_1093 : vector<16xi32>
      %jit3A_1095 = arith.constant 1.000000e+00 : f32
      %jit3A_1096 = arith.constant 0.000000e+00 : f32
      %broadcast_in_dim3A_1097 = vector.broadcast %jit3A_1095 : f32 to vector<16xf32>
      %broadcast_in_dim3A_1098 = vector.broadcast %jit3A_1096 : f32 to vector<16xf32>
      %select_n3A_1099 = arith.select %ne3A_1094, %broadcast_in_dim3A_1097, %broadcast_in_dim3A_1098 : vector<16xi1>, vector<16xf32>
      %add3A_1100 = arith.addf %add3A_968, %select_n3A_1099 : vector<16xf32>
      %get3A_1101 = arith.index_cast %add3A_1008 : i32 to index
      %get3A_1102 = arith.constant 80 : index
      %get3A_1103 = tpu.vector_load %arg6[%get3A_1101, %get3A_1102] {strides = array<i32>} : memref<200x128xi32, #tpu.memory_space<vmem>>, vector<16xi32>,
      %ne3A_1104 = arith.constant 0 : i32
      %ne3A_1105 = vector.broadcast %ne3A_1104 : i32 to vector<16xi32>
      %ne3A_1106 = arith.cmpi ne, %get3A_1103, %ne3A_1105 : vector<16xi32>
      %jit3A_1107 = arith.constant 1.000000e+00 : f32
      %jit3A_1108 = arith.constant 0.000000e+00 : f32
      %broadcast_in_dim3A_1109 = vector.broadcast %jit3A_1107 : f32 to vector<16xf32>
      %broadcast_in_dim3A_1110 = vector.broadcast %jit3A_1108 : f32 to vector<16xf32>
      %select_n3A_1111 = arith.select %ne3A_1106, %broadcast_in_dim3A_1109, %broadcast_in_dim3A_1110 : vector<16xi1>, vector<16xf32>
      %add3A_1112 = arith.addf %add3A_980, %select_n3A_1111 : vector<16xf32>
      %get3A_1113 = arith.index_cast %add3A_1008 : i32 to index
      %get3A_1114 = arith.constant 96 : index
      %get3A_1115 = tpu.vector_load %arg6[%get3A_1113, %get3A_1114] {strides = array<i32>} : memref<200x128xi32, #tpu.memory_space<vmem>>, vector<16xi32>,
      %ne3A_1116 = arith.constant 0 : i32
      %ne3A_1117 = vector.broadcast %ne3A_1116 : i32 to vector<16xi32>
      %ne3A_1118 = arith.cmpi ne, %get3A_1115, %ne3A_1117 : vector<16xi32>
      %jit3A_1119 = arith.constant 1.000000e+00 : f32
      %jit3A_1120 = arith.constant 0.000000e+00 : f32
      %broadcast_in_dim3A_1121 = vector.broadcast %jit3A_1119 : f32 to vector<16xf32>
      %broadcast_in_dim3A_1122 = vector.broadcast %jit3A_1120 : f32 to vector<16xf32>
      %select_n3A_1123 = arith.select %ne3A_1118, %broadcast_in_dim3A_1121, %broadcast_in_dim3A_1122 : vector<16xi1>, vector<16xf32>
      %add3A_1124 = arith.addf %add3A_992, %select_n3A_1123 : vector<16xf32>
      %get3A_1125 = arith.index_cast %add3A_1008 : i32 to index
      %get3A_1126 = arith.constant 112 : index
      %get3A_1127 = tpu.vector_load %arg6[%get3A_1125, %get3A_1126] {strides = array<i32>} : memref<200x128xi32, #tpu.memory_space<vmem>>, vector<16xi32>,
      %ne3A_1128 = arith.constant 0 : i32
      %ne3A_1129 = vector.broadcast %ne3A_1128 : i32 to vector<16xi32>
      %ne3A_1130 = arith.cmpi ne, %get3A_1127, %ne3A_1129 : vector<16xi32>
      %jit3A_1131 = arith.constant 1.000000e+00 : f32
      %jit3A_1132 = arith.constant 0.000000e+00 : f32
      %broadcast_in_dim3A_1133 = vector.broadcast %jit3A_1131 : f32 to vector<16xf32>
      %broadcast_in_dim3A_1134 = vector.broadcast %jit3A_1132 : f32 to vector<16xf32>
      %select_n3A_1135 = arith.select %ne3A_1130, %broadcast_in_dim3A_1133, %broadcast_in_dim3A_1134 : vector<16xi1>, vector<16xf32>
      %add3A_1136 = arith.addf %add3A_1004, %select_n3A_1135 : vector<16xf32>
      %mul3A_1137 = arith.constant 10 : i32
      %mul3A_1138 = arith.muli %add3A_353, %mul3A_1137 : i32
      %add3A_1139 = arith.constant 5 : i32
      %add3A_1140 = arith.addi %mul3A_1138, %add3A_1139 : i32
      %get3A_1141 = arith.index_cast %add3A_1140 : i32 to index
      %get3A_1142 = arith.constant 0 : index
      %get3A_1143 = tpu.vector_load %arg7[%get3A_1141, %get3A_1142] {strides = array<i32>} : memref<200x128xf32, #tpu.memory_space<vmem>>, vector<16xf32>,
      %add3A_1144 = arith.addf %add3A_1012, %get3A_1143 : vector<16xf32>
      %get3A_1145 = arith.index_cast %add3A_1140 : i32 to index
      %get3A_1146 = arith.constant 16 : index
      %get3A_1147 = tpu.vector_load %arg7[%get3A_1145, %get3A_1146] {strides = array<i32>} : memref<200x128xf32, #tpu.memory_space<vmem>>, vector<16xf32>,
      %add3A_1148 = arith.addf %add3A_1016, %get3A_1147 : vector<16xf32>
      %get3A_1149 = arith.index_cast %add3A_1140 : i32 to index
      %get3A_1150 = arith.constant 32 : index
      %get3A_1151 = tpu.vector_load %arg7[%get3A_1149, %get3A_1150] {strides = array<i32>} : memref<200x128xf32, #tpu.memory_space<vmem>>, vector<16xf32>,
      %add3A_1152 = arith.addf %add3A_1020, %get3A_1151 : vector<16xf32>
      %get3A_1153 = arith.index_cast %add3A_1140 : i32 to index
      %get3A_1154 = arith.constant 48 : index
      %get3A_1155 = tpu.vector_load %arg7[%get3A_1153, %get3A_1154] {strides = array<i32>} : memref<200x128xf32, #tpu.memory_space<vmem>>, vector<16xf32>,
      %add3A_1156 = arith.addf %add3A_1024, %get3A_1155 : vector<16xf32>
      %get3A_1157 = arith.index_cast %add3A_1140 : i32 to index
      %get3A_1158 = arith.constant 64 : index
      %get3A_1159 = tpu.vector_load %arg7[%get3A_1157, %get3A_1158] {strides = array<i32>} : memref<200x128xf32, #tpu.memory_space<vmem>>, vector<16xf32>,
      %add3A_1160 = arith.addf %add3A_1028, %get3A_1159 : vector<16xf32>
      %get3A_1161 = arith.index_cast %add3A_1140 : i32 to index
      %get3A_1162 = arith.constant 80 : index
      %get3A_1163 = tpu.vector_load %arg7[%get3A_1161, %get3A_1162] {strides = array<i32>} : memref<200x128xf32, #tpu.memory_space<vmem>>, vector<16xf32>,
      %add3A_1164 = arith.addf %add3A_1032, %get3A_1163 : vector<16xf32>
      %get3A_1165 = arith.index_cast %add3A_1140 : i32 to index
      %get3A_1166 = arith.constant 96 : index
      %get3A_1167 = tpu.vector_load %arg7[%get3A_1165, %get3A_1166] {strides = array<i32>} : memref<200x128xf32, #tpu.memory_space<vmem>>, vector<16xf32>,
      %add3A_1168 = arith.addf %add3A_1036, %get3A_1167 : vector<16xf32>
      %get3A_1169 = arith.index_cast %add3A_1140 : i32 to index
      %get3A_1170 = arith.constant 112 : index
      %get3A_1171 = tpu.vector_load %arg7[%get3A_1169, %get3A_1170] {strides = array<i32>} : memref<200x128xf32, #tpu.memory_space<vmem>>, vector<16xf32>,
      %add3A_1172 = arith.addf %add3A_1040, %get3A_1171 : vector<16xf32>
      %get3A_1173 = arith.index_cast %add3A_1140 : i32 to index
      %get3A_1174 = arith.constant 0 : index
      %get3A_1175 = tpu.vector_load %arg6[%get3A_1173, %get3A_1174] {strides = array<i32>} : memref<200x128xi32, #tpu.memory_space<vmem>>, vector<16xi32>,
      %ne3A_1176 = arith.constant 0 : i32
      %ne3A_1177 = vector.broadcast %ne3A_1176 : i32 to vector<16xi32>
      %ne3A_1178 = arith.cmpi ne, %get3A_1175, %ne3A_1177 : vector<16xi32>
      %jit3A_1179 = arith.constant 1.000000e+00 : f32
      %jit3A_1180 = arith.constant 0.000000e+00 : f32
      %broadcast_in_dim3A_1181 = vector.broadcast %jit3A_1179 : f32 to vector<16xf32>
      %broadcast_in_dim3A_1182 = vector.broadcast %jit3A_1180 : f32 to vector<16xf32>
      %select_n3A_1183 = arith.select %ne3A_1178, %broadcast_in_dim3A_1181, %broadcast_in_dim3A_1182 : vector<16xi1>, vector<16xf32>
      %add3A_1184 = arith.addf %add3A_1052, %select_n3A_1183 : vector<16xf32>
      %get3A_1185 = arith.index_cast %add3A_1140 : i32 to index
      %get3A_1186 = arith.constant 16 : index
      %get3A_1187 = tpu.vector_load %arg6[%get3A_1185, %get3A_1186] {strides = array<i32>} : memref<200x128xi32, #tpu.memory_space<vmem>>, vector<16xi32>,
      %ne3A_1188 = arith.constant 0 : i32
      %ne3A_1189 = vector.broadcast %ne3A_1188 : i32 to vector<16xi32>
      %ne3A_1190 = arith.cmpi ne, %get3A_1187, %ne3A_1189 : vector<16xi32>
      %jit3A_1191 = arith.constant 1.000000e+00 : f32
      %jit3A_1192 = arith.constant 0.000000e+00 : f32
      %broadcast_in_dim3A_1193 = vector.broadcast %jit3A_1191 : f32 to vector<16xf32>
      %broadcast_in_dim3A_1194 = vector.broadcast %jit3A_1192 : f32 to vector<16xf32>
      %select_n3A_1195 = arith.select %ne3A_1190, %broadcast_in_dim3A_1193, %broadcast_in_dim3A_1194 : vector<16xi1>, vector<16xf32>
      %add3A_1196 = arith.addf %add3A_1064, %select_n3A_1195 : vector<16xf32>
      %get3A_1197 = arith.index_cast %add3A_1140 : i32 to index
      %get3A_1198 = arith.constant 32 : index
      %get3A_1199 = tpu.vector_load %arg6[%get3A_1197, %get3A_1198] {strides = array<i32>} : memref<200x128xi32, #tpu.memory_space<vmem>>, vector<16xi32>,
      %ne3A_1200 = arith.constant 0 : i32
      %ne3A_1201 = vector.broadcast %ne3A_1200 : i32 to vector<16xi32>
      %ne3A_1202 = arith.cmpi ne, %get3A_1199, %ne3A_1201 : vector<16xi32>
      %jit3A_1203 = arith.constant 1.000000e+00 : f32
      %jit3A_1204 = arith.constant 0.000000e+00 : f32
      %broadcast_in_dim3A_1205 = vector.broadcast %jit3A_1203 : f32 to vector<16xf32>
      %broadcast_in_dim3A_1206 = vector.broadcast %jit3A_1204 : f32 to vector<16xf32>
      %select_n3A_1207 = arith.select %ne3A_1202, %broadcast_in_dim3A_1205, %broadcast_in_dim3A_1206 : vector<16xi1>, vector<16xf32>
      %add3A_1208 = arith.addf %add3A_1076, %select_n3A_1207 : vector<16xf32>
      %get3A_1209 = arith.index_cast %add3A_1140 : i32 to index
      %get3A_1210 = arith.constant 48 : index
      %get3A_1211 = tpu.vector_load %arg6[%get3A_1209, %get3A_1210] {strides = array<i32>} : memref<200x128xi32, #tpu.memory_space<vmem>>, vector<16xi32>,
      %ne3A_1212 = arith.constant 0 : i32
      %ne3A_1213 = vector.broadcast %ne3A_1212 : i32 to vector<16xi32>
      %ne3A_1214 = arith.cmpi ne, %get3A_1211, %ne3A_1213 : vector<16xi32>
      %jit3A_1215 = arith.constant 1.000000e+00 : f32
      %jit3A_1216 = arith.constant 0.000000e+00 : f32
      %broadcast_in_dim3A_1217 = vector.broadcast %jit3A_1215 : f32 to vector<16xf32>
      %broadcast_in_dim3A_1218 = vector.broadcast %jit3A_1216 : f32 to vector<16xf32>
      %select_n3A_1219 = arith.select %ne3A_1214, %broadcast_in_dim3A_1217, %broadcast_in_dim3A_1218 : vector<16xi1>, vector<16xf32>
      %add3A_1220 = arith.addf %add3A_1088, %select_n3A_1219 : vector<16xf32>
      %get3A_1221 = arith.index_cast %add3A_1140 : i32 to index
      %get3A_1222 = arith.constant 64 : index
      %get3A_1223 = tpu.vector_load %arg6[%get3A_1221, %get3A_1222] {strides = array<i32>} : memref<200x128xi32, #tpu.memory_space<vmem>>, vector<16xi32>,
      %ne3A_1224 = arith.constant 0 : i32
      %ne3A_1225 = vector.broadcast %ne3A_1224 : i32 to vector<16xi32>
      %ne3A_1226 = arith.cmpi ne, %get3A_1223, %ne3A_1225 : vector<16xi32>
      %jit3A_1227 = arith.constant 1.000000e+00 : f32
      %jit3A_1228 = arith.constant 0.000000e+00 : f32
      %broadcast_in_dim3A_1229 = vector.broadcast %jit3A_1227 : f32 to vector<16xf32>
      %broadcast_in_dim3A_1230 = vector.broadcast %jit3A_1228 : f32 to vector<16xf32>
      %select_n3A_1231 = arith.select %ne3A_1226, %broadcast_in_dim3A_1229, %broadcast_in_dim3A_1230 : vector<16xi1>, vector<16xf32>
      %add3A_1232 = arith.addf %add3A_1100, %select_n3A_1231 : vector<16xf32>
      %get3A_1233 = arith.index_cast %add3A_1140 : i32 to index
      %get3A_1234 = arith.constant 80 : index
      %get3A_1235 = tpu.vector_load %arg6[%get3A_1233, %get3A_1234] {strides = array<i32>} : memref<200x128xi32, #tpu.memory_space<vmem>>, vector<16xi32>,
      %ne3A_1236 = arith.constant 0 : i32
      %ne3A_1237 = vector.broadcast %ne3A_1236 : i32 to vector<16xi32>
      %ne3A_1238 = arith.cmpi ne, %get3A_1235, %ne3A_1237 : vector<16xi32>
      %jit3A_1239 = arith.constant 1.000000e+00 : f32
      %jit3A_1240 = arith.constant 0.000000e+00 : f32
      %broadcast_in_dim3A_1241 = vector.broadcast %jit3A_1239 : f32 to vector<16xf32>
      %broadcast_in_dim3A_1242 = vector.broadcast %jit3A_1240 : f32 to vector<16xf32>
      %select_n3A_1243 = arith.select %ne3A_1238, %broadcast_in_dim3A_1241, %broadcast_in_dim3A_1242 : vector<16xi1>, vector<16xf32>
      %add3A_1244 = arith.addf %add3A_1112, %select_n3A_1243 : vector<16xf32>
      %get3A_1245 = arith.index_cast %add3A_1140 : i32 to index
      %get3A_1246 = arith.constant 96 : index
      %get3A_1247 = tpu.vector_load %arg6[%get3A_1245, %get3A_1246] {strides = array<i32>} : memref<200x128xi32, #tpu.memory_space<vmem>>, vector<16xi32>,
      %ne3A_1248 = arith.constant 0 : i32
      %ne3A_1249 = vector.broadcast %ne3A_1248 : i32 to vector<16xi32>
      %ne3A_1250 = arith.cmpi ne, %get3A_1247, %ne3A_1249 : vector<16xi32>
      %jit3A_1251 = arith.constant 1.000000e+00 : f32
      %jit3A_1252 = arith.constant 0.000000e+00 : f32
      %broadcast_in_dim3A_1253 = vector.broadcast %jit3A_1251 : f32 to vector<16xf32>
      %broadcast_in_dim3A_1254 = vector.broadcast %jit3A_1252 : f32 to vector<16xf32>
      %select_n3A_1255 = arith.select %ne3A_1250, %broadcast_in_dim3A_1253, %broadcast_in_dim3A_1254 : vector<16xi1>, vector<16xf32>
      %add3A_1256 = arith.addf %add3A_1124, %select_n3A_1255 : vector<16xf32>
      %get3A_1257 = arith.index_cast %add3A_1140 : i32 to index
      %get3A_1258 = arith.constant 112 : index
      %get3A_1259 = tpu.vector_load %arg6[%get3A_1257, %get3A_1258] {strides = array<i32>} : memref<200x128xi32, #tpu.memory_space<vmem>>, vector<16xi32>,
      %ne3A_1260 = arith.constant 0 : i32
      %ne3A_1261 = vector.broadcast %ne3A_1260 : i32 to vector<16xi32>
      %ne3A_1262 = arith.cmpi ne, %get3A_1259, %ne3A_1261 : vector<16xi32>
      %jit3A_1263 = arith.constant 1.000000e+00 : f32
      %jit3A_1264 = arith.constant 0.000000e+00 : f32
      %broadcast_in_dim3A_1265 = vector.broadcast %jit3A_1263 : f32 to vector<16xf32>
      %broadcast_in_dim3A_1266 = vector.broadcast %jit3A_1264 : f32 to vector<16xf32>
      %select_n3A_1267 = arith.select %ne3A_1262, %broadcast_in_dim3A_1265, %broadcast_in_dim3A_1266 : vector<16xi1>, vector<16xf32>
      %add3A_1268 = arith.addf %add3A_1136, %select_n3A_1267 : vector<16xf32>
      %mul3A_1269 = arith.constant 10 : i32
      %mul3A_1270 = arith.muli %add3A_353, %mul3A_1269 : i32
      %add3A_1271 = arith.constant 6 : i32
      %add3A_1272 = arith.addi %mul3A_1270, %add3A_1271 : i32
      %get3A_1273 = arith.index_cast %add3A_1272 : i32 to index
      %get3A_1274 = arith.constant 0 : index
      %get3A_1275 = tpu.vector_load %arg7[%get3A_1273, %get3A_1274] {strides = array<i32>} : memref<200x128xf32, #tpu.memory_space<vmem>>, vector<16xf32>,
      %add3A_1276 = arith.addf %add3A_1144, %get3A_1275 : vector<16xf32>
      %get3A_1277 = arith.index_cast %add3A_1272 : i32 to index
      %get3A_1278 = arith.constant 16 : index
      %get3A_1279 = tpu.vector_load %arg7[%get3A_1277, %get3A_1278] {strides = array<i32>} : memref<200x128xf32, #tpu.memory_space<vmem>>, vector<16xf32>,
      %add3A_1280 = arith.addf %add3A_1148, %get3A_1279 : vector<16xf32>
      %get3A_1281 = arith.index_cast %add3A_1272 : i32 to index
      %get3A_1282 = arith.constant 32 : index
      %get3A_1283 = tpu.vector_load %arg7[%get3A_1281, %get3A_1282] {strides = array<i32>} : memref<200x128xf32, #tpu.memory_space<vmem>>, vector<16xf32>,
      %add3A_1284 = arith.addf %add3A_1152, %get3A_1283 : vector<16xf32>
      %get3A_1285 = arith.index_cast %add3A_1272 : i32 to index
      %get3A_1286 = arith.constant 48 : index
      %get3A_1287 = tpu.vector_load %arg7[%get3A_1285, %get3A_1286] {strides = array<i32>} : memref<200x128xf32, #tpu.memory_space<vmem>>, vector<16xf32>,
      %add3A_1288 = arith.addf %add3A_1156, %get3A_1287 : vector<16xf32>
      %get3A_1289 = arith.index_cast %add3A_1272 : i32 to index
      %get3A_1290 = arith.constant 64 : index
      %get3A_1291 = tpu.vector_load %arg7[%get3A_1289, %get3A_1290] {strides = array<i32>} : memref<200x128xf32, #tpu.memory_space<vmem>>, vector<16xf32>,
      %add3A_1292 = arith.addf %add3A_1160, %get3A_1291 : vector<16xf32>
      %get3A_1293 = arith.index_cast %add3A_1272 : i32 to index
      %get3A_1294 = arith.constant 80 : index
      %get3A_1295 = tpu.vector_load %arg7[%get3A_1293, %get3A_1294] {strides = array<i32>} : memref<200x128xf32, #tpu.memory_space<vmem>>, vector<16xf32>,
      %add3A_1296 = arith.addf %add3A_1164, %get3A_1295 : vector<16xf32>
      %get3A_1297 = arith.index_cast %add3A_1272 : i32 to index
      %get3A_1298 = arith.constant 96 : index
      %get3A_1299 = tpu.vector_load %arg7[%get3A_1297, %get3A_1298] {strides = array<i32>} : memref<200x128xf32, #tpu.memory_space<vmem>>, vector<16xf32>,
      %add3A_1300 = arith.addf %add3A_1168, %get3A_1299 : vector<16xf32>
      %get3A_1301 = arith.index_cast %add3A_1272 : i32 to index
      %get3A_1302 = arith.constant 112 : index
      %get3A_1303 = tpu.vector_load %arg7[%get3A_1301, %get3A_1302] {strides = array<i32>} : memref<200x128xf32, #tpu.memory_space<vmem>>, vector<16xf32>,
      %add3A_1304 = arith.addf %add3A_1172, %get3A_1303 : vector<16xf32>
      %get3A_1305 = arith.index_cast %add3A_1272 : i32 to index
      %get3A_1306 = arith.constant 0 : index
      %get3A_1307 = tpu.vector_load %arg6[%get3A_1305, %get3A_1306] {strides = array<i32>} : memref<200x128xi32, #tpu.memory_space<vmem>>, vector<16xi32>,
      %ne3A_1308 = arith.constant 0 : i32
      %ne3A_1309 = vector.broadcast %ne3A_1308 : i32 to vector<16xi32>
      %ne3A_1310 = arith.cmpi ne, %get3A_1307, %ne3A_1309 : vector<16xi32>
      %jit3A_1311 = arith.constant 1.000000e+00 : f32
      %jit3A_1312 = arith.constant 0.000000e+00 : f32
      %broadcast_in_dim3A_1313 = vector.broadcast %jit3A_1311 : f32 to vector<16xf32>
      %broadcast_in_dim3A_1314 = vector.broadcast %jit3A_1312 : f32 to vector<16xf32>
      %select_n3A_1315 = arith.select %ne3A_1310, %broadcast_in_dim3A_1313, %broadcast_in_dim3A_1314 : vector<16xi1>, vector<16xf32>
      %add3A_1316 = arith.addf %add3A_1184, %select_n3A_1315 : vector<16xf32>
      %get3A_1317 = arith.index_cast %add3A_1272 : i32 to index
      %get3A_1318 = arith.constant 16 : index
      %get3A_1319 = tpu.vector_load %arg6[%get3A_1317, %get3A_1318] {strides = array<i32>} : memref<200x128xi32, #tpu.memory_space<vmem>>, vector<16xi32>,
      %ne3A_1320 = arith.constant 0 : i32
      %ne3A_1321 = vector.broadcast %ne3A_1320 : i32 to vector<16xi32>
      %ne3A_1322 = arith.cmpi ne, %get3A_1319, %ne3A_1321 : vector<16xi32>
      %jit3A_1323 = arith.constant 1.000000e+00 : f32
      %jit3A_1324 = arith.constant 0.000000e+00 : f32
      %broadcast_in_dim3A_1325 = vector.broadcast %jit3A_1323 : f32 to vector<16xf32>
      %broadcast_in_dim3A_1326 = vector.broadcast %jit3A_1324 : f32 to vector<16xf32>
      %select_n3A_1327 = arith.select %ne3A_1322, %broadcast_in_dim3A_1325, %broadcast_in_dim3A_1326 : vector<16xi1>, vector<16xf32>
      %add3A_1328 = arith.addf %add3A_1196, %select_n3A_1327 : vector<16xf32>
      %get3A_1329 = arith.index_cast %add3A_1272 : i32 to index
      %get3A_1330 = arith.constant 32 : index
      %get3A_1331 = tpu.vector_load %arg6[%get3A_1329, %get3A_1330] {strides = array<i32>} : memref<200x128xi32, #tpu.memory_space<vmem>>, vector<16xi32>,
      %ne3A_1332 = arith.constant 0 : i32
      %ne3A_1333 = vector.broadcast %ne3A_1332 : i32 to vector<16xi32>
      %ne3A_1334 = arith.cmpi ne, %get3A_1331, %ne3A_1333 : vector<16xi32>
      %jit3A_1335 = arith.constant 1.000000e+00 : f32
      %jit3A_1336 = arith.constant 0.000000e+00 : f32
      %broadcast_in_dim3A_1337 = vector.broadcast %jit3A_1335 : f32 to vector<16xf32>
      %broadcast_in_dim3A_1338 = vector.broadcast %jit3A_1336 : f32 to vector<16xf32>
      %select_n3A_1339 = arith.select %ne3A_1334, %broadcast_in_dim3A_1337, %broadcast_in_dim3A_1338 : vector<16xi1>, vector<16xf32>
      %add3A_1340 = arith.addf %add3A_1208, %select_n3A_1339 : vector<16xf32>
      %get3A_1341 = arith.index_cast %add3A_1272 : i32 to index
      %get3A_1342 = arith.constant 48 : index
      %get3A_1343 = tpu.vector_load %arg6[%get3A_1341, %get3A_1342] {strides = array<i32>} : memref<200x128xi32, #tpu.memory_space<vmem>>, vector<16xi32>,
      %ne3A_1344 = arith.constant 0 : i32
      %ne3A_1345 = vector.broadcast %ne3A_1344 : i32 to vector<16xi32>
      %ne3A_1346 = arith.cmpi ne, %get3A_1343, %ne3A_1345 : vector<16xi32>
      %jit3A_1347 = arith.constant 1.000000e+00 : f32
      %jit3A_1348 = arith.constant 0.000000e+00 : f32
      %broadcast_in_dim3A_1349 = vector.broadcast %jit3A_1347 : f32 to vector<16xf32>
      %broadcast_in_dim3A_1350 = vector.broadcast %jit3A_1348 : f32 to vector<16xf32>
      %select_n3A_1351 = arith.select %ne3A_1346, %broadcast_in_dim3A_1349, %broadcast_in_dim3A_1350 : vector<16xi1>, vector<16xf32>
      %add3A_1352 = arith.addf %add3A_1220, %select_n3A_1351 : vector<16xf32>
      %get3A_1353 = arith.index_cast %add3A_1272 : i32 to index
      %get3A_1354 = arith.constant 64 : index
      %get3A_1355 = tpu.vector_load %arg6[%get3A_1353, %get3A_1354] {strides = array<i32>} : memref<200x128xi32, #tpu.memory_space<vmem>>, vector<16xi32>,
      %ne3A_1356 = arith.constant 0 : i32
      %ne3A_1357 = vector.broadcast %ne3A_1356 : i32 to vector<16xi32>
      %ne3A_1358 = arith.cmpi ne, %get3A_1355, %ne3A_1357 : vector<16xi32>
      %jit3A_1359 = arith.constant 1.000000e+00 : f32
      %jit3A_1360 = arith.constant 0.000000e+00 : f32
      %broadcast_in_dim3A_1361 = vector.broadcast %jit3A_1359 : f32 to vector<16xf32>
      %broadcast_in_dim3A_1362 = vector.broadcast %jit3A_1360 : f32 to vector<16xf32>
      %select_n3A_1363 = arith.select %ne3A_1358, %broadcast_in_dim3A_1361, %broadcast_in_dim3A_1362 : vector<16xi1>, vector<16xf32>
      %add3A_1364 = arith.addf %add3A_1232, %select_n3A_1363 : vector<16xf32>
      %get3A_1365 = arith.index_cast %add3A_1272 : i32 to index
      %get3A_1366 = arith.constant 80 : index
      %get3A_1367 = tpu.vector_load %arg6[%get3A_1365, %get3A_1366] {strides = array<i32>} : memref<200x128xi32, #tpu.memory_space<vmem>>, vector<16xi32>,
      %ne3A_1368 = arith.constant 0 : i32
      %ne3A_1369 = vector.broadcast %ne3A_1368 : i32 to vector<16xi32>
      %ne3A_1370 = arith.cmpi ne, %get3A_1367, %ne3A_1369 : vector<16xi32>
      %jit3A_1371 = arith.constant 1.000000e+00 : f32
      %jit3A_1372 = arith.constant 0.000000e+00 : f32
      %broadcast_in_dim3A_1373 = vector.broadcast %jit3A_1371 : f32 to vector<16xf32>
      %broadcast_in_dim3A_1374 = vector.broadcast %jit3A_1372 : f32 to vector<16xf32>
      %select_n3A_1375 = arith.select %ne3A_1370, %broadcast_in_dim3A_1373, %broadcast_in_dim3A_1374 : vector<16xi1>, vector<16xf32>
      %add3A_1376 = arith.addf %add3A_1244, %select_n3A_1375 : vector<16xf32>
      %get3A_1377 = arith.index_cast %add3A_1272 : i32 to index
      %get3A_1378 = arith.constant 96 : index
      %get3A_1379 = tpu.vector_load %arg6[%get3A_1377, %get3A_1378] {strides = array<i32>} : memref<200x128xi32, #tpu.memory_space<vmem>>, vector<16xi32>,
      %ne3A_1380 = arith.constant 0 : i32
      %ne3A_1381 = vector.broadcast %ne3A_1380 : i32 to vector<16xi32>
      %ne3A_1382 = arith.cmpi ne, %get3A_1379, %ne3A_1381 : vector<16xi32>
      %jit3A_1383 = arith.constant 1.000000e+00 : f32
      %jit3A_1384 = arith.constant 0.000000e+00 : f32
      %broadcast_in_dim3A_1385 = vector.broadcast %jit3A_1383 : f32 to vector<16xf32>
      %broadcast_in_dim3A_1386 = vector.broadcast %jit3A_1384 : f32 to vector<16xf32>
      %select_n3A_1387 = arith.select %ne3A_1382, %broadcast_in_dim3A_1385, %broadcast_in_dim3A_1386 : vector<16xi1>, vector<16xf32>
      %add3A_1388 = arith.addf %add3A_1256, %select_n3A_1387 : vector<16xf32>
      %get3A_1389 = arith.index_cast %add3A_1272 : i32 to index
      %get3A_1390 = arith.constant 112 : index
      %get3A_1391 = tpu.vector_load %arg6[%get3A_1389, %get3A_1390] {strides = array<i32>} : memref<200x128xi32, #tpu.memory_space<vmem>>, vector<16xi32>,
      %ne3A_1392 = arith.constant 0 : i32
      %ne3A_1393 = vector.broadcast %ne3A_1392 : i32 to vector<16xi32>
      %ne3A_1394 = arith.cmpi ne, %get3A_1391, %ne3A_1393 : vector<16xi32>
      %jit3A_1395 = arith.constant 1.000000e+00 : f32
      %jit3A_1396 = arith.constant 0.000000e+00 : f32
      %broadcast_in_dim3A_1397 = vector.broadcast %jit3A_1395 : f32 to vector<16xf32>
      %broadcast_in_dim3A_1398 = vector.broadcast %jit3A_1396 : f32 to vector<16xf32>
      %select_n3A_1399 = arith.select %ne3A_1394, %broadcast_in_dim3A_1397, %broadcast_in_dim3A_1398 : vector<16xi1>, vector<16xf32>
      %add3A_1400 = arith.addf %add3A_1268, %select_n3A_1399 : vector<16xf32>
      %mul3A_1401 = arith.constant 10 : i32
      %mul3A_1402 = arith.muli %add3A_353, %mul3A_1401 : i32
      %add3A_1403 = arith.constant 7 : i32
      %add3A_1404 = arith.addi %mul3A_1402, %add3A_1403 : i32
      %get3A_1405 = arith.index_cast %add3A_1404 : i32 to index
      %get3A_1406 = arith.constant 0 : index
      %get3A_1407 = tpu.vector_load %arg7[%get3A_1405, %get3A_1406] {strides = array<i32>} : memref<200x128xf32, #tpu.memory_space<vmem>>, vector<16xf32>,
      %add3A_1408 = arith.addf %add3A_1276, %get3A_1407 : vector<16xf32>
      %get3A_1409 = arith.index_cast %add3A_1404 : i32 to index
      %get3A_1410 = arith.constant 16 : index
      %get3A_1411 = tpu.vector_load %arg7[%get3A_1409, %get3A_1410] {strides = array<i32>} : memref<200x128xf32, #tpu.memory_space<vmem>>, vector<16xf32>,
      %add3A_1412 = arith.addf %add3A_1280, %get3A_1411 : vector<16xf32>
      %get3A_1413 = arith.index_cast %add3A_1404 : i32 to index
      %get3A_1414 = arith.constant 32 : index
      %get3A_1415 = tpu.vector_load %arg7[%get3A_1413, %get3A_1414] {strides = array<i32>} : memref<200x128xf32, #tpu.memory_space<vmem>>, vector<16xf32>,
      %add3A_1416 = arith.addf %add3A_1284, %get3A_1415 : vector<16xf32>
      %get3A_1417 = arith.index_cast %add3A_1404 : i32 to index
      %get3A_1418 = arith.constant 48 : index
      %get3A_1419 = tpu.vector_load %arg7[%get3A_1417, %get3A_1418] {strides = array<i32>} : memref<200x128xf32, #tpu.memory_space<vmem>>, vector<16xf32>,
      %add3A_1420 = arith.addf %add3A_1288, %get3A_1419 : vector<16xf32>
      %get3A_1421 = arith.index_cast %add3A_1404 : i32 to index
      %get3A_1422 = arith.constant 64 : index
      %get3A_1423 = tpu.vector_load %arg7[%get3A_1421, %get3A_1422] {strides = array<i32>} : memref<200x128xf32, #tpu.memory_space<vmem>>, vector<16xf32>,
      %add3A_1424 = arith.addf %add3A_1292, %get3A_1423 : vector<16xf32>
      %get3A_1425 = arith.index_cast %add3A_1404 : i32 to index
      %get3A_1426 = arith.constant 80 : index
      %get3A_1427 = tpu.vector_load %arg7[%get3A_1425, %get3A_1426] {strides = array<i32>} : memref<200x128xf32, #tpu.memory_space<vmem>>, vector<16xf32>,
      %add3A_1428 = arith.addf %add3A_1296, %get3A_1427 : vector<16xf32>
      %get3A_1429 = arith.index_cast %add3A_1404 : i32 to index
      %get3A_1430 = arith.constant 96 : index
      %get3A_1431 = tpu.vector_load %arg7[%get3A_1429, %get3A_1430] {strides = array<i32>} : memref<200x128xf32, #tpu.memory_space<vmem>>, vector<16xf32>,
      %add3A_1432 = arith.addf %add3A_1300, %get3A_1431 : vector<16xf32>
      %get3A_1433 = arith.index_cast %add3A_1404 : i32 to index
      %get3A_1434 = arith.constant 112 : index
      %get3A_1435 = tpu.vector_load %arg7[%get3A_1433, %get3A_1434] {strides = array<i32>} : memref<200x128xf32, #tpu.memory_space<vmem>>, vector<16xf32>,
      %add3A_1436 = arith.addf %add3A_1304, %get3A_1435 : vector<16xf32>
      %get3A_1437 = arith.index_cast %add3A_1404 : i32 to index
      %get3A_1438 = arith.constant 0 : index
      %get3A_1439 = tpu.vector_load %arg6[%get3A_1437, %get3A_1438] {strides = array<i32>} : memref<200x128xi32, #tpu.memory_space<vmem>>, vector<16xi32>,
      %ne3A_1440 = arith.constant 0 : i32
      %ne3A_1441 = vector.broadcast %ne3A_1440 : i32 to vector<16xi32>
      %ne3A_1442 = arith.cmpi ne, %get3A_1439, %ne3A_1441 : vector<16xi32>
      %jit3A_1443 = arith.constant 1.000000e+00 : f32
      %jit3A_1444 = arith.constant 0.000000e+00 : f32
      %broadcast_in_dim3A_1445 = vector.broadcast %jit3A_1443 : f32 to vector<16xf32>
      %broadcast_in_dim3A_1446 = vector.broadcast %jit3A_1444 : f32 to vector<16xf32>
      %select_n3A_1447 = arith.select %ne3A_1442, %broadcast_in_dim3A_1445, %broadcast_in_dim3A_1446 : vector<16xi1>, vector<16xf32>
      %add3A_1448 = arith.addf %add3A_1316, %select_n3A_1447 : vector<16xf32>
      %get3A_1449 = arith.index_cast %add3A_1404 : i32 to index
      %get3A_1450 = arith.constant 16 : index
      %get3A_1451 = tpu.vector_load %arg6[%get3A_1449, %get3A_1450] {strides = array<i32>} : memref<200x128xi32, #tpu.memory_space<vmem>>, vector<16xi32>,
      %ne3A_1452 = arith.constant 0 : i32
      %ne3A_1453 = vector.broadcast %ne3A_1452 : i32 to vector<16xi32>
      %ne3A_1454 = arith.cmpi ne, %get3A_1451, %ne3A_1453 : vector<16xi32>
      %jit3A_1455 = arith.constant 1.000000e+00 : f32
      %jit3A_1456 = arith.constant 0.000000e+00 : f32
      %broadcast_in_dim3A_1457 = vector.broadcast %jit3A_1455 : f32 to vector<16xf32>
      %broadcast_in_dim3A_1458 = vector.broadcast %jit3A_1456 : f32 to vector<16xf32>
      %select_n3A_1459 = arith.select %ne3A_1454, %broadcast_in_dim3A_1457, %broadcast_in_dim3A_1458 : vector<16xi1>, vector<16xf32>
      %add3A_1460 = arith.addf %add3A_1328, %select_n3A_1459 : vector<16xf32>
      %get3A_1461 = arith.index_cast %add3A_1404 : i32 to index
      %get3A_1462 = arith.constant 32 : index
      %get3A_1463 = tpu.vector_load %arg6[%get3A_1461, %get3A_1462] {strides = array<i32>} : memref<200x128xi32, #tpu.memory_space<vmem>>, vector<16xi32>,
      %ne3A_1464 = arith.constant 0 : i32
      %ne3A_1465 = vector.broadcast %ne3A_1464 : i32 to vector<16xi32>
      %ne3A_1466 = arith.cmpi ne, %get3A_1463, %ne3A_1465 : vector<16xi32>
      %jit3A_1467 = arith.constant 1.000000e+00 : f32
      %jit3A_1468 = arith.constant 0.000000e+00 : f32
      %broadcast_in_dim3A_1469 = vector.broadcast %jit3A_1467 : f32 to vector<16xf32>
      %broadcast_in_dim3A_1470 = vector.broadcast %jit3A_1468 : f32 to vector<16xf32>
      %select_n3A_1471 = arith.select %ne3A_1466, %broadcast_in_dim3A_1469, %broadcast_in_dim3A_1470 : vector<16xi1>, vector<16xf32>
      %add3A_1472 = arith.addf %add3A_1340, %select_n3A_1471 : vector<16xf32>
      %get3A_1473 = arith.index_cast %add3A_1404 : i32 to index
      %get3A_1474 = arith.constant 48 : index
      %get3A_1475 = tpu.vector_load %arg6[%get3A_1473, %get3A_1474] {strides = array<i32>} : memref<200x128xi32, #tpu.memory_space<vmem>>, vector<16xi32>,
      %ne3A_1476 = arith.constant 0 : i32
      %ne3A_1477 = vector.broadcast %ne3A_1476 : i32 to vector<16xi32>
      %ne3A_1478 = arith.cmpi ne, %get3A_1475, %ne3A_1477 : vector<16xi32>
      %jit3A_1479 = arith.constant 1.000000e+00 : f32
      %jit3A_1480 = arith.constant 0.000000e+00 : f32
      %broadcast_in_dim3A_1481 = vector.broadcast %jit3A_1479 : f32 to vector<16xf32>
      %broadcast_in_dim3A_1482 = vector.broadcast %jit3A_1480 : f32 to vector<16xf32>
      %select_n3A_1483 = arith.select %ne3A_1478, %broadcast_in_dim3A_1481, %broadcast_in_dim3A_1482 : vector<16xi1>, vector<16xf32>
      %add3A_1484 = arith.addf %add3A_1352, %select_n3A_1483 : vector<16xf32>
      %get3A_1485 = arith.index_cast %add3A_1404 : i32 to index
      %get3A_1486 = arith.constant 64 : index
      %get3A_1487 = tpu.vector_load %arg6[%get3A_1485, %get3A_1486] {strides = array<i32>} : memref<200x128xi32, #tpu.memory_space<vmem>>, vector<16xi32>,
      %ne3A_1488 = arith.constant 0 : i32
      %ne3A_1489 = vector.broadcast %ne3A_1488 : i32 to vector<16xi32>
      %ne3A_1490 = arith.cmpi ne, %get3A_1487, %ne3A_1489 : vector<16xi32>
      %jit3A_1491 = arith.constant 1.000000e+00 : f32
      %jit3A_1492 = arith.constant 0.000000e+00 : f32
      %broadcast_in_dim3A_1493 = vector.broadcast %jit3A_1491 : f32 to vector<16xf32>
      %broadcast_in_dim3A_1494 = vector.broadcast %jit3A_1492 : f32 to vector<16xf32>
      %select_n3A_1495 = arith.select %ne3A_1490, %broadcast_in_dim3A_1493, %broadcast_in_dim3A_1494 : vector<16xi1>, vector<16xf32>
      %add3A_1496 = arith.addf %add3A_1364, %select_n3A_1495 : vector<16xf32>
      %get3A_1497 = arith.index_cast %add3A_1404 : i32 to index
      %get3A_1498 = arith.constant 80 : index
      %get3A_1499 = tpu.vector_load %arg6[%get3A_1497, %get3A_1498] {strides = array<i32>} : memref<200x128xi32, #tpu.memory_space<vmem>>, vector<16xi32>,
      %ne3A_1500 = arith.constant 0 : i32
      %ne3A_1501 = vector.broadcast %ne3A_1500 : i32 to vector<16xi32>
      %ne3A_1502 = arith.cmpi ne, %get3A_1499, %ne3A_1501 : vector<16xi32>
      %jit3A_1503 = arith.constant 1.000000e+00 : f32
      %jit3A_1504 = arith.constant 0.000000e+00 : f32
      %broadcast_in_dim3A_1505 = vector.broadcast %jit3A_1503 : f32 to vector<16xf32>
      %broadcast_in_dim3A_1506 = vector.broadcast %jit3A_1504 : f32 to vector<16xf32>
      %select_n3A_1507 = arith.select %ne3A_1502, %broadcast_in_dim3A_1505, %broadcast_in_dim3A_1506 : vector<16xi1>, vector<16xf32>
      %add3A_1508 = arith.addf %add3A_1376, %select_n3A_1507 : vector<16xf32>
      %get3A_1509 = arith.index_cast %add3A_1404 : i32 to index
      %get3A_1510 = arith.constant 96 : index
      %get3A_1511 = tpu.vector_load %arg6[%get3A_1509, %get3A_1510] {strides = array<i32>} : memref<200x128xi32, #tpu.memory_space<vmem>>, vector<16xi32>,
      %ne3A_1512 = arith.constant 0 : i32
      %ne3A_1513 = vector.broadcast %ne3A_1512 : i32 to vector<16xi32>
      %ne3A_1514 = arith.cmpi ne, %get3A_1511, %ne3A_1513 : vector<16xi32>
      %jit3A_1515 = arith.constant 1.000000e+00 : f32
      %jit3A_1516 = arith.constant 0.000000e+00 : f32
      %broadcast_in_dim3A_1517 = vector.broadcast %jit3A_1515 : f32 to vector<16xf32>
      %broadcast_in_dim3A_1518 = vector.broadcast %jit3A_1516 : f32 to vector<16xf32>
      %select_n3A_1519 = arith.select %ne3A_1514, %broadcast_in_dim3A_1517, %broadcast_in_dim3A_1518 : vector<16xi1>, vector<16xf32>
      %add3A_1520 = arith.addf %add3A_1388, %select_n3A_1519 : vector<16xf32>
      %get3A_1521 = arith.index_cast %add3A_1404 : i32 to index
      %get3A_1522 = arith.constant 112 : index
      %get3A_1523 = tpu.vector_load %arg6[%get3A_1521, %get3A_1522] {strides = array<i32>} : memref<200x128xi32, #tpu.memory_space<vmem>>, vector<16xi32>,
      %ne3A_1524 = arith.constant 0 : i32
      %ne3A_1525 = vector.broadcast %ne3A_1524 : i32 to vector<16xi32>
      %ne3A_1526 = arith.cmpi ne, %get3A_1523, %ne3A_1525 : vector<16xi32>
      %jit3A_1527 = arith.constant 1.000000e+00 : f32
      %jit3A_1528 = arith.constant 0.000000e+00 : f32
      %broadcast_in_dim3A_1529 = vector.broadcast %jit3A_1527 : f32 to vector<16xf32>
      %broadcast_in_dim3A_1530 = vector.broadcast %jit3A_1528 : f32 to vector<16xf32>
      %select_n3A_1531 = arith.select %ne3A_1526, %broadcast_in_dim3A_1529, %broadcast_in_dim3A_1530 : vector<16xi1>, vector<16xf32>
      %add3A_1532 = arith.addf %add3A_1400, %select_n3A_1531 : vector<16xf32>
      %mul3A_1533 = arith.constant 10 : i32
      %mul3A_1534 = arith.muli %add3A_353, %mul3A_1533 : i32
      %add3A_1535 = arith.constant 8 : i32
      %add3A_1536 = arith.addi %mul3A_1534, %add3A_1535 : i32
      %get3A_1537 = arith.index_cast %add3A_1536 : i32 to index
      %get3A_1538 = arith.constant 0 : index
      %get3A_1539 = tpu.vector_load %arg7[%get3A_1537, %get3A_1538] {strides = array<i32>} : memref<200x128xf32, #tpu.memory_space<vmem>>, vector<16xf32>,
      %add3A_1540 = arith.addf %add3A_1408, %get3A_1539 : vector<16xf32>
      %get3A_1541 = arith.index_cast %add3A_1536 : i32 to index
      %get3A_1542 = arith.constant 16 : index
      %get3A_1543 = tpu.vector_load %arg7[%get3A_1541, %get3A_1542] {strides = array<i32>} : memref<200x128xf32, #tpu.memory_space<vmem>>, vector<16xf32>,
      %add3A_1544 = arith.addf %add3A_1412, %get3A_1543 : vector<16xf32>
      %get3A_1545 = arith.index_cast %add3A_1536 : i32 to index
      %get3A_1546 = arith.constant 32 : index
      %get3A_1547 = tpu.vector_load %arg7[%get3A_1545, %get3A_1546] {strides = array<i32>} : memref<200x128xf32, #tpu.memory_space<vmem>>, vector<16xf32>,
      %add3A_1548 = arith.addf %add3A_1416, %get3A_1547 : vector<16xf32>
      %get3A_1549 = arith.index_cast %add3A_1536 : i32 to index
      %get3A_1550 = arith.constant 48 : index
      %get3A_1551 = tpu.vector_load %arg7[%get3A_1549, %get3A_1550] {strides = array<i32>} : memref<200x128xf32, #tpu.memory_space<vmem>>, vector<16xf32>,
      %add3A_1552 = arith.addf %add3A_1420, %get3A_1551 : vector<16xf32>
      %get3A_1553 = arith.index_cast %add3A_1536 : i32 to index
      %get3A_1554 = arith.constant 64 : index
      %get3A_1555 = tpu.vector_load %arg7[%get3A_1553, %get3A_1554] {strides = array<i32>} : memref<200x128xf32, #tpu.memory_space<vmem>>, vector<16xf32>,
      %add3A_1556 = arith.addf %add3A_1424, %get3A_1555 : vector<16xf32>
      %get3A_1557 = arith.index_cast %add3A_1536 : i32 to index
      %get3A_1558 = arith.constant 80 : index
      %get3A_1559 = tpu.vector_load %arg7[%get3A_1557, %get3A_1558] {strides = array<i32>} : memref<200x128xf32, #tpu.memory_space<vmem>>, vector<16xf32>,
      %add3A_1560 = arith.addf %add3A_1428, %get3A_1559 : vector<16xf32>
      %get3A_1561 = arith.index_cast %add3A_1536 : i32 to index
      %get3A_1562 = arith.constant 96 : index
      %get3A_1563 = tpu.vector_load %arg7[%get3A_1561, %get3A_1562] {strides = array<i32>} : memref<200x128xf32, #tpu.memory_space<vmem>>, vector<16xf32>,
      %add3A_1564 = arith.addf %add3A_1432, %get3A_1563 : vector<16xf32>
      %get3A_1565 = arith.index_cast %add3A_1536 : i32 to index
      %get3A_1566 = arith.constant 112 : index
      %get3A_1567 = tpu.vector_load %arg7[%get3A_1565, %get3A_1566] {strides = array<i32>} : memref<200x128xf32, #tpu.memory_space<vmem>>, vector<16xf32>,
      %add3A_1568 = arith.addf %add3A_1436, %get3A_1567 : vector<16xf32>
      %get3A_1569 = arith.index_cast %add3A_1536 : i32 to index
      %get3A_1570 = arith.constant 0 : index
      %get3A_1571 = tpu.vector_load %arg6[%get3A_1569, %get3A_1570] {strides = array<i32>} : memref<200x128xi32, #tpu.memory_space<vmem>>, vector<16xi32>,
      %ne3A_1572 = arith.constant 0 : i32
      %ne3A_1573 = vector.broadcast %ne3A_1572 : i32 to vector<16xi32>
      %ne3A_1574 = arith.cmpi ne, %get3A_1571, %ne3A_1573 : vector<16xi32>
      %jit3A_1575 = arith.constant 1.000000e+00 : f32
      %jit3A_1576 = arith.constant 0.000000e+00 : f32
      %broadcast_in_dim3A_1577 = vector.broadcast %jit3A_1575 : f32 to vector<16xf32>
      %broadcast_in_dim3A_1578 = vector.broadcast %jit3A_1576 : f32 to vector<16xf32>
      %select_n3A_1579 = arith.select %ne3A_1574, %broadcast_in_dim3A_1577, %broadcast_in_dim3A_1578 : vector<16xi1>, vector<16xf32>
      %add3A_1580 = arith.addf %add3A_1448, %select_n3A_1579 : vector<16xf32>
      %get3A_1581 = arith.index_cast %add3A_1536 : i32 to index
      %get3A_1582 = arith.constant 16 : index
      %get3A_1583 = tpu.vector_load %arg6[%get3A_1581, %get3A_1582] {strides = array<i32>} : memref<200x128xi32, #tpu.memory_space<vmem>>, vector<16xi32>,
      %ne3A_1584 = arith.constant 0 : i32
      %ne3A_1585 = vector.broadcast %ne3A_1584 : i32 to vector<16xi32>
      %ne3A_1586 = arith.cmpi ne, %get3A_1583, %ne3A_1585 : vector<16xi32>
      %jit3A_1587 = arith.constant 1.000000e+00 : f32
      %jit3A_1588 = arith.constant 0.000000e+00 : f32
      %broadcast_in_dim3A_1589 = vector.broadcast %jit3A_1587 : f32 to vector<16xf32>
      %broadcast_in_dim3A_1590 = vector.broadcast %jit3A_1588 : f32 to vector<16xf32>
      %select_n3A_1591 = arith.select %ne3A_1586, %broadcast_in_dim3A_1589, %broadcast_in_dim3A_1590 : vector<16xi1>, vector<16xf32>
      %add3A_1592 = arith.addf %add3A_1460, %select_n3A_1591 : vector<16xf32>
      %get3A_1593 = arith.index_cast %add3A_1536 : i32 to index
      %get3A_1594 = arith.constant 32 : index
      %get3A_1595 = tpu.vector_load %arg6[%get3A_1593, %get3A_1594] {strides = array<i32>} : memref<200x128xi32, #tpu.memory_space<vmem>>, vector<16xi32>,
      %ne3A_1596 = arith.constant 0 : i32
      %ne3A_1597 = vector.broadcast %ne3A_1596 : i32 to vector<16xi32>
      %ne3A_1598 = arith.cmpi ne, %get3A_1595, %ne3A_1597 : vector<16xi32>
      %jit3A_1599 = arith.constant 1.000000e+00 : f32
      %jit3A_1600 = arith.constant 0.000000e+00 : f32
      %broadcast_in_dim3A_1601 = vector.broadcast %jit3A_1599 : f32 to vector<16xf32>
      %broadcast_in_dim3A_1602 = vector.broadcast %jit3A_1600 : f32 to vector<16xf32>
      %select_n3A_1603 = arith.select %ne3A_1598, %broadcast_in_dim3A_1601, %broadcast_in_dim3A_1602 : vector<16xi1>, vector<16xf32>
      %add3A_1604 = arith.addf %add3A_1472, %select_n3A_1603 : vector<16xf32>
      %get3A_1605 = arith.index_cast %add3A_1536 : i32 to index
      %get3A_1606 = arith.constant 48 : index
      %get3A_1607 = tpu.vector_load %arg6[%get3A_1605, %get3A_1606] {strides = array<i32>} : memref<200x128xi32, #tpu.memory_space<vmem>>, vector<16xi32>,
      %ne3A_1608 = arith.constant 0 : i32
      %ne3A_1609 = vector.broadcast %ne3A_1608 : i32 to vector<16xi32>
      %ne3A_1610 = arith.cmpi ne, %get3A_1607, %ne3A_1609 : vector<16xi32>
      %jit3A_1611 = arith.constant 1.000000e+00 : f32
      %jit3A_1612 = arith.constant 0.000000e+00 : f32
      %broadcast_in_dim3A_1613 = vector.broadcast %jit3A_1611 : f32 to vector<16xf32>
      %broadcast_in_dim3A_1614 = vector.broadcast %jit3A_1612 : f32 to vector<16xf32>
      %select_n3A_1615 = arith.select %ne3A_1610, %broadcast_in_dim3A_1613, %broadcast_in_dim3A_1614 : vector<16xi1>, vector<16xf32>
      %add3A_1616 = arith.addf %add3A_1484, %select_n3A_1615 : vector<16xf32>
      %get3A_1617 = arith.index_cast %add3A_1536 : i32 to index
      %get3A_1618 = arith.constant 64 : index
      %get3A_1619 = tpu.vector_load %arg6[%get3A_1617, %get3A_1618] {strides = array<i32>} : memref<200x128xi32, #tpu.memory_space<vmem>>, vector<16xi32>,
      %ne3A_1620 = arith.constant 0 : i32
      %ne3A_1621 = vector.broadcast %ne3A_1620 : i32 to vector<16xi32>
      %ne3A_1622 = arith.cmpi ne, %get3A_1619, %ne3A_1621 : vector<16xi32>
      %jit3A_1623 = arith.constant 1.000000e+00 : f32
      %jit3A_1624 = arith.constant 0.000000e+00 : f32
      %broadcast_in_dim3A_1625 = vector.broadcast %jit3A_1623 : f32 to vector<16xf32>
      %broadcast_in_dim3A_1626 = vector.broadcast %jit3A_1624 : f32 to vector<16xf32>
      %select_n3A_1627 = arith.select %ne3A_1622, %broadcast_in_dim3A_1625, %broadcast_in_dim3A_1626 : vector<16xi1>, vector<16xf32>
      %add3A_1628 = arith.addf %add3A_1496, %select_n3A_1627 : vector<16xf32>
      %get3A_1629 = arith.index_cast %add3A_1536 : i32 to index
      %get3A_1630 = arith.constant 80 : index
      %get3A_1631 = tpu.vector_load %arg6[%get3A_1629, %get3A_1630] {strides = array<i32>} : memref<200x128xi32, #tpu.memory_space<vmem>>, vector<16xi32>,
      %ne3A_1632 = arith.constant 0 : i32
      %ne3A_1633 = vector.broadcast %ne3A_1632 : i32 to vector<16xi32>
      %ne3A_1634 = arith.cmpi ne, %get3A_1631, %ne3A_1633 : vector<16xi32>
      %jit3A_1635 = arith.constant 1.000000e+00 : f32
      %jit3A_1636 = arith.constant 0.000000e+00 : f32
      %broadcast_in_dim3A_1637 = vector.broadcast %jit3A_1635 : f32 to vector<16xf32>
      %broadcast_in_dim3A_1638 = vector.broadcast %jit3A_1636 : f32 to vector<16xf32>
      %select_n3A_1639 = arith.select %ne3A_1634, %broadcast_in_dim3A_1637, %broadcast_in_dim3A_1638 : vector<16xi1>, vector<16xf32>
      %add3A_1640 = arith.addf %add3A_1508, %select_n3A_1639 : vector<16xf32>
      %get3A_1641 = arith.index_cast %add3A_1536 : i32 to index
      %get3A_1642 = arith.constant 96 : index
      %get3A_1643 = tpu.vector_load %arg6[%get3A_1641, %get3A_1642] {strides = array<i32>} : memref<200x128xi32, #tpu.memory_space<vmem>>, vector<16xi32>,
      %ne3A_1644 = arith.constant 0 : i32
      %ne3A_1645 = vector.broadcast %ne3A_1644 : i32 to vector<16xi32>
      %ne3A_1646 = arith.cmpi ne, %get3A_1643, %ne3A_1645 : vector<16xi32>
      %jit3A_1647 = arith.constant 1.000000e+00 : f32
      %jit3A_1648 = arith.constant 0.000000e+00 : f32
      %broadcast_in_dim3A_1649 = vector.broadcast %jit3A_1647 : f32 to vector<16xf32>
      %broadcast_in_dim3A_1650 = vector.broadcast %jit3A_1648 : f32 to vector<16xf32>
      %select_n3A_1651 = arith.select %ne3A_1646, %broadcast_in_dim3A_1649, %broadcast_in_dim3A_1650 : vector<16xi1>, vector<16xf32>
      %add3A_1652 = arith.addf %add3A_1520, %select_n3A_1651 : vector<16xf32>
      %get3A_1653 = arith.index_cast %add3A_1536 : i32 to index
      %get3A_1654 = arith.constant 112 : index
      %get3A_1655 = tpu.vector_load %arg6[%get3A_1653, %get3A_1654] {strides = array<i32>} : memref<200x128xi32, #tpu.memory_space<vmem>>, vector<16xi32>,
      %ne3A_1656 = arith.constant 0 : i32
      %ne3A_1657 = vector.broadcast %ne3A_1656 : i32 to vector<16xi32>
      %ne3A_1658 = arith.cmpi ne, %get3A_1655, %ne3A_1657 : vector<16xi32>
      %jit3A_1659 = arith.constant 1.000000e+00 : f32
      %jit3A_1660 = arith.constant 0.000000e+00 : f32
      %broadcast_in_dim3A_1661 = vector.broadcast %jit3A_1659 : f32 to vector<16xf32>
      %broadcast_in_dim3A_1662 = vector.broadcast %jit3A_1660 : f32 to vector<16xf32>
      %select_n3A_1663 = arith.select %ne3A_1658, %broadcast_in_dim3A_1661, %broadcast_in_dim3A_1662 : vector<16xi1>, vector<16xf32>
      %add3A_1664 = arith.addf %add3A_1532, %select_n3A_1663 : vector<16xf32>
      %mul3A_1665 = arith.constant 10 : i32
      %mul3A_1666 = arith.muli %add3A_353, %mul3A_1665 : i32
      %add3A_1667 = arith.constant 9 : i32
      %add3A_1668 = arith.addi %mul3A_1666, %add3A_1667 : i32
      %get3A_1669 = arith.index_cast %add3A_1668 : i32 to index
      %get3A_1670 = arith.constant 0 : index
      %get3A_1671 = tpu.vector_load %arg7[%get3A_1669, %get3A_1670] {strides = array<i32>} : memref<200x128xf32, #tpu.memory_space<vmem>>, vector<16xf32>,
      %add3A_1672 = arith.addf %add3A_1540, %get3A_1671 : vector<16xf32>
      %get3A_1673 = arith.index_cast %add3A_1668 : i32 to index
      %get3A_1674 = arith.constant 16 : index
      %get3A_1675 = tpu.vector_load %arg7[%get3A_1673, %get3A_1674] {strides = array<i32>} : memref<200x128xf32, #tpu.memory_space<vmem>>, vector<16xf32>,
      %add3A_1676 = arith.addf %add3A_1544, %get3A_1675 : vector<16xf32>
      %get3A_1677 = arith.index_cast %add3A_1668 : i32 to index
      %get3A_1678 = arith.constant 32 : index
      %get3A_1679 = tpu.vector_load %arg7[%get3A_1677, %get3A_1678] {strides = array<i32>} : memref<200x128xf32, #tpu.memory_space<vmem>>, vector<16xf32>,
      %add3A_1680 = arith.addf %add3A_1548, %get3A_1679 : vector<16xf32>
      %get3A_1681 = arith.index_cast %add3A_1668 : i32 to index
      %get3A_1682 = arith.constant 48 : index
      %get3A_1683 = tpu.vector_load %arg7[%get3A_1681, %get3A_1682] {strides = array<i32>} : memref<200x128xf32, #tpu.memory_space<vmem>>, vector<16xf32>,
      %add3A_1684 = arith.addf %add3A_1552, %get3A_1683 : vector<16xf32>
      %get3A_1685 = arith.index_cast %add3A_1668 : i32 to index
      %get3A_1686 = arith.constant 64 : index
      %get3A_1687 = tpu.vector_load %arg7[%get3A_1685, %get3A_1686] {strides = array<i32>} : memref<200x128xf32, #tpu.memory_space<vmem>>, vector<16xf32>,
      %add3A_1688 = arith.addf %add3A_1556, %get3A_1687 : vector<16xf32>
      %get3A_1689 = arith.index_cast %add3A_1668 : i32 to index
      %get3A_1690 = arith.constant 80 : index
      %get3A_1691 = tpu.vector_load %arg7[%get3A_1689, %get3A_1690] {strides = array<i32>} : memref<200x128xf32, #tpu.memory_space<vmem>>, vector<16xf32>,
      %add3A_1692 = arith.addf %add3A_1560, %get3A_1691 : vector<16xf32>
      %get3A_1693 = arith.index_cast %add3A_1668 : i32 to index
      %get3A_1694 = arith.constant 96 : index
      %get3A_1695 = tpu.vector_load %arg7[%get3A_1693, %get3A_1694] {strides = array<i32>} : memref<200x128xf32, #tpu.memory_space<vmem>>, vector<16xf32>,
      %add3A_1696 = arith.addf %add3A_1564, %get3A_1695 : vector<16xf32>
      %get3A_1697 = arith.index_cast %add3A_1668 : i32 to index
      %get3A_1698 = arith.constant 112 : index
      %get3A_1699 = tpu.vector_load %arg7[%get3A_1697, %get3A_1698] {strides = array<i32>} : memref<200x128xf32, #tpu.memory_space<vmem>>, vector<16xf32>,
      %add3A_1700 = arith.addf %add3A_1568, %get3A_1699 : vector<16xf32>
      %get3A_1701 = arith.index_cast %add3A_1668 : i32 to index
      %get3A_1702 = arith.constant 0 : index
      %get3A_1703 = tpu.vector_load %arg6[%get3A_1701, %get3A_1702] {strides = array<i32>} : memref<200x128xi32, #tpu.memory_space<vmem>>, vector<16xi32>,
      %ne3A_1704 = arith.constant 0 : i32
      %ne3A_1705 = vector.broadcast %ne3A_1704 : i32 to vector<16xi32>
      %ne3A_1706 = arith.cmpi ne, %get3A_1703, %ne3A_1705 : vector<16xi32>
      %jit3A_1707 = arith.constant 1.000000e+00 : f32
      %jit3A_1708 = arith.constant 0.000000e+00 : f32
      %broadcast_in_dim3A_1709 = vector.broadcast %jit3A_1707 : f32 to vector<16xf32>
      %broadcast_in_dim3A_1710 = vector.broadcast %jit3A_1708 : f32 to vector<16xf32>
      %select_n3A_1711 = arith.select %ne3A_1706, %broadcast_in_dim3A_1709, %broadcast_in_dim3A_1710 : vector<16xi1>, vector<16xf32>
      %add3A_1712 = arith.addf %add3A_1580, %select_n3A_1711 : vector<16xf32>
      %get3A_1713 = arith.index_cast %add3A_1668 : i32 to index
      %get3A_1714 = arith.constant 16 : index
      %get3A_1715 = tpu.vector_load %arg6[%get3A_1713, %get3A_1714] {strides = array<i32>} : memref<200x128xi32, #tpu.memory_space<vmem>>, vector<16xi32>,
      %ne3A_1716 = arith.constant 0 : i32
      %ne3A_1717 = vector.broadcast %ne3A_1716 : i32 to vector<16xi32>
      %ne3A_1718 = arith.cmpi ne, %get3A_1715, %ne3A_1717 : vector<16xi32>
      %jit3A_1719 = arith.constant 1.000000e+00 : f32
      %jit3A_1720 = arith.constant 0.000000e+00 : f32
      %broadcast_in_dim3A_1721 = vector.broadcast %jit3A_1719 : f32 to vector<16xf32>
      %broadcast_in_dim3A_1722 = vector.broadcast %jit3A_1720 : f32 to vector<16xf32>
      %select_n3A_1723 = arith.select %ne3A_1718, %broadcast_in_dim3A_1721, %broadcast_in_dim3A_1722 : vector<16xi1>, vector<16xf32>
      %add3A_1724 = arith.addf %add3A_1592, %select_n3A_1723 : vector<16xf32>
      %get3A_1725 = arith.index_cast %add3A_1668 : i32 to index
      %get3A_1726 = arith.constant 32 : index
      %get3A_1727 = tpu.vector_load %arg6[%get3A_1725, %get3A_1726] {strides = array<i32>} : memref<200x128xi32, #tpu.memory_space<vmem>>, vector<16xi32>,
      %ne3A_1728 = arith.constant 0 : i32
      %ne3A_1729 = vector.broadcast %ne3A_1728 : i32 to vector<16xi32>
      %ne3A_1730 = arith.cmpi ne, %get3A_1727, %ne3A_1729 : vector<16xi32>
      %jit3A_1731 = arith.constant 1.000000e+00 : f32
      %jit3A_1732 = arith.constant 0.000000e+00 : f32
      %broadcast_in_dim3A_1733 = vector.broadcast %jit3A_1731 : f32 to vector<16xf32>
      %broadcast_in_dim3A_1734 = vector.broadcast %jit3A_1732 : f32 to vector<16xf32>
      %select_n3A_1735 = arith.select %ne3A_1730, %broadcast_in_dim3A_1733, %broadcast_in_dim3A_1734 : vector<16xi1>, vector<16xf32>
      %add3A_1736 = arith.addf %add3A_1604, %select_n3A_1735 : vector<16xf32>
      %get3A_1737 = arith.index_cast %add3A_1668 : i32 to index
      %get3A_1738 = arith.constant 48 : index
      %get3A_1739 = tpu.vector_load %arg6[%get3A_1737, %get3A_1738] {strides = array<i32>} : memref<200x128xi32, #tpu.memory_space<vmem>>, vector<16xi32>,
      %ne3A_1740 = arith.constant 0 : i32
      %ne3A_1741 = vector.broadcast %ne3A_1740 : i32 to vector<16xi32>
      %ne3A_1742 = arith.cmpi ne, %get3A_1739, %ne3A_1741 : vector<16xi32>
      %jit3A_1743 = arith.constant 1.000000e+00 : f32
      %jit3A_1744 = arith.constant 0.000000e+00 : f32
      %broadcast_in_dim3A_1745 = vector.broadcast %jit3A_1743 : f32 to vector<16xf32>
      %broadcast_in_dim3A_1746 = vector.broadcast %jit3A_1744 : f32 to vector<16xf32>
      %select_n3A_1747 = arith.select %ne3A_1742, %broadcast_in_dim3A_1745, %broadcast_in_dim3A_1746 : vector<16xi1>, vector<16xf32>
      %add3A_1748 = arith.addf %add3A_1616, %select_n3A_1747 : vector<16xf32>
      %get3A_1749 = arith.index_cast %add3A_1668 : i32 to index
      %get3A_1750 = arith.constant 64 : index
      %get3A_1751 = tpu.vector_load %arg6[%get3A_1749, %get3A_1750] {strides = array<i32>} : memref<200x128xi32, #tpu.memory_space<vmem>>, vector<16xi32>,
      %ne3A_1752 = arith.constant 0 : i32
      %ne3A_1753 = vector.broadcast %ne3A_1752 : i32 to vector<16xi32>
      %ne3A_1754 = arith.cmpi ne, %get3A_1751, %ne3A_1753 : vector<16xi32>
      %jit3A_1755 = arith.constant 1.000000e+00 : f32
      %jit3A_1756 = arith.constant 0.000000e+00 : f32
      %broadcast_in_dim3A_1757 = vector.broadcast %jit3A_1755 : f32 to vector<16xf32>
      %broadcast_in_dim3A_1758 = vector.broadcast %jit3A_1756 : f32 to vector<16xf32>
      %select_n3A_1759 = arith.select %ne3A_1754, %broadcast_in_dim3A_1757, %broadcast_in_dim3A_1758 : vector<16xi1>, vector<16xf32>
      %add3A_1760 = arith.addf %add3A_1628, %select_n3A_1759 : vector<16xf32>
      %get3A_1761 = arith.index_cast %add3A_1668 : i32 to index
      %get3A_1762 = arith.constant 80 : index
      %get3A_1763 = tpu.vector_load %arg6[%get3A_1761, %get3A_1762] {strides = array<i32>} : memref<200x128xi32, #tpu.memory_space<vmem>>, vector<16xi32>,
      %ne3A_1764 = arith.constant 0 : i32
      %ne3A_1765 = vector.broadcast %ne3A_1764 : i32 to vector<16xi32>
      %ne3A_1766 = arith.cmpi ne, %get3A_1763, %ne3A_1765 : vector<16xi32>
      %jit3A_1767 = arith.constant 1.000000e+00 : f32
      %jit3A_1768 = arith.constant 0.000000e+00 : f32
      %broadcast_in_dim3A_1769 = vector.broadcast %jit3A_1767 : f32 to vector<16xf32>
      %broadcast_in_dim3A_1770 = vector.broadcast %jit3A_1768 : f32 to vector<16xf32>
      %select_n3A_1771 = arith.select %ne3A_1766, %broadcast_in_dim3A_1769, %broadcast_in_dim3A_1770 : vector<16xi1>, vector<16xf32>
      %add3A_1772 = arith.addf %add3A_1640, %select_n3A_1771 : vector<16xf32>
      %get3A_1773 = arith.index_cast %add3A_1668 : i32 to index
      %get3A_1774 = arith.constant 96 : index
      %get3A_1775 = tpu.vector_load %arg6[%get3A_1773, %get3A_1774] {strides = array<i32>} : memref<200x128xi32, #tpu.memory_space<vmem>>, vector<16xi32>,
      %ne3A_1776 = arith.constant 0 : i32
      %ne3A_1777 = vector.broadcast %ne3A_1776 : i32 to vector<16xi32>
      %ne3A_1778 = arith.cmpi ne, %get3A_1775, %ne3A_1777 : vector<16xi32>
      %jit3A_1779 = arith.constant 1.000000e+00 : f32
      %jit3A_1780 = arith.constant 0.000000e+00 : f32
      %broadcast_in_dim3A_1781 = vector.broadcast %jit3A_1779 : f32 to vector<16xf32>
      %broadcast_in_dim3A_1782 = vector.broadcast %jit3A_1780 : f32 to vector<16xf32>
      %select_n3A_1783 = arith.select %ne3A_1778, %broadcast_in_dim3A_1781, %broadcast_in_dim3A_1782 : vector<16xi1>, vector<16xf32>
      %add3A_1784 = arith.addf %add3A_1652, %select_n3A_1783 : vector<16xf32>
      %get3A_1785 = arith.index_cast %add3A_1668 : i32 to index
      %get3A_1786 = arith.constant 112 : index
      %get3A_1787 = tpu.vector_load %arg6[%get3A_1785, %get3A_1786] {strides = array<i32>} : memref<200x128xi32, #tpu.memory_space<vmem>>, vector<16xi32>,
      %ne3A_1788 = arith.constant 0 : i32
      %ne3A_1789 = vector.broadcast %ne3A_1788 : i32 to vector<16xi32>
      %ne3A_1790 = arith.cmpi ne, %get3A_1787, %ne3A_1789 : vector<16xi32>
      %jit3A_1791 = arith.constant 1.000000e+00 : f32
      %jit3A_1792 = arith.constant 0.000000e+00 : f32
      %broadcast_in_dim3A_1793 = vector.broadcast %jit3A_1791 : f32 to vector<16xf32>
      %broadcast_in_dim3A_1794 = vector.broadcast %jit3A_1792 : f32 to vector<16xf32>
      %select_n3A_1795 = arith.select %ne3A_1790, %broadcast_in_dim3A_1793, %broadcast_in_dim3A_1794 : vector<16xi1>, vector<16xf32>
      %add3A_1796 = arith.addf %add3A_1664, %select_n3A_1795 : vector<16xf32>
      %add3A_1797 = arith.constant 1 : i32
      %add3A_1798 = arith.addi %mul3A_351, %add3A_1797 : i32
      %mul3A_1799 = arith.constant 10 : i32
      %mul3A_1800 = arith.muli %add3A_1798, %mul3A_1799 : i32
      %add3A_1801 = arith.constant 0 : i32
      %add3A_1802 = arith.addi %mul3A_1800, %add3A_1801 : i32
      %dma_wait3A_1803 = arith.constant 0 : i32
      %dma_wait3A_1804 = tpu.memref_slice %arg7[%add3A_1802, %dma_wait3A_1803] : memref<200x128xf32, #tpu.memory_space<vmem>> -> memref<1x128xf32, #tpu.memory_space<vmem>>
      %dma_wait3A_1805 = tpu.memref_squeeze %dma_wait3A_1804 : memref<1x128xf32, #tpu.memory_space<vmem>> -> memref<128xf32, #tpu.memory_space<vmem>>
      %dma_wait3A_1806 = arith.constant 0 : i32
      %dma_wait3A_1807 = tpu.memref_slice %arg6[%add3A_1802, %dma_wait3A_1806] : memref<200x128xi32, #tpu.memory_space<vmem>> -> memref<1x128xi32, #tpu.memory_space<vmem>>
      %dma_wait3A_1808 = tpu.memref_squeeze %dma_wait3A_1807 : memref<1x128xi32, #tpu.memory_space<vmem>> -> memref<128xi32, #tpu.memory_space<vmem>>
      %dma_wait3A_1809 = arith.constant 0 : i32
      %dma_wait3A_1810 = tpu.memref_slice %arg11[%dma_wait3A_1809] : memref<1000000xf32, #tpu.memory_space<vmem_shared>> -> memref<1000000xf32, #tpu.memory_space<vmem_shared>>
      tpu.wait_indirect_dma semaphore(%arg13 : memref<!tpu.dma_semaphore, #tpu.memory_space<semaphore_mem>>) src(%dma_wait3A_1810 : memref<1000000xf32, #tpu.memory_space<vmem_shared>>) dst(%dma_wait3A_1805 : memref<128xf32, #tpu.memory_space<vmem>>)
      %mul3A_1811 = arith.constant 10 : i32
      %mul3A_1812 = arith.muli %add3A_1798, %mul3A_1811 : i32
      %add3A_1813 = arith.constant 1 : i32
      %add3A_1814 = arith.addi %mul3A_1812, %add3A_1813 : i32
      %dma_wait3A_1815 = arith.constant 0 : i32
      %dma_wait3A_1816 = tpu.memref_slice %arg7[%add3A_1814, %dma_wait3A_1815] : memref<200x128xf32, #tpu.memory_space<vmem>> -> memref<1x128xf32, #tpu.memory_space<vmem>>
      %dma_wait3A_1817 = tpu.memref_squeeze %dma_wait3A_1816 : memref<1x128xf32, #tpu.memory_space<vmem>> -> memref<128xf32, #tpu.memory_space<vmem>>
      %dma_wait3A_1818 = arith.constant 0 : i32
      %dma_wait3A_1819 = tpu.memref_slice %arg6[%add3A_1814, %dma_wait3A_1818] : memref<200x128xi32, #tpu.memory_space<vmem>> -> memref<1x128xi32, #tpu.memory_space<vmem>>
      %dma_wait3A_1820 = tpu.memref_squeeze %dma_wait3A_1819 : memref<1x128xi32, #tpu.memory_space<vmem>> -> memref<128xi32, #tpu.memory_space<vmem>>
      %dma_wait3A_1821 = arith.constant 0 : i32
      %dma_wait3A_1822 = tpu.memref_slice %arg11[%dma_wait3A_1821] : memref<1000000xf32, #tpu.memory_space<vmem_shared>> -> memref<1000000xf32, #tpu.memory_space<vmem_shared>>
      tpu.wait_indirect_dma semaphore(%arg13 : memref<!tpu.dma_semaphore, #tpu.memory_space<semaphore_mem>>) src(%dma_wait3A_1822 : memref<1000000xf32, #tpu.memory_space<vmem_shared>>) dst(%dma_wait3A_1817 : memref<128xf32, #tpu.memory_space<vmem>>)
      %mul3A_1823 = arith.constant 10 : i32
      %mul3A_1824 = arith.muli %add3A_1798, %mul3A_1823 : i32
      %add3A_1825 = arith.constant 2 : i32
      %add3A_1826 = arith.addi %mul3A_1824, %add3A_1825 : i32
      %dma_wait3A_1827 = arith.constant 0 : i32
      %dma_wait3A_1828 = tpu.memref_slice %arg7[%add3A_1826, %dma_wait3A_1827] : memref<200x128xf32, #tpu.memory_space<vmem>> -> memref<1x128xf32, #tpu.memory_space<vmem>>
      %dma_wait3A_1829 = tpu.memref_squeeze %dma_wait3A_1828 : memref<1x128xf32, #tpu.memory_space<vmem>> -> memref<128xf32, #tpu.memory_space<vmem>>
      %dma_wait3A_1830 = arith.constant 0 : i32
      %dma_wait3A_1831 = tpu.memref_slice %arg6[%add3A_1826, %dma_wait3A_1830] : memref<200x128xi32, #tpu.memory_space<vmem>> -> memref<1x128xi32, #tpu.memory_space<vmem>>
      %dma_wait3A_1832 = tpu.memref_squeeze %dma_wait3A_1831 : memref<1x128xi32, #tpu.memory_space<vmem>> -> memref<128xi32, #tpu.memory_space<vmem>>
      %dma_wait3A_1833 = arith.constant 0 : i32
      %dma_wait3A_1834 = tpu.memref_slice %arg11[%dma_wait3A_1833] : memref<1000000xf32, #tpu.memory_space<vmem_shared>> -> memref<1000000xf32, #tpu.memory_space<vmem_shared>>
      tpu.wait_indirect_dma semaphore(%arg13 : memref<!tpu.dma_semaphore, #tpu.memory_space<semaphore_mem>>) src(%dma_wait3A_1834 : memref<1000000xf32, #tpu.memory_space<vmem_shared>>) dst(%dma_wait3A_1829 : memref<128xf32, #tpu.memory_space<vmem>>)
      %mul3A_1835 = arith.constant 10 : i32
      %mul3A_1836 = arith.muli %add3A_1798, %mul3A_1835 : i32
      %add3A_1837 = arith.constant 3 : i32
      %add3A_1838 = arith.addi %mul3A_1836, %add3A_1837 : i32
      %dma_wait3A_1839 = arith.constant 0 : i32
      %dma_wait3A_1840 = tpu.memref_slice %arg7[%add3A_1838, %dma_wait3A_1839] : memref<200x128xf32, #tpu.memory_space<vmem>> -> memref<1x128xf32, #tpu.memory_space<vmem>>
      %dma_wait3A_1841 = tpu.memref_squeeze %dma_wait3A_1840 : memref<1x128xf32, #tpu.memory_space<vmem>> -> memref<128xf32, #tpu.memory_space<vmem>>
      %dma_wait3A_1842 = arith.constant 0 : i32
      %dma_wait3A_1843 = tpu.memref_slice %arg6[%add3A_1838, %dma_wait3A_1842] : memref<200x128xi32, #tpu.memory_space<vmem>> -> memref<1x128xi32, #tpu.memory_space<vmem>>
      %dma_wait3A_1844 = tpu.memref_squeeze %dma_wait3A_1843 : memref<1x128xi32, #tpu.memory_space<vmem>> -> memref<128xi32, #tpu.memory_space<vmem>>
      %dma_wait3A_1845 = arith.constant 0 : i32
      %dma_wait3A_1846 = tpu.memref_slice %arg11[%dma_wait3A_1845] : memref<1000000xf32, #tpu.memory_space<vmem_shared>> -> memref<1000000xf32, #tpu.memory_space<vmem_shared>>
      tpu.wait_indirect_dma semaphore(%arg13 : memref<!tpu.dma_semaphore, #tpu.memory_space<semaphore_mem>>) src(%dma_wait3A_1846 : memref<1000000xf32, #tpu.memory_space<vmem_shared>>) dst(%dma_wait3A_1841 : memref<128xf32, #tpu.memory_space<vmem>>)
      %mul3A_1847 = arith.constant 10 : i32
      %mul3A_1848 = arith.muli %add3A_1798, %mul3A_1847 : i32
      %add3A_1849 = arith.constant 4 : i32
      %add3A_1850 = arith.addi %mul3A_1848, %add3A_1849 : i32
      %dma_wait3A_1851 = arith.constant 0 : i32
      %dma_wait3A_1852 = tpu.memref_slice %arg7[%add3A_1850, %dma_wait3A_1851] : memref<200x128xf32, #tpu.memory_space<vmem>> -> memref<1x128xf32, #tpu.memory_space<vmem>>
      %dma_wait3A_1853 = tpu.memref_squeeze %dma_wait3A_1852 : memref<1x128xf32, #tpu.memory_space<vmem>> -> memref<128xf32, #tpu.memory_space<vmem>>
      %dma_wait3A_1854 = arith.constant 0 : i32
      %dma_wait3A_1855 = tpu.memref_slice %arg6[%add3A_1850, %dma_wait3A_1854] : memref<200x128xi32, #tpu.memory_space<vmem>> -> memref<1x128xi32, #tpu.memory_space<vmem>>
      %dma_wait3A_1856 = tpu.memref_squeeze %dma_wait3A_1855 : memref<1x128xi32, #tpu.memory_space<vmem>> -> memref<128xi32, #tpu.memory_space<vmem>>
      %dma_wait3A_1857 = arith.constant 0 : i32
      %dma_wait3A_1858 = tpu.memref_slice %arg11[%dma_wait3A_1857] : memref<1000000xf32, #tpu.memory_space<vmem_shared>> -> memref<1000000xf32, #tpu.memory_space<vmem_shared>>
      tpu.wait_indirect_dma semaphore(%arg13 : memref<!tpu.dma_semaphore, #tpu.memory_space<semaphore_mem>>) src(%dma_wait3A_1858 : memref<1000000xf32, #tpu.memory_space<vmem_shared>>) dst(%dma_wait3A_1853 : memref<128xf32, #tpu.memory_space<vmem>>)
      %mul3A_1859 = arith.constant 10 : i32
      %mul3A_1860 = arith.muli %add3A_1798, %mul3A_1859 : i32
      %add3A_1861 = arith.constant 5 : i32
      %add3A_1862 = arith.addi %mul3A_1860, %add3A_1861 : i32
      %dma_wait3A_1863 = arith.constant 0 : i32
      %dma_wait3A_1864 = tpu.memref_slice %arg7[%add3A_1862, %dma_wait3A_1863] : memref<200x128xf32, #tpu.memory_space<vmem>> -> memref<1x128xf32, #tpu.memory_space<vmem>>
      %dma_wait3A_1865 = tpu.memref_squeeze %dma_wait3A_1864 : memref<1x128xf32, #tpu.memory_space<vmem>> -> memref<128xf32, #tpu.memory_space<vmem>>
      %dma_wait3A_1866 = arith.constant 0 : i32
      %dma_wait3A_1867 = tpu.memref_slice %arg6[%add3A_1862, %dma_wait3A_1866] : memref<200x128xi32, #tpu.memory_space<vmem>> -> memref<1x128xi32, #tpu.memory_space<vmem>>
      %dma_wait3A_1868 = tpu.memref_squeeze %dma_wait3A_1867 : memref<1x128xi32, #tpu.memory_space<vmem>> -> memref<128xi32, #tpu.memory_space<vmem>>
      %dma_wait3A_1869 = arith.constant 0 : i32
      %dma_wait3A_1870 = tpu.memref_slice %arg11[%dma_wait3A_1869] : memref<1000000xf32, #tpu.memory_space<vmem_shared>> -> memref<1000000xf32, #tpu.memory_space<vmem_shared>>
      tpu.wait_indirect_dma semaphore(%arg13 : memref<!tpu.dma_semaphore, #tpu.memory_space<semaphore_mem>>) src(%dma_wait3A_1870 : memref<1000000xf32, #tpu.memory_space<vmem_shared>>) dst(%dma_wait3A_1865 : memref<128xf32, #tpu.memory_space<vmem>>)
      %mul3A_1871 = arith.constant 10 : i32
      %mul3A_1872 = arith.muli %add3A_1798, %mul3A_1871 : i32
      %add3A_1873 = arith.constant 6 : i32
      %add3A_1874 = arith.addi %mul3A_1872, %add3A_1873 : i32
      %dma_wait3A_1875 = arith.constant 0 : i32
      %dma_wait3A_1876 = tpu.memref_slice %arg7[%add3A_1874, %dma_wait3A_1875] : memref<200x128xf32, #tpu.memory_space<vmem>> -> memref<1x128xf32, #tpu.memory_space<vmem>>
      %dma_wait3A_1877 = tpu.memref_squeeze %dma_wait3A_1876 : memref<1x128xf32, #tpu.memory_space<vmem>> -> memref<128xf32, #tpu.memory_space<vmem>>
      %dma_wait3A_1878 = arith.constant 0 : i32
      %dma_wait3A_1879 = tpu.memref_slice %arg6[%add3A_1874, %dma_wait3A_1878] : memref<200x128xi32, #tpu.memory_space<vmem>> -> memref<1x128xi32, #tpu.memory_space<vmem>>
      %dma_wait3A_1880 = tpu.memref_squeeze %dma_wait3A_1879 : memref<1x128xi32, #tpu.memory_space<vmem>> -> memref<128xi32, #tpu.memory_space<vmem>>
      %dma_wait3A_1881 = arith.constant 0 : i32
      %dma_wait3A_1882 = tpu.memref_slice %arg11[%dma_wait3A_1881] : memref<1000000xf32, #tpu.memory_space<vmem_shared>> -> memref<1000000xf32, #tpu.memory_space<vmem_shared>>
      tpu.wait_indirect_dma semaphore(%arg13 : memref<!tpu.dma_semaphore, #tpu.memory_space<semaphore_mem>>) src(%dma_wait3A_1882 : memref<1000000xf32, #tpu.memory_space<vmem_shared>>) dst(%dma_wait3A_1877 : memref<128xf32, #tpu.memory_space<vmem>>)
      %mul3A_1883 = arith.constant 10 : i32
      %mul3A_1884 = arith.muli %add3A_1798, %mul3A_1883 : i32
      %add3A_1885 = arith.constant 7 : i32
      %add3A_1886 = arith.addi %mul3A_1884, %add3A_1885 : i32
      %dma_wait3A_1887 = arith.constant 0 : i32
      %dma_wait3A_1888 = tpu.memref_slice %arg7[%add3A_1886, %dma_wait3A_1887] : memref<200x128xf32, #tpu.memory_space<vmem>> -> memref<1x128xf32, #tpu.memory_space<vmem>>
      %dma_wait3A_1889 = tpu.memref_squeeze %dma_wait3A_1888 : memref<1x128xf32, #tpu.memory_space<vmem>> -> memref<128xf32, #tpu.memory_space<vmem>>
      %dma_wait3A_1890 = arith.constant 0 : i32
      %dma_wait3A_1891 = tpu.memref_slice %arg6[%add3A_1886, %dma_wait3A_1890] : memref<200x128xi32, #tpu.memory_space<vmem>> -> memref<1x128xi32, #tpu.memory_space<vmem>>
      %dma_wait3A_1892 = tpu.memref_squeeze %dma_wait3A_1891 : memref<1x128xi32, #tpu.memory_space<vmem>> -> memref<128xi32, #tpu.memory_space<vmem>>
      %dma_wait3A_1893 = arith.constant 0 : i32
      %dma_wait3A_1894 = tpu.memref_slice %arg11[%dma_wait3A_1893] : memref<1000000xf32, #tpu.memory_space<vmem_shared>> -> memref<1000000xf32, #tpu.memory_space<vmem_shared>>
      tpu.wait_indirect_dma semaphore(%arg13 : memref<!tpu.dma_semaphore, #tpu.memory_space<semaphore_mem>>) src(%dma_wait3A_1894 : memref<1000000xf32, #tpu.memory_space<vmem_shared>>) dst(%dma_wait3A_1889 : memref<128xf32, #tpu.memory_space<vmem>>)
      %mul3A_1895 = arith.constant 10 : i32
      %mul3A_1896 = arith.muli %add3A_1798, %mul3A_1895 : i32
      %add3A_1897 = arith.constant 8 : i32
      %add3A_1898 = arith.addi %mul3A_1896, %add3A_1897 : i32
      %dma_wait3A_1899 = arith.constant 0 : i32
      %dma_wait3A_1900 = tpu.memref_slice %arg7[%add3A_1898, %dma_wait3A_1899] : memref<200x128xf32, #tpu.memory_space<vmem>> -> memref<1x128xf32, #tpu.memory_space<vmem>>
      %dma_wait3A_1901 = tpu.memref_squeeze %dma_wait3A_1900 : memref<1x128xf32, #tpu.memory_space<vmem>> -> memref<128xf32, #tpu.memory_space<vmem>>
      %dma_wait3A_1902 = arith.constant 0 : i32
      %dma_wait3A_1903 = tpu.memref_slice %arg6[%add3A_1898, %dma_wait3A_1902] : memref<200x128xi32, #tpu.memory_space<vmem>> -> memref<1x128xi32, #tpu.memory_space<vmem>>
      %dma_wait3A_1904 = tpu.memref_squeeze %dma_wait3A_1903 : memref<1x128xi32, #tpu.memory_space<vmem>> -> memref<128xi32, #tpu.memory_space<vmem>>
      %dma_wait3A_1905 = arith.constant 0 : i32
      %dma_wait3A_1906 = tpu.memref_slice %arg11[%dma_wait3A_1905] : memref<1000000xf32, #tpu.memory_space<vmem_shared>> -> memref<1000000xf32, #tpu.memory_space<vmem_shared>>
      tpu.wait_indirect_dma semaphore(%arg13 : memref<!tpu.dma_semaphore, #tpu.memory_space<semaphore_mem>>) src(%dma_wait3A_1906 : memref<1000000xf32, #tpu.memory_space<vmem_shared>>) dst(%dma_wait3A_1901 : memref<128xf32, #tpu.memory_space<vmem>>)
      %mul3A_1907 = arith.constant 10 : i32
      %mul3A_1908 = arith.muli %add3A_1798, %mul3A_1907 : i32
      %add3A_1909 = arith.constant 9 : i32
      %add3A_1910 = arith.addi %mul3A_1908, %add3A_1909 : i32
      %dma_wait3A_1911 = arith.constant 0 : i32
      %dma_wait3A_1912 = tpu.memref_slice %arg7[%add3A_1910, %dma_wait3A_1911] : memref<200x128xf32, #tpu.memory_space<vmem>> -> memref<1x128xf32, #tpu.memory_space<vmem>>
      %dma_wait3A_1913 = tpu.memref_squeeze %dma_wait3A_1912 : memref<1x128xf32, #tpu.memory_space<vmem>> -> memref<128xf32, #tpu.memory_space<vmem>>
      %dma_wait3A_1914 = arith.constant 0 : i32
      %dma_wait3A_1915 = tpu.memref_slice %arg6[%add3A_1910, %dma_wait3A_1914] : memref<200x128xi32, #tpu.memory_space<vmem>> -> memref<1x128xi32, #tpu.memory_space<vmem>>
      %dma_wait3A_1916 = tpu.memref_squeeze %dma_wait3A_1915 : memref<1x128xi32, #tpu.memory_space<vmem>> -> memref<128xi32, #tpu.memory_space<vmem>>
      %dma_wait3A_1917 = arith.constant 0 : i32
      %dma_wait3A_1918 = tpu.memref_slice %arg11[%dma_wait3A_1917] : memref<1000000xf32, #tpu.memory_space<vmem_shared>> -> memref<1000000xf32, #tpu.memory_space<vmem_shared>>
      tpu.wait_indirect_dma semaphore(%arg13 : memref<!tpu.dma_semaphore, #tpu.memory_space<semaphore_mem>>) src(%dma_wait3A_1918 : memref<1000000xf32, #tpu.memory_space<vmem_shared>>) dst(%dma_wait3A_1913 : memref<128xf32, #tpu.memory_space<vmem>>)
      %add3A_1919 = arith.constant 2 : i32
      %add3A_1920 = arith.addi %add3A_1798, %add3A_1919 : i32
      %lt3A_1921 = arith.constant 20 : i32
      %lt3A_1922 = arith.cmpi slt, %add3A_1920, %lt3A_1921 : i32
      %convert_element_type3A_1923 = arith.extui %lt3A_1922 : i1 to i32
      %cond3A_1924 = arith.constant 0 : i32
      %cond3A_1925 = arith.cmpi ne, %convert_element_type3A_1923, %cond3A_1924 : i32
      scf.if %cond3A_1925 {
        %add3A_3246 = arith.constant 2 : i32
        %add3A_3247 = arith.addi %add3A_1798, %add3A_3246 : i32
        %mul3A_3248 = arith.constant 10 : i32
        %mul3A_3249 = arith.muli %add3A_3247, %mul3A_3248 : i32
        %add3A_3250 = arith.constant 0 : i32
        %add3A_3251 = arith.addi %mul3A_3249, %add3A_3250 : i32
        %dma_start3A_3252 = arith.constant 0 : i32
        %dma_start3A_3253 = tpu.memref_slice %arg7[%add3A_3251, %dma_start3A_3252] : memref<200x128xf32, #tpu.memory_space<vmem>> -> memref<1x128xf32, #tpu.memory_space<vmem>>
        %dma_start3A_3254 = tpu.memref_squeeze %dma_start3A_3253 : memref<1x128xf32, #tpu.memory_space<vmem>> -> memref<128xf32, #tpu.memory_space<vmem>>
        %dma_start3A_3255 = arith.constant 0 : i32
        %dma_start3A_3256 = tpu.memref_slice %arg6[%add3A_3251, %dma_start3A_3255] : memref<200x128xi32, #tpu.memory_space<vmem>> -> memref<1x128xi32, #tpu.memory_space<vmem>>
        %dma_start3A_3257 = tpu.memref_squeeze %dma_start3A_3256 : memref<1x128xi32, #tpu.memory_space<vmem>> -> memref<128xi32, #tpu.memory_space<vmem>>
        %dma_start3A_3258 = arith.constant 0 : i32
        %dma_start3A_3259 = tpu.memref_slice %arg11[%dma_start3A_3258] : memref<1000000xf32, #tpu.memory_space<vmem_shared>> -> memref<1000000xf32, #tpu.memory_space<vmem_shared>>
        tpu.enqueue_indirect_dma source(%dma_start3A_3259 : memref<1000000xf32, #tpu.memory_space<vmem_shared>>) target(%dma_start3A_3254 : memref<128xf32, #tpu.memory_space<vmem>>) offsets(%dma_start3A_3257 : memref<128xi32, #tpu.memory_space<vmem>>) semaphore(%arg13 : memref<!tpu.dma_semaphore, #tpu.memory_space<semaphore_mem>>)
        %mul3A_3260 = arith.constant 10 : i32
        %mul3A_3261 = arith.muli %add3A_3247, %mul3A_3260 : i32
        %add3A_3262 = arith.constant 1 : i32
        %add3A_3263 = arith.addi %mul3A_3261, %add3A_3262 : i32
        %dma_start3A_3264 = arith.constant 0 : i32
        %dma_start3A_3265 = tpu.memref_slice %arg7[%add3A_3263, %dma_start3A_3264] : memref<200x128xf32, #tpu.memory_space<vmem>> -> memref<1x128xf32, #tpu.memory_space<vmem>>
        %dma_start3A_3266 = tpu.memref_squeeze %dma_start3A_3265 : memref<1x128xf32, #tpu.memory_space<vmem>> -> memref<128xf32, #tpu.memory_space<vmem>>
        %dma_start3A_3267 = arith.constant 0 : i32
        %dma_start3A_3268 = tpu.memref_slice %arg6[%add3A_3263, %dma_start3A_3267] : memref<200x128xi32, #tpu.memory_space<vmem>> -> memref<1x128xi32, #tpu.memory_space<vmem>>
        %dma_start3A_3269 = tpu.memref_squeeze %dma_start3A_3268 : memref<1x128xi32, #tpu.memory_space<vmem>> -> memref<128xi32, #tpu.memory_space<vmem>>
        %dma_start3A_3270 = arith.constant 0 : i32
        %dma_start3A_3271 = tpu.memref_slice %arg11[%dma_start3A_3270] : memref<1000000xf32, #tpu.memory_space<vmem_shared>> -> memref<1000000xf32, #tpu.memory_space<vmem_shared>>
        tpu.enqueue_indirect_dma source(%dma_start3A_3271 : memref<1000000xf32, #tpu.memory_space<vmem_shared>>) target(%dma_start3A_3266 : memref<128xf32, #tpu.memory_space<vmem>>) offsets(%dma_start3A_3269 : memref<128xi32, #tpu.memory_space<vmem>>) semaphore(%arg13 : memref<!tpu.dma_semaphore, #tpu.memory_space<semaphore_mem>>)
        %mul3A_3272 = arith.constant 10 : i32
        %mul3A_3273 = arith.muli %add3A_3247, %mul3A_3272 : i32
        %add3A_3274 = arith.constant 2 : i32
        %add3A_3275 = arith.addi %mul3A_3273, %add3A_3274 : i32
        %dma_start3A_3276 = arith.constant 0 : i32
        %dma_start3A_3277 = tpu.memref_slice %arg7[%add3A_3275, %dma_start3A_3276] : memref<200x128xf32, #tpu.memory_space<vmem>> -> memref<1x128xf32, #tpu.memory_space<vmem>>
        %dma_start3A_3278 = tpu.memref_squeeze %dma_start3A_3277 : memref<1x128xf32, #tpu.memory_space<vmem>> -> memref<128xf32, #tpu.memory_space<vmem>>
        %dma_start3A_3279 = arith.constant 0 : i32
        %dma_start3A_3280 = tpu.memref_slice %arg6[%add3A_3275, %dma_start3A_3279] : memref<200x128xi32, #tpu.memory_space<vmem>> -> memref<1x128xi32, #tpu.memory_space<vmem>>
        %dma_start3A_3281 = tpu.memref_squeeze %dma_start3A_3280 : memref<1x128xi32, #tpu.memory_space<vmem>> -> memref<128xi32, #tpu.memory_space<vmem>>
        %dma_start3A_3282 = arith.constant 0 : i32
        %dma_start3A_3283 = tpu.memref_slice %arg11[%dma_start3A_3282] : memref<1000000xf32, #tpu.memory_space<vmem_shared>> -> memref<1000000xf32, #tpu.memory_space<vmem_shared>>
        tpu.enqueue_indirect_dma source(%dma_start3A_3283 : memref<1000000xf32, #tpu.memory_space<vmem_shared>>) target(%dma_start3A_3278 : memref<128xf32, #tpu.memory_space<vmem>>) offsets(%dma_start3A_3281 : memref<128xi32, #tpu.memory_space<vmem>>) semaphore(%arg13 : memref<!tpu.dma_semaphore, #tpu.memory_space<semaphore_mem>>)
        %mul3A_3284 = arith.constant 10 : i32
        %mul3A_3285 = arith.muli %add3A_3247, %mul3A_3284 : i32
        %add3A_3286 = arith.constant 3 : i32
        %add3A_3287 = arith.addi %mul3A_3285, %add3A_3286 : i32
        %dma_start3A_3288 = arith.constant 0 : i32
        %dma_start3A_3289 = tpu.memref_slice %arg7[%add3A_3287, %dma_start3A_3288] : memref<200x128xf32, #tpu.memory_space<vmem>> -> memref<1x128xf32, #tpu.memory_space<vmem>>
        %dma_start3A_3290 = tpu.memref_squeeze %dma_start3A_3289 : memref<1x128xf32, #tpu.memory_space<vmem>> -> memref<128xf32, #tpu.memory_space<vmem>>
        %dma_start3A_3291 = arith.constant 0 : i32
        %dma_start3A_3292 = tpu.memref_slice %arg6[%add3A_3287, %dma_start3A_3291] : memref<200x128xi32, #tpu.memory_space<vmem>> -> memref<1x128xi32, #tpu.memory_space<vmem>>
        %dma_start3A_3293 = tpu.memref_squeeze %dma_start3A_3292 : memref<1x128xi32, #tpu.memory_space<vmem>> -> memref<128xi32, #tpu.memory_space<vmem>>
        %dma_start3A_3294 = arith.constant 0 : i32
        %dma_start3A_3295 = tpu.memref_slice %arg11[%dma_start3A_3294] : memref<1000000xf32, #tpu.memory_space<vmem_shared>> -> memref<1000000xf32, #tpu.memory_space<vmem_shared>>
        tpu.enqueue_indirect_dma source(%dma_start3A_3295 : memref<1000000xf32, #tpu.memory_space<vmem_shared>>) target(%dma_start3A_3290 : memref<128xf32, #tpu.memory_space<vmem>>) offsets(%dma_start3A_3293 : memref<128xi32, #tpu.memory_space<vmem>>) semaphore(%arg13 : memref<!tpu.dma_semaphore, #tpu.memory_space<semaphore_mem>>)
        %mul3A_3296 = arith.constant 10 : i32
        %mul3A_3297 = arith.muli %add3A_3247, %mul3A_3296 : i32
        %add3A_3298 = arith.constant 4 : i32
        %add3A_3299 = arith.addi %mul3A_3297, %add3A_3298 : i32
        %dma_start3A_3300 = arith.constant 0 : i32
        %dma_start3A_3301 = tpu.memref_slice %arg7[%add3A_3299, %dma_start3A_3300] : memref<200x128xf32, #tpu.memory_space<vmem>> -> memref<1x128xf32, #tpu.memory_space<vmem>>
        %dma_start3A_3302 = tpu.memref_squeeze %dma_start3A_3301 : memref<1x128xf32, #tpu.memory_space<vmem>> -> memref<128xf32, #tpu.memory_space<vmem>>
        %dma_start3A_3303 = arith.constant 0 : i32
        %dma_start3A_3304 = tpu.memref_slice %arg6[%add3A_3299, %dma_start3A_3303] : memref<200x128xi32, #tpu.memory_space<vmem>> -> memref<1x128xi32, #tpu.memory_space<vmem>>
        %dma_start3A_3305 = tpu.memref_squeeze %dma_start3A_3304 : memref<1x128xi32, #tpu.memory_space<vmem>> -> memref<128xi32, #tpu.memory_space<vmem>>
        %dma_start3A_3306 = arith.constant 0 : i32
        %dma_start3A_3307 = tpu.memref_slice %arg11[%dma_start3A_3306] : memref<1000000xf32, #tpu.memory_space<vmem_shared>> -> memref<1000000xf32, #tpu.memory_space<vmem_shared>>
        tpu.enqueue_indirect_dma source(%dma_start3A_3307 : memref<1000000xf32, #tpu.memory_space<vmem_shared>>) target(%dma_start3A_3302 : memref<128xf32, #tpu.memory_space<vmem>>) offsets(%dma_start3A_3305 : memref<128xi32, #tpu.memory_space<vmem>>) semaphore(%arg13 : memref<!tpu.dma_semaphore, #tpu.memory_space<semaphore_mem>>)
        %mul3A_3308 = arith.constant 10 : i32
        %mul3A_3309 = arith.muli %add3A_3247, %mul3A_3308 : i32
        %add3A_3310 = arith.constant 5 : i32
        %add3A_3311 = arith.addi %mul3A_3309, %add3A_3310 : i32
        %dma_start3A_3312 = arith.constant 0 : i32
        %dma_start3A_3313 = tpu.memref_slice %arg7[%add3A_3311, %dma_start3A_3312] : memref<200x128xf32, #tpu.memory_space<vmem>> -> memref<1x128xf32, #tpu.memory_space<vmem>>
        %dma_start3A_3314 = tpu.memref_squeeze %dma_start3A_3313 : memref<1x128xf32, #tpu.memory_space<vmem>> -> memref<128xf32, #tpu.memory_space<vmem>>
        %dma_start3A_3315 = arith.constant 0 : i32
        %dma_start3A_3316 = tpu.memref_slice %arg6[%add3A_3311, %dma_start3A_3315] : memref<200x128xi32, #tpu.memory_space<vmem>> -> memref<1x128xi32, #tpu.memory_space<vmem>>
        %dma_start3A_3317 = tpu.memref_squeeze %dma_start3A_3316 : memref<1x128xi32, #tpu.memory_space<vmem>> -> memref<128xi32, #tpu.memory_space<vmem>>
        %dma_start3A_3318 = arith.constant 0 : i32
        %dma_start3A_3319 = tpu.memref_slice %arg11[%dma_start3A_3318] : memref<1000000xf32, #tpu.memory_space<vmem_shared>> -> memref<1000000xf32, #tpu.memory_space<vmem_shared>>
        tpu.enqueue_indirect_dma source(%dma_start3A_3319 : memref<1000000xf32, #tpu.memory_space<vmem_shared>>) target(%dma_start3A_3314 : memref<128xf32, #tpu.memory_space<vmem>>) offsets(%dma_start3A_3317 : memref<128xi32, #tpu.memory_space<vmem>>) semaphore(%arg13 : memref<!tpu.dma_semaphore, #tpu.memory_space<semaphore_mem>>)
        %mul3A_3320 = arith.constant 10 : i32
        %mul3A_3321 = arith.muli %add3A_3247, %mul3A_3320 : i32
        %add3A_3322 = arith.constant 6 : i32
        %add3A_3323 = arith.addi %mul3A_3321, %add3A_3322 : i32
        %dma_start3A_3324 = arith.constant 0 : i32
        %dma_start3A_3325 = tpu.memref_slice %arg7[%add3A_3323, %dma_start3A_3324] : memref<200x128xf32, #tpu.memory_space<vmem>> -> memref<1x128xf32, #tpu.memory_space<vmem>>
        %dma_start3A_3326 = tpu.memref_squeeze %dma_start3A_3325 : memref<1x128xf32, #tpu.memory_space<vmem>> -> memref<128xf32, #tpu.memory_space<vmem>>
        %dma_start3A_3327 = arith.constant 0 : i32
        %dma_start3A_3328 = tpu.memref_slice %arg6[%add3A_3323, %dma_start3A_3327] : memref<200x128xi32, #tpu.memory_space<vmem>> -> memref<1x128xi32, #tpu.memory_space<vmem>>
        %dma_start3A_3329 = tpu.memref_squeeze %dma_start3A_3328 : memref<1x128xi32, #tpu.memory_space<vmem>> -> memref<128xi32, #tpu.memory_space<vmem>>
        %dma_start3A_3330 = arith.constant 0 : i32
        %dma_start3A_3331 = tpu.memref_slice %arg11[%dma_start3A_3330] : memref<1000000xf32, #tpu.memory_space<vmem_shared>> -> memref<1000000xf32, #tpu.memory_space<vmem_shared>>
        tpu.enqueue_indirect_dma source(%dma_start3A_3331 : memref<1000000xf32, #tpu.memory_space<vmem_shared>>) target(%dma_start3A_3326 : memref<128xf32, #tpu.memory_space<vmem>>) offsets(%dma_start3A_3329 : memref<128xi32, #tpu.memory_space<vmem>>) semaphore(%arg13 : memref<!tpu.dma_semaphore, #tpu.memory_space<semaphore_mem>>)
        %mul3A_3332 = arith.constant 10 : i32
        %mul3A_3333 = arith.muli %add3A_3247, %mul3A_3332 : i32
        %add3A_3334 = arith.constant 7 : i32
        %add3A_3335 = arith.addi %mul3A_3333, %add3A_3334 : i32
        %dma_start3A_3336 = arith.constant 0 : i32
        %dma_start3A_3337 = tpu.memref_slice %arg7[%add3A_3335, %dma_start3A_3336] : memref<200x128xf32, #tpu.memory_space<vmem>> -> memref<1x128xf32, #tpu.memory_space<vmem>>
        %dma_start3A_3338 = tpu.memref_squeeze %dma_start3A_3337 : memref<1x128xf32, #tpu.memory_space<vmem>> -> memref<128xf32, #tpu.memory_space<vmem>>
        %dma_start3A_3339 = arith.constant 0 : i32
        %dma_start3A_3340 = tpu.memref_slice %arg6[%add3A_3335, %dma_start3A_3339] : memref<200x128xi32, #tpu.memory_space<vmem>> -> memref<1x128xi32, #tpu.memory_space<vmem>>
        %dma_start3A_3341 = tpu.memref_squeeze %dma_start3A_3340 : memref<1x128xi32, #tpu.memory_space<vmem>> -> memref<128xi32, #tpu.memory_space<vmem>>
        %dma_start3A_3342 = arith.constant 0 : i32
        %dma_start3A_3343 = tpu.memref_slice %arg11[%dma_start3A_3342] : memref<1000000xf32, #tpu.memory_space<vmem_shared>> -> memref<1000000xf32, #tpu.memory_space<vmem_shared>>
        tpu.enqueue_indirect_dma source(%dma_start3A_3343 : memref<1000000xf32, #tpu.memory_space<vmem_shared>>) target(%dma_start3A_3338 : memref<128xf32, #tpu.memory_space<vmem>>) offsets(%dma_start3A_3341 : memref<128xi32, #tpu.memory_space<vmem>>) semaphore(%arg13 : memref<!tpu.dma_semaphore, #tpu.memory_space<semaphore_mem>>)
        %mul3A_3344 = arith.constant 10 : i32
        %mul3A_3345 = arith.muli %add3A_3247, %mul3A_3344 : i32
        %add3A_3346 = arith.constant 8 : i32
        %add3A_3347 = arith.addi %mul3A_3345, %add3A_3346 : i32
        %dma_start3A_3348 = arith.constant 0 : i32
        %dma_start3A_3349 = tpu.memref_slice %arg7[%add3A_3347, %dma_start3A_3348] : memref<200x128xf32, #tpu.memory_space<vmem>> -> memref<1x128xf32, #tpu.memory_space<vmem>>
        %dma_start3A_3350 = tpu.memref_squeeze %dma_start3A_3349 : memref<1x128xf32, #tpu.memory_space<vmem>> -> memref<128xf32, #tpu.memory_space<vmem>>
        %dma_start3A_3351 = arith.constant 0 : i32
        %dma_start3A_3352 = tpu.memref_slice %arg6[%add3A_3347, %dma_start3A_3351] : memref<200x128xi32, #tpu.memory_space<vmem>> -> memref<1x128xi32, #tpu.memory_space<vmem>>
        %dma_start3A_3353 = tpu.memref_squeeze %dma_start3A_3352 : memref<1x128xi32, #tpu.memory_space<vmem>> -> memref<128xi32, #tpu.memory_space<vmem>>
        %dma_start3A_3354 = arith.constant 0 : i32
        %dma_start3A_3355 = tpu.memref_slice %arg11[%dma_start3A_3354] : memref<1000000xf32, #tpu.memory_space<vmem_shared>> -> memref<1000000xf32, #tpu.memory_space<vmem_shared>>
        tpu.enqueue_indirect_dma source(%dma_start3A_3355 : memref<1000000xf32, #tpu.memory_space<vmem_shared>>) target(%dma_start3A_3350 : memref<128xf32, #tpu.memory_space<vmem>>) offsets(%dma_start3A_3353 : memref<128xi32, #tpu.memory_space<vmem>>) semaphore(%arg13 : memref<!tpu.dma_semaphore, #tpu.memory_space<semaphore_mem>>)
        %mul3A_3356 = arith.constant 10 : i32
        %mul3A_3357 = arith.muli %add3A_3247, %mul3A_3356 : i32
        %add3A_3358 = arith.constant 9 : i32
        %add3A_3359 = arith.addi %mul3A_3357, %add3A_3358 : i32
        %dma_start3A_3360 = arith.constant 0 : i32
        %dma_start3A_3361 = tpu.memref_slice %arg7[%add3A_3359, %dma_start3A_3360] : memref<200x128xf32, #tpu.memory_space<vmem>> -> memref<1x128xf32, #tpu.memory_space<vmem>>
        %dma_start3A_3362 = tpu.memref_squeeze %dma_start3A_3361 : memref<1x128xf32, #tpu.memory_space<vmem>> -> memref<128xf32, #tpu.memory_space<vmem>>
        %dma_start3A_3363 = arith.constant 0 : i32
        %dma_start3A_3364 = tpu.memref_slice %arg6[%add3A_3359, %dma_start3A_3363] : memref<200x128xi32, #tpu.memory_space<vmem>> -> memref<1x128xi32, #tpu.memory_space<vmem>>
        %dma_start3A_3365 = tpu.memref_squeeze %dma_start3A_3364 : memref<1x128xi32, #tpu.memory_space<vmem>> -> memref<128xi32, #tpu.memory_space<vmem>>
        %dma_start3A_3366 = arith.constant 0 : i32
        %dma_start3A_3367 = tpu.memref_slice %arg11[%dma_start3A_3366] : memref<1000000xf32, #tpu.memory_space<vmem_shared>> -> memref<1000000xf32, #tpu.memory_space<vmem_shared>>
        tpu.enqueue_indirect_dma source(%dma_start3A_3367 : memref<1000000xf32, #tpu.memory_space<vmem_shared>>) target(%dma_start3A_3362 : memref<128xf32, #tpu.memory_space<vmem>>) offsets(%dma_start3A_3365 : memref<128xi32, #tpu.memory_space<vmem>>) semaphore(%arg13 : memref<!tpu.dma_semaphore, #tpu.memory_space<semaphore_mem>>)
      } else {
      }
      %mul3A_1926 = arith.constant 10 : i32
      %mul3A_1927 = arith.muli %add3A_1798, %mul3A_1926 : i32
      %add3A_1928 = arith.constant 0 : i32
      %add3A_1929 = arith.addi %mul3A_1927, %add3A_1928 : i32
      %get3A_1930 = arith.index_cast %add3A_1929 : i32 to index
      %get3A_1931 = arith.constant 0 : index
      %get3A_1932 = tpu.vector_load %arg7[%get3A_1930, %get3A_1931] {strides = array<i32>} : memref<200x128xf32, #tpu.memory_space<vmem>>, vector<16xf32>,
      %add3A_1933 = arith.addf %add3A_1672, %get3A_1932 : vector<16xf32>
      %get3A_1934 = arith.index_cast %add3A_1929 : i32 to index
      %get3A_1935 = arith.constant 16 : index
      %get3A_1936 = tpu.vector_load %arg7[%get3A_1934, %get3A_1935] {strides = array<i32>} : memref<200x128xf32, #tpu.memory_space<vmem>>, vector<16xf32>,
      %add3A_1937 = arith.addf %add3A_1676, %get3A_1936 : vector<16xf32>
      %get3A_1938 = arith.index_cast %add3A_1929 : i32 to index
      %get3A_1939 = arith.constant 32 : index
      %get3A_1940 = tpu.vector_load %arg7[%get3A_1938, %get3A_1939] {strides = array<i32>} : memref<200x128xf32, #tpu.memory_space<vmem>>, vector<16xf32>,
      %add3A_1941 = arith.addf %add3A_1680, %get3A_1940 : vector<16xf32>
      %get3A_1942 = arith.index_cast %add3A_1929 : i32 to index
      %get3A_1943 = arith.constant 48 : index
      %get3A_1944 = tpu.vector_load %arg7[%get3A_1942, %get3A_1943] {strides = array<i32>} : memref<200x128xf32, #tpu.memory_space<vmem>>, vector<16xf32>,
      %add3A_1945 = arith.addf %add3A_1684, %get3A_1944 : vector<16xf32>
      %get3A_1946 = arith.index_cast %add3A_1929 : i32 to index
      %get3A_1947 = arith.constant 64 : index
      %get3A_1948 = tpu.vector_load %arg7[%get3A_1946, %get3A_1947] {strides = array<i32>} : memref<200x128xf32, #tpu.memory_space<vmem>>, vector<16xf32>,
      %add3A_1949 = arith.addf %add3A_1688, %get3A_1948 : vector<16xf32>
      %get3A_1950 = arith.index_cast %add3A_1929 : i32 to index
      %get3A_1951 = arith.constant 80 : index
      %get3A_1952 = tpu.vector_load %arg7[%get3A_1950, %get3A_1951] {strides = array<i32>} : memref<200x128xf32, #tpu.memory_space<vmem>>, vector<16xf32>,
      %add3A_1953 = arith.addf %add3A_1692, %get3A_1952 : vector<16xf32>
      %get3A_1954 = arith.index_cast %add3A_1929 : i32 to index
      %get3A_1955 = arith.constant 96 : index
      %get3A_1956 = tpu.vector_load %arg7[%get3A_1954, %get3A_1955] {strides = array<i32>} : memref<200x128xf32, #tpu.memory_space<vmem>>, vector<16xf32>,
      %add3A_1957 = arith.addf %add3A_1696, %get3A_1956 : vector<16xf32>
      %get3A_1958 = arith.index_cast %add3A_1929 : i32 to index
      %get3A_1959 = arith.constant 112 : index
      %get3A_1960 = tpu.vector_load %arg7[%get3A_1958, %get3A_1959] {strides = array<i32>} : memref<200x128xf32, #tpu.memory_space<vmem>>, vector<16xf32>,
      %add3A_1961 = arith.addf %add3A_1700, %get3A_1960 : vector<16xf32>
      %get3A_1962 = arith.index_cast %add3A_1929 : i32 to index
      %get3A_1963 = arith.constant 0 : index
      %get3A_1964 = tpu.vector_load %arg6[%get3A_1962, %get3A_1963] {strides = array<i32>} : memref<200x128xi32, #tpu.memory_space<vmem>>, vector<16xi32>,
      %ne3A_1965 = arith.constant 0 : i32
      %ne3A_1966 = vector.broadcast %ne3A_1965 : i32 to vector<16xi32>
      %ne3A_1967 = arith.cmpi ne, %get3A_1964, %ne3A_1966 : vector<16xi32>
      %jit3A_1968 = arith.constant 1.000000e+00 : f32
      %jit3A_1969 = arith.constant 0.000000e+00 : f32
      %broadcast_in_dim3A_1970 = vector.broadcast %jit3A_1968 : f32 to vector<16xf32>
      %broadcast_in_dim3A_1971 = vector.broadcast %jit3A_1969 : f32 to vector<16xf32>
      %select_n3A_1972 = arith.select %ne3A_1967, %broadcast_in_dim3A_1970, %broadcast_in_dim3A_1971 : vector<16xi1>, vector<16xf32>
      %add3A_1973 = arith.addf %add3A_1712, %select_n3A_1972 : vector<16xf32>
      %get3A_1974 = arith.index_cast %add3A_1929 : i32 to index
      %get3A_1975 = arith.constant 16 : index
      %get3A_1976 = tpu.vector_load %arg6[%get3A_1974, %get3A_1975] {strides = array<i32>} : memref<200x128xi32, #tpu.memory_space<vmem>>, vector<16xi32>,
      %ne3A_1977 = arith.constant 0 : i32
      %ne3A_1978 = vector.broadcast %ne3A_1977 : i32 to vector<16xi32>
      %ne3A_1979 = arith.cmpi ne, %get3A_1976, %ne3A_1978 : vector<16xi32>
      %jit3A_1980 = arith.constant 1.000000e+00 : f32
      %jit3A_1981 = arith.constant 0.000000e+00 : f32
      %broadcast_in_dim3A_1982 = vector.broadcast %jit3A_1980 : f32 to vector<16xf32>
      %broadcast_in_dim3A_1983 = vector.broadcast %jit3A_1981 : f32 to vector<16xf32>
      %select_n3A_1984 = arith.select %ne3A_1979, %broadcast_in_dim3A_1982, %broadcast_in_dim3A_1983 : vector<16xi1>, vector<16xf32>
      %add3A_1985 = arith.addf %add3A_1724, %select_n3A_1984 : vector<16xf32>
      %get3A_1986 = arith.index_cast %add3A_1929 : i32 to index
      %get3A_1987 = arith.constant 32 : index
      %get3A_1988 = tpu.vector_load %arg6[%get3A_1986, %get3A_1987] {strides = array<i32>} : memref<200x128xi32, #tpu.memory_space<vmem>>, vector<16xi32>,
      %ne3A_1989 = arith.constant 0 : i32
      %ne3A_1990 = vector.broadcast %ne3A_1989 : i32 to vector<16xi32>
      %ne3A_1991 = arith.cmpi ne, %get3A_1988, %ne3A_1990 : vector<16xi32>
      %jit3A_1992 = arith.constant 1.000000e+00 : f32
      %jit3A_1993 = arith.constant 0.000000e+00 : f32
      %broadcast_in_dim3A_1994 = vector.broadcast %jit3A_1992 : f32 to vector<16xf32>
      %broadcast_in_dim3A_1995 = vector.broadcast %jit3A_1993 : f32 to vector<16xf32>
      %select_n3A_1996 = arith.select %ne3A_1991, %broadcast_in_dim3A_1994, %broadcast_in_dim3A_1995 : vector<16xi1>, vector<16xf32>
      %add3A_1997 = arith.addf %add3A_1736, %select_n3A_1996 : vector<16xf32>
      %get3A_1998 = arith.index_cast %add3A_1929 : i32 to index
      %get3A_1999 = arith.constant 48 : index
      %get3A_2000 = tpu.vector_load %arg6[%get3A_1998, %get3A_1999] {strides = array<i32>} : memref<200x128xi32, #tpu.memory_space<vmem>>, vector<16xi32>,
      %ne3A_2001 = arith.constant 0 : i32
      %ne3A_2002 = vector.broadcast %ne3A_2001 : i32 to vector<16xi32>
      %ne3A_2003 = arith.cmpi ne, %get3A_2000, %ne3A_2002 : vector<16xi32>
      %jit3A_2004 = arith.constant 1.000000e+00 : f32
      %jit3A_2005 = arith.constant 0.000000e+00 : f32
      %broadcast_in_dim3A_2006 = vector.broadcast %jit3A_2004 : f32 to vector<16xf32>
      %broadcast_in_dim3A_2007 = vector.broadcast %jit3A_2005 : f32 to vector<16xf32>
      %select_n3A_2008 = arith.select %ne3A_2003, %broadcast_in_dim3A_2006, %broadcast_in_dim3A_2007 : vector<16xi1>, vector<16xf32>
      %add3A_2009 = arith.addf %add3A_1748, %select_n3A_2008 : vector<16xf32>
      %get3A_2010 = arith.index_cast %add3A_1929 : i32 to index
      %get3A_2011 = arith.constant 64 : index
      %get3A_2012 = tpu.vector_load %arg6[%get3A_2010, %get3A_2011] {strides = array<i32>} : memref<200x128xi32, #tpu.memory_space<vmem>>, vector<16xi32>,
      %ne3A_2013 = arith.constant 0 : i32
      %ne3A_2014 = vector.broadcast %ne3A_2013 : i32 to vector<16xi32>
      %ne3A_2015 = arith.cmpi ne, %get3A_2012, %ne3A_2014 : vector<16xi32>
      %jit3A_2016 = arith.constant 1.000000e+00 : f32
      %jit3A_2017 = arith.constant 0.000000e+00 : f32
      %broadcast_in_dim3A_2018 = vector.broadcast %jit3A_2016 : f32 to vector<16xf32>
      %broadcast_in_dim3A_2019 = vector.broadcast %jit3A_2017 : f32 to vector<16xf32>
      %select_n3A_2020 = arith.select %ne3A_2015, %broadcast_in_dim3A_2018, %broadcast_in_dim3A_2019 : vector<16xi1>, vector<16xf32>
      %add3A_2021 = arith.addf %add3A_1760, %select_n3A_2020 : vector<16xf32>
      %get3A_2022 = arith.index_cast %add3A_1929 : i32 to index
      %get3A_2023 = arith.constant 80 : index
      %get3A_2024 = tpu.vector_load %arg6[%get3A_2022, %get3A_2023] {strides = array<i32>} : memref<200x128xi32, #tpu.memory_space<vmem>>, vector<16xi32>,
      %ne3A_2025 = arith.constant 0 : i32
      %ne3A_2026 = vector.broadcast %ne3A_2025 : i32 to vector<16xi32>
      %ne3A_2027 = arith.cmpi ne, %get3A_2024, %ne3A_2026 : vector<16xi32>
      %jit3A_2028 = arith.constant 1.000000e+00 : f32
      %jit3A_2029 = arith.constant 0.000000e+00 : f32
      %broadcast_in_dim3A_2030 = vector.broadcast %jit3A_2028 : f32 to vector<16xf32>
      %broadcast_in_dim3A_2031 = vector.broadcast %jit3A_2029 : f32 to vector<16xf32>
      %select_n3A_2032 = arith.select %ne3A_2027, %broadcast_in_dim3A_2030, %broadcast_in_dim3A_2031 : vector<16xi1>, vector<16xf32>
      %add3A_2033 = arith.addf %add3A_1772, %select_n3A_2032 : vector<16xf32>
      %get3A_2034 = arith.index_cast %add3A_1929 : i32 to index
      %get3A_2035 = arith.constant 96 : index
      %get3A_2036 = tpu.vector_load %arg6[%get3A_2034, %get3A_2035] {strides = array<i32>} : memref<200x128xi32, #tpu.memory_space<vmem>>, vector<16xi32>,
      %ne3A_2037 = arith.constant 0 : i32
      %ne3A_2038 = vector.broadcast %ne3A_2037 : i32 to vector<16xi32>
      %ne3A_2039 = arith.cmpi ne, %get3A_2036, %ne3A_2038 : vector<16xi32>
      %jit3A_2040 = arith.constant 1.000000e+00 : f32
      %jit3A_2041 = arith.constant 0.000000e+00 : f32
      %broadcast_in_dim3A_2042 = vector.broadcast %jit3A_2040 : f32 to vector<16xf32>
      %broadcast_in_dim3A_2043 = vector.broadcast %jit3A_2041 : f32 to vector<16xf32>
      %select_n3A_2044 = arith.select %ne3A_2039, %broadcast_in_dim3A_2042, %broadcast_in_dim3A_2043 : vector<16xi1>, vector<16xf32>
      %add3A_2045 = arith.addf %add3A_1784, %select_n3A_2044 : vector<16xf32>
      %get3A_2046 = arith.index_cast %add3A_1929 : i32 to index
      %get3A_2047 = arith.constant 112 : index
      %get3A_2048 = tpu.vector_load %arg6[%get3A_2046, %get3A_2047] {strides = array<i32>} : memref<200x128xi32, #tpu.memory_space<vmem>>, vector<16xi32>,
      %ne3A_2049 = arith.constant 0 : i32
      %ne3A_2050 = vector.broadcast %ne3A_2049 : i32 to vector<16xi32>
      %ne3A_2051 = arith.cmpi ne, %get3A_2048, %ne3A_2050 : vector<16xi32>
      %jit3A_2052 = arith.constant 1.000000e+00 : f32
      %jit3A_2053 = arith.constant 0.000000e+00 : f32
      %broadcast_in_dim3A_2054 = vector.broadcast %jit3A_2052 : f32 to vector<16xf32>
      %broadcast_in_dim3A_2055 = vector.broadcast %jit3A_2053 : f32 to vector<16xf32>
      %select_n3A_2056 = arith.select %ne3A_2051, %broadcast_in_dim3A_2054, %broadcast_in_dim3A_2055 : vector<16xi1>, vector<16xf32>
      %add3A_2057 = arith.addf %add3A_1796, %select_n3A_2056 : vector<16xf32>
      %mul3A_2058 = arith.constant 10 : i32
      %mul3A_2059 = arith.muli %add3A_1798, %mul3A_2058 : i32
      %add3A_2060 = arith.constant 1 : i32
      %add3A_2061 = arith.addi %mul3A_2059, %add3A_2060 : i32
      %get3A_2062 = arith.index_cast %add3A_2061 : i32 to index
      %get3A_2063 = arith.constant 0 : index
      %get3A_2064 = tpu.vector_load %arg7[%get3A_2062, %get3A_2063] {strides = array<i32>} : memref<200x128xf32, #tpu.memory_space<vmem>>, vector<16xf32>,
      %add3A_2065 = arith.addf %add3A_1933, %get3A_2064 : vector<16xf32>
      %get3A_2066 = arith.index_cast %add3A_2061 : i32 to index
      %get3A_2067 = arith.constant 16 : index
      %get3A_2068 = tpu.vector_load %arg7[%get3A_2066, %get3A_2067] {strides = array<i32>} : memref<200x128xf32, #tpu.memory_space<vmem>>, vector<16xf32>,
      %add3A_2069 = arith.addf %add3A_1937, %get3A_2068 : vector<16xf32>
      %get3A_2070 = arith.index_cast %add3A_2061 : i32 to index
      %get3A_2071 = arith.constant 32 : index
      %get3A_2072 = tpu.vector_load %arg7[%get3A_2070, %get3A_2071] {strides = array<i32>} : memref<200x128xf32, #tpu.memory_space<vmem>>, vector<16xf32>,
      %add3A_2073 = arith.addf %add3A_1941, %get3A_2072 : vector<16xf32>
      %get3A_2074 = arith.index_cast %add3A_2061 : i32 to index
      %get3A_2075 = arith.constant 48 : index
      %get3A_2076 = tpu.vector_load %arg7[%get3A_2074, %get3A_2075] {strides = array<i32>} : memref<200x128xf32, #tpu.memory_space<vmem>>, vector<16xf32>,
      %add3A_2077 = arith.addf %add3A_1945, %get3A_2076 : vector<16xf32>
      %get3A_2078 = arith.index_cast %add3A_2061 : i32 to index
      %get3A_2079 = arith.constant 64 : index
      %get3A_2080 = tpu.vector_load %arg7[%get3A_2078, %get3A_2079] {strides = array<i32>} : memref<200x128xf32, #tpu.memory_space<vmem>>, vector<16xf32>,
      %add3A_2081 = arith.addf %add3A_1949, %get3A_2080 : vector<16xf32>
      %get3A_2082 = arith.index_cast %add3A_2061 : i32 to index
      %get3A_2083 = arith.constant 80 : index
      %get3A_2084 = tpu.vector_load %arg7[%get3A_2082, %get3A_2083] {strides = array<i32>} : memref<200x128xf32, #tpu.memory_space<vmem>>, vector<16xf32>,
      %add3A_2085 = arith.addf %add3A_1953, %get3A_2084 : vector<16xf32>
      %get3A_2086 = arith.index_cast %add3A_2061 : i32 to index
      %get3A_2087 = arith.constant 96 : index
      %get3A_2088 = tpu.vector_load %arg7[%get3A_2086, %get3A_2087] {strides = array<i32>} : memref<200x128xf32, #tpu.memory_space<vmem>>, vector<16xf32>,
      %add3A_2089 = arith.addf %add3A_1957, %get3A_2088 : vector<16xf32>
      %get3A_2090 = arith.index_cast %add3A_2061 : i32 to index
      %get3A_2091 = arith.constant 112 : index
      %get3A_2092 = tpu.vector_load %arg7[%get3A_2090, %get3A_2091] {strides = array<i32>} : memref<200x128xf32, #tpu.memory_space<vmem>>, vector<16xf32>,
      %add3A_2093 = arith.addf %add3A_1961, %get3A_2092 : vector<16xf32>
      %get3A_2094 = arith.index_cast %add3A_2061 : i32 to index
      %get3A_2095 = arith.constant 0 : index
      %get3A_2096 = tpu.vector_load %arg6[%get3A_2094, %get3A_2095] {strides = array<i32>} : memref<200x128xi32, #tpu.memory_space<vmem>>, vector<16xi32>,
      %ne3A_2097 = arith.constant 0 : i32
      %ne3A_2098 = vector.broadcast %ne3A_2097 : i32 to vector<16xi32>
      %ne3A_2099 = arith.cmpi ne, %get3A_2096, %ne3A_2098 : vector<16xi32>
      %jit3A_2100 = arith.constant 1.000000e+00 : f32
      %jit3A_2101 = arith.constant 0.000000e+00 : f32
      %broadcast_in_dim3A_2102 = vector.broadcast %jit3A_2100 : f32 to vector<16xf32>
      %broadcast_in_dim3A_2103 = vector.broadcast %jit3A_2101 : f32 to vector<16xf32>
      %select_n3A_2104 = arith.select %ne3A_2099, %broadcast_in_dim3A_2102, %broadcast_in_dim3A_2103 : vector<16xi1>, vector<16xf32>
      %add3A_2105 = arith.addf %add3A_1973, %select_n3A_2104 : vector<16xf32>
      %get3A_2106 = arith.index_cast %add3A_2061 : i32 to index
      %get3A_2107 = arith.constant 16 : index
      %get3A_2108 = tpu.vector_load %arg6[%get3A_2106, %get3A_2107] {strides = array<i32>} : memref<200x128xi32, #tpu.memory_space<vmem>>, vector<16xi32>,
      %ne3A_2109 = arith.constant 0 : i32
      %ne3A_2110 = vector.broadcast %ne3A_2109 : i32 to vector<16xi32>
      %ne3A_2111 = arith.cmpi ne, %get3A_2108, %ne3A_2110 : vector<16xi32>
      %jit3A_2112 = arith.constant 1.000000e+00 : f32
      %jit3A_2113 = arith.constant 0.000000e+00 : f32
      %broadcast_in_dim3A_2114 = vector.broadcast %jit3A_2112 : f32 to vector<16xf32>
      %broadcast_in_dim3A_2115 = vector.broadcast %jit3A_2113 : f32 to vector<16xf32>
      %select_n3A_2116 = arith.select %ne3A_2111, %broadcast_in_dim3A_2114, %broadcast_in_dim3A_2115 : vector<16xi1>, vector<16xf32>
      %add3A_2117 = arith.addf %add3A_1985, %select_n3A_2116 : vector<16xf32>
      %get3A_2118 = arith.index_cast %add3A_2061 : i32 to index
      %get3A_2119 = arith.constant 32 : index
      %get3A_2120 = tpu.vector_load %arg6[%get3A_2118, %get3A_2119] {strides = array<i32>} : memref<200x128xi32, #tpu.memory_space<vmem>>, vector<16xi32>,
      %ne3A_2121 = arith.constant 0 : i32
      %ne3A_2122 = vector.broadcast %ne3A_2121 : i32 to vector<16xi32>
      %ne3A_2123 = arith.cmpi ne, %get3A_2120, %ne3A_2122 : vector<16xi32>
      %jit3A_2124 = arith.constant 1.000000e+00 : f32
      %jit3A_2125 = arith.constant 0.000000e+00 : f32
      %broadcast_in_dim3A_2126 = vector.broadcast %jit3A_2124 : f32 to vector<16xf32>
      %broadcast_in_dim3A_2127 = vector.broadcast %jit3A_2125 : f32 to vector<16xf32>
      %select_n3A_2128 = arith.select %ne3A_2123, %broadcast_in_dim3A_2126, %broadcast_in_dim3A_2127 : vector<16xi1>, vector<16xf32>
      %add3A_2129 = arith.addf %add3A_1997, %select_n3A_2128 : vector<16xf32>
      %get3A_2130 = arith.index_cast %add3A_2061 : i32 to index
      %get3A_2131 = arith.constant 48 : index
      %get3A_2132 = tpu.vector_load %arg6[%get3A_2130, %get3A_2131] {strides = array<i32>} : memref<200x128xi32, #tpu.memory_space<vmem>>, vector<16xi32>,
      %ne3A_2133 = arith.constant 0 : i32
      %ne3A_2134 = vector.broadcast %ne3A_2133 : i32 to vector<16xi32>
      %ne3A_2135 = arith.cmpi ne, %get3A_2132, %ne3A_2134 : vector<16xi32>
      %jit3A_2136 = arith.constant 1.000000e+00 : f32
      %jit3A_2137 = arith.constant 0.000000e+00 : f32
      %broadcast_in_dim3A_2138 = vector.broadcast %jit3A_2136 : f32 to vector<16xf32>
      %broadcast_in_dim3A_2139 = vector.broadcast %jit3A_2137 : f32 to vector<16xf32>
      %select_n3A_2140 = arith.select %ne3A_2135, %broadcast_in_dim3A_2138, %broadcast_in_dim3A_2139 : vector<16xi1>, vector<16xf32>
      %add3A_2141 = arith.addf %add3A_2009, %select_n3A_2140 : vector<16xf32>
      %get3A_2142 = arith.index_cast %add3A_2061 : i32 to index
      %get3A_2143 = arith.constant 64 : index
      %get3A_2144 = tpu.vector_load %arg6[%get3A_2142, %get3A_2143] {strides = array<i32>} : memref<200x128xi32, #tpu.memory_space<vmem>>, vector<16xi32>,
      %ne3A_2145 = arith.constant 0 : i32
      %ne3A_2146 = vector.broadcast %ne3A_2145 : i32 to vector<16xi32>
      %ne3A_2147 = arith.cmpi ne, %get3A_2144, %ne3A_2146 : vector<16xi32>
      %jit3A_2148 = arith.constant 1.000000e+00 : f32
      %jit3A_2149 = arith.constant 0.000000e+00 : f32
      %broadcast_in_dim3A_2150 = vector.broadcast %jit3A_2148 : f32 to vector<16xf32>
      %broadcast_in_dim3A_2151 = vector.broadcast %jit3A_2149 : f32 to vector<16xf32>
      %select_n3A_2152 = arith.select %ne3A_2147, %broadcast_in_dim3A_2150, %broadcast_in_dim3A_2151 : vector<16xi1>, vector<16xf32>
      %add3A_2153 = arith.addf %add3A_2021, %select_n3A_2152 : vector<16xf32>
      %get3A_2154 = arith.index_cast %add3A_2061 : i32 to index
      %get3A_2155 = arith.constant 80 : index
      %get3A_2156 = tpu.vector_load %arg6[%get3A_2154, %get3A_2155] {strides = array<i32>} : memref<200x128xi32, #tpu.memory_space<vmem>>, vector<16xi32>,
      %ne3A_2157 = arith.constant 0 : i32
      %ne3A_2158 = vector.broadcast %ne3A_2157 : i32 to vector<16xi32>
      %ne3A_2159 = arith.cmpi ne, %get3A_2156, %ne3A_2158 : vector<16xi32>
      %jit3A_2160 = arith.constant 1.000000e+00 : f32
      %jit3A_2161 = arith.constant 0.000000e+00 : f32
      %broadcast_in_dim3A_2162 = vector.broadcast %jit3A_2160 : f32 to vector<16xf32>
      %broadcast_in_dim3A_2163 = vector.broadcast %jit3A_2161 : f32 to vector<16xf32>
      %select_n3A_2164 = arith.select %ne3A_2159, %broadcast_in_dim3A_2162, %broadcast_in_dim3A_2163 : vector<16xi1>, vector<16xf32>
      %add3A_2165 = arith.addf %add3A_2033, %select_n3A_2164 : vector<16xf32>
      %get3A_2166 = arith.index_cast %add3A_2061 : i32 to index
      %get3A_2167 = arith.constant 96 : index
      %get3A_2168 = tpu.vector_load %arg6[%get3A_2166, %get3A_2167] {strides = array<i32>} : memref<200x128xi32, #tpu.memory_space<vmem>>, vector<16xi32>,
      %ne3A_2169 = arith.constant 0 : i32
      %ne3A_2170 = vector.broadcast %ne3A_2169 : i32 to vector<16xi32>
      %ne3A_2171 = arith.cmpi ne, %get3A_2168, %ne3A_2170 : vector<16xi32>
      %jit3A_2172 = arith.constant 1.000000e+00 : f32
      %jit3A_2173 = arith.constant 0.000000e+00 : f32
      %broadcast_in_dim3A_2174 = vector.broadcast %jit3A_2172 : f32 to vector<16xf32>
      %broadcast_in_dim3A_2175 = vector.broadcast %jit3A_2173 : f32 to vector<16xf32>
      %select_n3A_2176 = arith.select %ne3A_2171, %broadcast_in_dim3A_2174, %broadcast_in_dim3A_2175 : vector<16xi1>, vector<16xf32>
      %add3A_2177 = arith.addf %add3A_2045, %select_n3A_2176 : vector<16xf32>
      %get3A_2178 = arith.index_cast %add3A_2061 : i32 to index
      %get3A_2179 = arith.constant 112 : index
      %get3A_2180 = tpu.vector_load %arg6[%get3A_2178, %get3A_2179] {strides = array<i32>} : memref<200x128xi32, #tpu.memory_space<vmem>>, vector<16xi32>,
      %ne3A_2181 = arith.constant 0 : i32
      %ne3A_2182 = vector.broadcast %ne3A_2181 : i32 to vector<16xi32>
      %ne3A_2183 = arith.cmpi ne, %get3A_2180, %ne3A_2182 : vector<16xi32>
      %jit3A_2184 = arith.constant 1.000000e+00 : f32
      %jit3A_2185 = arith.constant 0.000000e+00 : f32
      %broadcast_in_dim3A_2186 = vector.broadcast %jit3A_2184 : f32 to vector<16xf32>
      %broadcast_in_dim3A_2187 = vector.broadcast %jit3A_2185 : f32 to vector<16xf32>
      %select_n3A_2188 = arith.select %ne3A_2183, %broadcast_in_dim3A_2186, %broadcast_in_dim3A_2187 : vector<16xi1>, vector<16xf32>
      %add3A_2189 = arith.addf %add3A_2057, %select_n3A_2188 : vector<16xf32>
      %mul3A_2190 = arith.constant 10 : i32
      %mul3A_2191 = arith.muli %add3A_1798, %mul3A_2190 : i32
      %add3A_2192 = arith.constant 2 : i32
      %add3A_2193 = arith.addi %mul3A_2191, %add3A_2192 : i32
      %get3A_2194 = arith.index_cast %add3A_2193 : i32 to index
      %get3A_2195 = arith.constant 0 : index
      %get3A_2196 = tpu.vector_load %arg7[%get3A_2194, %get3A_2195] {strides = array<i32>} : memref<200x128xf32, #tpu.memory_space<vmem>>, vector<16xf32>,
      %add3A_2197 = arith.addf %add3A_2065, %get3A_2196 : vector<16xf32>
      %get3A_2198 = arith.index_cast %add3A_2193 : i32 to index
      %get3A_2199 = arith.constant 16 : index
      %get3A_2200 = tpu.vector_load %arg7[%get3A_2198, %get3A_2199] {strides = array<i32>} : memref<200x128xf32, #tpu.memory_space<vmem>>, vector<16xf32>,
      %add3A_2201 = arith.addf %add3A_2069, %get3A_2200 : vector<16xf32>
      %get3A_2202 = arith.index_cast %add3A_2193 : i32 to index
      %get3A_2203 = arith.constant 32 : index
      %get3A_2204 = tpu.vector_load %arg7[%get3A_2202, %get3A_2203] {strides = array<i32>} : memref<200x128xf32, #tpu.memory_space<vmem>>, vector<16xf32>,
      %add3A_2205 = arith.addf %add3A_2073, %get3A_2204 : vector<16xf32>
      %get3A_2206 = arith.index_cast %add3A_2193 : i32 to index
      %get3A_2207 = arith.constant 48 : index
      %get3A_2208 = tpu.vector_load %arg7[%get3A_2206, %get3A_2207] {strides = array<i32>} : memref<200x128xf32, #tpu.memory_space<vmem>>, vector<16xf32>,
      %add3A_2209 = arith.addf %add3A_2077, %get3A_2208 : vector<16xf32>
      %get3A_2210 = arith.index_cast %add3A_2193 : i32 to index
      %get3A_2211 = arith.constant 64 : index
      %get3A_2212 = tpu.vector_load %arg7[%get3A_2210, %get3A_2211] {strides = array<i32>} : memref<200x128xf32, #tpu.memory_space<vmem>>, vector<16xf32>,
      %add3A_2213 = arith.addf %add3A_2081, %get3A_2212 : vector<16xf32>
      %get3A_2214 = arith.index_cast %add3A_2193 : i32 to index
      %get3A_2215 = arith.constant 80 : index
      %get3A_2216 = tpu.vector_load %arg7[%get3A_2214, %get3A_2215] {strides = array<i32>} : memref<200x128xf32, #tpu.memory_space<vmem>>, vector<16xf32>,
      %add3A_2217 = arith.addf %add3A_2085, %get3A_2216 : vector<16xf32>
      %get3A_2218 = arith.index_cast %add3A_2193 : i32 to index
      %get3A_2219 = arith.constant 96 : index
      %get3A_2220 = tpu.vector_load %arg7[%get3A_2218, %get3A_2219] {strides = array<i32>} : memref<200x128xf32, #tpu.memory_space<vmem>>, vector<16xf32>,
      %add3A_2221 = arith.addf %add3A_2089, %get3A_2220 : vector<16xf32>
      %get3A_2222 = arith.index_cast %add3A_2193 : i32 to index
      %get3A_2223 = arith.constant 112 : index
      %get3A_2224 = tpu.vector_load %arg7[%get3A_2222, %get3A_2223] {strides = array<i32>} : memref<200x128xf32, #tpu.memory_space<vmem>>, vector<16xf32>,
      %add3A_2225 = arith.addf %add3A_2093, %get3A_2224 : vector<16xf32>
      %get3A_2226 = arith.index_cast %add3A_2193 : i32 to index
      %get3A_2227 = arith.constant 0 : index
      %get3A_2228 = tpu.vector_load %arg6[%get3A_2226, %get3A_2227] {strides = array<i32>} : memref<200x128xi32, #tpu.memory_space<vmem>>, vector<16xi32>,
      %ne3A_2229 = arith.constant 0 : i32
      %ne3A_2230 = vector.broadcast %ne3A_2229 : i32 to vector<16xi32>
      %ne3A_2231 = arith.cmpi ne, %get3A_2228, %ne3A_2230 : vector<16xi32>
      %jit3A_2232 = arith.constant 1.000000e+00 : f32
      %jit3A_2233 = arith.constant 0.000000e+00 : f32
      %broadcast_in_dim3A_2234 = vector.broadcast %jit3A_2232 : f32 to vector<16xf32>
      %broadcast_in_dim3A_2235 = vector.broadcast %jit3A_2233 : f32 to vector<16xf32>
      %select_n3A_2236 = arith.select %ne3A_2231, %broadcast_in_dim3A_2234, %broadcast_in_dim3A_2235 : vector<16xi1>, vector<16xf32>
      %add3A_2237 = arith.addf %add3A_2105, %select_n3A_2236 : vector<16xf32>
      %get3A_2238 = arith.index_cast %add3A_2193 : i32 to index
      %get3A_2239 = arith.constant 16 : index
      %get3A_2240 = tpu.vector_load %arg6[%get3A_2238, %get3A_2239] {strides = array<i32>} : memref<200x128xi32, #tpu.memory_space<vmem>>, vector<16xi32>,
      %ne3A_2241 = arith.constant 0 : i32
      %ne3A_2242 = vector.broadcast %ne3A_2241 : i32 to vector<16xi32>
      %ne3A_2243 = arith.cmpi ne, %get3A_2240, %ne3A_2242 : vector<16xi32>
      %jit3A_2244 = arith.constant 1.000000e+00 : f32
      %jit3A_2245 = arith.constant 0.000000e+00 : f32
      %broadcast_in_dim3A_2246 = vector.broadcast %jit3A_2244 : f32 to vector<16xf32>
      %broadcast_in_dim3A_2247 = vector.broadcast %jit3A_2245 : f32 to vector<16xf32>
      %select_n3A_2248 = arith.select %ne3A_2243, %broadcast_in_dim3A_2246, %broadcast_in_dim3A_2247 : vector<16xi1>, vector<16xf32>
      %add3A_2249 = arith.addf %add3A_2117, %select_n3A_2248 : vector<16xf32>
      %get3A_2250 = arith.index_cast %add3A_2193 : i32 to index
      %get3A_2251 = arith.constant 32 : index
      %get3A_2252 = tpu.vector_load %arg6[%get3A_2250, %get3A_2251] {strides = array<i32>} : memref<200x128xi32, #tpu.memory_space<vmem>>, vector<16xi32>,
      %ne3A_2253 = arith.constant 0 : i32
      %ne3A_2254 = vector.broadcast %ne3A_2253 : i32 to vector<16xi32>
      %ne3A_2255 = arith.cmpi ne, %get3A_2252, %ne3A_2254 : vector<16xi32>
      %jit3A_2256 = arith.constant 1.000000e+00 : f32
      %jit3A_2257 = arith.constant 0.000000e+00 : f32
      %broadcast_in_dim3A_2258 = vector.broadcast %jit3A_2256 : f32 to vector<16xf32>
      %broadcast_in_dim3A_2259 = vector.broadcast %jit3A_2257 : f32 to vector<16xf32>
      %select_n3A_2260 = arith.select %ne3A_2255, %broadcast_in_dim3A_2258, %broadcast_in_dim3A_2259 : vector<16xi1>, vector<16xf32>
      %add3A_2261 = arith.addf %add3A_2129, %select_n3A_2260 : vector<16xf32>
      %get3A_2262 = arith.index_cast %add3A_2193 : i32 to index
      %get3A_2263 = arith.constant 48 : index
      %get3A_2264 = tpu.vector_load %arg6[%get3A_2262, %get3A_2263] {strides = array<i32>} : memref<200x128xi32, #tpu.memory_space<vmem>>, vector<16xi32>,
      %ne3A_2265 = arith.constant 0 : i32
      %ne3A_2266 = vector.broadcast %ne3A_2265 : i32 to vector<16xi32>
      %ne3A_2267 = arith.cmpi ne, %get3A_2264, %ne3A_2266 : vector<16xi32>
      %jit3A_2268 = arith.constant 1.000000e+00 : f32
      %jit3A_2269 = arith.constant 0.000000e+00 : f32
      %broadcast_in_dim3A_2270 = vector.broadcast %jit3A_2268 : f32 to vector<16xf32>
      %broadcast_in_dim3A_2271 = vector.broadcast %jit3A_2269 : f32 to vector<16xf32>
      %select_n3A_2272 = arith.select %ne3A_2267, %broadcast_in_dim3A_2270, %broadcast_in_dim3A_2271 : vector<16xi1>, vector<16xf32>
      %add3A_2273 = arith.addf %add3A_2141, %select_n3A_2272 : vector<16xf32>
      %get3A_2274 = arith.index_cast %add3A_2193 : i32 to index
      %get3A_2275 = arith.constant 64 : index
      %get3A_2276 = tpu.vector_load %arg6[%get3A_2274, %get3A_2275] {strides = array<i32>} : memref<200x128xi32, #tpu.memory_space<vmem>>, vector<16xi32>,
      %ne3A_2277 = arith.constant 0 : i32
      %ne3A_2278 = vector.broadcast %ne3A_2277 : i32 to vector<16xi32>
      %ne3A_2279 = arith.cmpi ne, %get3A_2276, %ne3A_2278 : vector<16xi32>
      %jit3A_2280 = arith.constant 1.000000e+00 : f32
      %jit3A_2281 = arith.constant 0.000000e+00 : f32
      %broadcast_in_dim3A_2282 = vector.broadcast %jit3A_2280 : f32 to vector<16xf32>
      %broadcast_in_dim3A_2283 = vector.broadcast %jit3A_2281 : f32 to vector<16xf32>
      %select_n3A_2284 = arith.select %ne3A_2279, %broadcast_in_dim3A_2282, %broadcast_in_dim3A_2283 : vector<16xi1>, vector<16xf32>
      %add3A_2285 = arith.addf %add3A_2153, %select_n3A_2284 : vector<16xf32>
      %get3A_2286 = arith.index_cast %add3A_2193 : i32 to index
      %get3A_2287 = arith.constant 80 : index
      %get3A_2288 = tpu.vector_load %arg6[%get3A_2286, %get3A_2287] {strides = array<i32>} : memref<200x128xi32, #tpu.memory_space<vmem>>, vector<16xi32>,
      %ne3A_2289 = arith.constant 0 : i32
      %ne3A_2290 = vector.broadcast %ne3A_2289 : i32 to vector<16xi32>
      %ne3A_2291 = arith.cmpi ne, %get3A_2288, %ne3A_2290 : vector<16xi32>
      %jit3A_2292 = arith.constant 1.000000e+00 : f32
      %jit3A_2293 = arith.constant 0.000000e+00 : f32
      %broadcast_in_dim3A_2294 = vector.broadcast %jit3A_2292 : f32 to vector<16xf32>
      %broadcast_in_dim3A_2295 = vector.broadcast %jit3A_2293 : f32 to vector<16xf32>
      %select_n3A_2296 = arith.select %ne3A_2291, %broadcast_in_dim3A_2294, %broadcast_in_dim3A_2295 : vector<16xi1>, vector<16xf32>
      %add3A_2297 = arith.addf %add3A_2165, %select_n3A_2296 : vector<16xf32>
      %get3A_2298 = arith.index_cast %add3A_2193 : i32 to index
      %get3A_2299 = arith.constant 96 : index
      %get3A_2300 = tpu.vector_load %arg6[%get3A_2298, %get3A_2299] {strides = array<i32>} : memref<200x128xi32, #tpu.memory_space<vmem>>, vector<16xi32>,
      %ne3A_2301 = arith.constant 0 : i32
      %ne3A_2302 = vector.broadcast %ne3A_2301 : i32 to vector<16xi32>
      %ne3A_2303 = arith.cmpi ne, %get3A_2300, %ne3A_2302 : vector<16xi32>
      %jit3A_2304 = arith.constant 1.000000e+00 : f32
      %jit3A_2305 = arith.constant 0.000000e+00 : f32
      %broadcast_in_dim3A_2306 = vector.broadcast %jit3A_2304 : f32 to vector<16xf32>
      %broadcast_in_dim3A_2307 = vector.broadcast %jit3A_2305 : f32 to vector<16xf32>
      %select_n3A_2308 = arith.select %ne3A_2303, %broadcast_in_dim3A_2306, %broadcast_in_dim3A_2307 : vector<16xi1>, vector<16xf32>
      %add3A_2309 = arith.addf %add3A_2177, %select_n3A_2308 : vector<16xf32>
      %get3A_2310 = arith.index_cast %add3A_2193 : i32 to index
      %get3A_2311 = arith.constant 112 : index
      %get3A_2312 = tpu.vector_load %arg6[%get3A_2310, %get3A_2311] {strides = array<i32>} : memref<200x128xi32, #tpu.memory_space<vmem>>, vector<16xi32>,
      %ne3A_2313 = arith.constant 0 : i32
      %ne3A_2314 = vector.broadcast %ne3A_2313 : i32 to vector<16xi32>
      %ne3A_2315 = arith.cmpi ne, %get3A_2312, %ne3A_2314 : vector<16xi32>
      %jit3A_2316 = arith.constant 1.000000e+00 : f32
      %jit3A_2317 = arith.constant 0.000000e+00 : f32
      %broadcast_in_dim3A_2318 = vector.broadcast %jit3A_2316 : f32 to vector<16xf32>
      %broadcast_in_dim3A_2319 = vector.broadcast %jit3A_2317 : f32 to vector<16xf32>
      %select_n3A_2320 = arith.select %ne3A_2315, %broadcast_in_dim3A_2318, %broadcast_in_dim3A_2319 : vector<16xi1>, vector<16xf32>
      %add3A_2321 = arith.addf %add3A_2189, %select_n3A_2320 : vector<16xf32>
      %mul3A_2322 = arith.constant 10 : i32
      %mul3A_2323 = arith.muli %add3A_1798, %mul3A_2322 : i32
      %add3A_2324 = arith.constant 3 : i32
      %add3A_2325 = arith.addi %mul3A_2323, %add3A_2324 : i32
      %get3A_2326 = arith.index_cast %add3A_2325 : i32 to index
      %get3A_2327 = arith.constant 0 : index
      %get3A_2328 = tpu.vector_load %arg7[%get3A_2326, %get3A_2327] {strides = array<i32>} : memref<200x128xf32, #tpu.memory_space<vmem>>, vector<16xf32>,
      %add3A_2329 = arith.addf %add3A_2197, %get3A_2328 : vector<16xf32>
      %get3A_2330 = arith.index_cast %add3A_2325 : i32 to index
      %get3A_2331 = arith.constant 16 : index
      %get3A_2332 = tpu.vector_load %arg7[%get3A_2330, %get3A_2331] {strides = array<i32>} : memref<200x128xf32, #tpu.memory_space<vmem>>, vector<16xf32>,
      %add3A_2333 = arith.addf %add3A_2201, %get3A_2332 : vector<16xf32>
      %get3A_2334 = arith.index_cast %add3A_2325 : i32 to index
      %get3A_2335 = arith.constant 32 : index
      %get3A_2336 = tpu.vector_load %arg7[%get3A_2334, %get3A_2335] {strides = array<i32>} : memref<200x128xf32, #tpu.memory_space<vmem>>, vector<16xf32>,
      %add3A_2337 = arith.addf %add3A_2205, %get3A_2336 : vector<16xf32>
      %get3A_2338 = arith.index_cast %add3A_2325 : i32 to index
      %get3A_2339 = arith.constant 48 : index
      %get3A_2340 = tpu.vector_load %arg7[%get3A_2338, %get3A_2339] {strides = array<i32>} : memref<200x128xf32, #tpu.memory_space<vmem>>, vector<16xf32>,
      %add3A_2341 = arith.addf %add3A_2209, %get3A_2340 : vector<16xf32>
      %get3A_2342 = arith.index_cast %add3A_2325 : i32 to index
      %get3A_2343 = arith.constant 64 : index
      %get3A_2344 = tpu.vector_load %arg7[%get3A_2342, %get3A_2343] {strides = array<i32>} : memref<200x128xf32, #tpu.memory_space<vmem>>, vector<16xf32>,
      %add3A_2345 = arith.addf %add3A_2213, %get3A_2344 : vector<16xf32>
      %get3A_2346 = arith.index_cast %add3A_2325 : i32 to index
      %get3A_2347 = arith.constant 80 : index
      %get3A_2348 = tpu.vector_load %arg7[%get3A_2346, %get3A_2347] {strides = array<i32>} : memref<200x128xf32, #tpu.memory_space<vmem>>, vector<16xf32>,
      %add3A_2349 = arith.addf %add3A_2217, %get3A_2348 : vector<16xf32>
      %get3A_2350 = arith.index_cast %add3A_2325 : i32 to index
      %get3A_2351 = arith.constant 96 : index
      %get3A_2352 = tpu.vector_load %arg7[%get3A_2350, %get3A_2351] {strides = array<i32>} : memref<200x128xf32, #tpu.memory_space<vmem>>, vector<16xf32>,
      %add3A_2353 = arith.addf %add3A_2221, %get3A_2352 : vector<16xf32>
      %get3A_2354 = arith.index_cast %add3A_2325 : i32 to index
      %get3A_2355 = arith.constant 112 : index
      %get3A_2356 = tpu.vector_load %arg7[%get3A_2354, %get3A_2355] {strides = array<i32>} : memref<200x128xf32, #tpu.memory_space<vmem>>, vector<16xf32>,
      %add3A_2357 = arith.addf %add3A_2225, %get3A_2356 : vector<16xf32>
      %get3A_2358 = arith.index_cast %add3A_2325 : i32 to index
      %get3A_2359 = arith.constant 0 : index
      %get3A_2360 = tpu.vector_load %arg6[%get3A_2358, %get3A_2359] {strides = array<i32>} : memref<200x128xi32, #tpu.memory_space<vmem>>, vector<16xi32>,
      %ne3A_2361 = arith.constant 0 : i32
      %ne3A_2362 = vector.broadcast %ne3A_2361 : i32 to vector<16xi32>
      %ne3A_2363 = arith.cmpi ne, %get3A_2360, %ne3A_2362 : vector<16xi32>
      %jit3A_2364 = arith.constant 1.000000e+00 : f32
      %jit3A_2365 = arith.constant 0.000000e+00 : f32
      %broadcast_in_dim3A_2366 = vector.broadcast %jit3A_2364 : f32 to vector<16xf32>
      %broadcast_in_dim3A_2367 = vector.broadcast %jit3A_2365 : f32 to vector<16xf32>
      %select_n3A_2368 = arith.select %ne3A_2363, %broadcast_in_dim3A_2366, %broadcast_in_dim3A_2367 : vector<16xi1>, vector<16xf32>
      %add3A_2369 = arith.addf %add3A_2237, %select_n3A_2368 : vector<16xf32>
      %get3A_2370 = arith.index_cast %add3A_2325 : i32 to index
      %get3A_2371 = arith.constant 16 : index
      %get3A_2372 = tpu.vector_load %arg6[%get3A_2370, %get3A_2371] {strides = array<i32>} : memref<200x128xi32, #tpu.memory_space<vmem>>, vector<16xi32>,
      %ne3A_2373 = arith.constant 0 : i32
      %ne3A_2374 = vector.broadcast %ne3A_2373 : i32 to vector<16xi32>
      %ne3A_2375 = arith.cmpi ne, %get3A_2372, %ne3A_2374 : vector<16xi32>
      %jit3A_2376 = arith.constant 1.000000e+00 : f32
      %jit3A_2377 = arith.constant 0.000000e+00 : f32
      %broadcast_in_dim3A_2378 = vector.broadcast %jit3A_2376 : f32 to vector<16xf32>
      %broadcast_in_dim3A_2379 = vector.broadcast %jit3A_2377 : f32 to vector<16xf32>
      %select_n3A_2380 = arith.select %ne3A_2375, %broadcast_in_dim3A_2378, %broadcast_in_dim3A_2379 : vector<16xi1>, vector<16xf32>
      %add3A_2381 = arith.addf %add3A_2249, %select_n3A_2380 : vector<16xf32>
      %get3A_2382 = arith.index_cast %add3A_2325 : i32 to index
      %get3A_2383 = arith.constant 32 : index
      %get3A_2384 = tpu.vector_load %arg6[%get3A_2382, %get3A_2383] {strides = array<i32>} : memref<200x128xi32, #tpu.memory_space<vmem>>, vector<16xi32>,
      %ne3A_2385 = arith.constant 0 : i32
      %ne3A_2386 = vector.broadcast %ne3A_2385 : i32 to vector<16xi32>
      %ne3A_2387 = arith.cmpi ne, %get3A_2384, %ne3A_2386 : vector<16xi32>
      %jit3A_2388 = arith.constant 1.000000e+00 : f32
      %jit3A_2389 = arith.constant 0.000000e+00 : f32
      %broadcast_in_dim3A_2390 = vector.broadcast %jit3A_2388 : f32 to vector<16xf32>
      %broadcast_in_dim3A_2391 = vector.broadcast %jit3A_2389 : f32 to vector<16xf32>
      %select_n3A_2392 = arith.select %ne3A_2387, %broadcast_in_dim3A_2390, %broadcast_in_dim3A_2391 : vector<16xi1>, vector<16xf32>
      %add3A_2393 = arith.addf %add3A_2261, %select_n3A_2392 : vector<16xf32>
      %get3A_2394 = arith.index_cast %add3A_2325 : i32 to index
      %get3A_2395 = arith.constant 48 : index
      %get3A_2396 = tpu.vector_load %arg6[%get3A_2394, %get3A_2395] {strides = array<i32>} : memref<200x128xi32, #tpu.memory_space<vmem>>, vector<16xi32>,
      %ne3A_2397 = arith.constant 0 : i32
      %ne3A_2398 = vector.broadcast %ne3A_2397 : i32 to vector<16xi32>
      %ne3A_2399 = arith.cmpi ne, %get3A_2396, %ne3A_2398 : vector<16xi32>
      %jit3A_2400 = arith.constant 1.000000e+00 : f32
      %jit3A_2401 = arith.constant 0.000000e+00 : f32
      %broadcast_in_dim3A_2402 = vector.broadcast %jit3A_2400 : f32 to vector<16xf32>
      %broadcast_in_dim3A_2403 = vector.broadcast %jit3A_2401 : f32 to vector<16xf32>
      %select_n3A_2404 = arith.select %ne3A_2399, %broadcast_in_dim3A_2402, %broadcast_in_dim3A_2403 : vector<16xi1>, vector<16xf32>
      %add3A_2405 = arith.addf %add3A_2273, %select_n3A_2404 : vector<16xf32>
      %get3A_2406 = arith.index_cast %add3A_2325 : i32 to index
      %get3A_2407 = arith.constant 64 : index
      %get3A_2408 = tpu.vector_load %arg6[%get3A_2406, %get3A_2407] {strides = array<i32>} : memref<200x128xi32, #tpu.memory_space<vmem>>, vector<16xi32>,
      %ne3A_2409 = arith.constant 0 : i32
      %ne3A_2410 = vector.broadcast %ne3A_2409 : i32 to vector<16xi32>
      %ne3A_2411 = arith.cmpi ne, %get3A_2408, %ne3A_2410 : vector<16xi32>
      %jit3A_2412 = arith.constant 1.000000e+00 : f32
      %jit3A_2413 = arith.constant 0.000000e+00 : f32
      %broadcast_in_dim3A_2414 = vector.broadcast %jit3A_2412 : f32 to vector<16xf32>
      %broadcast_in_dim3A_2415 = vector.broadcast %jit3A_2413 : f32 to vector<16xf32>
      %select_n3A_2416 = arith.select %ne3A_2411, %broadcast_in_dim3A_2414, %broadcast_in_dim3A_2415 : vector<16xi1>, vector<16xf32>
      %add3A_2417 = arith.addf %add3A_2285, %select_n3A_2416 : vector<16xf32>
      %get3A_2418 = arith.index_cast %add3A_2325 : i32 to index
      %get3A_2419 = arith.constant 80 : index
      %get3A_2420 = tpu.vector_load %arg6[%get3A_2418, %get3A_2419] {strides = array<i32>} : memref<200x128xi32, #tpu.memory_space<vmem>>, vector<16xi32>,
      %ne3A_2421 = arith.constant 0 : i32
      %ne3A_2422 = vector.broadcast %ne3A_2421 : i32 to vector<16xi32>
      %ne3A_2423 = arith.cmpi ne, %get3A_2420, %ne3A_2422 : vector<16xi32>
      %jit3A_2424 = arith.constant 1.000000e+00 : f32
      %jit3A_2425 = arith.constant 0.000000e+00 : f32
      %broadcast_in_dim3A_2426 = vector.broadcast %jit3A_2424 : f32 to vector<16xf32>
      %broadcast_in_dim3A_2427 = vector.broadcast %jit3A_2425 : f32 to vector<16xf32>
      %select_n3A_2428 = arith.select %ne3A_2423, %broadcast_in_dim3A_2426, %broadcast_in_dim3A_2427 : vector<16xi1>, vector<16xf32>
      %add3A_2429 = arith.addf %add3A_2297, %select_n3A_2428 : vector<16xf32>
      %get3A_2430 = arith.index_cast %add3A_2325 : i32 to index
      %get3A_2431 = arith.constant 96 : index
      %get3A_2432 = tpu.vector_load %arg6[%get3A_2430, %get3A_2431] {strides = array<i32>} : memref<200x128xi32, #tpu.memory_space<vmem>>, vector<16xi32>,
      %ne3A_2433 = arith.constant 0 : i32
      %ne3A_2434 = vector.broadcast %ne3A_2433 : i32 to vector<16xi32>
      %ne3A_2435 = arith.cmpi ne, %get3A_2432, %ne3A_2434 : vector<16xi32>
      %jit3A_2436 = arith.constant 1.000000e+00 : f32
      %jit3A_2437 = arith.constant 0.000000e+00 : f32
      %broadcast_in_dim3A_2438 = vector.broadcast %jit3A_2436 : f32 to vector<16xf32>
      %broadcast_in_dim3A_2439 = vector.broadcast %jit3A_2437 : f32 to vector<16xf32>
      %select_n3A_2440 = arith.select %ne3A_2435, %broadcast_in_dim3A_2438, %broadcast_in_dim3A_2439 : vector<16xi1>, vector<16xf32>
      %add3A_2441 = arith.addf %add3A_2309, %select_n3A_2440 : vector<16xf32>
      %get3A_2442 = arith.index_cast %add3A_2325 : i32 to index
      %get3A_2443 = arith.constant 112 : index
      %get3A_2444 = tpu.vector_load %arg6[%get3A_2442, %get3A_2443] {strides = array<i32>} : memref<200x128xi32, #tpu.memory_space<vmem>>, vector<16xi32>,
      %ne3A_2445 = arith.constant 0 : i32
      %ne3A_2446 = vector.broadcast %ne3A_2445 : i32 to vector<16xi32>
      %ne3A_2447 = arith.cmpi ne, %get3A_2444, %ne3A_2446 : vector<16xi32>
      %jit3A_2448 = arith.constant 1.000000e+00 : f32
      %jit3A_2449 = arith.constant 0.000000e+00 : f32
      %broadcast_in_dim3A_2450 = vector.broadcast %jit3A_2448 : f32 to vector<16xf32>
      %broadcast_in_dim3A_2451 = vector.broadcast %jit3A_2449 : f32 to vector<16xf32>
      %select_n3A_2452 = arith.select %ne3A_2447, %broadcast_in_dim3A_2450, %broadcast_in_dim3A_2451 : vector<16xi1>, vector<16xf32>
      %add3A_2453 = arith.addf %add3A_2321, %select_n3A_2452 : vector<16xf32>
      %mul3A_2454 = arith.constant 10 : i32
      %mul3A_2455 = arith.muli %add3A_1798, %mul3A_2454 : i32
      %add3A_2456 = arith.constant 4 : i32
      %add3A_2457 = arith.addi %mul3A_2455, %add3A_2456 : i32
      %get3A_2458 = arith.index_cast %add3A_2457 : i32 to index
      %get3A_2459 = arith.constant 0 : index
      %get3A_2460 = tpu.vector_load %arg7[%get3A_2458, %get3A_2459] {strides = array<i32>} : memref<200x128xf32, #tpu.memory_space<vmem>>, vector<16xf32>,
      %add3A_2461 = arith.addf %add3A_2329, %get3A_2460 : vector<16xf32>
      %get3A_2462 = arith.index_cast %add3A_2457 : i32 to index
      %get3A_2463 = arith.constant 16 : index
      %get3A_2464 = tpu.vector_load %arg7[%get3A_2462, %get3A_2463] {strides = array<i32>} : memref<200x128xf32, #tpu.memory_space<vmem>>, vector<16xf32>,
      %add3A_2465 = arith.addf %add3A_2333, %get3A_2464 : vector<16xf32>
      %get3A_2466 = arith.index_cast %add3A_2457 : i32 to index
      %get3A_2467 = arith.constant 32 : index
      %get3A_2468 = tpu.vector_load %arg7[%get3A_2466, %get3A_2467] {strides = array<i32>} : memref<200x128xf32, #tpu.memory_space<vmem>>, vector<16xf32>,
      %add3A_2469 = arith.addf %add3A_2337, %get3A_2468 : vector<16xf32>
      %get3A_2470 = arith.index_cast %add3A_2457 : i32 to index
      %get3A_2471 = arith.constant 48 : index
      %get3A_2472 = tpu.vector_load %arg7[%get3A_2470, %get3A_2471] {strides = array<i32>} : memref<200x128xf32, #tpu.memory_space<vmem>>, vector<16xf32>,
      %add3A_2473 = arith.addf %add3A_2341, %get3A_2472 : vector<16xf32>
      %get3A_2474 = arith.index_cast %add3A_2457 : i32 to index
      %get3A_2475 = arith.constant 64 : index
      %get3A_2476 = tpu.vector_load %arg7[%get3A_2474, %get3A_2475] {strides = array<i32>} : memref<200x128xf32, #tpu.memory_space<vmem>>, vector<16xf32>,
      %add3A_2477 = arith.addf %add3A_2345, %get3A_2476 : vector<16xf32>
      %get3A_2478 = arith.index_cast %add3A_2457 : i32 to index
      %get3A_2479 = arith.constant 80 : index
      %get3A_2480 = tpu.vector_load %arg7[%get3A_2478, %get3A_2479] {strides = array<i32>} : memref<200x128xf32, #tpu.memory_space<vmem>>, vector<16xf32>,
      %add3A_2481 = arith.addf %add3A_2349, %get3A_2480 : vector<16xf32>
      %get3A_2482 = arith.index_cast %add3A_2457 : i32 to index
      %get3A_2483 = arith.constant 96 : index
      %get3A_2484 = tpu.vector_load %arg7[%get3A_2482, %get3A_2483] {strides = array<i32>} : memref<200x128xf32, #tpu.memory_space<vmem>>, vector<16xf32>,
      %add3A_2485 = arith.addf %add3A_2353, %get3A_2484 : vector<16xf32>
      %get3A_2486 = arith.index_cast %add3A_2457 : i32 to index
      %get3A_2487 = arith.constant 112 : index
      %get3A_2488 = tpu.vector_load %arg7[%get3A_2486, %get3A_2487] {strides = array<i32>} : memref<200x128xf32, #tpu.memory_space<vmem>>, vector<16xf32>,
      %add3A_2489 = arith.addf %add3A_2357, %get3A_2488 : vector<16xf32>
      %get3A_2490 = arith.index_cast %add3A_2457 : i32 to index
      %get3A_2491 = arith.constant 0 : index
      %get3A_2492 = tpu.vector_load %arg6[%get3A_2490, %get3A_2491] {strides = array<i32>} : memref<200x128xi32, #tpu.memory_space<vmem>>, vector<16xi32>,
      %ne3A_2493 = arith.constant 0 : i32
      %ne3A_2494 = vector.broadcast %ne3A_2493 : i32 to vector<16xi32>
      %ne3A_2495 = arith.cmpi ne, %get3A_2492, %ne3A_2494 : vector<16xi32>
      %jit3A_2496 = arith.constant 1.000000e+00 : f32
      %jit3A_2497 = arith.constant 0.000000e+00 : f32
      %broadcast_in_dim3A_2498 = vector.broadcast %jit3A_2496 : f32 to vector<16xf32>
      %broadcast_in_dim3A_2499 = vector.broadcast %jit3A_2497 : f32 to vector<16xf32>
      %select_n3A_2500 = arith.select %ne3A_2495, %broadcast_in_dim3A_2498, %broadcast_in_dim3A_2499 : vector<16xi1>, vector<16xf32>
      %add3A_2501 = arith.addf %add3A_2369, %select_n3A_2500 : vector<16xf32>
      %get3A_2502 = arith.index_cast %add3A_2457 : i32 to index
      %get3A_2503 = arith.constant 16 : index
      %get3A_2504 = tpu.vector_load %arg6[%get3A_2502, %get3A_2503] {strides = array<i32>} : memref<200x128xi32, #tpu.memory_space<vmem>>, vector<16xi32>,
      %ne3A_2505 = arith.constant 0 : i32
      %ne3A_2506 = vector.broadcast %ne3A_2505 : i32 to vector<16xi32>
      %ne3A_2507 = arith.cmpi ne, %get3A_2504, %ne3A_2506 : vector<16xi32>
      %jit3A_2508 = arith.constant 1.000000e+00 : f32
      %jit3A_2509 = arith.constant 0.000000e+00 : f32
      %broadcast_in_dim3A_2510 = vector.broadcast %jit3A_2508 : f32 to vector<16xf32>
      %broadcast_in_dim3A_2511 = vector.broadcast %jit3A_2509 : f32 to vector<16xf32>
      %select_n3A_2512 = arith.select %ne3A_2507, %broadcast_in_dim3A_2510, %broadcast_in_dim3A_2511 : vector<16xi1>, vector<16xf32>
      %add3A_2513 = arith.addf %add3A_2381, %select_n3A_2512 : vector<16xf32>
      %get3A_2514 = arith.index_cast %add3A_2457 : i32 to index
      %get3A_2515 = arith.constant 32 : index
      %get3A_2516 = tpu.vector_load %arg6[%get3A_2514, %get3A_2515] {strides = array<i32>} : memref<200x128xi32, #tpu.memory_space<vmem>>, vector<16xi32>,
      %ne3A_2517 = arith.constant 0 : i32
      %ne3A_2518 = vector.broadcast %ne3A_2517 : i32 to vector<16xi32>
      %ne3A_2519 = arith.cmpi ne, %get3A_2516, %ne3A_2518 : vector<16xi32>
      %jit3A_2520 = arith.constant 1.000000e+00 : f32
      %jit3A_2521 = arith.constant 0.000000e+00 : f32
      %broadcast_in_dim3A_2522 = vector.broadcast %jit3A_2520 : f32 to vector<16xf32>
      %broadcast_in_dim3A_2523 = vector.broadcast %jit3A_2521 : f32 to vector<16xf32>
      %select_n3A_2524 = arith.select %ne3A_2519, %broadcast_in_dim3A_2522, %broadcast_in_dim3A_2523 : vector<16xi1>, vector<16xf32>
      %add3A_2525 = arith.addf %add3A_2393, %select_n3A_2524 : vector<16xf32>
      %get3A_2526 = arith.index_cast %add3A_2457 : i32 to index
      %get3A_2527 = arith.constant 48 : index
      %get3A_2528 = tpu.vector_load %arg6[%get3A_2526, %get3A_2527] {strides = array<i32>} : memref<200x128xi32, #tpu.memory_space<vmem>>, vector<16xi32>,
      %ne3A_2529 = arith.constant 0 : i32
      %ne3A_2530 = vector.broadcast %ne3A_2529 : i32 to vector<16xi32>
      %ne3A_2531 = arith.cmpi ne, %get3A_2528, %ne3A_2530 : vector<16xi32>
      %jit3A_2532 = arith.constant 1.000000e+00 : f32
      %jit3A_2533 = arith.constant 0.000000e+00 : f32
      %broadcast_in_dim3A_2534 = vector.broadcast %jit3A_2532 : f32 to vector<16xf32>
      %broadcast_in_dim3A_2535 = vector.broadcast %jit3A_2533 : f32 to vector<16xf32>
      %select_n3A_2536 = arith.select %ne3A_2531, %broadcast_in_dim3A_2534, %broadcast_in_dim3A_2535 : vector<16xi1>, vector<16xf32>
      %add3A_2537 = arith.addf %add3A_2405, %select_n3A_2536 : vector<16xf32>
      %get3A_2538 = arith.index_cast %add3A_2457 : i32 to index
      %get3A_2539 = arith.constant 64 : index
      %get3A_2540 = tpu.vector_load %arg6[%get3A_2538, %get3A_2539] {strides = array<i32>} : memref<200x128xi32, #tpu.memory_space<vmem>>, vector<16xi32>,
      %ne3A_2541 = arith.constant 0 : i32
      %ne3A_2542 = vector.broadcast %ne3A_2541 : i32 to vector<16xi32>
      %ne3A_2543 = arith.cmpi ne, %get3A_2540, %ne3A_2542 : vector<16xi32>
      %jit3A_2544 = arith.constant 1.000000e+00 : f32
      %jit3A_2545 = arith.constant 0.000000e+00 : f32
      %broadcast_in_dim3A_2546 = vector.broadcast %jit3A_2544 : f32 to vector<16xf32>
      %broadcast_in_dim3A_2547 = vector.broadcast %jit3A_2545 : f32 to vector<16xf32>
      %select_n3A_2548 = arith.select %ne3A_2543, %broadcast_in_dim3A_2546, %broadcast_in_dim3A_2547 : vector<16xi1>, vector<16xf32>
      %add3A_2549 = arith.addf %add3A_2417, %select_n3A_2548 : vector<16xf32>
      %get3A_2550 = arith.index_cast %add3A_2457 : i32 to index
      %get3A_2551 = arith.constant 80 : index
      %get3A_2552 = tpu.vector_load %arg6[%get3A_2550, %get3A_2551] {strides = array<i32>} : memref<200x128xi32, #tpu.memory_space<vmem>>, vector<16xi32>,
      %ne3A_2553 = arith.constant 0 : i32
      %ne3A_2554 = vector.broadcast %ne3A_2553 : i32 to vector<16xi32>
      %ne3A_2555 = arith.cmpi ne, %get3A_2552, %ne3A_2554 : vector<16xi32>
      %jit3A_2556 = arith.constant 1.000000e+00 : f32
      %jit3A_2557 = arith.constant 0.000000e+00 : f32
      %broadcast_in_dim3A_2558 = vector.broadcast %jit3A_2556 : f32 to vector<16xf32>
      %broadcast_in_dim3A_2559 = vector.broadcast %jit3A_2557 : f32 to vector<16xf32>
      %select_n3A_2560 = arith.select %ne3A_2555, %broadcast_in_dim3A_2558, %broadcast_in_dim3A_2559 : vector<16xi1>, vector<16xf32>
      %add3A_2561 = arith.addf %add3A_2429, %select_n3A_2560 : vector<16xf32>
      %get3A_2562 = arith.index_cast %add3A_2457 : i32 to index
      %get3A_2563 = arith.constant 96 : index
      %get3A_2564 = tpu.vector_load %arg6[%get3A_2562, %get3A_2563] {strides = array<i32>} : memref<200x128xi32, #tpu.memory_space<vmem>>, vector<16xi32>,
      %ne3A_2565 = arith.constant 0 : i32
      %ne3A_2566 = vector.broadcast %ne3A_2565 : i32 to vector<16xi32>
      %ne3A_2567 = arith.cmpi ne, %get3A_2564, %ne3A_2566 : vector<16xi32>
      %jit3A_2568 = arith.constant 1.000000e+00 : f32
      %jit3A_2569 = arith.constant 0.000000e+00 : f32
      %broadcast_in_dim3A_2570 = vector.broadcast %jit3A_2568 : f32 to vector<16xf32>
      %broadcast_in_dim3A_2571 = vector.broadcast %jit3A_2569 : f32 to vector<16xf32>
      %select_n3A_2572 = arith.select %ne3A_2567, %broadcast_in_dim3A_2570, %broadcast_in_dim3A_2571 : vector<16xi1>, vector<16xf32>
      %add3A_2573 = arith.addf %add3A_2441, %select_n3A_2572 : vector<16xf32>
      %get3A_2574 = arith.index_cast %add3A_2457 : i32 to index
      %get3A_2575 = arith.constant 112 : index
      %get3A_2576 = tpu.vector_load %arg6[%get3A_2574, %get3A_2575] {strides = array<i32>} : memref<200x128xi32, #tpu.memory_space<vmem>>, vector<16xi32>,
      %ne3A_2577 = arith.constant 0 : i32
      %ne3A_2578 = vector.broadcast %ne3A_2577 : i32 to vector<16xi32>
      %ne3A_2579 = arith.cmpi ne, %get3A_2576, %ne3A_2578 : vector<16xi32>
      %jit3A_2580 = arith.constant 1.000000e+00 : f32
      %jit3A_2581 = arith.constant 0.000000e+00 : f32
      %broadcast_in_dim3A_2582 = vector.broadcast %jit3A_2580 : f32 to vector<16xf32>
      %broadcast_in_dim3A_2583 = vector.broadcast %jit3A_2581 : f32 to vector<16xf32>
      %select_n3A_2584 = arith.select %ne3A_2579, %broadcast_in_dim3A_2582, %broadcast_in_dim3A_2583 : vector<16xi1>, vector<16xf32>
      %add3A_2585 = arith.addf %add3A_2453, %select_n3A_2584 : vector<16xf32>
      %mul3A_2586 = arith.constant 10 : i32
      %mul3A_2587 = arith.muli %add3A_1798, %mul3A_2586 : i32
      %add3A_2588 = arith.constant 5 : i32
      %add3A_2589 = arith.addi %mul3A_2587, %add3A_2588 : i32
      %get3A_2590 = arith.index_cast %add3A_2589 : i32 to index
      %get3A_2591 = arith.constant 0 : index
      %get3A_2592 = tpu.vector_load %arg7[%get3A_2590, %get3A_2591] {strides = array<i32>} : memref<200x128xf32, #tpu.memory_space<vmem>>, vector<16xf32>,
      %add3A_2593 = arith.addf %add3A_2461, %get3A_2592 : vector<16xf32>
      %get3A_2594 = arith.index_cast %add3A_2589 : i32 to index
      %get3A_2595 = arith.constant 16 : index
      %get3A_2596 = tpu.vector_load %arg7[%get3A_2594, %get3A_2595] {strides = array<i32>} : memref<200x128xf32, #tpu.memory_space<vmem>>, vector<16xf32>,
      %add3A_2597 = arith.addf %add3A_2465, %get3A_2596 : vector<16xf32>
      %get3A_2598 = arith.index_cast %add3A_2589 : i32 to index
      %get3A_2599 = arith.constant 32 : index
      %get3A_2600 = tpu.vector_load %arg7[%get3A_2598, %get3A_2599] {strides = array<i32>} : memref<200x128xf32, #tpu.memory_space<vmem>>, vector<16xf32>,
      %add3A_2601 = arith.addf %add3A_2469, %get3A_2600 : vector<16xf32>
      %get3A_2602 = arith.index_cast %add3A_2589 : i32 to index
      %get3A_2603 = arith.constant 48 : index
      %get3A_2604 = tpu.vector_load %arg7[%get3A_2602, %get3A_2603] {strides = array<i32>} : memref<200x128xf32, #tpu.memory_space<vmem>>, vector<16xf32>,
      %add3A_2605 = arith.addf %add3A_2473, %get3A_2604 : vector<16xf32>
      %get3A_2606 = arith.index_cast %add3A_2589 : i32 to index
      %get3A_2607 = arith.constant 64 : index
      %get3A_2608 = tpu.vector_load %arg7[%get3A_2606, %get3A_2607] {strides = array<i32>} : memref<200x128xf32, #tpu.memory_space<vmem>>, vector<16xf32>,
      %add3A_2609 = arith.addf %add3A_2477, %get3A_2608 : vector<16xf32>
      %get3A_2610 = arith.index_cast %add3A_2589 : i32 to index
      %get3A_2611 = arith.constant 80 : index
      %get3A_2612 = tpu.vector_load %arg7[%get3A_2610, %get3A_2611] {strides = array<i32>} : memref<200x128xf32, #tpu.memory_space<vmem>>, vector<16xf32>,
      %add3A_2613 = arith.addf %add3A_2481, %get3A_2612 : vector<16xf32>
      %get3A_2614 = arith.index_cast %add3A_2589 : i32 to index
      %get3A_2615 = arith.constant 96 : index
      %get3A_2616 = tpu.vector_load %arg7[%get3A_2614, %get3A_2615] {strides = array<i32>} : memref<200x128xf32, #tpu.memory_space<vmem>>, vector<16xf32>,
      %add3A_2617 = arith.addf %add3A_2485, %get3A_2616 : vector<16xf32>
      %get3A_2618 = arith.index_cast %add3A_2589 : i32 to index
      %get3A_2619 = arith.constant 112 : index
      %get3A_2620 = tpu.vector_load %arg7[%get3A_2618, %get3A_2619] {strides = array<i32>} : memref<200x128xf32, #tpu.memory_space<vmem>>, vector<16xf32>,
      %add3A_2621 = arith.addf %add3A_2489, %get3A_2620 : vector<16xf32>
      %get3A_2622 = arith.index_cast %add3A_2589 : i32 to index
      %get3A_2623 = arith.constant 0 : index
      %get3A_2624 = tpu.vector_load %arg6[%get3A_2622, %get3A_2623] {strides = array<i32>} : memref<200x128xi32, #tpu.memory_space<vmem>>, vector<16xi32>,
      %ne3A_2625 = arith.constant 0 : i32
      %ne3A_2626 = vector.broadcast %ne3A_2625 : i32 to vector<16xi32>
      %ne3A_2627 = arith.cmpi ne, %get3A_2624, %ne3A_2626 : vector<16xi32>
      %jit3A_2628 = arith.constant 1.000000e+00 : f32
      %jit3A_2629 = arith.constant 0.000000e+00 : f32
      %broadcast_in_dim3A_2630 = vector.broadcast %jit3A_2628 : f32 to vector<16xf32>
      %broadcast_in_dim3A_2631 = vector.broadcast %jit3A_2629 : f32 to vector<16xf32>
      %select_n3A_2632 = arith.select %ne3A_2627, %broadcast_in_dim3A_2630, %broadcast_in_dim3A_2631 : vector<16xi1>, vector<16xf32>
      %add3A_2633 = arith.addf %add3A_2501, %select_n3A_2632 : vector<16xf32>
      %get3A_2634 = arith.index_cast %add3A_2589 : i32 to index
      %get3A_2635 = arith.constant 16 : index
      %get3A_2636 = tpu.vector_load %arg6[%get3A_2634, %get3A_2635] {strides = array<i32>} : memref<200x128xi32, #tpu.memory_space<vmem>>, vector<16xi32>,
      %ne3A_2637 = arith.constant 0 : i32
      %ne3A_2638 = vector.broadcast %ne3A_2637 : i32 to vector<16xi32>
      %ne3A_2639 = arith.cmpi ne, %get3A_2636, %ne3A_2638 : vector<16xi32>
      %jit3A_2640 = arith.constant 1.000000e+00 : f32
      %jit3A_2641 = arith.constant 0.000000e+00 : f32
      %broadcast_in_dim3A_2642 = vector.broadcast %jit3A_2640 : f32 to vector<16xf32>
      %broadcast_in_dim3A_2643 = vector.broadcast %jit3A_2641 : f32 to vector<16xf32>
      %select_n3A_2644 = arith.select %ne3A_2639, %broadcast_in_dim3A_2642, %broadcast_in_dim3A_2643 : vector<16xi1>, vector<16xf32>
      %add3A_2645 = arith.addf %add3A_2513, %select_n3A_2644 : vector<16xf32>
      %get3A_2646 = arith.index_cast %add3A_2589 : i32 to index
      %get3A_2647 = arith.constant 32 : index
      %get3A_2648 = tpu.vector_load %arg6[%get3A_2646, %get3A_2647] {strides = array<i32>} : memref<200x128xi32, #tpu.memory_space<vmem>>, vector<16xi32>,
      %ne3A_2649 = arith.constant 0 : i32
      %ne3A_2650 = vector.broadcast %ne3A_2649 : i32 to vector<16xi32>
      %ne3A_2651 = arith.cmpi ne, %get3A_2648, %ne3A_2650 : vector<16xi32>
      %jit3A_2652 = arith.constant 1.000000e+00 : f32
      %jit3A_2653 = arith.constant 0.000000e+00 : f32
      %broadcast_in_dim3A_2654 = vector.broadcast %jit3A_2652 : f32 to vector<16xf32>
      %broadcast_in_dim3A_2655 = vector.broadcast %jit3A_2653 : f32 to vector<16xf32>
      %select_n3A_2656 = arith.select %ne3A_2651, %broadcast_in_dim3A_2654, %broadcast_in_dim3A_2655 : vector<16xi1>, vector<16xf32>
      %add3A_2657 = arith.addf %add3A_2525, %select_n3A_2656 : vector<16xf32>
      %get3A_2658 = arith.index_cast %add3A_2589 : i32 to index
      %get3A_2659 = arith.constant 48 : index
      %get3A_2660 = tpu.vector_load %arg6[%get3A_2658, %get3A_2659] {strides = array<i32>} : memref<200x128xi32, #tpu.memory_space<vmem>>, vector<16xi32>,
      %ne3A_2661 = arith.constant 0 : i32
      %ne3A_2662 = vector.broadcast %ne3A_2661 : i32 to vector<16xi32>
      %ne3A_2663 = arith.cmpi ne, %get3A_2660, %ne3A_2662 : vector<16xi32>
      %jit3A_2664 = arith.constant 1.000000e+00 : f32
      %jit3A_2665 = arith.constant 0.000000e+00 : f32
      %broadcast_in_dim3A_2666 = vector.broadcast %jit3A_2664 : f32 to vector<16xf32>
      %broadcast_in_dim3A_2667 = vector.broadcast %jit3A_2665 : f32 to vector<16xf32>
      %select_n3A_2668 = arith.select %ne3A_2663, %broadcast_in_dim3A_2666, %broadcast_in_dim3A_2667 : vector<16xi1>, vector<16xf32>
      %add3A_2669 = arith.addf %add3A_2537, %select_n3A_2668 : vector<16xf32>
      %get3A_2670 = arith.index_cast %add3A_2589 : i32 to index
      %get3A_2671 = arith.constant 64 : index
      %get3A_2672 = tpu.vector_load %arg6[%get3A_2670, %get3A_2671] {strides = array<i32>} : memref<200x128xi32, #tpu.memory_space<vmem>>, vector<16xi32>,
      %ne3A_2673 = arith.constant 0 : i32
      %ne3A_2674 = vector.broadcast %ne3A_2673 : i32 to vector<16xi32>
      %ne3A_2675 = arith.cmpi ne, %get3A_2672, %ne3A_2674 : vector<16xi32>
      %jit3A_2676 = arith.constant 1.000000e+00 : f32
      %jit3A_2677 = arith.constant 0.000000e+00 : f32
      %broadcast_in_dim3A_2678 = vector.broadcast %jit3A_2676 : f32 to vector<16xf32>
      %broadcast_in_dim3A_2679 = vector.broadcast %jit3A_2677 : f32 to vector<16xf32>
      %select_n3A_2680 = arith.select %ne3A_2675, %broadcast_in_dim3A_2678, %broadcast_in_dim3A_2679 : vector<16xi1>, vector<16xf32>
      %add3A_2681 = arith.addf %add3A_2549, %select_n3A_2680 : vector<16xf32>
      %get3A_2682 = arith.index_cast %add3A_2589 : i32 to index
      %get3A_2683 = arith.constant 80 : index
      %get3A_2684 = tpu.vector_load %arg6[%get3A_2682, %get3A_2683] {strides = array<i32>} : memref<200x128xi32, #tpu.memory_space<vmem>>, vector<16xi32>,
      %ne3A_2685 = arith.constant 0 : i32
      %ne3A_2686 = vector.broadcast %ne3A_2685 : i32 to vector<16xi32>
      %ne3A_2687 = arith.cmpi ne, %get3A_2684, %ne3A_2686 : vector<16xi32>
      %jit3A_2688 = arith.constant 1.000000e+00 : f32
      %jit3A_2689 = arith.constant 0.000000e+00 : f32
      %broadcast_in_dim3A_2690 = vector.broadcast %jit3A_2688 : f32 to vector<16xf32>
      %broadcast_in_dim3A_2691 = vector.broadcast %jit3A_2689 : f32 to vector<16xf32>
      %select_n3A_2692 = arith.select %ne3A_2687, %broadcast_in_dim3A_2690, %broadcast_in_dim3A_2691 : vector<16xi1>, vector<16xf32>
      %add3A_2693 = arith.addf %add3A_2561, %select_n3A_2692 : vector<16xf32>
      %get3A_2694 = arith.index_cast %add3A_2589 : i32 to index
      %get3A_2695 = arith.constant 96 : index
      %get3A_2696 = tpu.vector_load %arg6[%get3A_2694, %get3A_2695] {strides = array<i32>} : memref<200x128xi32, #tpu.memory_space<vmem>>, vector<16xi32>,
      %ne3A_2697 = arith.constant 0 : i32
      %ne3A_2698 = vector.broadcast %ne3A_2697 : i32 to vector<16xi32>
      %ne3A_2699 = arith.cmpi ne, %get3A_2696, %ne3A_2698 : vector<16xi32>
      %jit3A_2700 = arith.constant 1.000000e+00 : f32
      %jit3A_2701 = arith.constant 0.000000e+00 : f32
      %broadcast_in_dim3A_2702 = vector.broadcast %jit3A_2700 : f32 to vector<16xf32>
      %broadcast_in_dim3A_2703 = vector.broadcast %jit3A_2701 : f32 to vector<16xf32>
      %select_n3A_2704 = arith.select %ne3A_2699, %broadcast_in_dim3A_2702, %broadcast_in_dim3A_2703 : vector<16xi1>, vector<16xf32>
      %add3A_2705 = arith.addf %add3A_2573, %select_n3A_2704 : vector<16xf32>
      %get3A_2706 = arith.index_cast %add3A_2589 : i32 to index
      %get3A_2707 = arith.constant 112 : index
      %get3A_2708 = tpu.vector_load %arg6[%get3A_2706, %get3A_2707] {strides = array<i32>} : memref<200x128xi32, #tpu.memory_space<vmem>>, vector<16xi32>,
      %ne3A_2709 = arith.constant 0 : i32
      %ne3A_2710 = vector.broadcast %ne3A_2709 : i32 to vector<16xi32>
      %ne3A_2711 = arith.cmpi ne, %get3A_2708, %ne3A_2710 : vector<16xi32>
      %jit3A_2712 = arith.constant 1.000000e+00 : f32
      %jit3A_2713 = arith.constant 0.000000e+00 : f32
      %broadcast_in_dim3A_2714 = vector.broadcast %jit3A_2712 : f32 to vector<16xf32>
      %broadcast_in_dim3A_2715 = vector.broadcast %jit3A_2713 : f32 to vector<16xf32>
      %select_n3A_2716 = arith.select %ne3A_2711, %broadcast_in_dim3A_2714, %broadcast_in_dim3A_2715 : vector<16xi1>, vector<16xf32>
      %add3A_2717 = arith.addf %add3A_2585, %select_n3A_2716 : vector<16xf32>
      %mul3A_2718 = arith.constant 10 : i32
      %mul3A_2719 = arith.muli %add3A_1798, %mul3A_2718 : i32
      %add3A_2720 = arith.constant 6 : i32
      %add3A_2721 = arith.addi %mul3A_2719, %add3A_2720 : i32
      %get3A_2722 = arith.index_cast %add3A_2721 : i32 to index
      %get3A_2723 = arith.constant 0 : index
      %get3A_2724 = tpu.vector_load %arg7[%get3A_2722, %get3A_2723] {strides = array<i32>} : memref<200x128xf32, #tpu.memory_space<vmem>>, vector<16xf32>,
      %add3A_2725 = arith.addf %add3A_2593, %get3A_2724 : vector<16xf32>
      %get3A_2726 = arith.index_cast %add3A_2721 : i32 to index
      %get3A_2727 = arith.constant 16 : index
      %get3A_2728 = tpu.vector_load %arg7[%get3A_2726, %get3A_2727] {strides = array<i32>} : memref<200x128xf32, #tpu.memory_space<vmem>>, vector<16xf32>,
      %add3A_2729 = arith.addf %add3A_2597, %get3A_2728 : vector<16xf32>
      %get3A_2730 = arith.index_cast %add3A_2721 : i32 to index
      %get3A_2731 = arith.constant 32 : index
      %get3A_2732 = tpu.vector_load %arg7[%get3A_2730, %get3A_2731] {strides = array<i32>} : memref<200x128xf32, #tpu.memory_space<vmem>>, vector<16xf32>,
      %add3A_2733 = arith.addf %add3A_2601, %get3A_2732 : vector<16xf32>
      %get3A_2734 = arith.index_cast %add3A_2721 : i32 to index
      %get3A_2735 = arith.constant 48 : index
      %get3A_2736 = tpu.vector_load %arg7[%get3A_2734, %get3A_2735] {strides = array<i32>} : memref<200x128xf32, #tpu.memory_space<vmem>>, vector<16xf32>,
      %add3A_2737 = arith.addf %add3A_2605, %get3A_2736 : vector<16xf32>
      %get3A_2738 = arith.index_cast %add3A_2721 : i32 to index
      %get3A_2739 = arith.constant 64 : index
      %get3A_2740 = tpu.vector_load %arg7[%get3A_2738, %get3A_2739] {strides = array<i32>} : memref<200x128xf32, #tpu.memory_space<vmem>>, vector<16xf32>,
      %add3A_2741 = arith.addf %add3A_2609, %get3A_2740 : vector<16xf32>
      %get3A_2742 = arith.index_cast %add3A_2721 : i32 to index
      %get3A_2743 = arith.constant 80 : index
      %get3A_2744 = tpu.vector_load %arg7[%get3A_2742, %get3A_2743] {strides = array<i32>} : memref<200x128xf32, #tpu.memory_space<vmem>>, vector<16xf32>,
      %add3A_2745 = arith.addf %add3A_2613, %get3A_2744 : vector<16xf32>
      %get3A_2746 = arith.index_cast %add3A_2721 : i32 to index
      %get3A_2747 = arith.constant 96 : index
      %get3A_2748 = tpu.vector_load %arg7[%get3A_2746, %get3A_2747] {strides = array<i32>} : memref<200x128xf32, #tpu.memory_space<vmem>>, vector<16xf32>,
      %add3A_2749 = arith.addf %add3A_2617, %get3A_2748 : vector<16xf32>
      %get3A_2750 = arith.index_cast %add3A_2721 : i32 to index
      %get3A_2751 = arith.constant 112 : index
      %get3A_2752 = tpu.vector_load %arg7[%get3A_2750, %get3A_2751] {strides = array<i32>} : memref<200x128xf32, #tpu.memory_space<vmem>>, vector<16xf32>,
      %add3A_2753 = arith.addf %add3A_2621, %get3A_2752 : vector<16xf32>
      %get3A_2754 = arith.index_cast %add3A_2721 : i32 to index
      %get3A_2755 = arith.constant 0 : index
      %get3A_2756 = tpu.vector_load %arg6[%get3A_2754, %get3A_2755] {strides = array<i32>} : memref<200x128xi32, #tpu.memory_space<vmem>>, vector<16xi32>,
      %ne3A_2757 = arith.constant 0 : i32
      %ne3A_2758 = vector.broadcast %ne3A_2757 : i32 to vector<16xi32>
      %ne3A_2759 = arith.cmpi ne, %get3A_2756, %ne3A_2758 : vector<16xi32>
      %jit3A_2760 = arith.constant 1.000000e+00 : f32
      %jit3A_2761 = arith.constant 0.000000e+00 : f32
      %broadcast_in_dim3A_2762 = vector.broadcast %jit3A_2760 : f32 to vector<16xf32>
      %broadcast_in_dim3A_2763 = vector.broadcast %jit3A_2761 : f32 to vector<16xf32>
      %select_n3A_2764 = arith.select %ne3A_2759, %broadcast_in_dim3A_2762, %broadcast_in_dim3A_2763 : vector<16xi1>, vector<16xf32>
      %add3A_2765 = arith.addf %add3A_2633, %select_n3A_2764 : vector<16xf32>
      %get3A_2766 = arith.index_cast %add3A_2721 : i32 to index
      %get3A_2767 = arith.constant 16 : index
      %get3A_2768 = tpu.vector_load %arg6[%get3A_2766, %get3A_2767] {strides = array<i32>} : memref<200x128xi32, #tpu.memory_space<vmem>>, vector<16xi32>,
      %ne3A_2769 = arith.constant 0 : i32
      %ne3A_2770 = vector.broadcast %ne3A_2769 : i32 to vector<16xi32>
      %ne3A_2771 = arith.cmpi ne, %get3A_2768, %ne3A_2770 : vector<16xi32>
      %jit3A_2772 = arith.constant 1.000000e+00 : f32
      %jit3A_2773 = arith.constant 0.000000e+00 : f32
      %broadcast_in_dim3A_2774 = vector.broadcast %jit3A_2772 : f32 to vector<16xf32>
      %broadcast_in_dim3A_2775 = vector.broadcast %jit3A_2773 : f32 to vector<16xf32>
      %select_n3A_2776 = arith.select %ne3A_2771, %broadcast_in_dim3A_2774, %broadcast_in_dim3A_2775 : vector<16xi1>, vector<16xf32>
      %add3A_2777 = arith.addf %add3A_2645, %select_n3A_2776 : vector<16xf32>
      %get3A_2778 = arith.index_cast %add3A_2721 : i32 to index
      %get3A_2779 = arith.constant 32 : index
      %get3A_2780 = tpu.vector_load %arg6[%get3A_2778, %get3A_2779] {strides = array<i32>} : memref<200x128xi32, #tpu.memory_space<vmem>>, vector<16xi32>,
      %ne3A_2781 = arith.constant 0 : i32
      %ne3A_2782 = vector.broadcast %ne3A_2781 : i32 to vector<16xi32>
      %ne3A_2783 = arith.cmpi ne, %get3A_2780, %ne3A_2782 : vector<16xi32>
      %jit3A_2784 = arith.constant 1.000000e+00 : f32
      %jit3A_2785 = arith.constant 0.000000e+00 : f32
      %broadcast_in_dim3A_2786 = vector.broadcast %jit3A_2784 : f32 to vector<16xf32>
      %broadcast_in_dim3A_2787 = vector.broadcast %jit3A_2785 : f32 to vector<16xf32>
      %select_n3A_2788 = arith.select %ne3A_2783, %broadcast_in_dim3A_2786, %broadcast_in_dim3A_2787 : vector<16xi1>, vector<16xf32>
      %add3A_2789 = arith.addf %add3A_2657, %select_n3A_2788 : vector<16xf32>
      %get3A_2790 = arith.index_cast %add3A_2721 : i32 to index
      %get3A_2791 = arith.constant 48 : index
      %get3A_2792 = tpu.vector_load %arg6[%get3A_2790, %get3A_2791] {strides = array<i32>} : memref<200x128xi32, #tpu.memory_space<vmem>>, vector<16xi32>,
      %ne3A_2793 = arith.constant 0 : i32
      %ne3A_2794 = vector.broadcast %ne3A_2793 : i32 to vector<16xi32>
      %ne3A_2795 = arith.cmpi ne, %get3A_2792, %ne3A_2794 : vector<16xi32>
      %jit3A_2796 = arith.constant 1.000000e+00 : f32
      %jit3A_2797 = arith.constant 0.000000e+00 : f32
      %broadcast_in_dim3A_2798 = vector.broadcast %jit3A_2796 : f32 to vector<16xf32>
      %broadcast_in_dim3A_2799 = vector.broadcast %jit3A_2797 : f32 to vector<16xf32>
      %select_n3A_2800 = arith.select %ne3A_2795, %broadcast_in_dim3A_2798, %broadcast_in_dim3A_2799 : vector<16xi1>, vector<16xf32>
      %add3A_2801 = arith.addf %add3A_2669, %select_n3A_2800 : vector<16xf32>
      %get3A_2802 = arith.index_cast %add3A_2721 : i32 to index
      %get3A_2803 = arith.constant 64 : index
      %get3A_2804 = tpu.vector_load %arg6[%get3A_2802, %get3A_2803] {strides = array<i32>} : memref<200x128xi32, #tpu.memory_space<vmem>>, vector<16xi32>,
      %ne3A_2805 = arith.constant 0 : i32
      %ne3A_2806 = vector.broadcast %ne3A_2805 : i32 to vector<16xi32>
      %ne3A_2807 = arith.cmpi ne, %get3A_2804, %ne3A_2806 : vector<16xi32>
      %jit3A_2808 = arith.constant 1.000000e+00 : f32
      %jit3A_2809 = arith.constant 0.000000e+00 : f32
      %broadcast_in_dim3A_2810 = vector.broadcast %jit3A_2808 : f32 to vector<16xf32>
      %broadcast_in_dim3A_2811 = vector.broadcast %jit3A_2809 : f32 to vector<16xf32>
      %select_n3A_2812 = arith.select %ne3A_2807, %broadcast_in_dim3A_2810, %broadcast_in_dim3A_2811 : vector<16xi1>, vector<16xf32>
      %add3A_2813 = arith.addf %add3A_2681, %select_n3A_2812 : vector<16xf32>
      %get3A_2814 = arith.index_cast %add3A_2721 : i32 to index
      %get3A_2815 = arith.constant 80 : index
      %get3A_2816 = tpu.vector_load %arg6[%get3A_2814, %get3A_2815] {strides = array<i32>} : memref<200x128xi32, #tpu.memory_space<vmem>>, vector<16xi32>,
      %ne3A_2817 = arith.constant 0 : i32
      %ne3A_2818 = vector.broadcast %ne3A_2817 : i32 to vector<16xi32>
      %ne3A_2819 = arith.cmpi ne, %get3A_2816, %ne3A_2818 : vector<16xi32>
      %jit3A_2820 = arith.constant 1.000000e+00 : f32
      %jit3A_2821 = arith.constant 0.000000e+00 : f32
      %broadcast_in_dim3A_2822 = vector.broadcast %jit3A_2820 : f32 to vector<16xf32>
      %broadcast_in_dim3A_2823 = vector.broadcast %jit3A_2821 : f32 to vector<16xf32>
      %select_n3A_2824 = arith.select %ne3A_2819, %broadcast_in_dim3A_2822, %broadcast_in_dim3A_2823 : vector<16xi1>, vector<16xf32>
      %add3A_2825 = arith.addf %add3A_2693, %select_n3A_2824 : vector<16xf32>
      %get3A_2826 = arith.index_cast %add3A_2721 : i32 to index
      %get3A_2827 = arith.constant 96 : index
      %get3A_2828 = tpu.vector_load %arg6[%get3A_2826, %get3A_2827] {strides = array<i32>} : memref<200x128xi32, #tpu.memory_space<vmem>>, vector<16xi32>,
      %ne3A_2829 = arith.constant 0 : i32
      %ne3A_2830 = vector.broadcast %ne3A_2829 : i32 to vector<16xi32>
      %ne3A_2831 = arith.cmpi ne, %get3A_2828, %ne3A_2830 : vector<16xi32>
      %jit3A_2832 = arith.constant 1.000000e+00 : f32
      %jit3A_2833 = arith.constant 0.000000e+00 : f32
      %broadcast_in_dim3A_2834 = vector.broadcast %jit3A_2832 : f32 to vector<16xf32>
      %broadcast_in_dim3A_2835 = vector.broadcast %jit3A_2833 : f32 to vector<16xf32>
      %select_n3A_2836 = arith.select %ne3A_2831, %broadcast_in_dim3A_2834, %broadcast_in_dim3A_2835 : vector<16xi1>, vector<16xf32>
      %add3A_2837 = arith.addf %add3A_2705, %select_n3A_2836 : vector<16xf32>
      %get3A_2838 = arith.index_cast %add3A_2721 : i32 to index
      %get3A_2839 = arith.constant 112 : index
      %get3A_2840 = tpu.vector_load %arg6[%get3A_2838, %get3A_2839] {strides = array<i32>} : memref<200x128xi32, #tpu.memory_space<vmem>>, vector<16xi32>,
      %ne3A_2841 = arith.constant 0 : i32
      %ne3A_2842 = vector.broadcast %ne3A_2841 : i32 to vector<16xi32>
      %ne3A_2843 = arith.cmpi ne, %get3A_2840, %ne3A_2842 : vector<16xi32>
      %jit3A_2844 = arith.constant 1.000000e+00 : f32
      %jit3A_2845 = arith.constant 0.000000e+00 : f32
      %broadcast_in_dim3A_2846 = vector.broadcast %jit3A_2844 : f32 to vector<16xf32>
      %broadcast_in_dim3A_2847 = vector.broadcast %jit3A_2845 : f32 to vector<16xf32>
      %select_n3A_2848 = arith.select %ne3A_2843, %broadcast_in_dim3A_2846, %broadcast_in_dim3A_2847 : vector<16xi1>, vector<16xf32>
      %add3A_2849 = arith.addf %add3A_2717, %select_n3A_2848 : vector<16xf32>
      %mul3A_2850 = arith.constant 10 : i32
      %mul3A_2851 = arith.muli %add3A_1798, %mul3A_2850 : i32
      %add3A_2852 = arith.constant 7 : i32
      %add3A_2853 = arith.addi %mul3A_2851, %add3A_2852 : i32
      %get3A_2854 = arith.index_cast %add3A_2853 : i32 to index
      %get3A_2855 = arith.constant 0 : index
      %get3A_2856 = tpu.vector_load %arg7[%get3A_2854, %get3A_2855] {strides = array<i32>} : memref<200x128xf32, #tpu.memory_space<vmem>>, vector<16xf32>,
      %add3A_2857 = arith.addf %add3A_2725, %get3A_2856 : vector<16xf32>
      %get3A_2858 = arith.index_cast %add3A_2853 : i32 to index
      %get3A_2859 = arith.constant 16 : index
      %get3A_2860 = tpu.vector_load %arg7[%get3A_2858, %get3A_2859] {strides = array<i32>} : memref<200x128xf32, #tpu.memory_space<vmem>>, vector<16xf32>,
      %add3A_2861 = arith.addf %add3A_2729, %get3A_2860 : vector<16xf32>
      %get3A_2862 = arith.index_cast %add3A_2853 : i32 to index
      %get3A_2863 = arith.constant 32 : index
      %get3A_2864 = tpu.vector_load %arg7[%get3A_2862, %get3A_2863] {strides = array<i32>} : memref<200x128xf32, #tpu.memory_space<vmem>>, vector<16xf32>,
      %add3A_2865 = arith.addf %add3A_2733, %get3A_2864 : vector<16xf32>
      %get3A_2866 = arith.index_cast %add3A_2853 : i32 to index
      %get3A_2867 = arith.constant 48 : index
      %get3A_2868 = tpu.vector_load %arg7[%get3A_2866, %get3A_2867] {strides = array<i32>} : memref<200x128xf32, #tpu.memory_space<vmem>>, vector<16xf32>,
      %add3A_2869 = arith.addf %add3A_2737, %get3A_2868 : vector<16xf32>
      %get3A_2870 = arith.index_cast %add3A_2853 : i32 to index
      %get3A_2871 = arith.constant 64 : index
      %get3A_2872 = tpu.vector_load %arg7[%get3A_2870, %get3A_2871] {strides = array<i32>} : memref<200x128xf32, #tpu.memory_space<vmem>>, vector<16xf32>,
      %add3A_2873 = arith.addf %add3A_2741, %get3A_2872 : vector<16xf32>
      %get3A_2874 = arith.index_cast %add3A_2853 : i32 to index
      %get3A_2875 = arith.constant 80 : index
      %get3A_2876 = tpu.vector_load %arg7[%get3A_2874, %get3A_2875] {strides = array<i32>} : memref<200x128xf32, #tpu.memory_space<vmem>>, vector<16xf32>,
      %add3A_2877 = arith.addf %add3A_2745, %get3A_2876 : vector<16xf32>
      %get3A_2878 = arith.index_cast %add3A_2853 : i32 to index
      %get3A_2879 = arith.constant 96 : index
      %get3A_2880 = tpu.vector_load %arg7[%get3A_2878, %get3A_2879] {strides = array<i32>} : memref<200x128xf32, #tpu.memory_space<vmem>>, vector<16xf32>,
      %add3A_2881 = arith.addf %add3A_2749, %get3A_2880 : vector<16xf32>
      %get3A_2882 = arith.index_cast %add3A_2853 : i32 to index
      %get3A_2883 = arith.constant 112 : index
      %get3A_2884 = tpu.vector_load %arg7[%get3A_2882, %get3A_2883] {strides = array<i32>} : memref<200x128xf32, #tpu.memory_space<vmem>>, vector<16xf32>,
      %add3A_2885 = arith.addf %add3A_2753, %get3A_2884 : vector<16xf32>
      %get3A_2886 = arith.index_cast %add3A_2853 : i32 to index
      %get3A_2887 = arith.constant 0 : index
      %get3A_2888 = tpu.vector_load %arg6[%get3A_2886, %get3A_2887] {strides = array<i32>} : memref<200x128xi32, #tpu.memory_space<vmem>>, vector<16xi32>,
      %ne3A_2889 = arith.constant 0 : i32
      %ne3A_2890 = vector.broadcast %ne3A_2889 : i32 to vector<16xi32>
      %ne3A_2891 = arith.cmpi ne, %get3A_2888, %ne3A_2890 : vector<16xi32>
      %jit3A_2892 = arith.constant 1.000000e+00 : f32
      %jit3A_2893 = arith.constant 0.000000e+00 : f32
      %broadcast_in_dim3A_2894 = vector.broadcast %jit3A_2892 : f32 to vector<16xf32>
      %broadcast_in_dim3A_2895 = vector.broadcast %jit3A_2893 : f32 to vector<16xf32>
      %select_n3A_2896 = arith.select %ne3A_2891, %broadcast_in_dim3A_2894, %broadcast_in_dim3A_2895 : vector<16xi1>, vector<16xf32>
      %add3A_2897 = arith.addf %add3A_2765, %select_n3A_2896 : vector<16xf32>
      %get3A_2898 = arith.index_cast %add3A_2853 : i32 to index
      %get3A_2899 = arith.constant 16 : index
      %get3A_2900 = tpu.vector_load %arg6[%get3A_2898, %get3A_2899] {strides = array<i32>} : memref<200x128xi32, #tpu.memory_space<vmem>>, vector<16xi32>,
      %ne3A_2901 = arith.constant 0 : i32
      %ne3A_2902 = vector.broadcast %ne3A_2901 : i32 to vector<16xi32>
      %ne3A_2903 = arith.cmpi ne, %get3A_2900, %ne3A_2902 : vector<16xi32>
      %jit3A_2904 = arith.constant 1.000000e+00 : f32
      %jit3A_2905 = arith.constant 0.000000e+00 : f32
      %broadcast_in_dim3A_2906 = vector.broadcast %jit3A_2904 : f32 to vector<16xf32>
      %broadcast_in_dim3A_2907 = vector.broadcast %jit3A_2905 : f32 to vector<16xf32>
      %select_n3A_2908 = arith.select %ne3A_2903, %broadcast_in_dim3A_2906, %broadcast_in_dim3A_2907 : vector<16xi1>, vector<16xf32>
      %add3A_2909 = arith.addf %add3A_2777, %select_n3A_2908 : vector<16xf32>
      %get3A_2910 = arith.index_cast %add3A_2853 : i32 to index
      %get3A_2911 = arith.constant 32 : index
      %get3A_2912 = tpu.vector_load %arg6[%get3A_2910, %get3A_2911] {strides = array<i32>} : memref<200x128xi32, #tpu.memory_space<vmem>>, vector<16xi32>,
      %ne3A_2913 = arith.constant 0 : i32
      %ne3A_2914 = vector.broadcast %ne3A_2913 : i32 to vector<16xi32>
      %ne3A_2915 = arith.cmpi ne, %get3A_2912, %ne3A_2914 : vector<16xi32>
      %jit3A_2916 = arith.constant 1.000000e+00 : f32
      %jit3A_2917 = arith.constant 0.000000e+00 : f32
      %broadcast_in_dim3A_2918 = vector.broadcast %jit3A_2916 : f32 to vector<16xf32>
      %broadcast_in_dim3A_2919 = vector.broadcast %jit3A_2917 : f32 to vector<16xf32>
      %select_n3A_2920 = arith.select %ne3A_2915, %broadcast_in_dim3A_2918, %broadcast_in_dim3A_2919 : vector<16xi1>, vector<16xf32>
      %add3A_2921 = arith.addf %add3A_2789, %select_n3A_2920 : vector<16xf32>
      %get3A_2922 = arith.index_cast %add3A_2853 : i32 to index
      %get3A_2923 = arith.constant 48 : index
      %get3A_2924 = tpu.vector_load %arg6[%get3A_2922, %get3A_2923] {strides = array<i32>} : memref<200x128xi32, #tpu.memory_space<vmem>>, vector<16xi32>,
      %ne3A_2925 = arith.constant 0 : i32
      %ne3A_2926 = vector.broadcast %ne3A_2925 : i32 to vector<16xi32>
      %ne3A_2927 = arith.cmpi ne, %get3A_2924, %ne3A_2926 : vector<16xi32>
      %jit3A_2928 = arith.constant 1.000000e+00 : f32
      %jit3A_2929 = arith.constant 0.000000e+00 : f32
      %broadcast_in_dim3A_2930 = vector.broadcast %jit3A_2928 : f32 to vector<16xf32>
      %broadcast_in_dim3A_2931 = vector.broadcast %jit3A_2929 : f32 to vector<16xf32>
      %select_n3A_2932 = arith.select %ne3A_2927, %broadcast_in_dim3A_2930, %broadcast_in_dim3A_2931 : vector<16xi1>, vector<16xf32>
      %add3A_2933 = arith.addf %add3A_2801, %select_n3A_2932 : vector<16xf32>
      %get3A_2934 = arith.index_cast %add3A_2853 : i32 to index
      %get3A_2935 = arith.constant 64 : index
      %get3A_2936 = tpu.vector_load %arg6[%get3A_2934, %get3A_2935] {strides = array<i32>} : memref<200x128xi32, #tpu.memory_space<vmem>>, vector<16xi32>,
      %ne3A_2937 = arith.constant 0 : i32
      %ne3A_2938 = vector.broadcast %ne3A_2937 : i32 to vector<16xi32>
      %ne3A_2939 = arith.cmpi ne, %get3A_2936, %ne3A_2938 : vector<16xi32>
      %jit3A_2940 = arith.constant 1.000000e+00 : f32
      %jit3A_2941 = arith.constant 0.000000e+00 : f32
      %broadcast_in_dim3A_2942 = vector.broadcast %jit3A_2940 : f32 to vector<16xf32>
      %broadcast_in_dim3A_2943 = vector.broadcast %jit3A_2941 : f32 to vector<16xf32>
      %select_n3A_2944 = arith.select %ne3A_2939, %broadcast_in_dim3A_2942, %broadcast_in_dim3A_2943 : vector<16xi1>, vector<16xf32>
      %add3A_2945 = arith.addf %add3A_2813, %select_n3A_2944 : vector<16xf32>
      %get3A_2946 = arith.index_cast %add3A_2853 : i32 to index
      %get3A_2947 = arith.constant 80 : index
      %get3A_2948 = tpu.vector_load %arg6[%get3A_2946, %get3A_2947] {strides = array<i32>} : memref<200x128xi32, #tpu.memory_space<vmem>>, vector<16xi32>,
      %ne3A_2949 = arith.constant 0 : i32
      %ne3A_2950 = vector.broadcast %ne3A_2949 : i32 to vector<16xi32>
      %ne3A_2951 = arith.cmpi ne, %get3A_2948, %ne3A_2950 : vector<16xi32>
      %jit3A_2952 = arith.constant 1.000000e+00 : f32
      %jit3A_2953 = arith.constant 0.000000e+00 : f32
      %broadcast_in_dim3A_2954 = vector.broadcast %jit3A_2952 : f32 to vector<16xf32>
      %broadcast_in_dim3A_2955 = vector.broadcast %jit3A_2953 : f32 to vector<16xf32>
      %select_n3A_2956 = arith.select %ne3A_2951, %broadcast_in_dim3A_2954, %broadcast_in_dim3A_2955 : vector<16xi1>, vector<16xf32>
      %add3A_2957 = arith.addf %add3A_2825, %select_n3A_2956 : vector<16xf32>
      %get3A_2958 = arith.index_cast %add3A_2853 : i32 to index
      %get3A_2959 = arith.constant 96 : index
      %get3A_2960 = tpu.vector_load %arg6[%get3A_2958, %get3A_2959] {strides = array<i32>} : memref<200x128xi32, #tpu.memory_space<vmem>>, vector<16xi32>,
      %ne3A_2961 = arith.constant 0 : i32
      %ne3A_2962 = vector.broadcast %ne3A_2961 : i32 to vector<16xi32>
      %ne3A_2963 = arith.cmpi ne, %get3A_2960, %ne3A_2962 : vector<16xi32>
      %jit3A_2964 = arith.constant 1.000000e+00 : f32
      %jit3A_2965 = arith.constant 0.000000e+00 : f32
      %broadcast_in_dim3A_2966 = vector.broadcast %jit3A_2964 : f32 to vector<16xf32>
      %broadcast_in_dim3A_2967 = vector.broadcast %jit3A_2965 : f32 to vector<16xf32>
      %select_n3A_2968 = arith.select %ne3A_2963, %broadcast_in_dim3A_2966, %broadcast_in_dim3A_2967 : vector<16xi1>, vector<16xf32>
      %add3A_2969 = arith.addf %add3A_2837, %select_n3A_2968 : vector<16xf32>
      %get3A_2970 = arith.index_cast %add3A_2853 : i32 to index
      %get3A_2971 = arith.constant 112 : index
      %get3A_2972 = tpu.vector_load %arg6[%get3A_2970, %get3A_2971] {strides = array<i32>} : memref<200x128xi32, #tpu.memory_space<vmem>>, vector<16xi32>,
      %ne3A_2973 = arith.constant 0 : i32
      %ne3A_2974 = vector.broadcast %ne3A_2973 : i32 to vector<16xi32>
      %ne3A_2975 = arith.cmpi ne, %get3A_2972, %ne3A_2974 : vector<16xi32>
      %jit3A_2976 = arith.constant 1.000000e+00 : f32
      %jit3A_2977 = arith.constant 0.000000e+00 : f32
      %broadcast_in_dim3A_2978 = vector.broadcast %jit3A_2976 : f32 to vector<16xf32>
      %broadcast_in_dim3A_2979 = vector.broadcast %jit3A_2977 : f32 to vector<16xf32>
      %select_n3A_2980 = arith.select %ne3A_2975, %broadcast_in_dim3A_2978, %broadcast_in_dim3A_2979 : vector<16xi1>, vector<16xf32>
      %add3A_2981 = arith.addf %add3A_2849, %select_n3A_2980 : vector<16xf32>
      %mul3A_2982 = arith.constant 10 : i32
      %mul3A_2983 = arith.muli %add3A_1798, %mul3A_2982 : i32
      %add3A_2984 = arith.constant 8 : i32
      %add3A_2985 = arith.addi %mul3A_2983, %add3A_2984 : i32
      %get3A_2986 = arith.index_cast %add3A_2985 : i32 to index
      %get3A_2987 = arith.constant 0 : index
      %get3A_2988 = tpu.vector_load %arg7[%get3A_2986, %get3A_2987] {strides = array<i32>} : memref<200x128xf32, #tpu.memory_space<vmem>>, vector<16xf32>,
      %add3A_2989 = arith.addf %add3A_2857, %get3A_2988 : vector<16xf32>
      %get3A_2990 = arith.index_cast %add3A_2985 : i32 to index
      %get3A_2991 = arith.constant 16 : index
      %get3A_2992 = tpu.vector_load %arg7[%get3A_2990, %get3A_2991] {strides = array<i32>} : memref<200x128xf32, #tpu.memory_space<vmem>>, vector<16xf32>,
      %add3A_2993 = arith.addf %add3A_2861, %get3A_2992 : vector<16xf32>
      %get3A_2994 = arith.index_cast %add3A_2985 : i32 to index
      %get3A_2995 = arith.constant 32 : index
      %get3A_2996 = tpu.vector_load %arg7[%get3A_2994, %get3A_2995] {strides = array<i32>} : memref<200x128xf32, #tpu.memory_space<vmem>>, vector<16xf32>,
      %add3A_2997 = arith.addf %add3A_2865, %get3A_2996 : vector<16xf32>
      %get3A_2998 = arith.index_cast %add3A_2985 : i32 to index
      %get3A_2999 = arith.constant 48 : index
      %get3A_3000 = tpu.vector_load %arg7[%get3A_2998, %get3A_2999] {strides = array<i32>} : memref<200x128xf32, #tpu.memory_space<vmem>>, vector<16xf32>,
      %add3A_3001 = arith.addf %add3A_2869, %get3A_3000 : vector<16xf32>
      %get3A_3002 = arith.index_cast %add3A_2985 : i32 to index
      %get3A_3003 = arith.constant 64 : index
      %get3A_3004 = tpu.vector_load %arg7[%get3A_3002, %get3A_3003] {strides = array<i32>} : memref<200x128xf32, #tpu.memory_space<vmem>>, vector<16xf32>,
      %add3A_3005 = arith.addf %add3A_2873, %get3A_3004 : vector<16xf32>
      %get3A_3006 = arith.index_cast %add3A_2985 : i32 to index
      %get3A_3007 = arith.constant 80 : index
      %get3A_3008 = tpu.vector_load %arg7[%get3A_3006, %get3A_3007] {strides = array<i32>} : memref<200x128xf32, #tpu.memory_space<vmem>>, vector<16xf32>,
      %add3A_3009 = arith.addf %add3A_2877, %get3A_3008 : vector<16xf32>
      %get3A_3010 = arith.index_cast %add3A_2985 : i32 to index
      %get3A_3011 = arith.constant 96 : index
      %get3A_3012 = tpu.vector_load %arg7[%get3A_3010, %get3A_3011] {strides = array<i32>} : memref<200x128xf32, #tpu.memory_space<vmem>>, vector<16xf32>,
      %add3A_3013 = arith.addf %add3A_2881, %get3A_3012 : vector<16xf32>
      %get3A_3014 = arith.index_cast %add3A_2985 : i32 to index
      %get3A_3015 = arith.constant 112 : index
      %get3A_3016 = tpu.vector_load %arg7[%get3A_3014, %get3A_3015] {strides = array<i32>} : memref<200x128xf32, #tpu.memory_space<vmem>>, vector<16xf32>,
      %add3A_3017 = arith.addf %add3A_2885, %get3A_3016 : vector<16xf32>
      %get3A_3018 = arith.index_cast %add3A_2985 : i32 to index
      %get3A_3019 = arith.constant 0 : index
      %get3A_3020 = tpu.vector_load %arg6[%get3A_3018, %get3A_3019] {strides = array<i32>} : memref<200x128xi32, #tpu.memory_space<vmem>>, vector<16xi32>,
      %ne3A_3021 = arith.constant 0 : i32
      %ne3A_3022 = vector.broadcast %ne3A_3021 : i32 to vector<16xi32>
      %ne3A_3023 = arith.cmpi ne, %get3A_3020, %ne3A_3022 : vector<16xi32>
      %jit3A_3024 = arith.constant 1.000000e+00 : f32
      %jit3A_3025 = arith.constant 0.000000e+00 : f32
      %broadcast_in_dim3A_3026 = vector.broadcast %jit3A_3024 : f32 to vector<16xf32>
      %broadcast_in_dim3A_3027 = vector.broadcast %jit3A_3025 : f32 to vector<16xf32>
      %select_n3A_3028 = arith.select %ne3A_3023, %broadcast_in_dim3A_3026, %broadcast_in_dim3A_3027 : vector<16xi1>, vector<16xf32>
      %add3A_3029 = arith.addf %add3A_2897, %select_n3A_3028 : vector<16xf32>
      %get3A_3030 = arith.index_cast %add3A_2985 : i32 to index
      %get3A_3031 = arith.constant 16 : index
      %get3A_3032 = tpu.vector_load %arg6[%get3A_3030, %get3A_3031] {strides = array<i32>} : memref<200x128xi32, #tpu.memory_space<vmem>>, vector<16xi32>,
      %ne3A_3033 = arith.constant 0 : i32
      %ne3A_3034 = vector.broadcast %ne3A_3033 : i32 to vector<16xi32>
      %ne3A_3035 = arith.cmpi ne, %get3A_3032, %ne3A_3034 : vector<16xi32>
      %jit3A_3036 = arith.constant 1.000000e+00 : f32
      %jit3A_3037 = arith.constant 0.000000e+00 : f32
      %broadcast_in_dim3A_3038 = vector.broadcast %jit3A_3036 : f32 to vector<16xf32>
      %broadcast_in_dim3A_3039 = vector.broadcast %jit3A_3037 : f32 to vector<16xf32>
      %select_n3A_3040 = arith.select %ne3A_3035, %broadcast_in_dim3A_3038, %broadcast_in_dim3A_3039 : vector<16xi1>, vector<16xf32>
      %add3A_3041 = arith.addf %add3A_2909, %select_n3A_3040 : vector<16xf32>
      %get3A_3042 = arith.index_cast %add3A_2985 : i32 to index
      %get3A_3043 = arith.constant 32 : index
      %get3A_3044 = tpu.vector_load %arg6[%get3A_3042, %get3A_3043] {strides = array<i32>} : memref<200x128xi32, #tpu.memory_space<vmem>>, vector<16xi32>,
      %ne3A_3045 = arith.constant 0 : i32
      %ne3A_3046 = vector.broadcast %ne3A_3045 : i32 to vector<16xi32>
      %ne3A_3047 = arith.cmpi ne, %get3A_3044, %ne3A_3046 : vector<16xi32>
      %jit3A_3048 = arith.constant 1.000000e+00 : f32
      %jit3A_3049 = arith.constant 0.000000e+00 : f32
      %broadcast_in_dim3A_3050 = vector.broadcast %jit3A_3048 : f32 to vector<16xf32>
      %broadcast_in_dim3A_3051 = vector.broadcast %jit3A_3049 : f32 to vector<16xf32>
      %select_n3A_3052 = arith.select %ne3A_3047, %broadcast_in_dim3A_3050, %broadcast_in_dim3A_3051 : vector<16xi1>, vector<16xf32>
      %add3A_3053 = arith.addf %add3A_2921, %select_n3A_3052 : vector<16xf32>
      %get3A_3054 = arith.index_cast %add3A_2985 : i32 to index
      %get3A_3055 = arith.constant 48 : index
      %get3A_3056 = tpu.vector_load %arg6[%get3A_3054, %get3A_3055] {strides = array<i32>} : memref<200x128xi32, #tpu.memory_space<vmem>>, vector<16xi32>,
      %ne3A_3057 = arith.constant 0 : i32
      %ne3A_3058 = vector.broadcast %ne3A_3057 : i32 to vector<16xi32>
      %ne3A_3059 = arith.cmpi ne, %get3A_3056, %ne3A_3058 : vector<16xi32>
      %jit3A_3060 = arith.constant 1.000000e+00 : f32
      %jit3A_3061 = arith.constant 0.000000e+00 : f32
      %broadcast_in_dim3A_3062 = vector.broadcast %jit3A_3060 : f32 to vector<16xf32>
      %broadcast_in_dim3A_3063 = vector.broadcast %jit3A_3061 : f32 to vector<16xf32>
      %select_n3A_3064 = arith.select %ne3A_3059, %broadcast_in_dim3A_3062, %broadcast_in_dim3A_3063 : vector<16xi1>, vector<16xf32>
      %add3A_3065 = arith.addf %add3A_2933, %select_n3A_3064 : vector<16xf32>
      %get3A_3066 = arith.index_cast %add3A_2985 : i32 to index
      %get3A_3067 = arith.constant 64 : index
      %get3A_3068 = tpu.vector_load %arg6[%get3A_3066, %get3A_3067] {strides = array<i32>} : memref<200x128xi32, #tpu.memory_space<vmem>>, vector<16xi32>,
      %ne3A_3069 = arith.constant 0 : i32
      %ne3A_3070 = vector.broadcast %ne3A_3069 : i32 to vector<16xi32>
      %ne3A_3071 = arith.cmpi ne, %get3A_3068, %ne3A_3070 : vector<16xi32>
      %jit3A_3072 = arith.constant 1.000000e+00 : f32
      %jit3A_3073 = arith.constant 0.000000e+00 : f32
      %broadcast_in_dim3A_3074 = vector.broadcast %jit3A_3072 : f32 to vector<16xf32>
      %broadcast_in_dim3A_3075 = vector.broadcast %jit3A_3073 : f32 to vector<16xf32>
      %select_n3A_3076 = arith.select %ne3A_3071, %broadcast_in_dim3A_3074, %broadcast_in_dim3A_3075 : vector<16xi1>, vector<16xf32>
      %add3A_3077 = arith.addf %add3A_2945, %select_n3A_3076 : vector<16xf32>
      %get3A_3078 = arith.index_cast %add3A_2985 : i32 to index
      %get3A_3079 = arith.constant 80 : index
      %get3A_3080 = tpu.vector_load %arg6[%get3A_3078, %get3A_3079] {strides = array<i32>} : memref<200x128xi32, #tpu.memory_space<vmem>>, vector<16xi32>,
      %ne3A_3081 = arith.constant 0 : i32
      %ne3A_3082 = vector.broadcast %ne3A_3081 : i32 to vector<16xi32>
      %ne3A_3083 = arith.cmpi ne, %get3A_3080, %ne3A_3082 : vector<16xi32>
      %jit3A_3084 = arith.constant 1.000000e+00 : f32
      %jit3A_3085 = arith.constant 0.000000e+00 : f32
      %broadcast_in_dim3A_3086 = vector.broadcast %jit3A_3084 : f32 to vector<16xf32>
      %broadcast_in_dim3A_3087 = vector.broadcast %jit3A_3085 : f32 to vector<16xf32>
      %select_n3A_3088 = arith.select %ne3A_3083, %broadcast_in_dim3A_3086, %broadcast_in_dim3A_3087 : vector<16xi1>, vector<16xf32>
      %add3A_3089 = arith.addf %add3A_2957, %select_n3A_3088 : vector<16xf32>
      %get3A_3090 = arith.index_cast %add3A_2985 : i32 to index
      %get3A_3091 = arith.constant 96 : index
      %get3A_3092 = tpu.vector_load %arg6[%get3A_3090, %get3A_3091] {strides = array<i32>} : memref<200x128xi32, #tpu.memory_space<vmem>>, vector<16xi32>,
      %ne3A_3093 = arith.constant 0 : i32
      %ne3A_3094 = vector.broadcast %ne3A_3093 : i32 to vector<16xi32>
      %ne3A_3095 = arith.cmpi ne, %get3A_3092, %ne3A_3094 : vector<16xi32>
      %jit3A_3096 = arith.constant 1.000000e+00 : f32
      %jit3A_3097 = arith.constant 0.000000e+00 : f32
      %broadcast_in_dim3A_3098 = vector.broadcast %jit3A_3096 : f32 to vector<16xf32>
      %broadcast_in_dim3A_3099 = vector.broadcast %jit3A_3097 : f32 to vector<16xf32>
      %select_n3A_3100 = arith.select %ne3A_3095, %broadcast_in_dim3A_3098, %broadcast_in_dim3A_3099 : vector<16xi1>, vector<16xf32>
      %add3A_3101 = arith.addf %add3A_2969, %select_n3A_3100 : vector<16xf32>
      %get3A_3102 = arith.index_cast %add3A_2985 : i32 to index
      %get3A_3103 = arith.constant 112 : index
      %get3A_3104 = tpu.vector_load %arg6[%get3A_3102, %get3A_3103] {strides = array<i32>} : memref<200x128xi32, #tpu.memory_space<vmem>>, vector<16xi32>,
      %ne3A_3105 = arith.constant 0 : i32
      %ne3A_3106 = vector.broadcast %ne3A_3105 : i32 to vector<16xi32>
      %ne3A_3107 = arith.cmpi ne, %get3A_3104, %ne3A_3106 : vector<16xi32>
      %jit3A_3108 = arith.constant 1.000000e+00 : f32
      %jit3A_3109 = arith.constant 0.000000e+00 : f32
      %broadcast_in_dim3A_3110 = vector.broadcast %jit3A_3108 : f32 to vector<16xf32>
      %broadcast_in_dim3A_3111 = vector.broadcast %jit3A_3109 : f32 to vector<16xf32>
      %select_n3A_3112 = arith.select %ne3A_3107, %broadcast_in_dim3A_3110, %broadcast_in_dim3A_3111 : vector<16xi1>, vector<16xf32>
      %add3A_3113 = arith.addf %add3A_2981, %select_n3A_3112 : vector<16xf32>
      %mul3A_3114 = arith.constant 10 : i32
      %mul3A_3115 = arith.muli %add3A_1798, %mul3A_3114 : i32
      %add3A_3116 = arith.constant 9 : i32
      %add3A_3117 = arith.addi %mul3A_3115, %add3A_3116 : i32
      %get3A_3118 = arith.index_cast %add3A_3117 : i32 to index
      %get3A_3119 = arith.constant 0 : index
      %get3A_3120 = tpu.vector_load %arg7[%get3A_3118, %get3A_3119] {strides = array<i32>} : memref<200x128xf32, #tpu.memory_space<vmem>>, vector<16xf32>,
      %add3A_3121 = arith.addf %add3A_2989, %get3A_3120 : vector<16xf32>
      %get3A_3122 = arith.index_cast %add3A_3117 : i32 to index
      %get3A_3123 = arith.constant 16 : index
      %get3A_3124 = tpu.vector_load %arg7[%get3A_3122, %get3A_3123] {strides = array<i32>} : memref<200x128xf32, #tpu.memory_space<vmem>>, vector<16xf32>,
      %add3A_3125 = arith.addf %add3A_2993, %get3A_3124 : vector<16xf32>
      %get3A_3126 = arith.index_cast %add3A_3117 : i32 to index
      %get3A_3127 = arith.constant 32 : index
      %get3A_3128 = tpu.vector_load %arg7[%get3A_3126, %get3A_3127] {strides = array<i32>} : memref<200x128xf32, #tpu.memory_space<vmem>>, vector<16xf32>,
      %add3A_3129 = arith.addf %add3A_2997, %get3A_3128 : vector<16xf32>
      %get3A_3130 = arith.index_cast %add3A_3117 : i32 to index
      %get3A_3131 = arith.constant 48 : index
      %get3A_3132 = tpu.vector_load %arg7[%get3A_3130, %get3A_3131] {strides = array<i32>} : memref<200x128xf32, #tpu.memory_space<vmem>>, vector<16xf32>,
      %add3A_3133 = arith.addf %add3A_3001, %get3A_3132 : vector<16xf32>
      %get3A_3134 = arith.index_cast %add3A_3117 : i32 to index
      %get3A_3135 = arith.constant 64 : index
      %get3A_3136 = tpu.vector_load %arg7[%get3A_3134, %get3A_3135] {strides = array<i32>} : memref<200x128xf32, #tpu.memory_space<vmem>>, vector<16xf32>,
      %add3A_3137 = arith.addf %add3A_3005, %get3A_3136 : vector<16xf32>
      %get3A_3138 = arith.index_cast %add3A_3117 : i32 to index
      %get3A_3139 = arith.constant 80 : index
      %get3A_3140 = tpu.vector_load %arg7[%get3A_3138, %get3A_3139] {strides = array<i32>} : memref<200x128xf32, #tpu.memory_space<vmem>>, vector<16xf32>,
      %add3A_3141 = arith.addf %add3A_3009, %get3A_3140 : vector<16xf32>
      %get3A_3142 = arith.index_cast %add3A_3117 : i32 to index
      %get3A_3143 = arith.constant 96 : index
      %get3A_3144 = tpu.vector_load %arg7[%get3A_3142, %get3A_3143] {strides = array<i32>} : memref<200x128xf32, #tpu.memory_space<vmem>>, vector<16xf32>,
      %add3A_3145 = arith.addf %add3A_3013, %get3A_3144 : vector<16xf32>
      %get3A_3146 = arith.index_cast %add3A_3117 : i32 to index
      %get3A_3147 = arith.constant 112 : index
      %get3A_3148 = tpu.vector_load %arg7[%get3A_3146, %get3A_3147] {strides = array<i32>} : memref<200x128xf32, #tpu.memory_space<vmem>>, vector<16xf32>,
      %add3A_3149 = arith.addf %add3A_3017, %get3A_3148 : vector<16xf32>
      %get3A_3150 = arith.index_cast %add3A_3117 : i32 to index
      %get3A_3151 = arith.constant 0 : index
      %get3A_3152 = tpu.vector_load %arg6[%get3A_3150, %get3A_3151] {strides = array<i32>} : memref<200x128xi32, #tpu.memory_space<vmem>>, vector<16xi32>,
      %ne3A_3153 = arith.constant 0 : i32
      %ne3A_3154 = vector.broadcast %ne3A_3153 : i32 to vector<16xi32>
      %ne3A_3155 = arith.cmpi ne, %get3A_3152, %ne3A_3154 : vector<16xi32>
      %jit3A_3156 = arith.constant 1.000000e+00 : f32
      %jit3A_3157 = arith.constant 0.000000e+00 : f32
      %broadcast_in_dim3A_3158 = vector.broadcast %jit3A_3156 : f32 to vector<16xf32>
      %broadcast_in_dim3A_3159 = vector.broadcast %jit3A_3157 : f32 to vector<16xf32>
      %select_n3A_3160 = arith.select %ne3A_3155, %broadcast_in_dim3A_3158, %broadcast_in_dim3A_3159 : vector<16xi1>, vector<16xf32>
      %add3A_3161 = arith.addf %add3A_3029, %select_n3A_3160 : vector<16xf32>
      %get3A_3162 = arith.index_cast %add3A_3117 : i32 to index
      %get3A_3163 = arith.constant 16 : index
      %get3A_3164 = tpu.vector_load %arg6[%get3A_3162, %get3A_3163] {strides = array<i32>} : memref<200x128xi32, #tpu.memory_space<vmem>>, vector<16xi32>,
      %ne3A_3165 = arith.constant 0 : i32
      %ne3A_3166 = vector.broadcast %ne3A_3165 : i32 to vector<16xi32>
      %ne3A_3167 = arith.cmpi ne, %get3A_3164, %ne3A_3166 : vector<16xi32>
      %jit3A_3168 = arith.constant 1.000000e+00 : f32
      %jit3A_3169 = arith.constant 0.000000e+00 : f32
      %broadcast_in_dim3A_3170 = vector.broadcast %jit3A_3168 : f32 to vector<16xf32>
      %broadcast_in_dim3A_3171 = vector.broadcast %jit3A_3169 : f32 to vector<16xf32>
      %select_n3A_3172 = arith.select %ne3A_3167, %broadcast_in_dim3A_3170, %broadcast_in_dim3A_3171 : vector<16xi1>, vector<16xf32>
      %add3A_3173 = arith.addf %add3A_3041, %select_n3A_3172 : vector<16xf32>
      %get3A_3174 = arith.index_cast %add3A_3117 : i32 to index
      %get3A_3175 = arith.constant 32 : index
      %get3A_3176 = tpu.vector_load %arg6[%get3A_3174, %get3A_3175] {strides = array<i32>} : memref<200x128xi32, #tpu.memory_space<vmem>>, vector<16xi32>,
      %ne3A_3177 = arith.constant 0 : i32
      %ne3A_3178 = vector.broadcast %ne3A_3177 : i32 to vector<16xi32>
      %ne3A_3179 = arith.cmpi ne, %get3A_3176, %ne3A_3178 : vector<16xi32>
      %jit3A_3180 = arith.constant 1.000000e+00 : f32
      %jit3A_3181 = arith.constant 0.000000e+00 : f32
      %broadcast_in_dim3A_3182 = vector.broadcast %jit3A_3180 : f32 to vector<16xf32>
      %broadcast_in_dim3A_3183 = vector.broadcast %jit3A_3181 : f32 to vector<16xf32>
      %select_n3A_3184 = arith.select %ne3A_3179, %broadcast_in_dim3A_3182, %broadcast_in_dim3A_3183 : vector<16xi1>, vector<16xf32>
      %add3A_3185 = arith.addf %add3A_3053, %select_n3A_3184 : vector<16xf32>
      %get3A_3186 = arith.index_cast %add3A_3117 : i32 to index
      %get3A_3187 = arith.constant 48 : index
      %get3A_3188 = tpu.vector_load %arg6[%get3A_3186, %get3A_3187] {strides = array<i32>} : memref<200x128xi32, #tpu.memory_space<vmem>>, vector<16xi32>,
      %ne3A_3189 = arith.constant 0 : i32
      %ne3A_3190 = vector.broadcast %ne3A_3189 : i32 to vector<16xi32>
      %ne3A_3191 = arith.cmpi ne, %get3A_3188, %ne3A_3190 : vector<16xi32>
      %jit3A_3192 = arith.constant 1.000000e+00 : f32
      %jit3A_3193 = arith.constant 0.000000e+00 : f32
      %broadcast_in_dim3A_3194 = vector.broadcast %jit3A_3192 : f32 to vector<16xf32>
      %broadcast_in_dim3A_3195 = vector.broadcast %jit3A_3193 : f32 to vector<16xf32>
      %select_n3A_3196 = arith.select %ne3A_3191, %broadcast_in_dim3A_3194, %broadcast_in_dim3A_3195 : vector<16xi1>, vector<16xf32>
      %add3A_3197 = arith.addf %add3A_3065, %select_n3A_3196 : vector<16xf32>
      %get3A_3198 = arith.index_cast %add3A_3117 : i32 to index
      %get3A_3199 = arith.constant 64 : index
      %get3A_3200 = tpu.vector_load %arg6[%get3A_3198, %get3A_3199] {strides = array<i32>} : memref<200x128xi32, #tpu.memory_space<vmem>>, vector<16xi32>,
      %ne3A_3201 = arith.constant 0 : i32
      %ne3A_3202 = vector.broadcast %ne3A_3201 : i32 to vector<16xi32>
      %ne3A_3203 = arith.cmpi ne, %get3A_3200, %ne3A_3202 : vector<16xi32>
      %jit3A_3204 = arith.constant 1.000000e+00 : f32
      %jit3A_3205 = arith.constant 0.000000e+00 : f32
      %broadcast_in_dim3A_3206 = vector.broadcast %jit3A_3204 : f32 to vector<16xf32>
      %broadcast_in_dim3A_3207 = vector.broadcast %jit3A_3205 : f32 to vector<16xf32>
      %select_n3A_3208 = arith.select %ne3A_3203, %broadcast_in_dim3A_3206, %broadcast_in_dim3A_3207 : vector<16xi1>, vector<16xf32>
      %add3A_3209 = arith.addf %add3A_3077, %select_n3A_3208 : vector<16xf32>
      %get3A_3210 = arith.index_cast %add3A_3117 : i32 to index
      %get3A_3211 = arith.constant 80 : index
      %get3A_3212 = tpu.vector_load %arg6[%get3A_3210, %get3A_3211] {strides = array<i32>} : memref<200x128xi32, #tpu.memory_space<vmem>>, vector<16xi32>,
      %ne3A_3213 = arith.constant 0 : i32
      %ne3A_3214 = vector.broadcast %ne3A_3213 : i32 to vector<16xi32>
      %ne3A_3215 = arith.cmpi ne, %get3A_3212, %ne3A_3214 : vector<16xi32>
      %jit3A_3216 = arith.constant 1.000000e+00 : f32
      %jit3A_3217 = arith.constant 0.000000e+00 : f32
      %broadcast_in_dim3A_3218 = vector.broadcast %jit3A_3216 : f32 to vector<16xf32>
      %broadcast_in_dim3A_3219 = vector.broadcast %jit3A_3217 : f32 to vector<16xf32>
      %select_n3A_3220 = arith.select %ne3A_3215, %broadcast_in_dim3A_3218, %broadcast_in_dim3A_3219 : vector<16xi1>, vector<16xf32>
      %add3A_3221 = arith.addf %add3A_3089, %select_n3A_3220 : vector<16xf32>
      %get3A_3222 = arith.index_cast %add3A_3117 : i32 to index
      %get3A_3223 = arith.constant 96 : index
      %get3A_3224 = tpu.vector_load %arg6[%get3A_3222, %get3A_3223] {strides = array<i32>} : memref<200x128xi32, #tpu.memory_space<vmem>>, vector<16xi32>,
      %ne3A_3225 = arith.constant 0 : i32
      %ne3A_3226 = vector.broadcast %ne3A_3225 : i32 to vector<16xi32>
      %ne3A_3227 = arith.cmpi ne, %get3A_3224, %ne3A_3226 : vector<16xi32>
      %jit3A_3228 = arith.constant 1.000000e+00 : f32
      %jit3A_3229 = arith.constant 0.000000e+00 : f32
      %broadcast_in_dim3A_3230 = vector.broadcast %jit3A_3228 : f32 to vector<16xf32>
      %broadcast_in_dim3A_3231 = vector.broadcast %jit3A_3229 : f32 to vector<16xf32>
      %select_n3A_3232 = arith.select %ne3A_3227, %broadcast_in_dim3A_3230, %broadcast_in_dim3A_3231 : vector<16xi1>, vector<16xf32>
      %add3A_3233 = arith.addf %add3A_3101, %select_n3A_3232 : vector<16xf32>
      %get3A_3234 = arith.index_cast %add3A_3117 : i32 to index
      %get3A_3235 = arith.constant 112 : index
      %get3A_3236 = tpu.vector_load %arg6[%get3A_3234, %get3A_3235] {strides = array<i32>} : memref<200x128xi32, #tpu.memory_space<vmem>>, vector<16xi32>,
      %ne3A_3237 = arith.constant 0 : i32
      %ne3A_3238 = vector.broadcast %ne3A_3237 : i32 to vector<16xi32>
      %ne3A_3239 = arith.cmpi ne, %get3A_3236, %ne3A_3238 : vector<16xi32>
      %jit3A_3240 = arith.constant 1.000000e+00 : f32
      %jit3A_3241 = arith.constant 0.000000e+00 : f32
      %broadcast_in_dim3A_3242 = vector.broadcast %jit3A_3240 : f32 to vector<16xf32>
      %broadcast_in_dim3A_3243 = vector.broadcast %jit3A_3241 : f32 to vector<16xf32>
      %select_n3A_3244 = arith.select %ne3A_3239, %broadcast_in_dim3A_3242, %broadcast_in_dim3A_3243 : vector<16xi1>, vector<16xf32>
      %add3A_3245 = arith.addf %add3A_3113, %select_n3A_3244 : vector<16xf32>
      scf.yield %add3A_3121, %add3A_3125, %add3A_3129, %add3A_3133, %add3A_3137, %add3A_3141, %add3A_3145, %add3A_3149, %add3A_3161, %add3A_3173, %add3A_3185, %add3A_3197, %add3A_3209, %add3A_3221, %add3A_3233, %add3A_3245 : vector<16xf32>, vector<16xf32>, vector<16xf32>, vector<16xf32>, vector<16xf32>, vector<16xf32>, vector<16xf32>, vector<16xf32>, vector<16xf32>, vector<16xf32>, vector<16xf32>, vector<16xf32>, vector<16xf32>, vector<16xf32>, vector<16xf32>, vector<16xf32>
    }
    %scan3A_225 = arith.constant 10 : i32
    %sub3A = arith.subf %broadcast_in_dim3A_19, %scan3A_224#8 : vector<16xf32>
    %max3A = arith.maximumf %scan3A_224#8, %broadcast_in_dim3A_17 : vector<16xf32>
    %div3A = arith.constant 1.000000e+00 : f32
    %div3A_226 = vector.broadcast %div3A : f32 to vector<16xf32>
    %div3A_227 = arith.divf %div3A_226, %max3A : vector<16xf32>
    %mul3A_228 = arith.mulf %sub3A, %broadcast_in_dim3A : vector<16xf32>
    %sub3A_229 = arith.subf %scan3A_224#0, %mul3A_228 : vector<16xf32>
    %mul3A_230 = arith.mulf %sub3A_229, %div3A_227 : vector<16xf32>
    %add3A_231 = arith.addf %mul3A_230, %get3A_13 : vector<16xf32>
    %sub3A_232 = arith.subf %add3A_231, %add3A_231 : vector<16xf32>
    %exp3A = math.exp %sub3A_232 : vector<16xf32>
    %div3A_233 = arith.divf %exp3A, %exp3A : vector<16xf32>
    %swap3A = arith.constant 0 : index
    %swap3A_234 = tpu.vector_load %arg8[%swap3A] {strides = array<i32>} : memref<128xf32, #tpu.memory_space<vmem>>, vector<16xf32>,
    tpu.vector_store %arg8[%swap3A], %div3A_233 {strides = array<i32>} : memref<128xf32, #tpu.memory_space<vmem>>, vector<16xf32>,
    %sub3A_235 = arith.subf %broadcast_in_dim3A_19, %scan3A_224#9 : vector<16xf32>
    %max3A_236 = arith.maximumf %scan3A_224#9, %broadcast_in_dim3A_17 : vector<16xf32>
    %div3A_237 = arith.constant 1.000000e+00 : f32
    %div3A_238 = vector.broadcast %div3A_237 : f32 to vector<16xf32>
    %div3A_239 = arith.divf %div3A_238, %max3A_236 : vector<16xf32>
    %mul3A_240 = arith.mulf %sub3A_235, %broadcast_in_dim3A : vector<16xf32>
    %sub3A_241 = arith.subf %scan3A_224#1, %mul3A_240 : vector<16xf32>
    %mul3A_242 = arith.mulf %sub3A_241, %div3A_239 : vector<16xf32>
    %add3A_243 = arith.addf %mul3A_242, %get3A_13 : vector<16xf32>
    %sub3A_244 = arith.subf %add3A_243, %add3A_243 : vector<16xf32>
    %exp3A_245 = math.exp %sub3A_244 : vector<16xf32>
    %div3A_246 = arith.divf %exp3A_245, %exp3A_245 : vector<16xf32>
    %swap3A_247 = arith.constant 16 : index
    %swap3A_248 = tpu.vector_load %arg8[%swap3A_247] {strides = array<i32>} : memref<128xf32, #tpu.memory_space<vmem>>, vector<16xf32>,
    tpu.vector_store %arg8[%swap3A_247], %div3A_246 {strides = array<i32>} : memref<128xf32, #tpu.memory_space<vmem>>, vector<16xf32>,
    %sub3A_249 = arith.subf %broadcast_in_dim3A_19, %scan3A_224#10 : vector<16xf32>
    %max3A_250 = arith.maximumf %scan3A_224#10, %broadcast_in_dim3A_17 : vector<16xf32>
    %div3A_251 = arith.constant 1.000000e+00 : f32
    %div3A_252 = vector.broadcast %div3A_251 : f32 to vector<16xf32>
    %div3A_253 = arith.divf %div3A_252, %max3A_250 : vector<16xf32>
    %mul3A_254 = arith.mulf %sub3A_249, %broadcast_in_dim3A : vector<16xf32>
    %sub3A_255 = arith.subf %scan3A_224#2, %mul3A_254 : vector<16xf32>
    %mul3A_256 = arith.mulf %sub3A_255, %div3A_253 : vector<16xf32>
    %add3A_257 = arith.addf %mul3A_256, %get3A_13 : vector<16xf32>
    %sub3A_258 = arith.subf %add3A_257, %add3A_257 : vector<16xf32>
    %exp3A_259 = math.exp %sub3A_258 : vector<16xf32>
    %div3A_260 = arith.divf %exp3A_259, %exp3A_259 : vector<16xf32>
    %swap3A_261 = arith.constant 32 : index
    %swap3A_262 = tpu.vector_load %arg8[%swap3A_261] {strides = array<i32>} : memref<128xf32, #tpu.memory_space<vmem>>, vector<16xf32>,
    tpu.vector_store %arg8[%swap3A_261], %div3A_260 {strides = array<i32>} : memref<128xf32, #tpu.memory_space<vmem>>, vector<16xf32>,
    %sub3A_263 = arith.subf %broadcast_in_dim3A_19, %scan3A_224#11 : vector<16xf32>
    %max3A_264 = arith.maximumf %scan3A_224#11, %broadcast_in_dim3A_17 : vector<16xf32>
    %div3A_265 = arith.constant 1.000000e+00 : f32
    %div3A_266 = vector.broadcast %div3A_265 : f32 to vector<16xf32>
    %div3A_267 = arith.divf %div3A_266, %max3A_264 : vector<16xf32>
    %mul3A_268 = arith.mulf %sub3A_263, %broadcast_in_dim3A : vector<16xf32>
    %sub3A_269 = arith.subf %scan3A_224#3, %mul3A_268 : vector<16xf32>
    %mul3A_270 = arith.mulf %sub3A_269, %div3A_267 : vector<16xf32>
    %add3A_271 = arith.addf %mul3A_270, %get3A_13 : vector<16xf32>
    %sub3A_272 = arith.subf %add3A_271, %add3A_271 : vector<16xf32>
    %exp3A_273 = math.exp %sub3A_272 : vector<16xf32>
    %div3A_274 = arith.divf %exp3A_273, %exp3A_273 : vector<16xf32>
    %swap3A_275 = arith.constant 48 : index
    %swap3A_276 = tpu.vector_load %arg8[%swap3A_275] {strides = array<i32>} : memref<128xf32, #tpu.memory_space<vmem>>, vector<16xf32>,
    tpu.vector_store %arg8[%swap3A_275], %div3A_274 {strides = array<i32>} : memref<128xf32, #tpu.memory_space<vmem>>, vector<16xf32>,
    %sub3A_277 = arith.subf %broadcast_in_dim3A_19, %scan3A_224#12 : vector<16xf32>
    %max3A_278 = arith.maximumf %scan3A_224#12, %broadcast_in_dim3A_17 : vector<16xf32>
    %div3A_279 = arith.constant 1.000000e+00 : f32
    %div3A_280 = vector.broadcast %div3A_279 : f32 to vector<16xf32>
    %div3A_281 = arith.divf %div3A_280, %max3A_278 : vector<16xf32>
    %mul3A_282 = arith.mulf %sub3A_277, %broadcast_in_dim3A : vector<16xf32>
    %sub3A_283 = arith.subf %scan3A_224#4, %mul3A_282 : vector<16xf32>
    %mul3A_284 = arith.mulf %sub3A_283, %div3A_281 : vector<16xf32>
    %add3A_285 = arith.addf %mul3A_284, %get3A_13 : vector<16xf32>
    %sub3A_286 = arith.subf %add3A_285, %add3A_285 : vector<16xf32>
    %exp3A_287 = math.exp %sub3A_286 : vector<16xf32>
    %div3A_288 = arith.divf %exp3A_287, %exp3A_287 : vector<16xf32>
    %swap3A_289 = arith.constant 64 : index
    %swap3A_290 = tpu.vector_load %arg8[%swap3A_289] {strides = array<i32>} : memref<128xf32, #tpu.memory_space<vmem>>, vector<16xf32>,
    tpu.vector_store %arg8[%swap3A_289], %div3A_288 {strides = array<i32>} : memref<128xf32, #tpu.memory_space<vmem>>, vector<16xf32>,
    %sub3A_291 = arith.subf %broadcast_in_dim3A_19, %scan3A_224#13 : vector<16xf32>
    %max3A_292 = arith.maximumf %scan3A_224#13, %broadcast_in_dim3A_17 : vector<16xf32>
    %div3A_293 = arith.constant 1.000000e+00 : f32
    %div3A_294 = vector.broadcast %div3A_293 : f32 to vector<16xf32>
    %div3A_295 = arith.divf %div3A_294, %max3A_292 : vector<16xf32>
    %mul3A_296 = arith.mulf %sub3A_291, %broadcast_in_dim3A : vector<16xf32>
    %sub3A_297 = arith.subf %scan3A_224#5, %mul3A_296 : vector<16xf32>
    %mul3A_298 = arith.mulf %sub3A_297, %div3A_295 : vector<16xf32>
    %add3A_299 = arith.addf %mul3A_298, %get3A_13 : vector<16xf32>
    %sub3A_300 = arith.subf %add3A_299, %add3A_299 : vector<16xf32>
    %exp3A_301 = math.exp %sub3A_300 : vector<16xf32>
    %div3A_302 = arith.divf %exp3A_301, %exp3A_301 : vector<16xf32>
    %swap3A_303 = arith.constant 80 : index
    %swap3A_304 = tpu.vector_load %arg8[%swap3A_303] {strides = array<i32>} : memref<128xf32, #tpu.memory_space<vmem>>, vector<16xf32>,
    tpu.vector_store %arg8[%swap3A_303], %div3A_302 {strides = array<i32>} : memref<128xf32, #tpu.memory_space<vmem>>, vector<16xf32>,
    %sub3A_305 = arith.subf %broadcast_in_dim3A_19, %scan3A_224#14 : vector<16xf32>
    %max3A_306 = arith.maximumf %scan3A_224#14, %broadcast_in_dim3A_17 : vector<16xf32>
    %div3A_307 = arith.constant 1.000000e+00 : f32
    %div3A_308 = vector.broadcast %div3A_307 : f32 to vector<16xf32>
    %div3A_309 = arith.divf %div3A_308, %max3A_306 : vector<16xf32>
    %mul3A_310 = arith.mulf %sub3A_305, %broadcast_in_dim3A : vector<16xf32>
    %sub3A_311 = arith.subf %scan3A_224#6, %mul3A_310 : vector<16xf32>
    %mul3A_312 = arith.mulf %sub3A_311, %div3A_309 : vector<16xf32>
    %add3A_313 = arith.addf %mul3A_312, %get3A_13 : vector<16xf32>
    %sub3A_314 = arith.subf %add3A_313, %add3A_313 : vector<16xf32>
    %exp3A_315 = math.exp %sub3A_314 : vector<16xf32>
    %div3A_316 = arith.divf %exp3A_315, %exp3A_315 : vector<16xf32>
    %swap3A_317 = arith.constant 96 : index
    %swap3A_318 = tpu.vector_load %arg8[%swap3A_317] {strides = array<i32>} : memref<128xf32, #tpu.memory_space<vmem>>, vector<16xf32>,
    tpu.vector_store %arg8[%swap3A_317], %div3A_316 {strides = array<i32>} : memref<128xf32, #tpu.memory_space<vmem>>, vector<16xf32>,
    %sub3A_319 = arith.subf %broadcast_in_dim3A_19, %scan3A_224#15 : vector<16xf32>
    %max3A_320 = arith.maximumf %scan3A_224#15, %broadcast_in_dim3A_17 : vector<16xf32>
    %div3A_321 = arith.constant 1.000000e+00 : f32
    %div3A_322 = vector.broadcast %div3A_321 : f32 to vector<16xf32>
    %div3A_323 = arith.divf %div3A_322, %max3A_320 : vector<16xf32>
    %mul3A_324 = arith.mulf %sub3A_319, %broadcast_in_dim3A : vector<16xf32>
    %sub3A_325 = arith.subf %scan3A_224#7, %mul3A_324 : vector<16xf32>
    %mul3A_326 = arith.mulf %sub3A_325, %div3A_323 : vector<16xf32>
    %add3A_327 = arith.addf %mul3A_326, %get3A_13 : vector<16xf32>
    %sub3A_328 = arith.subf %add3A_327, %add3A_327 : vector<16xf32>
    %exp3A_329 = math.exp %sub3A_328 : vector<16xf32>
    %div3A_330 = arith.divf %exp3A_329, %exp3A_329 : vector<16xf32>
    %swap3A_331 = arith.constant 112 : index
    %swap3A_332 = tpu.vector_load %arg8[%swap3A_331] {strides = array<i32>} : memref<128xf32, #tpu.memory_space<vmem>>, vector<16xf32>,
    tpu.vector_store %arg8[%swap3A_331], %div3A_330 {strides = array<i32>} : memref<128xf32, #tpu.memory_space<vmem>>, vector<16xf32>,
    "tpu.region"() ({
      %run_scoped3A = tpu.sem_alloc : memref<!tpu.dma_semaphore, #tpu.memory_space<semaphore_mem>>
      %dma_start3A_333 = tpu.memref_slice %arg5[%mul3A_2] : memref<4096xf32, #tpu.memory_space<hbm>> -> memref<128xf32, #tpu.memory_space<hbm>>
      %dma_start3A_334 = tpu.memref_slice %arg5[%mul3A_2] : memref<4096xf32, #tpu.memory_space<hbm>> -> memref<128xf32, #tpu.memory_space<hbm>>
      tpu.enqueue_dma source(%arg8 : memref<128xf32, #tpu.memory_space<vmem>>) target(%dma_start3A_334 : memref<128xf32, #tpu.memory_space<hbm>>) target_semaphore(%run_scoped3A : memref<!tpu.dma_semaphore, #tpu.memory_space<semaphore_mem>>)
      %dma_wait3A = tpu.memref_slice %arg5[%mul3A_2] : memref<4096xf32, #tpu.memory_space<hbm>> -> memref<128xf32, #tpu.memory_space<hbm>>
      %dma_wait3A_335 = tpu.memref_slice %arg5[%mul3A_2] : memref<4096xf32, #tpu.memory_space<hbm>> -> memref<128xf32, #tpu.memory_space<hbm>>
      tpu.wait_dma2 semaphore(%run_scoped3A : memref<!tpu.dma_semaphore, #tpu.memory_space<semaphore_mem>>) src(%arg8 : memref<128xf32, #tpu.memory_space<vmem>>) dst(%dma_wait3A_335 : memref<128xf32, #tpu.memory_space<hbm>>)
      tpu.yield
    }) : () -> ()
    return
  }
}

module attributes {stable_mosaic.version = 14 : i64} {
  func.func @_matvec_body(%arg0: i32, %arg1: memref<64x32768xf32, #tpu.memory_space<vmem>>, %arg2: memref<64x1xf32, #tpu.memory_space<vmem>>, %arg3: memref<32768xf32, #tpu.memory_space<vmem>>) attributes {dimension_semantics = [#tpu.dimension_semantics<arbitrary>], iteration_bounds = array<i64: 31>, scalar_prefetch = 0 : i64, scratch_operands = 0 : i64, tpu.core_type = #tpu.core_type<tc>, window_params = [{transform_indices = @transform_0, window_bounds = array<i64: 64, 32768>}, {pipeline_mode = #tpu.pipeline_mode<synchronous>, transform_indices = @transform_1, window_bounds = array<i64: 64, 1>}, {transform_indices = @transform_2, window_bounds = array<i64: 32768>}]} {
    %get3A = arith.constant 0 : index
    %get3A_0 = arith.constant 0 : index
    %get3A_1 = vector.load %arg1[%get3A, %get3A_0] : memref<64x32768xf32, #tpu.memory_space<vmem>>, vector<64x32768xf32>
    %get3A_2 = arith.constant 0 : index
    %get3A_3 = arith.constant 0 : index
    %get3A_4 = vector.load %arg2[%get3A_2, %get3A_3] : memref<64x1xf32, #tpu.memory_space<vmem>>, vector<64x1xf32>
    %mul3A = vector.broadcast %get3A_4 : vector<64x1xf32> to vector<64x32768xf32>
    %mul3A_5 = arith.mulf %get3A_1, %mul3A : vector<64x32768xf32>
    %reduce_sum3A = arith.constant dense<0.000000e+00> : vector<32768xf32>
    %reduce_sum3A_6 = vector.multi_reduction <add>, %mul3A_5, %reduce_sum3A [0] : vector<64x32768xf32> to vector<32768xf32>
    %swap3A = arith.constant 0 : index
    %swap3A_7 = vector.load %arg3[%swap3A] : memref<32768xf32, #tpu.memory_space<vmem>>, vector<32768xf32>
    tpu.vector_store %arg3[%swap3A], %reduce_sum3A_6 {strides = array<i32>} : memref<32768xf32, #tpu.memory_space<vmem>>, vector<32768xf32>,
    return
  }
  func.func @transform_0(%arg0: i32) -> (i32, i32) {
    %c0_i32 = arith.constant 0 : i32
    %c0_i32_0 = arith.constant 0 : i32
    return %c0_i32, %arg0 : i32, i32
  }
  func.func @transform_1(%arg0: i32) -> (i32, i32) {
    %c0_i32 = arith.constant 0 : i32
    %c0_i32_0 = arith.constant 0 : i32
    %c0_i32_1 = arith.constant 0 : i32
    return %c0_i32, %c0_i32_0 : i32, i32
  }
  func.func @transform_2(%arg0: i32) -> i32 {
    %c0_i32 = arith.constant 0 : i32
    return %arg0 : i32
  }
}

</mosaic_0001>

<sc_bundles>
// kernel: kernel.4.cloned.1.call-start
scs
__scs_entry_jumppad:
0x0: {  	(pc) =	sbr.rel $0x88, $3  }
0x1: {  	(tag) =	ssettag $0x0;
	lr =	simm.s32 $0x1  }
0x2: {  	[smem:$0x3F9D] =	sst lr;
	_ =	strace $0xD0000000  }
0x3: {  	_ = 	snop  }
0x4: {  	_ = 	snop  }
0x5: {  	_ = 	snop  }
0x6: {  	_ = 	snop  }
0x7: {  	_ = 	snop  }
__scs_overlays_trampoline_lowered:
0x8: {  	[smem:$0x3FAC] =	sst s0  }
0x9: {  	[smem:$0x3FAD] =	sst s1  }
0xa: {  	[smem:$0x3FAE] =	sst s2  }
0xb: {  	[smem:$0x3FAF] =	sst s3  }
0xc: {  	[smem:$0x3FB0] =	sst s4  }
0xd: {  	[smem:$0x3FB1] =	sst s5  }
0xe: {  	[smem:$0x3FB2] =	sst s6  }
0xf: {  	[smem:$0x3FB3] =	sst s7  }
0x10: {  	[smem:$0x3FB4] =	sst s8  }
0x11: {  	[smem:$0x3FB5] =	sst s9;
	s0 =	simm.s32 @!p0 $0x0  }
0x12: {  	s1 =	sld [smem:$0x3F9B];
	s0 =	simm.s32 @p0 $0x1  }
0x13: {  	[smem:$0x3FB6] =	sst s0;
	s0 =	simm.s32 @!p1 $0x0  }
0x14: {  	s2 =	sld [smem:$0x3F9A];
	s0 =	simm.s32 @p1 $0x1  }
0x15: {  	[smem:$0x3FB7] =	sst s0;
	s0 =	simm.s32 @!p2 $0x0  }
0x16: {  	s3 =	sld [smem:$0x3FDB];
	s0 =	simm.s32 @p2 $0x1  }
0x17: {  	s4 =	simm.s32 $0x1BF5;
	[smem:$0x3FB9] =	sst s0  }
0x18: {  	s0 =	sld [smem:$0x3F9C];
	_ =	swait.ge [sflag:s4], $0x0  }
0x19: {  	s7 =	sld [smem:$0x3F9D]  }
0x1a: {  	s8 =	sadd.s32 $0xFFFFE003, lr  }
0x1b: {  	s9 =	sadd.s32 $0xFFFFFEF7, lr;
	s5 =	simm.s32 $0xFFFFFFFF;
	p2 =	slt.u32 s8, $0xFFFFF086  }
0x1c: {  	p1 =	slt.u32 s9, $0xF7A;
	s5 =	simm.s32 @!p2 $0x0  }
0x1d: {  	s5 =	simm.s32 @p1 $0x1;
	p0 =	seq.s32 s7, s2  }
0x1e: {  	s7 =	smul.u32 @!p0 $0xF7A, s2;
	p2 =	seq.s32 @!p0 s5, $0x0  }
0x1f: {  	s9 =	smul.u32 $0xF7A, s1;
	s8 =	simm.s32 @!p0 $0x1BF5;
	p2 =	por !p2, p0  }
0x20: {  	[sflag:s8] =	ssyncset.s32 @!p0 $0xFFFFF086;
	s6 =	sadd.s32 @!p0 s3, s7;
	s7 =	simm.s32 @!p0 $0x108  }
0x21: {  	s3 =	sadd.s32 s3, s9;
	s6 =	sadd.s32 @!p0 $0x88, s6;
	s7 =	simm.s32 @p2 $0x1082  }
0x22: {  	[simem:s7], [sflag:s8] =	dma.local @!p0 [hbm:s6], $0xF7A  }
0x23: {  	s9 =	sor.u32 $0xD0000000, s2;
	s6 =	simm.s32 $0x108;
	_ =	swait.ge @!p0 [sflag:s8], $0x0  }
0x24: {  	s3 =	sadd.s32 $0x88, s3;
	s6 =	simm.s32 @!p1 $0x1082;
	[sflag:s4] =	ssyncset.s32 $0xFFFFF086  }
0x25: {  	[simem:s6], [sflag:s4] =	dma.local [hbm:s3], $0xF7A  }
0x26: {  	[smem:$0x3F9D] =	sst s1;
	(tag) =	ssettag s2;
	_ =	strace s9  }
0x27: {  	s1 =	sld [smem:$0x3FAD]  }
0x28: {  	s2 =	sld [smem:$0x3FAE]  }
0x29: {  	s4 =	sld [smem:$0x3FB0]  }
0x2a: {  	p0 =	seq.s32 s5, $0x0;
	s5 =	sld [smem:$0x3FB1]  }
0x2b: {  	s6 =	sld [smem:$0x3FB2]  }
0x2c: {  	s7 =	sld [smem:$0x3FB3]  }
0x2d: {  	s3 =	simm.s32 $0x108;
	s8 =	sld [smem:$0x3FB4]  }
0x2e: {  	s3 =	simm.s32 @!p0 $0x1082;
	s9 =	sld [smem:$0x3FB5]  }
0x2f: {  	lr =	sadd.s32 s0, s3;
	s0 =	sld [smem:$0x3FAC]  }
0x30: {  	s3 =	sld [smem:$0x3FAF]  }
0x31: {  	[smem:$0x3FB8] =	sst s10  }
0x32: {  	s10 =	sld [smem:$0x3FB6];
	_ =	sdelay $0x3  }
0x33: {  	p0 =	seq.s32 s10, $0x1;
	s10 =	sld [smem:$0x3FB8];
	_ =	sdelay $0x3  }
0x34: {  	[smem:$0x3FB8] =	sst s10  }
0x35: {  	s10 =	sld [smem:$0x3FB7];
	_ =	sdelay $0x3  }
0x36: {  	p1 =	seq.s32 s10, $0x1;
	s10 =	sld [smem:$0x3FB8];
	_ =	sdelay $0x3  }
0x37: {  	[smem:$0x3FB8] =	sst s10  }
0x38: {  	s10 =	sld [smem:$0x3FB9]  }
0x39: {  	_ = 	snop;
	(pc) =	sbr.ind lr, $3  }
0x3a: {  	_ = 	snop  }
0x3b: {  	_ = 	snop  }
0x3c: {  	p2 =	seq.s32 s10, $0x1;
	s10 =	sld [smem:$0x3FB8]  }
0x3d: {  	_ =	shalt  }
0x3e: {  	_ =	shalt  }
0x3f: {  	_ =	shalt  }
0x40: {  	_ =	shalt  }
0x41: {  	_ =	shalt  }
0x42: {  	_ =	shalt  }
0x43: {  	_ =	shalt  }
0x44: {  	_ =	shalt  }
0x45: {  	_ =	shalt  }
0x46: {  	_ =	shalt  }
0x47: {  	_ =	shalt  }
0x48: {  	_ =	shalt  }
0x49: {  	_ =	shalt  }
0x4a: {  	_ =	shalt  }
0x4b: {  	_ =	shalt  }
0x4c: {  	_ =	shalt  }
0x4d: {  	_ =	shalt  }
0x4e: {  	_ =	shalt  }
0x4f: {  	_ =	shalt  }
0x50: {  	_ =	shalt  }
0x51: {  	_ =	shalt  }
0x52: {  	_ =	shalt  }
0x53: {  	_ =	shalt  }
0x54: {  	_ =	shalt  }
0x55: {  	_ =	shalt  }
0x56: {  	_ =	shalt  }
0x57: {  	_ =	shalt  }
0x58: {  	_ =	shalt  }
0x59: {  	_ =	shalt  }
0x5a: {  	_ =	shalt  }
0x5b: {  	_ =	shalt  }
0x5c: {  	_ =	shalt  }
0x5d: {  	_ =	shalt  }
0x5e: {  	_ =	shalt  }
0x5f: {  	_ =	shalt  }
0x60: {  	_ =	shalt  }
0x61: {  	_ =	shalt  }
0x62: {  	_ =	shalt  }
0x63: {  	_ =	shalt  }
0x64: {  	_ =	shalt  }
0x65: {  	_ =	shalt  }
0x66: {  	_ =	shalt  }
0x67: {  	_ =	shalt  }
0x68: {  	_ =	shalt  }
0x69: {  	_ =	shalt  }
0x6a: {  	_ =	shalt  }
0x6b: {  	_ =	shalt  }
0x6c: {  	_ =	shalt  }
0x6d: {  	_ =	shalt  }
0x6e: {  	_ =	shalt  }
0x6f: {  	_ =	shalt  }
0x70: {  	_ =	shalt  }
0x71: {  	_ =	shalt  }
0x72: {  	_ =	shalt  }
0x73: {  	_ =	shalt  }
0x74: {  	_ =	shalt  }
0x75: {  	_ =	shalt  }
0x76: {  	_ =	shalt  }
0x77: {  	_ =	shalt  }
0x78: {  	_ =	shalt  }
0x79: {  	_ =	shalt  }
0x7a: {  	_ =	shalt  }
0x7b: {  	_ =	shalt  }
0x7c: {  	_ =	shalt  }
0x7d: {  	_ =	shalt  }
0x7e: {  	_ =	shalt  }
0x7f: {  	_ =	shalt  }
0x80: {  	_ =	shalt  }
0x81: {  	_ =	shalt  }
0x82: {  	_ =	shalt  }
0x83: {  	_ =	shalt  }
0x84: {  	_ =	shalt  }
0x85: {  	_ =	shalt  }
0x86: {  	_ =	shalt  }
0x87: {  	_ =	shalt  }
.Lfunc_end0:
.L_simem_size_0:
called_computation_lowered:
.L_overlay_start_0:
0x88: {  	s2 =	sld [smem:$0x3FD9]  }
0x89: {  	s3 =	sld [smem:$0x3FFE];
	_ =	sdelay $0x1  }
0x8a: {  	s1 =	srdreg.scid  }
0x8b: {  	s0 =	sand.u32 $0x1, s1  }
0x8c: {  	s17 =	sshll.u32 s0, $0xA;
	s2 =	sadd.s32 s3, s2  }
0x8d: {  	s2 =	sadd.s32 s2, s17  }
0x8e: {  	[smem:$0x3FC4] =	sst s2  }
0x8f: {  	_ = 	snop  }
0x90: {  	s2 =	sld [smem:$0x3FD0];
	(tm) =	ssettm $0x1  }
0x91: {  	s18 =	sld [smem:$0x3FFB];
	_ =	sdelay $0x3  }
0x92: {  	_ =	strace s18  }
0x93: {  	s3 =	sld [smem:$0x3FFC];
	_ =	sdelay $0x3  }
0x94: {  	_ =	strace s3  }
0x95: {  	s3 =	sld [smem:$0x3FFD];
	_ =	sdelay $0x3  }
0x96: {  	_ =	strace s3  }
0x97: {  	_ =	strace $0x8FFFFFFF  }
0x98: {  	s19 =	sld [smem:$0x3FDB];
	_ =	sdelay $0x1  }
0x99: {  	s4 =	simm.s32 $_scs_section_size  }
0x9a: {  	s5 =	simm.s32 $_size__tile_overlayer_lowered;
	s6 =	simm.s32 $_tile_overlayer_lowered  }
0x9b: {  	s22 =	simm.s32 $0x1BFF;
	s21 =	sshll.u32 s6, $0x1;
	s3 =	sadd.s32 s4, s19  }
0x9c: {  	s7 =	simm.s32 $0x0;
	s20 =	sshll.u32 s5, $0x1;
	s5 =	sadd.s32 s21, s3  }
0x9d: {  	[timem:s7], [sflag:s22] =	dma.local [hbm:s5], s20  }
0x9e: {  	_ =	swait.ge [sflag:s22], s20  }
0x9f: {  	s4 =	ssub.s32 $0x0, s20;
	[sflag:s22] =	ssyncset.done $0x0  }
0xa0: {  	[sflag:s22] =	ssyncadd.s32 s4;
	_ =	sdelay $0x1  }
0xa1: {  	s23 =	simm.s32 $0x1B8B  }
0xa2: {  	_ =	swait.ge [sflag:s23], $0x1  }
0xa3: {  	[sflag:s23] =	ssyncset.done $0x0  }
0xa4: {  	s25 =	simm.s32 $0x1B8E;
	s24 =	sld [smem:$0x3FFE];
	[sflag:s23] =	ssyncadd.s32 $0xFFFFFFFF  }
0xa5: {  	s26 =	simm.s32 $execute0_lowered;
	[smem:$0x3FD2] =	sst s25  }
0xa6: {  	s5 =	sshll.u32 s26, $0x1;
	_ =	strace $0x80000046;
	[dreg:$0x1] =	wrdreg $0xFFFFFFFF  }
0xa7: {  	s28 =	simm.s32 $_size_execute0_lowered;
	s3 =	sadd.s32 s3, s5;
	[dreg:$0x0] =	wrdreg $0x0  }
0xa8: {  	s5 =	sshll.u32 s28, $0x1;
	[dreg:$0x2] =	wrdreg s3  }
0xa9: {  	[dreg:$0x3] =	wrdreg s5  }
0xaa: {  	[dreg:$0x4] =	wrdreg $0xC0  }
0xab: {  	_ =	task [dreg:s7], $0x5FFFF  }
0xac: {  	[dreg:$0x1] =	wrdreg $0xFFFFFFFF  }
0xad: {  	[dreg:$0x0] =	wrdreg $0x60  }
0xae: {  	[dreg:$0x2] =	wrdreg s24  }
0xaf: {  	[dreg:$0x3] =	wrdreg s2  }
0xb0: {  	[dreg:$0x4] =	wrdreg $0xC8A00  }
0xb1: {  	[dreg:$0x5] =	wrdreg $0x9  }
0xb2: {  	_ =	task.clear_ibuf [dreg:s7], $0x6FFFF;
	_ =	strace $0x90000046  }
0xb3: {  	s29 =	simm.s32 $0x9;
	_ =	strace $0x80000048  }
0xb4: {  	_ =	swait.ge [sflag:s29], $0x1  }
0xb5: {  	[sflag:s29] =	ssyncadd.s32 $0xFFFFFFFF  }
0xb6: {  	_ =	strace $0x90000048  }
0xb7: {  	_ =	sfence  }
0xb8: {  	s30 =	sld [smem:$0x0];
	_ =	sdelay $0x2  }
0xb9: {  	s31 =	sshll.u32 s1, $0xD;
	s1 =	sshrl.u32 s1, $0x2  }
0xba: {  	s3 =	sand.u32 $0x4000, s31;
	s1 =	sadd.s32 s1, s30  }
0xbb: {  	s0 =	sor.u32 s3, s0;
	s1 =	sshll.u32 s1, $0x11  }
0xbc: {  	s0 =	sor.u32 s1, s0  }
0xbd: {  	s0 =	sadd.s32 $0x8F2B, s0  }
0xbe: {  	[sflag:s0] =	ssyncadd.remote.s32 $0x1  }
0xbf: {  	_ =	sfence.sel $0xFFFF  }
0xc0: {  	[dreg:$0x0] =	wrdreg $0xFFFFFFFF;
	(pc) =	sbr.abs _section_cstart, $3  }
0xc1: {  	[dreg:$0x1] =	wrdreg $0xFFFFFFFF  }
0xc2: {  	_ =	task.clear_ibuf [dreg:s7], $0x2FFFF;
	_ =	strace $0x9FFFFFFF  }
0xc3: {  	(tm) =	ssettm $0x7FFFFFFF  }
tec
execute0_lowered:
.L_overlay_start_1:
0x0: {  	(tag) =	ssettag $0x1  }
0x1: {  	s0 =	rddreg [dreg:$0x0]  }
0x2: {  	s1 =	rddreg [dreg:$0x1]  }
0x3: {  	s2 =	rddreg [dreg:$0x2];
	s4 =	srdreg.scid;
	s3 =	simm.s32 $0x0  }
0x4: {  	s12 =	stileid.u32;
	s14 =	simm.s32 $0x4;
	s28 =	simm.s32 $0x6B80  }
0x5: {  	s29 =	simm.s32 $0x800;
	s30 =	simm.s32 $0x6C00;
	s31 =	simm.s32 $0x880  }
0x6: {  	s13 =	simm.s32 $0x6D00;
	s15 =	simm.s32 $0x980;
	s16 =	simm.s32 $0x6D80  }
0x7: {  	s17 =	simm.s32 $0x1;
	s18 =	simm.s32 $0x2;
	s19 =	simm.s32 $0xC800  }
0x8: {  	s20 =	simm.s32 $0x0;
	s4 =	sand.u32 $0x1, s4;
	[smem:$0x7FF] =	sst s3  }
0x9: {  	s5 =	sshll.u32 s12, $0x5;
	s10 =	smul.u32 $0x1E848, s12;
	p0 =	sgt.u32 s12, $0x7  }
0xa: {  	s6 =	sshll.u32 s4, $0x4;
	_ =	strace $0x80000047;
	s24 =	ssub.s32 $0x2, s4  }
0xb: {  	s4 =	sadd.s32 $0x19600, s0;
	s8 =	sor.u32 s6, s5;
	s9 =	sshrl.u32 s24, $0x1  }
0xc: {  	s5 =	sadd.s32 $0x38000, s0;
	s11 =	sadd.s32 s10, s2;
	s26 =	sshrl.u32 s10, $0x3  }
0xd: {  	s10 =	sshll.u32 @!p0 s12, $0x6;
	s12 =	simm.s32 $0x80;
	s7 =	sadd.s32 s8, s0  }
0xe: {  	s25 =	ssub.s32 s24, s9;
	s6 =	sadd.s32 s4, s26;
	s8 =	sadd.s32 s1, s8  }
0xf: {  	s10 =	sor.u32 @!p0 $0x1C03, s10;
	s11 =	sshrl.u32 @!p0 s11, $0x3;
	s0 =	simm.s32 $0x6C80  }
0x10: {  	v19 =	vimm.f32 $1.000000000e+00;
	s1 =	simm.s32 $0x900;
	s7 =	sadd.s32 $0x600, s7;
	s9 =	smax.u32 s25, $0x1  }
.LBB2_1:
0x11: {  	[spmem:s11], [sflag:s10] =	dma.local @!p0 [hbm:s6], $0x3D09  }
0x12: {  	s21 =	simm.s32 $0x1000  }
0x13: {  	[tilespmem:s3], [sflag:$0x4] =	stream.strided.gather [hbm4b:s7+s12], $0x6400, s21, s12, $0x38;
	[tilespmem:$0x1BCC8] =	vst v63  }
0x14: {  	_ =	swait.ge [sflag:s14], $0x6400  }
0x15: {  	[sflag:s14] =	ssyncset.done $0x0  }
0x16: {  	s22 =	simm.s32 $0xC880;
	[sflag:s14] =	ssyncadd.s32 $0xFFFF9C00  }
0x17: {  	[tilespmem:s22], [sflag:$0x4] =	stream.linear.gather [hbm4b:s4+s3], $0x10, $0x38;
	[tilespmem:$0x1BCC8] =	vst v63  }
0x18: {  	_ =	swait.ge [sflag:s14], $0x10  }
0x19: {  	[sflag:s14] =	ssyncset.done $0x0  }
0x1a: {  	s23 =	simm.s32 $0xC890;
	[sflag:s14] =	ssyncadd.s32 $0xFFFFFFF0  }
0x1b: {  	[tilespmem:s23], [sflag:$0x4] =	stream.linear.gather [hbm4b:s5+s3], $0x10, $0x38;
	[tilespmem:$0x1BCC8] =	vst v63  }
0x1c: {  	_ =	swait.ge [sflag:s14], $0x10  }
0x1d: {  	[sflag:s14] =	ssyncset.done $0x0  }
0x1e: {  	s21 =	simm.s32 @!p0 $0x3;
	[sflag:s14] =	ssyncadd.s32 $0xFFFFFFF0  }
0x1f: {  	_ =	swait.ge @!p0 [sflag:s21], $0x3D09  }
0x20: {  	[sflag:s21] =	ssyncset.done @!p0 $0x0  }
0x21: {  	[sflag:s21] =	ssyncadd.s32 @!p0 $0xFFFFC2F7  }
0x22: {  	[bflag:$0x0] =	sbarrier.arrive $0xFFFF  }
0x23: {  	v0 =	vld [tilespmem:$0xC890];
	_ =	sdelay $0x3  }
0x24: {  	s24 =	simm.s32 $0x6400  }
0x25: {  	[tilespmem:$0x1FFE0] =	vst v0;
	v0 =	vld [tilespmem:$0xC880];
	[tilespmem:s24], [sflag:$0x1] =	stream.indirect.gather [spmem:s2], $0x1, s3, s12, $0xb8  }
0x26: {  	s25 =	simm.s32 $0x6480  }
0x27: {  	[tilespmem:s25], [sflag:$0x1] =	stream.indirect.gather [spmem:s2], $0x1, s12, s12, $0xb8;
	[tilespmem:$0x1BCC8] =	vst v63  }
0x28: {  	s26 =	simm.s32 $0x100;
	s22 =	simm.s32 $0x6500  }
0x29: {  	[tilespmem:s22], [sflag:$0x1] =	stream.indirect.gather [spmem:s2], $0x1, s26, s12, $0xb8;
	[tilespmem:$0x1BCC8] =	vst v63  }
0x2a: {  	s23 =	simm.s32 $0x180;
	s24 =	simm.s32 $0x6580  }
0x2b: {  	[tilespmem:s24], [sflag:$0x1] =	stream.indirect.gather [spmem:s2], $0x1, s23, s12, $0xb8;
	[tilespmem:$0x1BCC8] =	vst v63  }
0x2c: {  	s25 =	simm.s32 $0x200;
	s26 =	simm.s32 $0x6600  }
0x2d: {  	[tilespmem:s26], [sflag:$0x1] =	stream.indirect.gather [spmem:s2], $0x1, s25, s12, $0xb8;
	[tilespmem:$0x1BCC8] =	vst v63  }
0x2e: {  	s23 =	simm.s32 $0x280;
	s24 =	simm.s32 $0x6680  }
0x2f: {  	[tilespmem:s24], [sflag:$0x1] =	stream.indirect.gather [spmem:s2], $0x1, s23, s12, $0xb8;
	[tilespmem:$0x1BCC8] =	vst v63  }
0x30: {  	s25 =	simm.s32 $0x300;
	s26 =	simm.s32 $0x6700  }
0x31: {  	[tilespmem:s26], [sflag:$0x1] =	stream.indirect.gather [spmem:s2], $0x1, s25, s12, $0xb8;
	[tilespmem:$0x1BCC8] =	vst v63  }
0x32: {  	s23 =	simm.s32 $0x380;
	s24 =	simm.s32 $0x6780  }
0x33: {  	[tilespmem:s24], [sflag:$0x1] =	stream.indirect.gather [spmem:s2], $0x1, s23, s12, $0xb8;
	[tilespmem:$0x1BCC8] =	vst v63  }
0x34: {  	s25 =	simm.s32 $0x400;
	s26 =	simm.s32 $0x6800  }
0x35: {  	[tilespmem:s26], [sflag:$0x1] =	stream.indirect.gather [spmem:s2], $0x1, s25, s12, $0xb8;
	[tilespmem:$0x1BCC8] =	vst v63  }
0x36: {  	s23 =	simm.s32 $0x480;
	s24 =	simm.s32 $0x6880  }
0x37: {  	[tilespmem:s24], [sflag:$0x1] =	stream.indirect.gather [spmem:s2], $0x1, s23, s12, $0xb8;
	[tilespmem:$0x1BCC8] =	vst v63  }
0x38: {  	s25 =	simm.s32 $0x500;
	s26 =	simm.s32 $0x6900  }
0x39: {  	[tilespmem:s26], [sflag:$0x2] =	stream.indirect.gather [spmem:s2], $0x1, s25, s12, $0xb8;
	[tilespmem:$0x1BCC8] =	vst v63  }
0x3a: {  	s23 =	simm.s32 $0x580;
	s24 =	simm.s32 $0x6980  }
0x3b: {  	[tilespmem:s24], [sflag:$0x2] =	stream.indirect.gather [spmem:s2], $0x1, s23, s12, $0xb8;
	[tilespmem:$0x1BCC8] =	vst v63  }
0x3c: {  	s25 =	simm.s32 $0x600;
	s26 =	simm.s32 $0x6A00  }
0x3d: {  	[tilespmem:s26], [sflag:$0x2] =	stream.indirect.gather [spmem:s2], $0x1, s25, s12, $0xb8;
	[tilespmem:$0x1BCC8] =	vst v63  }
0x3e: {  	s22 =	simm.s32 $0x680;
	s23 =	simm.s32 $0x6A80  }
0x3f: {  	[tilespmem:s23], [sflag:$0x2] =	stream.indirect.gather [spmem:s2], $0x1, s22, s12, $0xb8;
	[tilespmem:$0x1BCC8] =	vst v63  }
0x40: {  	s24 =	simm.s32 $0x700;
	s25 =	simm.s32 $0x6B00  }
0x41: {  	[tilespmem:s25], [sflag:$0x2] =	stream.indirect.gather [spmem:s2], $0x1, s24, s12, $0xb8;
	[tilespmem:$0x1BCC8] =	vst v63  }
0x42: {  	s26 =	simm.s32 $0x780  }
0x43: {  	[tilespmem:s28], [sflag:$0x2] =	stream.indirect.gather [spmem:s2], $0x1, s26, s12, $0xb8;
	[tilespmem:$0x1BCC8] =	vst v63  }
0x44: {  	_ = 	snop  }
0x45: {  	[tilespmem:s30], [sflag:$0x2] =	stream.indirect.gather [spmem:s2], $0x1, s29, s12, $0xb8;
	[tilespmem:$0x1BCC8] =	vst v63  }
0x46: {  	v48 =	vimm.f32 $0.0e+00  }
0x47: {  	v10 =	vimm.f32 $0.0e+00;
	v17 =	vimm.f32 $0.0e+00;
	v18 =	vimm.f32 $0.0e+00;
	[tilespmem:s0], [sflag:$0x2] =	stream.indirect.gather [spmem:s2], $0x1, s31, s12, $0xb8;
	[tilespmem:$0x1BCC8] =	vst v63  }
0x48: {  	v15 =	vimm.f32 $0.0e+00;
	v29 =	vimm.f32 $0.0e+00;
	v31 =	vimm.f32 $0.0e+00  }
0x49: {  	v6 =	vimm.f32 $0.0e+00;
	v4 =	vimm.f32 $0.0e+00;
	v8 =	vimm.f32 $0.0e+00;
	[tilespmem:s13], [sflag:$0x2] =	stream.indirect.gather [spmem:s2], $0x1, s1, s12, $0xb8;
	[tilespmem:$0x1BCC8] =	vst v63  }
0x4a: {  	v9 =	vimm.f32 $0.0e+00;
	v7 =	vimm.f32 $0.0e+00;
	v11 =	vimm.f32 $0.0e+00;
	s21 =	simm.s32 $0x0;
	[tilespmem:$0x1FFF0] =	vst v0;
	s23 =	simm.s32 $0x0  }
0x4b: {  	v30 =	vimm.f32 $0.0e+00;
	v35 =	vimm.f32 $0.0e+00;
	v0 =	vimm.f32 $0.0e+00;
	[tilespmem:s16], [sflag:$0x2] =	stream.indirect.gather [spmem:s2], $0x1, s15, s12, $0xb8;
	[tilespmem:$0x1BCC8] =	vst v63  }
.LBB2_2:
0x4c: {  	_ =	swait.ge [sflag:s17], $0x80  }
0x4d: {  	[sflag:s17] =	ssyncset.done $0x0  }
0x4e: {  	[sflag:s17] =	ssyncadd.s32 $0xFFFFFF80  }
0x4f: {  	_ =	swait.ge [sflag:s17], $0x80  }
0x50: {  	[sflag:s17] =	ssyncset.done $0x0  }
0x51: {  	[sflag:s17] =	ssyncadd.s32 $0xFFFFFF80  }
0x52: {  	_ =	swait.ge [sflag:s17], $0x80  }
0x53: {  	[sflag:s17] =	ssyncset.done $0x0  }
0x54: {  	[sflag:s17] =	ssyncadd.s32 $0xFFFFFF80  }
0x55: {  	_ =	swait.ge [sflag:s17], $0x80  }
0x56: {  	[sflag:s17] =	ssyncset.done $0x0  }
0x57: {  	[sflag:s17] =	ssyncadd.s32 $0xFFFFFF80  }
0x58: {  	_ =	swait.ge [sflag:s17], $0x80  }
0x59: {  	[sflag:s17] =	ssyncset.done $0x0  }
0x5a: {  	[sflag:s17] =	ssyncadd.s32 $0xFFFFFF80  }
0x5b: {  	_ =	swait.ge [sflag:s17], $0x80  }
0x5c: {  	[sflag:s17] =	ssyncset.done $0x0  }
0x5d: {  	[sflag:s17] =	ssyncadd.s32 $0xFFFFFF80  }
0x5e: {  	_ =	swait.ge [sflag:s17], $0x80  }
0x5f: {  	[sflag:s17] =	ssyncset.done $0x0  }
0x60: {  	[sflag:s17] =	ssyncadd.s32 $0xFFFFFF80  }
0x61: {  	_ =	swait.ge [sflag:s17], $0x80  }
0x62: {  	[sflag:s17] =	ssyncset.done $0x0  }
0x63: {  	[sflag:s17] =	ssyncadd.s32 $0xFFFFFF80  }
0x64: {  	_ =	swait.ge [sflag:s17], $0x80  }
0x65: {  	[sflag:s17] =	ssyncset.done $0x0  }
0x66: {  	[sflag:s17] =	ssyncadd.s32 $0xFFFFFF80  }
0x67: {  	p1 =	seq.s32 s21, $0x16800;
	_ =	swait.ge [sflag:s17], $0x80  }
0x68: {  	s22 =	sshra.s32 @!p1 s21, $0x2;
	s24 =	simm.s32 @!p1 $0x80;
	[sflag:s17] =	ssyncset.done $0x0  }
0x69: {  	s25 =	sadd.s32 @!p1 $0x6E00, s22;
	s26 =	sadd.s32 @!p1 $0xA00, s22;
	[sflag:s17] =	ssyncadd.s32 $0xFFFFFF80  }
0x6a: {  	[tilespmem:s25], [sflag:$0x1] =	stream.indirect.gather @!p1 [spmem:s2], $0x1, s26, s24, $0xb8;
	[tilespmem:$0x1BCC8] =	vst v63  }
0x6b: {  	s25 =	sadd.s32 @!p1 $0x6E80, s22;
	s26 =	sadd.s32 @!p1 $0xA80, s22  }
0x6c: {  	[tilespmem:s25], [sflag:$0x1] =	stream.indirect.gather @!p1 [spmem:s2], $0x1, s26, s24, $0xb8;
	[tilespmem:$0x1BCC8] =	vst v63  }
0x6d: {  	s25 =	sadd.s32 @!p1 $0x6F00, s22;
	s26 =	sadd.s32 @!p1 $0xB00, s22  }
0x6e: {  	[tilespmem:s25], [sflag:$0x1] =	stream.indirect.gather @!p1 [spmem:s2], $0x1, s26, s24, $0xb8;
	[tilespmem:$0x1BCC8] =	vst v63  }
0x6f: {  	s25 =	sadd.s32 @!p1 $0x6F80, s22;
	s26 =	sadd.s32 @!p1 $0xB80, s22  }
0x70: {  	[tilespmem:s25], [sflag:$0x1] =	stream.indirect.gather @!p1 [spmem:s2], $0x1, s26, s24, $0xb8;
	[tilespmem:$0x1BCC8] =	vst v63  }
0x71: {  	s25 =	sadd.s32 @!p1 $0x7000, s22;
	s26 =	sadd.s32 @!p1 $0xC00, s22  }
0x72: {  	[tilespmem:s25], [sflag:$0x1] =	stream.indirect.gather @!p1 [spmem:s2], $0x1, s26, s24, $0xb8;
	[tilespmem:$0x1BCC8] =	vst v63  }
0x73: {  	s25 =	sadd.s32 @!p1 $0x7080, s22;
	s26 =	sadd.s32 @!p1 $0xC80, s22  }
0x74: {  	[tilespmem:s25], [sflag:$0x1] =	stream.indirect.gather @!p1 [spmem:s2], $0x1, s26, s24, $0xb8;
	[tilespmem:$0x1BCC8] =	vst v63  }
0x75: {  	s25 =	sadd.s32 @!p1 $0x7100, s22;
	s26 =	sadd.s32 @!p1 $0xD00, s22  }
0x76: {  	[tilespmem:s25], [sflag:$0x1] =	stream.indirect.gather @!p1 [spmem:s2], $0x1, s26, s24, $0xb8;
	[tilespmem:$0x1BCC8] =	vst v63  }
0x77: {  	s25 =	sadd.s32 @!p1 $0x7180, s22;
	s26 =	sadd.s32 @!p1 $0xD80, s22  }
0x78: {  	[tilespmem:s25], [sflag:$0x1] =	stream.indirect.gather @!p1 [spmem:s2], $0x1, s26, s24, $0xb8;
	[tilespmem:$0x1BCC8] =	vst v63  }
0x79: {  	s25 =	sadd.s32 @!p1 $0x7200, s22;
	s26 =	sadd.s32 @!p1 $0xE00, s22  }
0x7a: {  	[tilespmem:s25], [sflag:$0x1] =	stream.indirect.gather @!p1 [spmem:s2], $0x1, s26, s24, $0xb8;
	[tilespmem:$0x1BCC8] =	vst v63  }
0x7b: {  	s25 =	sadd.s32 @!p1 $0x7280, s22;
	s22 =	sadd.s32 @!p1 $0xE80, s22  }
0x7c: {  	[tilespmem:s25], [sflag:$0x1] =	stream.indirect.gather @!p1 [spmem:s2], $0x1, s22, s24, $0xb8;
	[tilespmem:$0x1BCC8] =	vst v63  }
0x7d: {  	s22 =	smov.u32 s23  }
0x7e: {  	s22 =	simm.s32 @p1 $0x5A00  }
0x7f: {  	s25 =	sor.u32 $0x10, s22  }
0x80: {  	s26 =	sor.u32 $0x20, s22;
	v51 =	vld [tilespmem:s25+$0x0]  }
0x81: {  	s25 =	sor.u32 $0x30, s22;
	v62 =	vld [tilespmem:s26+$0x0]  }
0x82: {  	s26 =	sor.u32 $0x40, s22;
	v63 =	vld [tilespmem:s25+$0x0]  }
0x83: {  	s25 =	sor.u32 $0x50, s22;
	v60 =	vld [tilespmem:s26+$0x0]  }
0x84: {  	s26 =	sor.u32 $0x60, s22;
	v1 =	vld [tilespmem:s25+$0x0]  }
0x85: {  	s25 =	sor.u32 $0x70, s22;
	v2 =	vld [tilespmem:s26+$0x0]  }
0x86: {  	s26 =	sor.u32 $0x90, s22;
	v3 =	vld [tilespmem:s25+$0x0]  }
0x87: {  	s25 =	sor.u32 $0x80, s22;
	v5 =	vld [tilespmem:s26+$0x0]  }
0x88: {  	s26 =	sor.u32 $0xB0, s22;
	v14 =	vld [tilespmem:s25+$0x0]  }
0x89: {  	s25 =	sor.u32 $0xA0, s22;
	v27 =	vld [tilespmem:s26+$0x0]  }
0x8a: {  	s26 =	sor.u32 $0xD0, s22;
	v26 =	vld [tilespmem:s25+$0x0]  }
0x8b: {  	s25 =	sor.u32 $0xC0, s22;
	v28 =	vld [tilespmem:s26+$0x0]  }
0x8c: {  	v24 =	vld [tilespmem:s25+$0x0];
	s25 =	sor.u32 $0xE0, s22  }
0x8d: {  	v32 =	vld [tilespmem:s25+$0x0];
	s25 =	sor.u32 $0x100, s22  }
0x8e: {  	v37 =	vld [tilespmem:s25+$0x0];
	s25 =	sor.u32 $0x120, s22  }
0x8f: {  	v45 =	vld [tilespmem:s25+$0x0];
	s25 =	sor.u32 $0x140, s22  }
0x90: {  	v44 =	vld [tilespmem:s25+$0x0];
	s25 =	sor.u32 $0x160, s22  }
0x91: {  	s26 =	sor.u32 $0xF0, s22;
	v49 =	vld [tilespmem:s25+$0x0]  }
0x92: {  	v33 =	vld [tilespmem:s26+$0x0];
	s26 =	sor.u32 $0x110, s22  }
0x93: {  	v34 =	vld [tilespmem:s26+$0x0];
	s26 =	sor.u32 $0x130, s22  }
0x94: {  	v46 =	vld [tilespmem:s26+$0x0];
	s26 =	sor.u32 $0x150, s22  }
0x95: {  	v50 =	vld [tilespmem:s26+$0x0];
	s26 =	sor.u32 $0x170, s22  }
0x96: {  	[tilespmem:$0x1F8C0] =	vst v49;
	v49 =	vld [tilespmem:s26+$0x0];
	_ =	sdelay $0x4  }
0x97: {  	[tilespmem:$0x1F8D0] =	vst v49;
	v49 =	vld [tilespmem:s22+$0x6580];
	_ =	sdelay $0x4  }
0x98: {  	[tilespmem:$0x1F8E0] =	vst v49;
	v49 =	vld [tilespmem:s22+$0x6590];
	_ =	sdelay $0x4  }
0x99: {  	[tilespmem:$0x1F8F0] =	vst v49;
	v49 =	vld [tilespmem:s22+$0x65A0];
	_ =	sdelay $0x4  }
0x9a: {  	[tilespmem:$0x1F900] =	vst v49;
	v49 =	vld [tilespmem:s22+$0x65B0];
	_ =	sdelay $0x4  }
0x9b: {  	[tilespmem:$0x1F910] =	vst v49;
	v49 =	vld [tilespmem:s22+$0x65C0];
	_ =	sdelay $0x4  }
0x9c: {  	[tilespmem:$0x1F920] =	vst v49;
	v49 =	vld [tilespmem:s22+$0x65D0];
	_ =	sdelay $0x4  }
0x9d: {  	[tilespmem:$0x1F930] =	vst v49;
	v49 =	vld [tilespmem:s22+$0x65E0];
	_ =	sdelay $0x4  }
0x9e: {  	[tilespmem:$0x1F940] =	vst v49;
	v49 =	vld [tilespmem:s22+$0x65F0];
	_ =	sdelay $0x3  }
0x9f: {  	s25 =	sor.u32 $0x180, s22  }
0xa0: {  	[tilespmem:$0x1F970] =	vst v49;
	v49 =	vld [tilespmem:s25+$0x0]  }
0xa1: {  	v53 =	vld [tilespmem:s22+$0x6400]  }
0xa2: {  	v54 =	vld [tilespmem:s22+$0x6410]  }
0xa3: {  	v55 =	vld [tilespmem:s22+$0x6420]  }
0xa4: {  	v56 =	vld [tilespmem:s22+$0x6430];
	s26 =	sor.u32 $0x190, s22  }
0xa5: {  	[tilespmem:$0x1F950] =	vst v49;
	v49 =	vld [tilespmem:s26+$0x0]  }
0xa6: {  	v57 =	vld [tilespmem:s22+$0x6440]  }
0xa7: {  	v58 =	vld [tilespmem:s22+$0x6450]  }
0xa8: {  	v59 =	vld [tilespmem:s22+$0x6460]  }
0xa9: {  	v61 =	vld [tilespmem:s22+$0x6470];
	s25 =	sor.u32 $0x1A0, s22  }
0xaa: {  	[tilespmem:$0x1F960] =	vst v49;
	v49 =	vld [tilespmem:s25+$0x0]  }
0xab: {  	v52 =	vld [tilespmem:s22+$0x0]  }
0xac: {  	v12 =	vld [tilespmem:s22+$0x6480]  }
0xad: {  	v13 =	vld [tilespmem:s22+$0x6490]  }
0xae: {  	v16 =	vld [tilespmem:s22+$0x64A0];
	s26 =	sor.u32 $0x1B0, s22  }
0xaf: {  	[tilespmem:$0x1F980] =	vst v49;
	v49 =	vld [tilespmem:s26+$0x0]  }
0xb0: {  	v20 =	vld [tilespmem:s22+$0x64B0]  }
0xb1: {  	v21 =	vld [tilespmem:s22+$0x64C0]  }
0xb2: {  	v22 =	vld [tilespmem:s22+$0x64D0]  }
0xb3: {  	v23 =	vld [tilespmem:s22+$0x64E0];
	s25 =	sor.u32 $0x1C0, s22  }
0xb4: {  	[tilespmem:$0x1F990] =	vst v49;
	v49 =	vld [tilespmem:s25+$0x0]  }
0xb5: {  	v25 =	vld [tilespmem:s22+$0x64F0]  }
0xb6: {  	v38 =	vld [tilespmem:s22+$0x6500]  }
0xb7: {  	v36 =	vld [tilespmem:s22+$0x6510]  }
0xb8: {  	v39 =	vld [tilespmem:s22+$0x6520];
	s26 =	sor.u32 $0x1D0, s22  }
0xb9: {  	[tilespmem:$0x1F9A0] =	vst v49;
	v49 =	vld [tilespmem:s26+$0x0]  }
0xba: {  	v40 =	vld [tilespmem:s22+$0x6530]  }
0xbb: {  	v41 =	vld [tilespmem:s22+$0x6540]  }
0xbc: {  	v42 =	vld [tilespmem:s22+$0x6550]  }
0xbd: {  	v43 =	vld [tilespmem:s22+$0x6560]  }
0xbe: {  	v47 =	vld [tilespmem:s22+$0x6570];
	s25 =	sor.u32 $0x1E0, s22;
	[tilespmem:$0x1F9B0] =	vst v49  }
0xbf: {  	v49 =	vld [tilespmem:s25+$0x0];
	_ =	sdelay $0x3  }
0xc0: {  	s26 =	sor.u32 $0x1F0, s22  }
0xc1: {  	[tilespmem:$0x1F9C0] =	vst v49;
	v49 =	vld [tilespmem:s26+$0x0];
	_ =	sdelay $0x4  }
0xc2: {  	[tilespmem:$0x1F9D0] =	vst v49;
	v49 =	vld [tilespmem:s22+$0x6600];
	_ =	sdelay $0x4  }
0xc3: {  	[tilespmem:$0x1F9E0] =	vst v49;
	v49 =	vld [tilespmem:s22+$0x6610];
	_ =	sdelay $0x4  }
0xc4: {  	[tilespmem:$0x1F9F0] =	vst v49;
	v49 =	vld [tilespmem:s22+$0x6620];
	_ =	sdelay $0x4  }
0xc5: {  	[tilespmem:$0x1FA00] =	vst v49;
	v49 =	vld [tilespmem:s22+$0x6630];
	_ =	sdelay $0x4  }
0xc6: {  	[tilespmem:$0x1FA10] =	vst v49;
	v49 =	vld [tilespmem:s22+$0x6640];
	_ =	sdelay $0x4  }
0xc7: {  	[tilespmem:$0x1FA20] =	vst v49;
	v49 =	vld [tilespmem:s22+$0x6650];
	_ =	sdelay $0x4  }
0xc8: {  	[tilespmem:$0x1FA30] =	vst v49;
	v49 =	vld [tilespmem:s22+$0x6660];
	_ =	sdelay $0x4  }
0xc9: {  	[tilespmem:$0x1FA40] =	vst v49;
	v49 =	vld [tilespmem:s22+$0x6670];
	_ =	sdelay $0x4  }
0xca: {  	[tilespmem:$0x1FA70] =	vst v49;
	v49 =	vld [tilespmem:s22+$0x200];
	_ =	sdelay $0x4  }
0xcb: {  	[tilespmem:$0x1FA50] =	vst v49;
	v49 =	vld [tilespmem:s22+$0x210];
	_ =	sdelay $0x4  }
0xcc: {  	[tilespmem:$0x1FA60] =	vst v49;
	v49 =	vld [tilespmem:s22+$0x220];
	_ =	sdelay $0x4  }
0xcd: {  	[tilespmem:$0x1FA80] =	vst v49;
	v49 =	vld [tilespmem:s22+$0x230];
	_ =	sdelay $0x4  }
0xce: {  	[tilespmem:$0x1FA90] =	vst v49;
	v49 =	vld [tilespmem:s22+$0x240];
	_ =	sdelay $0x4  }
0xcf: {  	[tilespmem:$0x1FAA0] =	vst v49;
	v49 =	vld [tilespmem:s22+$0x250];
	_ =	sdelay $0x4  }
0xd0: {  	[tilespmem:$0x1FAB0] =	vst v49;
	v49 =	vld [tilespmem:s22+$0x260];
	_ =	sdelay $0x4  }
0xd1: {  	[tilespmem:$0x1FAC0] =	vst v49;
	v49 =	vld [tilespmem:s22+$0x270];
	_ =	sdelay $0x4  }
0xd2: {  	[tilespmem:$0x1FAD0] =	vst v49;
	v49 =	vld [tilespmem:s22+$0x6680];
	_ =	sdelay $0x4  }
0xd3: {  	[tilespmem:$0x1FAE0] =	vst v49;
	v49 =	vld [tilespmem:s22+$0x6690];
	_ =	sdelay $0x4  }
0xd4: {  	[tilespmem:$0x1FAF0] =	vst v49;
	v49 =	vld [tilespmem:s22+$0x66A0];
	_ =	sdelay $0x4  }
0xd5: {  	[tilespmem:$0x1FB00] =	vst v49;
	v49 =	vld [tilespmem:s22+$0x66B0];
	_ =	sdelay $0x4  }
0xd6: {  	[tilespmem:$0x1FB10] =	vst v49;
	v49 =	vld [tilespmem:s22+$0x66C0];
	_ =	sdelay $0x4  }
0xd7: {  	[tilespmem:$0x1FB20] =	vst v49;
	v49 =	vld [tilespmem:s22+$0x66D0];
	_ =	sdelay $0x4  }
0xd8: {  	[tilespmem:$0x1FB30] =	vst v49;
	v49 =	vld [tilespmem:s22+$0x66E0];
	_ =	sdelay $0x4  }
0xd9: {  	[tilespmem:$0x1FB40] =	vst v49;
	v49 =	vld [tilespmem:s22+$0x66F0];
	_ =	sdelay $0x4  }
0xda: {  	[tilespmem:$0x1FB70] =	vst v49;
	v49 =	vld [tilespmem:s22+$0x280];
	_ =	sdelay $0x4  }
0xdb: {  	[tilespmem:$0x1FB50] =	vst v49;
	v49 =	vld [tilespmem:s22+$0x290];
	_ =	sdelay $0x4  }
0xdc: {  	[tilespmem:$0x1FB60] =	vst v49;
	v49 =	vld [tilespmem:s22+$0x2A0];
	_ =	sdelay $0x4  }
0xdd: {  	[tilespmem:$0x1FB80] =	vst v49;
	v49 =	vld [tilespmem:s22+$0x2B0];
	_ =	sdelay $0x4  }
0xde: {  	[tilespmem:$0x1FB90] =	vst v49;
	v49 =	vld [tilespmem:s22+$0x2C0];
	_ =	sdelay $0x4  }
0xdf: {  	[tilespmem:$0x1FBA0] =	vst v49;
	v49 =	vld [tilespmem:s22+$0x2D0];
	_ =	sdelay $0x4  }
0xe0: {  	[tilespmem:$0x1FBB0] =	vst v49;
	v49 =	vld [tilespmem:s22+$0x2E0];
	_ =	sdelay $0x4  }
0xe1: {  	[tilespmem:$0x1FBC0] =	vst v49;
	v49 =	vld [tilespmem:s22+$0x2F0];
	_ =	sdelay $0x4  }
0xe2: {  	[tilespmem:$0x1FBD0] =	vst v49;
	v49 =	vld [tilespmem:s22+$0x6700];
	_ =	sdelay $0x4  }
0xe3: {  	[tilespmem:$0x1FBE0] =	vst v49;
	v49 =	vld [tilespmem:s22+$0x6710];
	_ =	sdelay $0x4  }
0xe4: {  	[tilespmem:$0x1FBF0] =	vst v49;
	v49 =	vld [tilespmem:s22+$0x6720];
	_ =	sdelay $0x4  }
0xe5: {  	[tilespmem:$0x1FC00] =	vst v49;
	v49 =	vld [tilespmem:s22+$0x6730];
	_ =	sdelay $0x4  }
0xe6: {  	[tilespmem:$0x1FC10] =	vst v49;
	v49 =	vld [tilespmem:s22+$0x6740];
	_ =	sdelay $0x4  }
0xe7: {  	[tilespmem:$0x1FC20] =	vst v49;
	v49 =	vld [tilespmem:s22+$0x6750];
	_ =	sdelay $0x4  }
0xe8: {  	[tilespmem:$0x1FC30] =	vst v49;
	v49 =	vld [tilespmem:s22+$0x6760];
	_ =	sdelay $0x4  }
0xe9: {  	[tilespmem:$0x1FC40] =	vst v49;
	v49 =	vld [tilespmem:s22+$0x6770];
	_ =	sdelay $0x4  }
0xea: {  	[tilespmem:$0x1FC70] =	vst v49;
	v49 =	vld [tilespmem:s22+$0x300];
	_ =	sdelay $0x4  }
0xeb: {  	[tilespmem:$0x1FC50] =	vst v49;
	v49 =	vld [tilespmem:s22+$0x310];
	_ =	sdelay $0x4  }
0xec: {  	[tilespmem:$0x1FC60] =	vst v49;
	v49 =	vld [tilespmem:s22+$0x320];
	_ =	sdelay $0x4  }
0xed: {  	[tilespmem:$0x1FC80] =	vst v49;
	v49 =	vld [tilespmem:s22+$0x330];
	_ =	sdelay $0x4  }
0xee: {  	[tilespmem:$0x1FC90] =	vst v49;
	v49 =	vld [tilespmem:s22+$0x340];
	_ =	sdelay $0x4  }
0xef: {  	[tilespmem:$0x1FCA0] =	vst v49;
	v49 =	vld [tilespmem:s22+$0x350];
	_ =	sdelay $0x4  }
0xf0: {  	[tilespmem:$0x1FCB0] =	vst v49;
	v49 =	vld [tilespmem:s22+$0x360];
	_ =	sdelay $0x4  }
0xf1: {  	[tilespmem:$0x1FCC0] =	vst v49;
	v49 =	vld [tilespmem:s22+$0x370];
	_ =	sdelay $0x4  }
0xf2: {  	[tilespmem:$0x1FCD0] =	vst v49;
	v49 =	vld [tilespmem:s22+$0x6780];
	_ =	sdelay $0x4  }
0xf3: {  	[tilespmem:$0x1FCE0] =	vst v49;
	v49 =	vld [tilespmem:s22+$0x6790];
	_ =	sdelay $0x4  }
0xf4: {  	[tilespmem:$0x1FCF0] =	vst v49;
	v49 =	vld [tilespmem:s22+$0x67A0];
	_ =	sdelay $0x4  }
0xf5: {  	[tilespmem:$0x1FD00] =	vst v49;
	v49 =	vld [tilespmem:s22+$0x67B0];
	_ =	sdelay $0x4  }
0xf6: {  	[tilespmem:$0x1FD10] =	vst v49;
	v49 =	vld [tilespmem:s22+$0x67C0];
	_ =	sdelay $0x4  }
0xf7: {  	[tilespmem:$0x1FD20] =	vst v49;
	v49 =	vld [tilespmem:s22+$0x67D0];
	_ =	sdelay $0x4  }
0xf8: {  	[tilespmem:$0x1FD30] =	vst v49;
	v49 =	vld [tilespmem:s22+$0x67E0];
	_ =	sdelay $0x4  }
0xf9: {  	[tilespmem:$0x1FD40] =	vst v49;
	v49 =	vld [tilespmem:s22+$0x67F0];
	_ =	sdelay $0x4  }
0xfa: {  	[tilespmem:$0x1FD70] =	vst v49;
	v49 =	vld [tilespmem:s22+$0x380];
	_ =	sdelay $0x4  }
0xfb: {  	[tilespmem:$0x1FD50] =	vst v49;
	v49 =	vld [tilespmem:s22+$0x390];
	_ =	sdelay $0x4  }
0xfc: {  	[tilespmem:$0x1FD60] =	vst v49;
	v49 =	vld [tilespmem:s22+$0x3A0];
	_ =	sdelay $0x4  }
0xfd: {  	[tilespmem:$0x1FD80] =	vst v49;
	v49 =	vld [tilespmem:s22+$0x3B0];
	_ =	sdelay $0x4  }
0xfe: {  	[tilespmem:$0x1FD90] =	vst v49;
	v49 =	vld [tilespmem:s22+$0x3C0];
	_ =	sdelay $0x4  }
0xff: {  	[tilespmem:$0x1FDA0] =	vst v49;
	v49 =	vld [tilespmem:s22+$0x3D0];
	_ =	sdelay $0x4  }
0x100: {  	[tilespmem:$0x1FDB0] =	vst v49;
	v49 =	vld [tilespmem:s22+$0x3E0];
	_ =	sdelay $0x4  }
0x101: {  	[tilespmem:$0x1FDC0] =	vst v49;
	v49 =	vld [tilespmem:s22+$0x3F0];
	_ =	sdelay $0x4  }
0x102: {  	[tilespmem:$0x1FDD0] =	vst v49;
	v49 =	vld [tilespmem:s22+$0x6800];
	_ =	sdelay $0x4  }
0x103: {  	[tilespmem:$0x1FDE0] =	vst v49;
	v49 =	vld [tilespmem:s22+$0x6810];
	_ =	sdelay $0x4  }
0x104: {  	[tilespmem:$0x1FDF0] =	vst v49;
	v49 =	vld [tilespmem:s22+$0x6820];
	_ =	sdelay $0x4  }
0x105: {  	[tilespmem:$0x1FE00] =	vst v49;
	v49 =	vld [tilespmem:s22+$0x6830];
	_ =	sdelay $0x4  }
0x106: {  	[tilespmem:$0x1FE10] =	vst v49;
	v49 =	vld [tilespmem:s22+$0x6840];
	_ =	sdelay $0x4  }
0x107: {  	[tilespmem:$0x1FE20] =	vst v49;
	v49 =	vld [tilespmem:s22+$0x6850];
	_ =	sdelay $0x4  }
0x108: {  	[tilespmem:$0x1FE30] =	vst v49;
	v49 =	vld [tilespmem:s22+$0x6860];
	_ =	sdelay $0x4  }
0x109: {  	[tilespmem:$0x1FE40] =	vst v49;
	v49 =	vld [tilespmem:s22+$0x6870];
	_ =	sdelay $0x4  }
0x10a: {  	[tilespmem:$0x1FE70] =	vst v49;
	v49 =	vld [tilespmem:s22+$0x400];
	_ =	sdelay $0x4  }
0x10b: {  	[tilespmem:$0x1FE50] =	vst v49;
	v49 =	vld [tilespmem:s22+$0x410];
	_ =	sdelay $0x1  }
0x10c: {  	vm5 =	veq.s32 v1, $0x0  }
0x10d: {  	v1 =	vsel vm5, $0x0, v19  }
0x10e: {  	v1 =	vadd.f32 v1, v0;
	v0 =	vld [tilespmem:s22+$0x4A0]  }
0x10f: {  	[tilespmem:$0x1FE60] =	vst v49;
	v49 =	vld [tilespmem:s22+$0x420];
	_ =	sdelay $0x1  }
0x110: {  	v35 =	vadd.f32 v53, v35;
	v53 =	vadd.f32 v55, v11;
	v11 =	vld [tilespmem:s22+$0x460]  }
0x111: {  	v30 =	vadd.f32 v54, v30;
	v54 =	vadd.f32 v57, v9;
	v9 =	vld [tilespmem:s22+$0x6890]  }
0x112: {  	vm0 =	veq.s32 v52, $0x0;
	vm1 =	veq.s32 v51, $0x0;
	[tilespmem:$0x1FF20] =	vst v0;
	v0 =	vld [tilespmem:s22+$0x4B0]  }
0x113: {  	v51 =	vadd.f32 v61, v6;
	v6 =	vsel vm0, $0x0, v19;
	vm15 =	veq.s32 v62, $0x0;
	[tilespmem:$0x1FE80] =	vst v49;
	v49 =	vld [tilespmem:s22+$0x430]  }
0x114: {  	v55 =	vadd.f32 v58, v8;
	v52 =	vadd.f32 v6, v31;
	v6 =	vsel vm15, $0x0, v19;
	v8 =	vld [tilespmem:s22+$0x470]  }
0x115: {  	v61 =	vadd.f32 v6, v15;
	v15 =	vld [tilespmem:s22+$0x68F0]  }
0x116: {  	[tilespmem:$0x1FEF0] =	vst v9;
	v9 =	vld [tilespmem:s22+$0x68B0]  }
0x117: {  	[tilespmem:$0x1FF30] =	vst v0;
	v0 =	vld [tilespmem:s22+$0x4D0]  }
0x118: {  	[tilespmem:$0x1FE90] =	vst v49;
	v49 =	vld [tilespmem:s22+$0x440]  }
0x119: {  	v31 =	vld [tilespmem:s22+$0x480]  }
0x11a: {  	[tilespmem:$0x1FED0] =	vst v8;
	v8 =	vld [tilespmem:s22+$0x6880]  }
0x11b: {  	[tilespmem:$0x1FF00] =	vst v9;
	v9 =	vld [tilespmem:s22+$0x68C0]  }
0x11c: {  	vm6 =	veq.s32 v2, $0x0;
	[tilespmem:$0x1FF40] =	vst v0;
	v0 =	vld [tilespmem:s22+$0x4E0]  }
0x11d: {  	vm4 =	veq.s32 v63, $0x0;
	v2 =	vsel vm6, $0x0, v19;
	[tilespmem:$0x1FEA0] =	vst v49;
	v49 =	vld [tilespmem:s22+$0x450]  }
0x11e: {  	v6 =	vsel vm4, $0x0, v19;
	v2 =	vadd.f32 v2, v10;
	v10 =	vld [tilespmem:s22+$0x490];
	[tilespmem:$0x1FEC0] =	vst v11  }
0x11f: {  	v62 =	vadd.f32 v6, v18;
	v18 =	vld [tilespmem:s22+$0x4F0];
	[tilespmem:$0x1FEE0] =	vst v8  }
0x120: {  	vm2 =	veq.s32 v60, $0x0;
	v11 =	vld [tilespmem:s22+$0x68E0];
	v8 =	vsel vm1, $0x0, v19;
	[tilespmem:$0x1FF10] =	vst v9  }
0x121: {  	v7 =	vadd.f32 v56, v7;
	v56 =	vadd.f32 v8, v29;
	v8 =	vld [tilespmem:s22+$0x68A0];
	v29 =	vsel vm2, $0x0, v19;
	[tilespmem:$0x1FF50] =	vst v0  }
0x122: {  	v63 =	vadd.f32 v29, v17;
	v17 =	vld [tilespmem:s22+$0x4C0];
	[tilespmem:$0x1FEB0] =	vst v49  }
0x123: {  	v9 =	vld [tilespmem:s22+$0x68D0];
	_ =	swait.ge [sflag:s18], $0x80  }
0x124: {  	[sflag:s18] =	ssyncset.done $0x0  }
0x125: {  	[sflag:s18] =	ssyncadd.s32 $0xFFFFFF80  }
0x126: {  	_ =	swait.ge [sflag:s18], $0x80  }
0x127: {  	[sflag:s18] =	ssyncset.done $0x0  }
0x128: {  	[sflag:s18] =	ssyncadd.s32 $0xFFFFFF80  }
0x129: {  	_ =	swait.ge [sflag:s18], $0x80  }
0x12a: {  	[sflag:s18] =	ssyncset.done $0x0  }
0x12b: {  	[sflag:s18] =	ssyncadd.s32 $0xFFFFFF80  }
0x12c: {  	_ =	swait.ge [sflag:s18], $0x80  }
0x12d: {  	[sflag:s18] =	ssyncset.done $0x0  }
0x12e: {  	[sflag:s18] =	ssyncadd.s32 $0xFFFFFF80  }
0x12f: {  	_ =	swait.ge [sflag:s18], $0x80  }
0x130: {  	v0 =	vld [tilespmem:$0x1F8C0];
	_ =	sdelay $0x2  }
0x131: {  	vm9 =	veq.s32 v5, $0x0  }
0x132: {  	vm8 =	veq.s32 v14, $0x0;
	v14 =	vsel vm9, $0x0, v19;
	vm10 =	veq.s32 v26, $0x0  }
0x133: {  	v14 =	vadd.f32 v14, v56;
	v56 =	vsel vm10, $0x0, v19;
	vm10 =	veq.s32 v0, $0x0;
	v0 =	vld [tilespmem:$0x1F8D0];
	_ =	sdelay $0x1  }
0x134: {  	[sflag:s18] =	ssyncset.done $0x0  }
0x135: {  	[sflag:s18] =	ssyncadd.s32 $0xFFFFFF80  }
0x136: {  	vm11 =	veq.s32 v27, $0x0;
	_ =	swait.ge [sflag:s18], $0x80  }
0x137: {  	v57 =	vsel vm11, $0x0, v19;
	vm11 =	veq.s32 v0, $0x0;
	v0 =	vld [tilespmem:$0x1F8E0]  }
0x138: {  	v12 =	vadd.f32 v12, v35;
	_ =	sdelay $0x1  }
0x139: {  	v12 =	vadd.f32 v38, v12;
	_ =	sdelay $0x1  }
0x13a: {  	v12 =	vadd.f32 v0, v12;
	v0 =	vld [tilespmem:$0x1F8F0]  }
0x13b: {  	v13 =	vadd.f32 v13, v30;
	_ =	sdelay $0x1  }
0x13c: {  	v13 =	vadd.f32 v36, v13;
	_ =	sdelay $0x1  }
0x13d: {  	v13 =	vadd.f32 v0, v13;
	v0 =	vld [tilespmem:$0x1F900]  }
0x13e: {  	v16 =	vadd.f32 v16, v53;
	_ =	sdelay $0x1  }
0x13f: {  	v16 =	vadd.f32 v39, v16;
	_ =	sdelay $0x1  }
0x140: {  	v16 =	vadd.f32 v0, v16;
	v0 =	vld [tilespmem:$0x1F910]  }
0x141: {  	v20 =	vadd.f32 v20, v7  }
0x142: {  	[sflag:s18] =	ssyncset.done $0x0  }
0x143: {  	v20 =	vadd.f32 v40, v20;
	[sflag:s18] =	ssyncadd.s32 $0xFFFFFF80  }
0x144: {  	_ =	swait.ge [sflag:s18], $0x80  }
0x145: {  	v20 =	vadd.f32 v0, v20;
	v0 =	vld [tilespmem:$0x1F920]  }
0x146: {  	v21 =	vadd.f32 v21, v54;
	_ =	sdelay $0x1  }
0x147: {  	v21 =	vadd.f32 v41, v21;
	_ =	sdelay $0x1  }
0x148: {  	v21 =	vadd.f32 v0, v21;
	v0 =	vld [tilespmem:$0x1F930]  }
0x149: {  	v22 =	vadd.f32 v22, v55;
	_ =	sdelay $0x1  }
0x14a: {  	v22 =	vadd.f32 v42, v22  }
0x14b: {  	v4 =	vadd.f32 v59, v4  }
0x14c: {  	v22 =	vadd.f32 v0, v22;
	v0 =	vld [tilespmem:$0x1F940]  }
0x14d: {  	v23 =	vadd.f32 v23, v4;
	_ =	sdelay $0x1  }
0x14e: {  	v23 =	vadd.f32 v43, v23;
	_ =	sdelay $0x1  }
0x14f: {  	v23 =	vadd.f32 v0, v23;
	v0 =	vld [tilespmem:$0x1F950];
	_ =	sdelay $0x3  }
0x150: {  	vm12 =	veq.s32 v24, $0x0  }
0x151: {  	v27 =	vsel vm12, $0x0, v19;
	vm12 =	veq.s32 v0, $0x0;
	v0 =	vld [tilespmem:$0x1F960];
	_ =	sdelay $0x3  }
0x152: {  	vm13 =	veq.s32 v28, $0x0  }
0x153: {  	v28 =	vsel vm13, $0x0, v19;
	vm13 =	veq.s32 v0, $0x0;
	v0 =	vld [tilespmem:$0x1F970]  }
0x154: {  	v5 =	vadd.f32 v25, v51  }
0x155: {  	[sflag:s18] =	ssyncset.done $0x0  }
0x156: {  	v5 =	vadd.f32 v47, v5;
	[sflag:s18] =	ssyncadd.s32 $0xFFFFFF80  }
0x157: {  	_ =	swait.ge [sflag:s18], $0x80  }
0x158: {  	v5 =	vadd.f32 v0, v5;
	v0 =	vld [tilespmem:$0x1F980];
	_ =	sdelay $0x3  }
0x159: {  	vm14 =	veq.s32 v32, $0x0  }
0x15a: {  	v1 =	vadd.f32 v28, v1;
	v28 =	vsel vm14, $0x0, v19;
	vm14 =	veq.s32 v0, $0x0;
	v0 =	vld [tilespmem:$0x1F990];
	_ =	sdelay $0x3  }
0x15b: {  	vm15 =	veq.s32 v33, $0x0  }
0x15c: {  	v60 =	vsel vm15, $0x0, v19;
	vm15 =	veq.s32 v0, $0x0;
	v0 =	vld [tilespmem:$0x1F9A0];
	_ =	sdelay $0x1  }
0x15d: {  	[sflag:s18] =	ssyncset.done $0x0  }
0x15e: {  	[sflag:s18] =	ssyncadd.s32 $0xFFFFFF80  }
0x15f: {  	vm4 =	veq.s32 v37, $0x0;
	_ =	swait.ge [sflag:s18], $0x80  }
0x160: {  	v24 =	vadd.f32 v56, v61;
	v61 =	vsel vm4, $0x0, v19;
	vm4 =	veq.s32 v0, $0x0;
	v0 =	vld [tilespmem:$0x1F9B0];
	_ =	sdelay $0x3  }
0x161: {  	vm5 =	veq.s32 v34, $0x0  }
0x162: {  	v26 =	vadd.f32 v57, v62;
	v62 =	vsel vm5, $0x0, v19;
	vm5 =	veq.s32 v0, $0x0;
	v0 =	vld [tilespmem:$0x1F9C0];
	_ =	sdelay $0x3  }
0x163: {  	vm6 =	veq.s32 v45, $0x0  }
0x164: {  	v27 =	vadd.f32 v27, v63;
	v63 =	vsel vm6, $0x0, v19;
	vm6 =	veq.s32 v0, $0x0;
	v0 =	vld [tilespmem:$0x1F9D0];
	_ =	sdelay $0x1  }
0x165: {  	[sflag:s18] =	ssyncset.done $0x0  }
0x166: {  	vm7 =	veq.s32 v3, $0x0;
	[sflag:s18] =	ssyncadd.s32 $0xFFFFFF80  }
0x167: {  	v3 =	vsel vm7, $0x0, v19;
	vm7 =	veq.s32 v46, $0x0;
	_ =	swait.ge [sflag:s18], $0x80  }
0x168: {  	v36 =	vsel vm7, $0x0, v19;
	vm7 =	veq.s32 v0, $0x0;
	v0 =	vld [tilespmem:$0x1F9E0];
	_ =	sdelay $0x4  }
0x169: {  	v12 =	vadd.f32 v0, v12;
	v0 =	vld [tilespmem:$0x1F9F0];
	_ =	sdelay $0x4  }
0x16a: {  	v13 =	vadd.f32 v0, v13;
	v0 =	vld [tilespmem:$0x1FA00];
	_ =	sdelay $0x4  }
0x16b: {  	v16 =	vadd.f32 v0, v16;
	v0 =	vld [tilespmem:$0x1FA10];
	_ =	sdelay $0x4  }
0x16c: {  	v20 =	vadd.f32 v0, v20;
	v0 =	vld [tilespmem:$0x1FA20];
	_ =	sdelay $0x4  }
0x16d: {  	v21 =	vadd.f32 v0, v21;
	v0 =	vld [tilespmem:$0x1FA30];
	_ =	sdelay $0x4  }
0x16e: {  	v22 =	vadd.f32 v0, v22;
	v0 =	vld [tilespmem:$0x1FA40];
	_ =	sdelay $0x4  }
0x16f: {  	v23 =	vadd.f32 v0, v23;
	v0 =	vld [tilespmem:$0x1FA50];
	_ =	sdelay $0x3  }
0x170: {  	v4 =	vsel vm8, $0x0, v19;
	vm8 =	veq.s32 v44, $0x0  }
0x171: {  	v37 =	vsel vm8, $0x0, v19;
	vm8 =	veq.s32 v0, $0x0;
	v0 =	vld [tilespmem:$0x1FA60];
	_ =	sdelay $0x3  }
0x172: {  	vm9 =	veq.s32 v50, $0x0  }
0x173: {  	v38 =	vsel vm9, $0x0, v19;
	vm9 =	veq.s32 v0, $0x0;
	v0 =	vld [tilespmem:$0x1FA70];
	_ =	sdelay $0x4  }
0x174: {  	v5 =	vadd.f32 v0, v5;
	v0 =	vld [tilespmem:$0x1FA80];
	_ =	sdelay $0x4  }
0x175: {  	v39 =	vsel vm10, $0x0, v19;
	vm10 =	veq.s32 v0, $0x0;
	v0 =	vld [tilespmem:$0x1FA90];
	_ =	sdelay $0x4  }
0x176: {  	v40 =	vsel vm11, $0x0, v19;
	vm11 =	veq.s32 v0, $0x0;
	v0 =	vld [tilespmem:$0x1FAA0];
	_ =	sdelay $0x4  }
0x177: {  	v41 =	vsel vm12, $0x0, v19;
	vm12 =	veq.s32 v0, $0x0;
	v0 =	vld [tilespmem:$0x1FAB0];
	_ =	sdelay $0x4  }
0x178: {  	v42 =	vsel vm13, $0x0, v19;
	vm13 =	veq.s32 v0, $0x0;
	v0 =	vld [tilespmem:$0x1FAC0];
	_ =	sdelay $0x4  }
0x179: {  	v43 =	vsel vm14, $0x0, v19;
	vm14 =	veq.s32 v0, $0x0;
	v0 =	vld [tilespmem:$0x1FAD0];
	_ =	sdelay $0x4  }
0x17a: {  	v44 =	vsel vm15, $0x0, v19;
	vm15 =	veq.s32 v0, $0x0;
	v0 =	vld [tilespmem:$0x1FAE0];
	_ =	sdelay $0x4  }
0x17b: {  	v57 =	vadd.f32 v0, v12;
	v0 =	vld [tilespmem:$0x1FAF0];
	_ =	sdelay $0x4  }
0x17c: {  	v13 =	vadd.f32 v0, v13;
	v0 =	vld [tilespmem:$0x1FB00];
	_ =	sdelay $0x4  }
0x17d: {  	v16 =	vadd.f32 v0, v16;
	v0 =	vld [tilespmem:$0x1FB10];
	_ =	sdelay $0x4  }
0x17e: {  	v20 =	vadd.f32 v0, v20;
	v0 =	vld [tilespmem:$0x1FB20];
	_ =	sdelay $0x4  }
0x17f: {  	v21 =	vadd.f32 v0, v21;
	v0 =	vld [tilespmem:$0x1FB30];
	_ =	sdelay $0x4  }
0x180: {  	v22 =	vadd.f32 v0, v22;
	v0 =	vld [tilespmem:$0x1FB40];
	_ =	sdelay $0x4  }
0x181: {  	v23 =	vadd.f32 v0, v23;
	v0 =	vld [tilespmem:$0x1FB50];
	_ =	sdelay $0x4  }
0x182: {  	v45 =	vsel vm4, $0x0, v19;
	vm4 =	veq.s32 v0, $0x0;
	v0 =	vld [tilespmem:$0x1FB60];
	_ =	sdelay $0x4  }
0x183: {  	v46 =	vsel vm5, $0x0, v19;
	vm5 =	veq.s32 v0, $0x0;
	v0 =	vld [tilespmem:$0x1FB70];
	_ =	sdelay $0x3  }
0x184: {  	[sflag:s18] =	ssyncset.done $0x0  }
0x185: {  	s25 =	sadd.s32 @!p1 $0xF00, s22;
	s26 =	sadd.s32 @!p1 $0x7300, s22;
	[sflag:s18] =	ssyncadd.s32 $0xFFFFFF80;
	v58 =	vadd.f32 v0, v5;
	v0 =	vld [tilespmem:$0x1FB80]  }
0x186: {  	[tilespmem:s26], [sflag:$0x2] =	stream.indirect.gather @!p1 [spmem:s2], $0x1, s25, s24, $0xb8;
	[tilespmem:$0x1BCC8] =	vst v63  }
0x187: {  	s25 =	sadd.s32 @!p1 $0xF80, s22;
	s26 =	sadd.s32 @!p1 $0x7380, s22  }
0x188: {  	[tilespmem:s26], [sflag:$0x2] =	stream.indirect.gather @!p1 [spmem:s2], $0x1, s25, s24, $0xb8;
	[tilespmem:$0x1BCC8] =	vst v63  }
0x189: {  	s25 =	sadd.s32 @!p1 $0x1000, s22;
	s26 =	sadd.s32 @!p1 $0x7400, s22  }
0x18a: {  	v47 =	vsel vm6, $0x0, v19;
	[tilespmem:s26], [sflag:$0x2] =	stream.indirect.gather @!p1 [spmem:s2], $0x1, s25, s24, $0xb8;
	vm6 =	veq.s32 v0, $0x0;
	v0 =	vld [tilespmem:$0x1FB90]  }
0x18b: {  	s25 =	sadd.s32 @!p1 $0x1080, s22;
	s26 =	sadd.s32 @!p1 $0x7480, s22  }
0x18c: {  	[tilespmem:s26], [sflag:$0x2] =	stream.indirect.gather @!p1 [spmem:s2], $0x1, s25, s24, $0xb8;
	[tilespmem:$0x1BCC8] =	vst v63  }
0x18d: {  	v48 =	vadd.f32 v3, v48;
	s25 =	sadd.s32 @!p1 $0x1100, s22;
	s26 =	sadd.s32 @!p1 $0x7500, s22  }
0x18e: {  	v2 =	vadd.f32 v28, v2;
	[tilespmem:s26], [sflag:$0x2] =	stream.indirect.gather @!p1 [spmem:s2], $0x1, s25, s24, $0xb8;
	[tilespmem:$0x1BCC8] =	vst v63  }
0x18f: {  	v28 =	vadd.f32 v60, v48;
	v48 =	vsel vm7, $0x0, v19;
	s25 =	sadd.s32 @!p1 $0x1180, s22;
	s26 =	sadd.s32 @!p1 $0x7580, s22;
	vm7 =	veq.s32 v0, $0x0;
	v0 =	vld [tilespmem:$0x1FBA0]  }
0x190: {  	[tilespmem:s26], [sflag:$0x2] =	stream.indirect.gather @!p1 [spmem:s2], $0x1, s25, s24, $0xb8;
	[tilespmem:$0x1BCC8] =	vst v63  }
0x191: {  	s25 =	sadd.s32 @!p1 $0x1200, s22;
	s26 =	sadd.s32 @!p1 $0x7600, s22  }
0x192: {  	[tilespmem:s26], [sflag:$0x2] =	stream.indirect.gather @!p1 [spmem:s2], $0x1, s25, s24, $0xb8;
	[tilespmem:$0x1BCC8] =	vst v63  }
0x193: {  	s25 =	sadd.s32 @!p1 $0x1280, s22;
	s26 =	sadd.s32 @!p1 $0x7680, s22  }
0x194: {  	[tilespmem:s26], [sflag:$0x2] =	stream.indirect.gather @!p1 [spmem:s2], $0x1, s25, s24, $0xb8;
	v49 =	vsel vm8, $0x0, v19;
	vm8 =	veq.s32 v0, $0x0;
	v0 =	vld [tilespmem:$0x1FBB0]  }
0x195: {  	s25 =	sadd.s32 @!p1 $0x1300, s22;
	s26 =	sadd.s32 @!p1 $0x7700, s22  }
0x196: {  	[tilespmem:s26], [sflag:$0x2] =	stream.indirect.gather @!p1 [spmem:s2], $0x1, s25, s24, $0xb8;
	[tilespmem:$0x1BCC8] =	vst v63  }
0x197: {  	s25 =	sadd.s32 @!p1 $0x1380, s22;
	s26 =	sadd.s32 @!p1 $0x7780, s22  }
0x198: {  	[tilespmem:s26], [sflag:$0x2] =	stream.indirect.gather @!p1 [spmem:s2], $0x1, s25, s24, $0xb8;
	[tilespmem:$0x1BCC8] =	vst v63  }
0x199: {  	v50 =	vsel vm9, $0x0, v19;
	vm9 =	veq.s32 v0, $0x0;
	v0 =	vld [tilespmem:s22+$0x6900];
	_ =	sdelay $0x4  }
0x19a: {  	[tilespmem:$0x1FF60] =	vst v0;
	v0 =	vld [tilespmem:$0x1FBC0];
	_ =	sdelay $0x4  }
0x19b: {  	v51 =	vsel vm10, $0x0, v19;
	vm10 =	veq.s32 v0, $0x0;
	v0 =	vld [tilespmem:$0x1FBD0];
	_ =	sdelay $0x4  }
0x19c: {  	v55 =	vadd.f32 v4, v52;
	v52 =	vsel vm11, $0x0, v19;
	vm11 =	veq.s32 v0, $0x0;
	v0 =	vld [tilespmem:s22+$0x6910];
	_ =	sdelay $0x4  }
0x19d: {  	[tilespmem:$0x1FF70] =	vst v0;
	v0 =	vld [tilespmem:s22+$0x6920];
	_ =	sdelay $0x4  }
0x19e: {  	[tilespmem:$0x1FF80] =	vst v0;
	v0 =	vld [tilespmem:s22+$0x6930];
	_ =	sdelay $0x4  }
0x19f: {  	[tilespmem:$0x1FF90] =	vst v0;
	v0 =	vld [tilespmem:$0x1FBE0];
	_ =	sdelay $0x2  }
0x1a0: {  	v24 =	vadd.f32 v63, v24;
	_ =	sdelay $0x1  }
0x1a1: {  	v24 =	vadd.f32 v43, v24;
	v43 =	vadd.f32 v0, v57;
	v0 =	vld [tilespmem:$0x1FBF0];
	_ =	sdelay $0x2  }
0x1a2: {  	v26 =	vadd.f32 v36, v26;
	_ =	sdelay $0x1  }
0x1a3: {  	v26 =	vadd.f32 v44, v26;
	v44 =	vadd.f32 v0, v13;
	v0 =	vld [tilespmem:s22+$0x6940];
	_ =	sdelay $0x4  }
0x1a4: {  	[tilespmem:$0x1FFA0] =	vst v0;
	v0 =	vld [tilespmem:$0x1FC00];
	_ =	sdelay $0x2  }
0x1a5: {  	v27 =	vadd.f32 v37, v27;
	_ =	sdelay $0x1  }
0x1a6: {  	v27 =	vadd.f32 v45, v27;
	v45 =	vadd.f32 v0, v16;
	v0 =	vld [tilespmem:$0x1FC10];
	_ =	sdelay $0x2  }
0x1a7: {  	v1 =	vadd.f32 v38, v1;
	_ =	sdelay $0x1  }
0x1a8: {  	v1 =	vadd.f32 v46, v1;
	v46 =	vadd.f32 v0, v20;
	v0 =	vld [tilespmem:$0x1FC20];
	_ =	sdelay $0x2  }
0x1a9: {  	v2 =	vadd.f32 v39, v2;
	_ =	sdelay $0x1  }
0x1aa: {  	v2 =	vadd.f32 v47, v2;
	v47 =	vadd.f32 v0, v21;
	v0 =	vld [tilespmem:$0x1FC30];
	_ =	sdelay $0x2  }
0x1ab: {  	v28 =	vadd.f32 v40, v28;
	_ =	sdelay $0x1  }
0x1ac: {  	v28 =	vadd.f32 v48, v28;
	v48 =	vadd.f32 v0, v22;
	v0 =	vld [tilespmem:s22+$0x6960];
	_ =	sdelay $0x4  }
0x1ad: {  	[tilespmem:$0x1FFB0] =	vst v0;
	v0 =	vld [tilespmem:$0x1FC40]  }
0x1ae: {  	v25 =	vadd.f32 v61, v55;
	_ =	sdelay $0x1  }
0x1af: {  	v25 =	vadd.f32 v41, v25;
	_ =	sdelay $0x1  }
0x1b0: {  	v25 =	vadd.f32 v49, v25;
	v49 =	vadd.f32 v0, v23;
	v0 =	vld [tilespmem:$0x1FC50];
	_ =	sdelay $0x4  }
0x1b1: {  	v53 =	vsel vm12, $0x0, v19;
	vm12 =	veq.s32 v0, $0x0;
	v0 =	vld [tilespmem:$0x1FC60];
	_ =	sdelay $0x4  }
0x1b2: {  	v54 =	vsel vm13, $0x0, v19;
	vm13 =	veq.s32 v0, $0x0;
	v0 =	vld [tilespmem:s22+$0x6970];
	_ =	sdelay $0x4  }
0x1b3: {  	[tilespmem:$0x1FFC0] =	vst v0;
	v0 =	vld [tilespmem:$0x1FC70]  }
0x1b4: {  	v14 =	vadd.f32 v62, v14;
	_ =	sdelay $0x1  }
0x1b5: {  	v14 =	vadd.f32 v42, v14;
	_ =	sdelay $0x1  }
0x1b6: {  	v14 =	vadd.f32 v50, v14;
	v50 =	vadd.f32 v0, v58;
	v0 =	vld [tilespmem:$0x1FC80];
	_ =	sdelay $0x4  }
0x1b7: {  	v32 =	vadd.f32 v54, v1;
	v1 =	vsel vm14, $0x0, v19;
	vm14 =	veq.s32 v0, $0x0;
	v0 =	vld [tilespmem:$0x1FC90];
	_ =	sdelay $0x4  }
0x1b8: {  	v55 =	vsel vm15, $0x0, v19;
	vm15 =	veq.s32 v0, $0x0;
	v0 =	vld [tilespmem:$0x1FCA0];
	_ =	sdelay $0x4  }
0x1b9: {  	v56 =	vadd.f32 v1, v2;
	v1 =	vsel vm4, $0x0, v19;
	vm4 =	veq.s32 v0, $0x0;
	v0 =	vld [tilespmem:$0x1FCB0];
	_ =	sdelay $0x4  }
0x1ba: {  	v2 =	vsel vm5, $0x0, v19;
	vm5 =	veq.s32 v0, $0x0;
	v0 =	vld [tilespmem:$0x1FCC0];
	_ =	sdelay $0x4  }
0x1bb: {  	v59 =	vadd.f32 v1, v25;
	v1 =	vsel vm6, $0x0, v19;
	vm6 =	veq.s32 v0, $0x0;
	v0 =	vld [tilespmem:$0x1FCD0];
	_ =	sdelay $0x2  }
0x1bc: {  	v24 =	vadd.f32 v51, v24;
	_ =	sdelay $0x1  }
0x1bd: {  	v24 =	vadd.f32 v1, v24;
	v1 =	vsel vm7, $0x0, v19;
	vm7 =	veq.s32 v0, $0x0;
	v0 =	vld [tilespmem:$0x1FCE0];
	_ =	sdelay $0x4  }
0x1be: {  	v43 =	vadd.f32 v0, v43;
	v0 =	vld [tilespmem:$0x1FCF0];
	_ =	sdelay $0x4  }
0x1bf: {  	v44 =	vadd.f32 v0, v44;
	v0 =	vld [tilespmem:s22+$0x6980];
	_ =	sdelay $0x4  }
0x1c0: {  	[tilespmem:$0x1FFD0] =	vst v0;
	v0 =	vld [tilespmem:$0x1FD00];
	_ =	sdelay $0x4  }
0x1c1: {  	v45 =	vadd.f32 v0, v45;
	v0 =	vld [tilespmem:$0x1FD10];
	_ =	sdelay $0x4  }
0x1c2: {  	v28 =	vadd.f32 v55, v28;
	v55 =	vadd.f32 v0, v46;
	v0 =	vld [tilespmem:$0x1FD20];
	_ =	sdelay $0x2  }
0x1c3: {  	v12 =	vsel vm10, $0x0, v19  }
0x1c4: {  	v41 =	vadd.f32 v12, v56;
	v56 =	vsel vm12, $0x0, v19  }
0x1c5: {  	v51 =	vadd.f32 v56, v59;
	v56 =	vadd.f32 v0, v47;
	v0 =	vld [tilespmem:$0x1FD30];
	_ =	sdelay $0x4  }
0x1c6: {  	v48 =	vadd.f32 v0, v48;
	v0 =	vld [tilespmem:$0x1FD40];
	_ =	sdelay $0x2  }
0x1c7: {  	v60 =	vadd.f32 v2, v14  }
0x1c8: {  	v57 =	vsel vm13, $0x0, v19  }
0x1c9: {  	v37 =	vadd.f32 v57, v60;
	v57 =	vadd.f32 v0, v49;
	v0 =	vld [tilespmem:$0x1FD50];
	_ =	sdelay $0x4  }
0x1ca: {  	v2 =	vsel vm8, $0x0, v19;
	vm8 =	veq.s32 v0, $0x0;
	v0 =	vld [tilespmem:$0x1FD60];
	_ =	sdelay $0x4  }
0x1cb: {  	v5 =	vsel vm9, $0x0, v19;
	vm9 =	veq.s32 v0, $0x0;
	v0 =	vld [tilespmem:$0x1FD70];
	_ =	sdelay $0x4  }
0x1cc: {  	v23 =	vadd.f32 v0, v50;
	v0 =	vld [tilespmem:$0x1FD80];
	_ =	sdelay $0x4  }
0x1cd: {  	vm10 =	veq.s32 v0, $0x0;
	v0 =	vld [tilespmem:$0x1FD90];
	_ =	sdelay $0x4  }
0x1ce: {  	v14 =	vsel vm11, $0x0, v19;
	vm11 =	veq.s32 v0, $0x0;
	v0 =	vld [tilespmem:$0x1FDA0];
	_ =	sdelay $0x4  }
0x1cf: {  	vm12 =	veq.s32 v0, $0x0;
	v0 =	vld [tilespmem:$0x1FDB0];
	_ =	sdelay $0x4  }
0x1d0: {  	vm13 =	veq.s32 v0, $0x0;
	v0 =	vld [tilespmem:$0x1FDC0];
	_ =	sdelay $0x4  }
0x1d1: {  	v58 =	vsel vm14, $0x0, v19;
	vm14 =	veq.s32 v0, $0x0;
	v0 =	vld [tilespmem:$0x1FDD0];
	_ =	sdelay $0x4  }
0x1d2: {  	v59 =	vsel vm15, $0x0, v19;
	vm15 =	veq.s32 v0, $0x0;
	v0 =	vld [tilespmem:$0x1FDE0];
	_ =	sdelay $0x2  }
0x1d3: {  	v26 =	vadd.f32 v52, v26;
	_ =	sdelay $0x1  }
0x1d4: {  	v61 =	vadd.f32 v1, v26;
	v1 =	vadd.f32 v0, v43;
	v0 =	vld [tilespmem:$0x1FDF0];
	_ =	sdelay $0x2  }
0x1d5: {  	v27 =	vadd.f32 v53, v27;
	_ =	sdelay $0x1  }
0x1d6: {  	v62 =	vadd.f32 v2, v27;
	v2 =	vadd.f32 v0, v44;
	v0 =	vld [tilespmem:$0x1FE00];
	_ =	sdelay $0x4  }
0x1d7: {  	v3 =	vadd.f32 v0, v45;
	v0 =	vld [tilespmem:$0x1FE10];
	_ =	sdelay $0x4  }
0x1d8: {  	v55 =	vadd.f32 v0, v55;
	v0 =	vld [tilespmem:$0x1FE20];
	_ =	sdelay $0x4  }
0x1d9: {  	v4 =	vadd.f32 v0, v56;
	v0 =	vld [tilespmem:$0x1FE30];
	_ =	sdelay $0x4  }
0x1da: {  	v63 =	vadd.f32 v5, v32;
	v5 =	vadd.f32 v0, v48;
	v0 =	vld [tilespmem:$0x1FE40];
	_ =	sdelay $0x4  }
0x1db: {  	v57 =	vadd.f32 v0, v57;
	v0 =	vld [tilespmem:$0x1FE50];
	_ =	sdelay $0x4  }
0x1dc: {  	v60 =	vsel vm4, $0x0, v19;
	vm4 =	veq.s32 v0, $0x0;
	v0 =	vld [tilespmem:$0x1FE60];
	_ =	sdelay $0x4  }
0x1dd: {  	v53 =	vadd.f32 v59, v61;
	v61 =	vsel vm5, $0x0, v19;
	vm5 =	veq.s32 v0, $0x0;
	v0 =	vld [tilespmem:$0x1FE70];
	_ =	sdelay $0x4  }
0x1de: {  	v52 =	vadd.f32 v58, v24;
	v58 =	vadd.f32 v0, v23;
	v0 =	vld [tilespmem:$0x1FE80];
	_ =	sdelay $0x4  }
0x1df: {  	v54 =	vadd.f32 v60, v62;
	v62 =	vsel vm6, $0x0, v19;
	vm6 =	veq.s32 v0, $0x0;
	v0 =	vld [tilespmem:$0x1FE90];
	_ =	sdelay $0x2  }
0x1e0: {  	v33 =	vld [tilespmem:s22+$0x550]  }
0x1e1: {  	v34 =	vld [tilespmem:s22+$0x560]  }
0x1e2: {  	v40 =	vadd.f32 v61, v63;
	v63 =	vsel vm7, $0x0, v19;
	vm7 =	veq.s32 v0, $0x0;
	v0 =	vld [tilespmem:$0x1FEA0]  }
0x1e3: {  	v30 =	vld [tilespmem:s22+$0x6990]  }
0x1e4: {  	v29 =	vld [tilespmem:s22+$0x69A0]  }
0x1e5: {  	v35 =	vld [tilespmem:s22+$0x69B0]  }
0x1e6: {  	v36 =	vld [tilespmem:s22+$0x69C0]  }
0x1e7: {  	v49 =	vsel vm8, $0x0, v19;
	vm8 =	veq.s32 v0, $0x0;
	v0 =	vld [tilespmem:$0x1FEB0]  }
0x1e8: {  	v38 =	vld [tilespmem:s22+$0x69E0]  }
0x1e9: {  	v39 =	vld [tilespmem:s22+$0x69F0]  }
0x1ea: {  	v25 =	vld [tilespmem:s22+$0x500]  }
0x1eb: {  	v26 =	vld [tilespmem:s22+$0x510]  }
0x1ec: {  	v50 =	vsel vm9, $0x0, v19;
	vm9 =	veq.s32 v0, $0x0;
	v0 =	vld [tilespmem:$0x1FEC0]  }
0x1ed: {  	v27 =	vld [tilespmem:s22+$0x520]  }
0x1ee: {  	v32 =	vld [tilespmem:s22+$0x540]  }
0x1ef: {  	v12 =	vld [tilespmem:s22+$0x6950]  }
0x1f0: {  	v42 =	vadd.f32 v14, v28;
	v28 =	vld [tilespmem:s22+$0x530]  }
0x1f1: {  	v59 =	vadd.f32 v49, v51;
	v51 =	vsel vm10, $0x0, v19;
	vm10 =	veq.s32 v0, $0x0;
	v0 =	vld [tilespmem:$0x1FED0]  }
0x1f2: {  	v14 =	vld [tilespmem:s22+$0x650]  }
0x1f3: {  	v13 =	vld [tilespmem:s22+$0x6AA0]  }
0x1f4: {  	v16 =	vld [tilespmem:s22+$0x630];
	v42 =	vadd.f32 v63, v42;
	v61 =	vsel vm11, $0x0, v19  }
0x1f5: {  	v20 =	vld [tilespmem:s22+$0x620];
	v53 =	vadd.f32 v61, v53;
	v63 =	vsel vm13, $0x0, v19;
	v22 =	vsel vm15, $0x0, v19  }
0x1f6: {  	v24 =	vld [tilespmem:s22+$0x570];
	v61 =	vadd.f32 v63, v40;
	v63 =	vadd.f32 v22, v42;
	vm11 =	veq.s32 v0, $0x0  }
0x1f7: {  	v46 =	vld [tilespmem:s22+$0x5C0];
	v0 =	vsel vm11, $0x0, v19  }
0x1f8: {  	v63 =	vadd.f32 v0, v63;
	v0 =	vld [tilespmem:$0x1FEE0]  }
0x1f9: {  	v47 =	vld [tilespmem:s22+$0x5B0]  }
0x1fa: {  	v49 =	vld [tilespmem:s22+$0x580]  }
0x1fb: {  	v60 =	vadd.f32 v50, v37;
	v37 =	vld [tilespmem:s22+$0x69D0]  }
0x1fc: {  	v50 =	vld [tilespmem:s22+$0x590]  }
0x1fd: {  	v41 =	vadd.f32 v62, v41;
	v1 =	vadd.f32 v0, v1;
	v0 =	vld [tilespmem:$0x1FEF0]  }
0x1fe: {  	v52 =	vadd.f32 v51, v52;
	v51 =	vld [tilespmem:s22+$0x5A0];
	v62 =	vsel vm12, $0x0, v19;
	vm12 =	veq.s32 v31, $0x0  }
0x1ff: {  	vm13 =	veq.s32 v10, $0x0;
	v10 =	vsel vm12, $0x0, v19;
	vm12 =	veq.s32 v32, $0x0;
	v32 =	vld [tilespmem:s22+$0x6A0]  }
0x200: {  	v40 =	vld [tilespmem:s22+$0x6A00]  }
0x201: {  	v31 =	vsel vm13, $0x0, v19;
	vm13 =	veq.s32 v33, $0x0;
	v33 =	vld [tilespmem:s22+$0x6B0]  }
0x202: {  	v21 =	vsel vm14, $0x0, v19;
	v2 =	vadd.f32 v0, v2;
	v0 =	vld [tilespmem:$0x1FF00]  }
0x203: {  	v54 =	vadd.f32 v62, v54;
	v62 =	vadd.f32 v21, v41;
	v41 =	vld [tilespmem:s22+$0x6A10]  }
0x204: {  	v42 =	vld [tilespmem:s22+$0x5E0]  }
0x205: {  	v43 =	vld [tilespmem:s22+$0x5F0]  }
0x206: {  	v44 =	vld [tilespmem:s22+$0x6A20]  }
0x207: {  	v8 =	vadd.f32 v8, v3;
	v3 =	vadd.f32 v0, v55;
	v0 =	vld [tilespmem:$0x1FF10]  }
0x208: {  	v45 =	vld [tilespmem:s22+$0x5D0];
	v48 =	vsel vm5, $0x0, v19  }
0x209: {  	v57 =	vadd.f32 v11, v57;
	v11 =	vld [tilespmem:s22+$0x6AD0];
	v60 =	vadd.f32 v48, v60  }
0x20a: {  	v48 =	vld [tilespmem:s22+$0x6A30]  }
0x20b: {  	v60 =	vadd.f32 v31, v60;
	v31 =	vld [tilespmem:s22+$0x660]  }
0x20c: {  	v4 =	vadd.f32 v0, v4;
	v0 =	vld [tilespmem:$0x1FF20]  }
0x20d: {  	v58 =	vadd.f32 v15, v58;
	v15 =	vld [tilespmem:s22+$0x640];
	v56 =	vsel vm6, $0x0, v19  }
0x20e: {  	v6 =	vadd.f32 v56, v52;
	v52 =	vld [tilespmem:s22+$0x6A40];
	v21 =	vsel vm7, $0x0, v19  }
0x20f: {  	v56 =	vld [tilespmem:s22+$0x600];
	v7 =	vadd.f32 v21, v53;
	v22 =	vsel vm8, $0x0, v19  }
0x210: {  	v53 =	vadd.f32 v22, v54;
	v54 =	vsel vm9, $0x0, v19;
	vm9 =	veq.s32 v26, $0x0;
	v26 =	vld [tilespmem:$0x1FFC0]  }
0x211: {  	vm14 =	veq.s32 v0, $0x0;
	v0 =	vld [tilespmem:$0x1FF30]  }
0x212: {  	v21 =	vld [tilespmem:s22+$0x6A80]  }
0x213: {  	v23 =	vsel vm4, $0x0, v19;
	vm4 =	veq.s32 v17, $0x0;
	v22 =	vld [tilespmem:s22+$0x6A50]  }
0x214: {  	v59 =	vadd.f32 v23, v59;
	v61 =	vadd.f32 v54, v61;
	v54 =	vld [tilespmem:s22+$0x6A60];
	v23 =	vsel vm10, $0x0, v19  }
0x215: {  	v26 =	vadd.f32 v26, v58;
	v58 =	vsel vm9, $0x0, v19;
	vm10 =	veq.s32 v27, $0x0;
	v27 =	vld [tilespmem:s22+$0x680]  }
0x216: {  	vm9 =	veq.s32 v45, $0x0;
	v45 =	vld [tilespmem:s22+$0x6B60];
	vm15 =	veq.s32 v0, $0x0;
	v0 =	vsel vm4, $0x0, v19  }
0x217: {  	v59 =	vadd.f32 v10, v59;
	v10 =	vadd.f32 v0, v53;
	v0 =	vld [tilespmem:$0x1FF40]  }
0x218: {  	v62 =	vadd.f32 v23, v62;
	v23 =	vld [tilespmem:s22+$0x6A70]  }
0x219: {  	vm11 =	veq.s32 v28, $0x0;
	v28 =	vld [tilespmem:s22+$0x690]  }
0x21a: {  	v58 =	vadd.f32 v58, v60;
	v60 =	vsel vm11, $0x0, v19;
	vm11 =	veq.s32 v43, $0x0;
	v43 =	vld [tilespmem:s22+$0x700]  }
0x21b: {  	v5 =	vadd.f32 v9, v5;
	v55 =	vld [tilespmem:s22+$0x610];
	v17 =	vsel vm14, $0x0, v19  }
0x21c: {  	vm14 =	veq.s32 v34, $0x0;
	v34 =	vld [tilespmem:s22+$0x6C0];
	v9 =	vsel vm15, $0x0, v19;
	vm5 =	veq.s32 v0, $0x0  }
0x21d: {  	v9 =	vadd.f32 v9, v7;
	v0 =	vld [tilespmem:$0x1FF50];
	v7 =	vsel vm5, $0x0, v19  }
0x21e: {  	v61 =	vadd.f32 v7, v61;
	v7 =	vld [tilespmem:$0x1FF60]  }
0x21f: {  	v6 =	vadd.f32 v17, v6;
	v17 =	vld [tilespmem:s22+$0x670]  }
0x220: {  	vm7 =	veq.s32 v18, $0x0;
	vm4 =	veq.s32 v49, $0x0;
	v53 =	vld [tilespmem:s22+$0x6A90]  }
0x221: {  	vm15 =	veq.s32 v24, $0x0;
	v24 =	vld [tilespmem:s22+$0x6D0];
	v49 =	vsel vm4, $0x0, v19;
	vm4 =	veq.s32 v15, $0x0  }
0x222: {  	v15 =	vld [tilespmem:s22+$0x6B90];
	v9 =	vadd.f32 v60, v9;
	vm6 =	veq.s32 v0, $0x0;
	v0 =	vsel vm7, $0x0, v19  }
0x223: {  	v60 =	vsel vm13, $0x0, v19;
	v0 =	vadd.f32 v0, v63;
	v63 =	vadd.f32 v7, v1;
	v1 =	vld [tilespmem:$0x1FF70]  }
0x224: {  	v60 =	vadd.f32 v60, v61;
	v61 =	vsel vm15, $0x0, v19;
	vm15 =	veq.s32 v16, $0x0;
	v16 =	vld [tilespmem:s22+$0x6B80]  }
0x225: {  	vm7 =	veq.s32 v47, $0x0;
	v47 =	vld [tilespmem:s22+$0x6B40]  }
0x226: {  	v18 =	vsel vm6, $0x0, v19;
	vm6 =	veq.s32 v51, $0x0;
	v51 =	vld [tilespmem:s22+$0x710]  }
0x227: {  	v0 =	vadd.f32 v61, v0;
	v61 =	vld [tilespmem:$0x1FFD0]  }
0x228: {  	v1 =	vadd.f32 v1, v2;
	v2 =	vld [tilespmem:$0x1FF80]  }
0x229: {  	v62 =	vadd.f32 v18, v62;
	v18 =	vld [tilespmem:s22+$0x6AB0]  }
0x22a: {  	v7 =	vld [tilespmem:s22+$0x6AC0]  }
0x22b: {  	v26 =	vadd.f32 v39, v26;
	v39 =	vsel vm6, $0x0, v19;
	vm6 =	veq.s32 v31, $0x0;
	v31 =	vld [tilespmem:s22+$0x6BB0]  }
0x22c: {  	v61 =	vadd.f32 v61, v63;
	v63 =	vld [tilespmem:s22+$0x6F0]  }
0x22d: {  	v1 =	vadd.f32 v30, v1;
	v8 =	vadd.f32 v2, v8;
	v2 =	vld [tilespmem:$0x1FF90]  }
0x22e: {  	v30 =	vld [tilespmem:s22+$0x6B10];
	v40 =	vadd.f32 v40, v61  }
0x22f: {  	v1 =	vadd.f32 v41, v1;
	v41 =	vld [tilespmem:s22+$0x730]  }
0x230: {  	v21 =	vadd.f32 v21, v40;
	v40 =	vld [tilespmem:s22+$0x6BE0]  }
0x231: {  	v1 =	vadd.f32 v53, v1;
	v8 =	vadd.f32 v29, v8;
	v29 =	vld [tilespmem:s22+$0x6B00]  }
0x232: {  	v3 =	vadd.f32 v2, v3;
	v2 =	vld [tilespmem:$0x1FFA0]  }
0x233: {  	v1 =	vadd.f32 v30, v1;
	v30 =	vld [tilespmem:s22+$0x6C30];
	v8 =	vadd.f32 v44, v8  }
0x234: {  	v44 =	vld [tilespmem:s22+$0x740];
	v3 =	vadd.f32 v35, v3  }
0x235: {  	v23 =	vadd.f32 v23, v26;
	v8 =	vadd.f32 v13, v8;
	v13 =	vld [tilespmem:s22+$0x6BF0]  }
0x236: {  	v21 =	vadd.f32 v29, v21;
	v29 =	vld [tilespmem:s22+$0x6C20];
	v3 =	vadd.f32 v48, v3  }
0x237: {  	vm8 =	veq.s32 v25, $0x0;
	v4 =	vadd.f32 v2, v4;
	v2 =	vadd.f32 v12, v5;
	v12 =	vld [tilespmem:$0x1FFB0]  }
0x238: {  	vm13 =	veq.s32 v55, $0x0;
	v1 =	vadd.f32 v15, v1;
	v16 =	vadd.f32 v16, v21;
	v5 =	vld [tilespmem:s22+$0x6AE0]  }
0x239: {  	vm5 =	veq.s32 v50, $0x0;
	v3 =	vadd.f32 v18, v3;
	v18 =	vld [tilespmem:s22+$0x790];
	v4 =	vadd.f32 v36, v4  }
0x23a: {  	v2 =	vadd.f32 v37, v2;
	v36 =	vld [tilespmem:s22+$0x6B20];
	v37 =	vsel vm5, $0x0, v19;
	vm5 =	veq.s32 v14, $0x0  }
0x23b: {  	v14 =	vld [tilespmem:s22+$0x6BA0];
	v37 =	vadd.f32 v37, v58;
	v61 =	vsel vm5, $0x0, v19;
	vm5 =	veq.s32 v51, $0x0  }
0x23c: {  	v51 =	vld [tilespmem:s22+$0x6CD0];
	v4 =	vadd.f32 v52, v4;
	v25 =	vadd.f32 v12, v57;
	v57 =	vsel vm8, $0x0, v19  }
0x23d: {  	v2 =	vadd.f32 v22, v2;
	v22 =	vld [tilespmem:s22+$0x750];
	vm8 =	veq.s32 v46, $0x0;
	v57 =	vadd.f32 v57, v59  }
0x23e: {  	v52 =	vld [tilespmem:s22+$0x760];
	v59 =	vsel vm10, $0x0, v19;
	v50 =	vsel vm8, $0x0, v19;
	vm10 =	veq.s32 v42, $0x0  }
0x23f: {  	v12 =	vld [tilespmem:s22+$0x6AF0];
	v4 =	vadd.f32 v7, v4;
	vm8 =	veq.s32 v27, $0x0;
	v2 =	vadd.f32 v11, v2  }
0x240: {  	v46 =	vld [tilespmem:s22+$0x6B50];
	v6 =	vadd.f32 v59, v6;
	v59 =	vsel vm12, $0x0, v19;
	v25 =	vadd.f32 v38, v25  }
0x241: {  	v42 =	vld [tilespmem:s22+$0x6B70];
	v58 =	vsel vm10, $0x0, v19;
	vm12 =	veq.s32 v56, $0x0;
	v11 =	vsel vm8, $0x0, v19  }
0x242: {  	v7 =	vld [tilespmem:s22+$0x780];
	vm10 =	veq.s32 v32, $0x0;
	v8 =	vadd.f32 v36, v8;
	vm8 =	veq.s32 v44, $0x0  }
0x243: {  	v27 =	vld [tilespmem:s22+$0x7A0];
	v10 =	vadd.f32 v59, v10;
	v59 =	vsel vm14, $0x0, v19;
	v35 =	vadd.f32 v49, v57  }
0x244: {  	v38 =	vld [tilespmem:s22+$0x6B30];
	v49 =	vsel vm7, $0x0, v19;
	v57 =	vsel vm9, $0x0, v19;
	v56 =	vsel vm12, $0x0, v19  }
0x245: {  	v36 =	vld [tilespmem:s22+$0x6C40];
	vm14 =	veq.s32 v20, $0x0;
	vm7 =	veq.s32 v17, $0x0;
	v4 =	vadd.f32 v47, v4  }
0x246: {  	v44 =	vld [tilespmem:s22+$0x6D60];
	vm9 =	veq.s32 v28, $0x0;
	v59 =	vadd.f32 v59, v62;
	v6 =	vadd.f32 v39, v6  }
0x247: {  	v20 =	vld [tilespmem:s22+$0x770];
	vm12 =	veq.s32 v34, $0x0;
	v9 =	vadd.f32 v49, v9;
	v39 =	vadd.f32 v57, v60  }
0x248: {  	v17 =	vld [tilespmem:s22+$0x6BC0];
	v60 =	vsel vm11, $0x0, v19;
	v25 =	vadd.f32 v54, v25;
	v57 =	vsel vm13, $0x0, v19  }
0x249: {  	v28 =	vld [tilespmem:s22+$0x7B0];
	v54 =	vsel vm6, $0x0, v19;
	vm11 =	veq.s32 v33, $0x0;
	v8 =	vadd.f32 v14, v8  }
0x24a: {  	v34 =	vld [tilespmem:s22+$0x7E0];
	vm13 =	veq.s32 v24, $0x0;
	v10 =	vadd.f32 v50, v10;
	v0 =	vadd.f32 v60, v0  }
0x24b: {  	v47 =	vld [tilespmem:s22+$0x840];
	v35 =	vadd.f32 v56, v35;
	v26 =	vadd.f32 v57, v37;
	v60 =	vsel vm4, $0x0, v19  }
0x24c: {  	v62 =	vld [tilespmem:s22+$0x6E0];
	v56 =	vsel vm7, $0x0, v19;
	v57 =	vsel vm9, $0x0, v19;
	v12 =	vadd.f32 v12, v23  }
0x24d: {  	v33 =	vld [tilespmem:s22+$0x7C0];
	v2 =	vadd.f32 v46, v2;
	vm4 =	veq.s32 v43, $0x0;
	vm7 =	veq.s32 v41, $0x0  }
0x24e: {  	v24 =	vld [tilespmem:s22+$0x7D0];
	vm9 =	veq.s32 v22, $0x0;
	v49 =	vadd.f32 v58, v59;
	v58 =	vsel vm14, $0x0, v19  }
0x24f: {  	v14 =	vld [tilespmem:s22+$0x860];
	v59 =	vsel vm15, $0x0, v19;
	v37 =	vadd.f32 v61, v39;
	v5 =	vadd.f32 v5, v25  }
0x250: {  	v50 =	vld [tilespmem:s22+$0x720];
	v61 =	vsel vm13, $0x0, v19;
	vm15 =	veq.s32 v63, $0x0;
	v8 =	vadd.f32 v29, v8  }
0x251: {  	v43 =	vld [tilespmem:s22+$0x6C60];
	vm13 =	veq.s32 v18, $0x0;
	v6 =	vadd.f32 v58, v6;
	v9 =	vadd.f32 v59, v9  }
0x252: {  	v41 =	vld [tilespmem:s22+$0x6C70];
	v10 =	vadd.f32 v60, v10;
	v0 =	vadd.f32 v56, v0;
	v58 =	vsel vm10, $0x0, v19  }
0x253: {  	v39 =	vld [tilespmem:s22+$0x6C50];
	v11 =	vadd.f32 v11, v35;
	v59 =	vsel vm11, $0x0, v19;
	v25 =	vadd.f32 v57, v26  }
0x254: {  	v29 =	vld [tilespmem:s22+$0x8A0];
	v60 =	vsel vm12, $0x0, v19;
	v53 =	vsel vm15, $0x0, v19;
	v3 =	vadd.f32 v38, v3  }
0x255: {  	v35 =	vld [tilespmem:s22+$0x7F0];
	v12 =	vadd.f32 v42, v12;
	v57 =	vsel vm7, $0x0, v19;
	vm10 =	veq.s32 v52, $0x0  }
0x256: {  	v26 =	vld [tilespmem:s22+$0x6C10];
	vm12 =	veq.s32 v7, $0x0;
	v18 =	vsel vm13, $0x0, v19;
	v55 =	vadd.f32 v54, v49  }
0x257: {  	v7 =	vld [tilespmem:s22+$0x870];
	v23 =	vadd.f32 v61, v37;
	v5 =	vadd.f32 v45, v5;
	v54 =	vsel vm4, $0x0, v19  }
0x258: {  	v52 =	vld [tilespmem:s22+$0x6CE0];
	v61 =	vsel vm9, $0x0, v19;
	v63 =	vsel vm10, $0x0, v19;
	vm11 =	veq.s32 v20, $0x0  }
0x259: {  	v49 =	vld [tilespmem:s22+$0x6BD0];
	v4 =	vadd.f32 v17, v4;
	v15 =	vsel vm12, $0x0, v19;
	vm15 =	veq.s32 v28, $0x0  }
0x25a: {  	v37 =	vld [tilespmem:s22+$0x6C00];
	vm12 =	veq.s32 v47, $0x0;
	v6 =	vadd.f32 v58, v6;
	v9 =	vadd.f32 v59, v9  }
0x25b: {  	v20 =	vld [tilespmem:s22+$0x830];
	vm14 =	veq.s32 v62, $0x0;
	v10 =	vadd.f32 v60, v10;
	v0 =	vadd.f32 v53, v0  }
0x25c: {  	v17 =	vld [tilespmem:s22+$0x6C80];
	v11 =	vadd.f32 v54, v11;
	v59 =	vsel vm8, $0x0, v19;
	v46 =	vsel vm11, $0x0, v19  }
0x25d: {  	v28 =	vld [tilespmem:s22+$0x6CA0];
	v3 =	vadd.f32 v31, v3;
	v12 =	vadd.f32 v13, v12;
	vm4 =	veq.s32 v33, $0x0  }
0x25e: {  	v58 =	vld [tilespmem:s22+$0x800];
	v38 =	vsel vm12, $0x0, v19;
	v48 =	vsel vm14, $0x0, v19;
	vm6 =	veq.s32 v50, $0x0  }
0x25f: {  	v60 =	vld [tilespmem:s22+$0x810];
	v23 =	vadd.f32 v61, v23;
	v5 =	vadd.f32 v40, v5;
	vm14 =	veq.s32 v27, $0x0  }
0x260: {  	v62 =	vld [tilespmem:s22+$0x820];
	v4 =	vadd.f32 v36, v4;
	v32 =	vadd.f32 v48, v55;
	v55 =	vsel vm5, $0x0, v19  }
0x261: {  	v31 =	vld [tilespmem:s22+$0x6CB0];
	v56 =	vsel vm6, $0x0, v19;
	v9 =	vadd.f32 v57, v9;
	v10 =	vadd.f32 v59, v10  }
0x262: {  	v54 =	vld [tilespmem:s22+$0x6CF0];
	v0 =	vadd.f32 v46, v0;
	v13 =	vsel vm14, $0x0, v19;
	v11 =	vadd.f32 v15, v11  }
0x263: {  	v27 =	vld [tilespmem:s22+$0x6C90];
	v15 =	vsel vm15, $0x0, v19;
	vm5 =	veq.s32 v24, $0x0;
	vm6 =	veq.s32 v34, $0x0  }
0x264: {  	v50 =	vld [tilespmem:s22+$0x6CC0];
	v3 =	vadd.f32 v30, v3;
	v12 =	vadd.f32 v41, v12;
	vm14 =	veq.s32 v14, $0x0  }
0x265: {  	v48 =	vld [tilespmem:s22+$0x850];
	v25 =	vadd.f32 v55, v25;
	v6 =	vadd.f32 v56, v6;
	vm7 =	veq.s32 v35, $0x0  }
0x266: {  	v30 =	vld [tilespmem:s22+$0x8B0];
	v1 =	vadd.f32 v26, v1;
	v5 =	vadd.f32 v43, v5;
	v41 =	vsel vm14, $0x0, v19  }
0x267: {  	v14 =	vld [tilespmem:s22+$0x6D10];
	vm15 =	veq.s32 v7, $0x0;
	v32 =	vadd.f32 v63, v32;
	v2 =	vadd.f32 v49, v2  }
0x268: {  	v46 =	vld [tilespmem:s22+$0x6D70];
	v49 =	vsel vm4, $0x0, v19;
	v9 =	vadd.f32 v15, v9;
	v15 =	vsel vm6, $0x0, v19  }
0x269: {  	v55 =	vld [tilespmem:s22+$0x880];
	v53 =	vsel vm7, $0x0, v19;
	v16 =	vadd.f32 v37, v16;
	vm11 =	veq.s32 v20, $0x0  }
0x26a: {  	v56 =	vld [tilespmem:s22+$0x890];
	v42 =	vsel vm15, $0x0, v19;
	v8 =	vadd.f32 v28, v8;
	vm6 =	veq.s32 v29, $0x0  }
0x26b: {  	v7 =	vld [tilespmem:s22+$0x6D20];
	v18 =	vadd.f32 v18, v25;
	v6 =	vadd.f32 v13, v6;
	v13 =	vsel vm5, $0x0, v19  }
0x26c: {  	v43 =	vld [tilespmem:s22+$0x6D30];
	v10 =	vadd.f32 v49, v10;
	v0 =	vadd.f32 v53, v0;
	vm8 =	veq.s32 v58, $0x0  }
0x26d: {  	v20 =	vld [tilespmem:s22+$0x8E0];
	vm9 =	veq.s32 v60, $0x0;
	vm10 =	veq.s32 v62, $0x0;
	v3 =	vadd.f32 v31, v3  }
0x26e: {  	v63 =	vld [tilespmem:s22+$0x8F0];
	v62 =	vsel vm11, $0x0, v19;
	v5 =	vadd.f32 v52, v5;
	v12 =	vadd.f32 v54, v12  }
0x26f: {  	v29 =	vld [tilespmem:s22+$0x900];
	v47 =	vsel vm6, $0x0, v19;
	v13 =	vadd.f32 v13, v23;
	v15 =	vadd.f32 v15, v32  }
0x270: {  	v58 =	vld [tilespmem:s22+$0x8C0];
	v2 =	vadd.f32 v39, v2;
	v57 =	vsel vm8, $0x0, v19;
	v9 =	vadd.f32 v62, v9  }
0x271: {  	v60 =	vld [tilespmem:s22+$0x8D0];
	v59 =	vsel vm9, $0x0, v19;
	v16 =	vadd.f32 v17, v16;
	v1 =	vadd.f32 v27, v1  }
0x272: {  	v49 =	vld [tilespmem:s22+$0x920];
	v61 =	vsel vm10, $0x0, v19;
	v4 =	vadd.f32 v50, v4;
	v11 =	vadd.f32 v57, v11  }
0x273: {  	v31 =	vld [tilespmem:s22+$0x930];
	v18 =	vadd.f32 v59, v18;
	v6 =	vadd.f32 v61, v6;
	vm13 =	veq.s32 v48, $0x0  }
0x274: {  	v52 =	vld [tilespmem:s22+$0x950];
	v10 =	vadd.f32 v38, v10;
	v0 =	vadd.f32 v42, v0;
	vm7 =	veq.s32 v30, $0x0  }
0x275: {  	v54 =	vld [tilespmem:s22+$0x970];
	v5 =	vadd.f32 v44, v5;
	v12 =	vadd.f32 v46, v12;
	v40 =	vsel vm13, $0x0, v19  }
0x276: {  	v39 =	vld [tilespmem:s22+$0x6D00];
	v15 =	vadd.f32 v41, v15;
	vm4 =	veq.s32 v55, $0x0;
	v2 =	vadd.f32 v51, v2  }
0x277: {  	v17 =	vld [tilespmem:s22+$0x6D40];
	vm5 =	veq.s32 v56, $0x0;
	v1 =	vadd.f32 v14, v1;
	v7 =	vadd.f32 v7, v8  }
0x278: {  	v27 =	vld [tilespmem:s22+$0x6D50];
	v48 =	vsel vm7, $0x0, v19;
	v3 =	vadd.f32 v43, v3;
	v13 =	vadd.f32 v40, v13  }
0x279: {  	v30 =	vld [tilespmem:s22+$0x910];
	v45 =	vsel vm4, $0x0, v19;
	v28 =	vsel vm5, $0x0, v19;
	v6 =	vadd.f32 v47, v6  }
0x27a: {  	v59 =	vld [tilespmem:s22+$0x6DD0];
	vm10 =	veq.s32 v20, $0x0;
	v9 =	vadd.f32 v48, v9;
	vm11 =	veq.s32 v63, $0x0  }
0x27b: {  	v61 =	vld [tilespmem:s22+$0x990];
	vm12 =	veq.s32 v29, $0x0;
	v11 =	vadd.f32 v45, v11;
	vm8 =	veq.s32 v58, $0x0  }
0x27c: {  	v14 =	vld [tilespmem:s22+$0x6D80];
	v18 =	vadd.f32 v28, v18;
	vm9 =	veq.s32 v60, $0x0;
	v51 =	vsel vm10, $0x0, v19  }
0x27d: {  	v8 =	vld [tilespmem:s22+$0x6D90];
	v53 =	vsel vm11, $0x0, v19;
	v55 =	vsel vm12, $0x0, v19;
	vm14 =	veq.s32 v49, $0x0  }
0x27e: {  	v56 =	vld [tilespmem:s22+$0x6DB0];
	vm15 =	veq.s32 v31, $0x0;
	vm5 =	veq.s32 v52, $0x0;
	vm7 =	veq.s32 v54, $0x0  }
0x27f: {  	v20 =	vld [tilespmem:s22+$0x940];
	v28 =	vsel vm8, $0x0, v19;
	v15 =	vadd.f32 v51, v15;
	v0 =	vadd.f32 v53, v0  }
0x280: {  	v58 =	vld [tilespmem:s22+$0x6DC0];
	v50 =	vsel vm9, $0x0, v19;
	v16 =	vadd.f32 v39, v16;
	v4 =	vadd.f32 v17, v4  }
0x281: {  	v2 =	vadd.f32 v27, v2;
	v17 =	vld [tilespmem:s22+$0x6DA0];
	v60 =	vsel vm15, $0x0, v19;
	v10 =	vadd.f32 v28, v10  }
0x282: {  	v13 =	vadd.f32 v50, v13;
	v28 =	vld [tilespmem:s22+$0x960];
	vm13 =	veq.s32 v30, $0x0;
	v21 =	vadd.f32 v55, v11  }
0x283: {  	v11 =	vsel vm14, $0x0, v19;
	v25 =	vadd.f32 v60, v9;
	v30 =	vadd.f32 v8, v1;
	v1 =	vld [tilespmem:s22+$0x9C0]  }
0x284: {  	v9 =	vsel vm5, $0x0, v19;
	v57 =	vsel vm13, $0x0, v19;
	v35 =	vadd.f32 v14, v16;
	v14 =	vld [tilespmem:s22+$0x9E0]  }
0x285: {  	v27 =	vadd.f32 v11, v6;
	v8 =	vadd.f32 v59, v2;
	v16 =	vld [tilespmem:s22+$0x9F0];
	vm4 =	veq.s32 v20, $0x0  }
0x286: {  	v18 =	vadd.f32 v57, v18;
	v20 =	vld [tilespmem:s22+$0x6DE0];
	v13 =	vadd.f32 v9, v13;
	v6 =	vsel vm4, $0x0, v19  }
0x287: {  	v29 =	vld [tilespmem:s22+$0x6DF0];
	vm9 =	veq.s32 v61, $0x0;
	v9 =	vadd.f32 v58, v4;
	v10 =	vadd.f32 v6, v10  }
0x288: {  	v11 =	vadd.f32 v17, v7;
	v7 =	vadd.f32 v56, v3;
	v3 =	vld [tilespmem:s22+$0x9D0];
	vm6 =	veq.s32 v28, $0x0  }
0x289: {  	v28 =	vld [tilespmem:s22+$0x980];
	v6 =	vsel vm6, $0x0, v19;
	vm12 =	veq.s32 v1, $0x0;
	vm14 =	veq.s32 v14, $0x0  }
0x28a: {  	vm15 =	veq.s32 v16, $0x0;
	v62 =	vadd.f32 v6, v15;
	v6 =	vsel vm7, $0x0, v19;
	v15 =	vld [tilespmem:s22+$0x9A0]  }
0x28b: {  	v4 =	vadd.f32 v20, v5;
	v5 =	vsel vm9, $0x0, v19;
	v63 =	vadd.f32 v6, v0;
	v0 =	vld [tilespmem:s22+$0x9B0]  }
0x28c: {  	s21 =	sadd.s32 $0x2800, s21;
	v1 =	vsel vm12, $0x0, v19;
	v6 =	vadd.f32 v29, v12;
	v29 =	vadd.f32 v5, v18  }
0x28d: {  	p1 =	sne.s32 s21, $0x19000;
	v17 =	vadd.f32 v1, v10;
	vm13 =	veq.s32 v3, $0x0;
	v3 =	vsel vm14, $0x0, v19  }
.Ltmp0:
0x28e: {  	v1 =	vsel vm15, $0x0, v19;
	vm8 =	veq.s32 v28, $0x0;
	v10 =	vadd.f32 v3, v62;
	(pc) =	sbr.rel @p1 .LBB2_2-.Ltmp0, $4  }
0x28f: {  	v48 =	vadd.f32 v1, v63;
	v2 =	vsel vm8, $0x0, v19;
	vm10 =	veq.s32 v15, $0x0  }
0x290: {  	v31 =	vadd.f32 v2, v21;
	v12 =	vsel vm10, $0x0, v19;
	vm11 =	veq.s32 v0, $0x0  }
0x291: {  	v2 =	vsel vm13, $0x0, v19;
	v0 =	vsel vm11, $0x0, v19;
	v15 =	vadd.f32 v12, v27  }
0x292: {  	s23 =	sadd.s32 $0xA00, s23;
	v18 =	vadd.f32 v0, v25;
	v0 =	vadd.f32 v2, v13  }
0x293: {  	v1 =	vmax.f32 v31, $1.000000000e+00;
	v32 =	vld [tilespmem:$0x1FFF0]  }
0x294: {  	(erf) = vrcp.f32 v1;
	_ =	sdelay $0x3  }
0x295: {  	v2 =	vsub.f32 $2.000000000e+02, v31;
	v1 =	vbroadcast v32, $0x0;
	_ =	sdelay $0x1  }
0x296: {  	v2 =	vmul.f32 v2, v1  }
0x297: {  	v16 =	vld [tilespmem:$0x1FFE0]  }
0x298: {  	v2 =	vsub.f32 v35, v2  }
0x299: {  	v3 =	vpop (erf)  }
0x29a: {  	v2 =	vmul.f32 v2, v3;
	_ =	sdelay $0x1  }
0x29b: {  	v2 =	vadd.f32 v2, v16;
	_ =	sdelay $0x1  }
0x29c: {  	v2 =	vsub.f32 v2, v2;
	_ =	sdelay $0x1  }
0x29d: {  	v2 =	vmul.f32 $1.442695020e+00, v2;
	_ =	sdelay $0x1  }
0x29e: {  	(erf) = vpow2.f32 v2;
	_ =	sdelay $0x8  }
0x29f: {  	v2 =	vpop (erf)  }
0x2a0: {  	v33 =	vmax.f32 v29, $1.000000000e+00;
	(erf) = vrcp.f32 v2  }
0x2a1: {  	(erf) = vrcp.f32 v33;
	_ =	sdelay $0x3  }
0x2a2: {  	v34 =	vsub.f32 $2.000000000e+02, v29;
	_ =	sdelay $0x1  }
0x2a3: {  	v3 =	vmul.f32 v34, v1;
	_ =	sdelay $0x1  }
0x2a4: {  	v3 =	vsub.f32 v30, v3;
	v5 =	vpop (erf)  }
0x2a5: {  	v12 =	vpop (erf)  }
0x2a6: {  	v3 =	vmul.f32 v3, v12;
	_ =	sdelay $0x1  }
0x2a7: {  	v3 =	vadd.f32 v3, v16;
	_ =	sdelay $0x1  }
0x2a8: {  	v3 =	vsub.f32 v3, v3;
	_ =	sdelay $0x1  }
0x2a9: {  	v3 =	vmul.f32 $1.442695020e+00, v3;
	_ =	sdelay $0x1  }
0x2aa: {  	(erf) = vpow2.f32 v3;
	_ =	sdelay $0x8  }
0x2ab: {  	v3 =	vpop (erf)  }
0x2ac: {  	v35 =	vmax.f32 v15, $1.000000000e+00;
	(erf) = vrcp.f32 v3  }
0x2ad: {  	(erf) = vrcp.f32 v35;
	_ =	sdelay $0x3  }
0x2ae: {  	v36 =	vsub.f32 $2.000000000e+02, v15;
	_ =	sdelay $0x1  }
0x2af: {  	v12 =	vmul.f32 v36, v1;
	_ =	sdelay $0x1  }
0x2b0: {  	v11 =	vsub.f32 v11, v12;
	v13 =	vpop (erf)  }
0x2b1: {  	v37 =	vpop (erf)  }
0x2b2: {  	v11 =	vmul.f32 v11, v37;
	_ =	sdelay $0x1  }
0x2b3: {  	v11 =	vadd.f32 v11, v16;
	_ =	sdelay $0x1  }
0x2b4: {  	v11 =	vsub.f32 v11, v11;
	_ =	sdelay $0x1  }
0x2b5: {  	v11 =	vmul.f32 $1.442695020e+00, v11;
	_ =	sdelay $0x1  }
0x2b6: {  	(erf) = vpow2.f32 v11;
	_ =	sdelay $0x8  }
0x2b7: {  	v11 =	vpop (erf)  }
0x2b8: {  	v38 =	vmax.f32 v18, $1.000000000e+00;
	(erf) = vrcp.f32 v11  }
0x2b9: {  	(erf) = vrcp.f32 v38;
	_ =	sdelay $0x3  }
0x2ba: {  	v39 =	vsub.f32 $2.000000000e+02, v18;
	_ =	sdelay $0x1  }
0x2bb: {  	v12 =	vmul.f32 v39, v1;
	_ =	sdelay $0x1  }
0x2bc: {  	v7 =	vsub.f32 v7, v12;
	v14 =	vpop (erf)  }
0x2bd: {  	v40 =	vpop (erf)  }
0x2be: {  	v7 =	vmul.f32 v7, v40;
	_ =	sdelay $0x1  }
0x2bf: {  	v7 =	vadd.f32 v7, v16;
	_ =	sdelay $0x1  }
0x2c0: {  	v7 =	vsub.f32 v7, v7;
	_ =	sdelay $0x1  }
0x2c1: {  	v7 =	vmul.f32 $1.442695020e+00, v7;
	_ =	sdelay $0x1  }
0x2c2: {  	(erf) = vpow2.f32 v7;
	_ =	sdelay $0x8  }
0x2c3: {  	v7 =	vpop (erf)  }
0x2c4: {  	v41 =	vmax.f32 v17, $1.000000000e+00;
	(erf) = vrcp.f32 v7  }
0x2c5: {  	(erf) = vrcp.f32 v41;
	_ =	sdelay $0x3  }
0x2c6: {  	v42 =	vsub.f32 $2.000000000e+02, v17;
	_ =	sdelay $0x1  }
0x2c7: {  	v12 =	vmul.f32 v42, v1;
	_ =	sdelay $0x1  }
0x2c8: {  	v9 =	vsub.f32 v9, v12;
	v43 =	vpop (erf)  }
0x2c9: {  	v44 =	vpop (erf)  }
0x2ca: {  	v9 =	vmul.f32 v9, v44;
	_ =	sdelay $0x1  }
0x2cb: {  	v9 =	vadd.f32 v9, v16;
	_ =	sdelay $0x1  }
0x2cc: {  	v9 =	vsub.f32 v9, v9;
	_ =	sdelay $0x1  }
0x2cd: {  	v9 =	vmul.f32 $1.442695020e+00, v9;
	_ =	sdelay $0x1  }
0x2ce: {  	(erf) = vpow2.f32 v9;
	_ =	sdelay $0x8  }
0x2cf: {  	v9 =	vpop (erf)  }
0x2d0: {  	v45 =	vmax.f32 v0, $1.000000000e+00;
	(erf) = vrcp.f32 v9  }
0x2d1: {  	(erf) = vrcp.f32 v45;
	_ =	sdelay $0x3  }
0x2d2: {  	v46 =	vsub.f32 $2.000000000e+02, v0;
	_ =	sdelay $0x1  }
0x2d3: {  	v0 =	vmul.f32 v46, v1;
	_ =	sdelay $0x1  }
0x2d4: {  	v0 =	vsub.f32 v8, v0;
	v47 =	vpop (erf)  }
0x2d5: {  	v49 =	vpop (erf)  }
0x2d6: {  	v0 =	vmul.f32 v0, v49;
	_ =	sdelay $0x1  }
0x2d7: {  	v0 =	vadd.f32 v0, v16;
	_ =	sdelay $0x1  }
0x2d8: {  	v0 =	vsub.f32 v0, v0;
	_ =	sdelay $0x1  }
0x2d9: {  	v0 =	vmul.f32 $1.442695020e+00, v0;
	_ =	sdelay $0x1  }
0x2da: {  	(erf) = vpow2.f32 v0;
	_ =	sdelay $0x8  }
0x2db: {  	v0 =	vpop (erf)  }
0x2dc: {  	v50 =	vmax.f32 v10, $1.000000000e+00;
	(erf) = vrcp.f32 v0  }
0x2dd: {  	(erf) = vrcp.f32 v50;
	_ =	sdelay $0x3  }
0x2de: {  	v51 =	vsub.f32 $2.000000000e+02, v10;
	_ =	sdelay $0x1  }
0x2df: {  	v8 =	vmul.f32 v51, v1;
	_ =	sdelay $0x1  }
0x2e0: {  	v4 =	vsub.f32 v4, v8;
	v52 =	vpop (erf)  }
0x2e1: {  	v53 =	vpop (erf)  }
0x2e2: {  	v4 =	vmul.f32 v4, v53;
	_ =	sdelay $0x1  }
0x2e3: {  	v4 =	vadd.f32 v4, v16;
	_ =	sdelay $0x1  }
0x2e4: {  	v4 =	vsub.f32 v4, v4;
	_ =	sdelay $0x1  }
0x2e5: {  	v4 =	vmul.f32 $1.442695020e+00, v4;
	_ =	sdelay $0x1  }
0x2e6: {  	(erf) = vpow2.f32 v4;
	_ =	sdelay $0x8  }
0x2e7: {  	v4 =	vpop (erf)  }
0x2e8: {  	v54 =	vmax.f32 v48, $1.000000000e+00;
	(erf) = vrcp.f32 v4  }
0x2e9: {  	(erf) = vrcp.f32 v54;
	_ =	sdelay $0x3  }
0x2ea: {  	v55 =	vsub.f32 $2.000000000e+02, v48;
	_ =	sdelay $0x1  }
0x2eb: {  	v1 =	vmul.f32 v55, v1;
	_ =	sdelay $0x1  }
0x2ec: {  	v1 =	vsub.f32 v6, v1;
	v56 =	vpop (erf)  }
0x2ed: {  	v57 =	vpop (erf)  }
0x2ee: {  	v1 =	vmul.f32 v1, v57;
	_ =	sdelay $0x1  }
0x2ef: {  	v1 =	vadd.f32 v1, v16;
	_ =	sdelay $0x1  }
0x2f0: {  	v1 =	vsub.f32 v1, v1;
	_ =	sdelay $0x1  }
0x2f1: {  	v1 =	vmul.f32 $1.442695020e+00, v1;
	_ =	sdelay $0x1  }
0x2f2: {  	(erf) = vpow2.f32 v1;
	_ =	sdelay $0x8  }
0x2f3: {  	v1 =	vpop (erf)  }
0x2f4: {  	(erf) = vrcp.f32 v1;
	_ =	sdelay $0x2  }
0x2f5: {  	v2 =	vmul.f32 v5, v2  }
0x2f6: {  	v3 =	vmul.f32 v13, v3  }
0x2f7: {  	[tilespmem:$0xC800] =	vst v2;
	v58 =	vmul.f32 v14, v11  }
0x2f8: {  	[tilespmem:$0xC810] =	vst v3;
	v59 =	vmul.f32 v43, v7  }
0x2f9: {  	[tilespmem:$0xC820] =	vst v58;
	v60 =	vmul.f32 v47, v9  }
0x2fa: {  	[tilespmem:$0xC830] =	vst v59;
	v0 =	vmul.f32 v52, v0  }
0x2fb: {  	[tilespmem:$0xC840] =	vst v60;
	v61 =	vmul.f32 v56, v4;
	v62 =	vpop (erf)  }
0x2fc: {  	s20 =	sadd.s32 $0x1, s20;
	[tilespmem:$0xC850] =	vst v0;
	v63 =	vmul.f32 v62, v1  }
0x2fd: {  	p1 =	sne.s32 s20, s9;
	[tilespmem:$0xC860] =	vst v61  }
.Ltmp1:
0x2fe: {  	[tilespmem:$0xC870] =	vst v63;
	(pc) =	sbr.rel @p1 .LBB2_1-.Ltmp1, $4  }
0x2ff: {  	[hbm4b:s8+s3] =	stream.linear.scatter [tilespmem:s19], [sflag:$0x4], $0x80, $0x38;
	[tilespmem:$0x1BCC8] =	vst v63  }
0x300: {  	_ =	swait.ge [sflag:s14], $0x80  }
0x301: {  	[sflag:s14] =	ssyncset.done $0x0  }
0x302: {  	[sflag:s14] =	ssyncadd.s32 $0xFFFFFF80  }
0x303: {  	_ =	sfence.sel $0x180000  }
0x304: {  	[bflag:$0x0] =	sbarrier.arrive $0xFFFF  }
0x305: {  	_ =	strace $0x90000047  }
0x306: {  	s0 =	stileid.u32;
	[bflag:$0x2] =	sbarrier.arrive $0xFFFF  }
0x307: {  	p0 =	sne.s32 s0, $0x0;
	s0 =	rddreg [dreg:$0x3]  }
0x308: {  	s0 =	sadd.s32 @!p0 $0x100000, s0  }
0x309: {  	[sflag:s0] =	ssyncadd.tile.s32 @!p0 $0x1;
	_ =	shalt  }
.Lfunc_end2:
_tile_overlayer_lowered:
.L_overlay_start_2:
0x30a: {  	(tag) =	ssettag $0x2  }
0x30b: {  	s0 =	rddreg [dreg:$0x0];
	s2 =	stileid.u32  }
0x30c: {  	s1 =	rddreg [dreg:$0x1];
	p0 =	sne.s32 s2, $0x0  }
0x30d: {  	s3 =	rddreg [dreg:$0x2];
	[bflag:$0x3] =	sbarrier.arrive $0xFFFF;
	s2 =	simm.s32 @!p0 $0x1C04  }
0x30e: {  	[timem:s3], [sflag:s2] =	dma.local @!p0 [hbm:s0], s1  }
0x30f: {  	s0 =	simm.s32 @!p0 $0x4  }
0x310: {  	_ =	swait.ge @!p0 [sflag:s0], s1  }
0x311: {  	s1 =	ssub.s32 @!p0 $0x0, s1;
	[sflag:s0] =	ssyncset.done @!p0 $0x0  }
0x312: {  	[sflag:s0] =	ssyncadd.s32 @!p0 s1  }
0x313: {  	[bflag:$0x3] =	sbarrier.arrive $0xFFFF  }
0x314: {  	_ =	shalt  }

</sc_bundles>
